<compile_context>
chip_gen: v7x
topology: tpu7x:2x2x1
jax: 0.10.2.dev20260603
libtpu: 0.0.44.dev20260713+nightly
codegen_flags: <defaults>
</compile_context>

<pallas_src>
import functools

import jax
import jax.numpy as jnp
from jax import lax
from jax.experimental import pallas as pl
from jax.experimental.pallas import tpu as pltpu
from jax.experimental.pallas import tpu_sc as plsc

E_BLK = 3200

_NW = 32
_CH = 128
_K = 8
_SUP = _CH * _K
_NSUP = 50
_EPW = _SUP * _NSUP
_EPAD = _EPW * _NW

_NHALF = 50000
_NTR = 50048
_TPS = 16
_EPT = _EPAD // _TPS
_SK = 4
_SSUP = _EPT // (_SK * _CH)
_NVAL = 1600000 // _CH
_STRIPE = _NTR // _TPS


_GK = 8


def _sc_gather(table48, table24, srcp2d, dstp2d):
    mesh = plsc.VectorSubcoreMesh(core_axis_name="c", subcore_axis_name="s")

    def body(t48, t24, srcp, dstp, comb_s, comb_d, idx_s, idx_d, bufs, bufd,
             sem_g, sem_o):
        nc = 2
        wid = lax.axis_index("s") * nc + lax.axis_index("c")
        row_base = wid * (_EPW // _CH)

        def loop(j, _):
            roff = row_base + j * _GK
            eoff = roff * _CH
            pltpu.sync_copy(srcp.at[pl.ds(roff, _GK)], idx_s)
            pltpu.sync_copy(dstp.at[pl.ds(roff, _GK)], idx_d)
            gs, go = [], []
            for b in range(_GK):
                gs.append(pltpu.async_copy(t48.at[idx_s.at[b]], bufs.at[b],
                                           sem_g))
                gs.append(pltpu.async_copy(t24.at[idx_d.at[b]], bufd.at[b],
                                           sem_g))
            for d in gs:
                d.wait()
            for b in range(_GK):
                go.append(pltpu.async_copy(
                    bufs.at[b], comb_s.at[pl.ds(eoff + b * _CH, _CH)], sem_o))
                go.append(pltpu.async_copy(
                    bufd.at[b], comb_d.at[pl.ds(eoff + b * _CH, _CH)], sem_o))
            for d in go:
                d.wait()
            return 0

        lax.fori_loop(0, _EPW // (_GK * _CH), loop, 0)

    return pl.kernel(
        body,
        out_type=[jax.ShapeDtypeStruct((_EPAD, 48), jnp.float32),
                  jax.ShapeDtypeStruct((_EPAD, 24), jnp.float32)],
        mesh=mesh,
        scratch_types=[pltpu.VMEM((_GK, _CH), jnp.int32),
                       pltpu.VMEM((_GK, _CH), jnp.int32),
                       pltpu.VMEM((_GK, _CH, 48), jnp.float32),
                       pltpu.VMEM((_GK, _CH, 24), jnp.float32),
                       pltpu.SemaphoreType.DMA,
                       pltpu.SemaphoreType.DMA],
        compiler_params=pltpu.CompilerParams(use_tc_tiling_on_sc=False),
    )(table48, table24, srcp2d, dstp2d)


def _sc_scatter(msg32, srcp2d):
    mesh = plsc.VectorSubcoreMesh(core_axis_name="c", subcore_axis_name="s")

    def body(msg_hbm, srcp, out_hbm, acc_sh, idx_t, msg_t, zbuf, sem_g):
        c = lax.axis_index("c")
        s = lax.axis_index("s")
        base = c * _NHALF

        def zrow(r, _):
            zbuf[r, pl.ds(0, 16)] = jnp.zeros((16,), jnp.float32)
            zbuf[r, pl.ds(16, 16)] = jnp.zeros((16,), jnp.float32)
            return 0
        lax.fori_loop(0, 128, zrow, 0)
        stripe0 = s * _STRIPE
        def zchunk(k, _):
            pltpu.sync_copy(zbuf, acc_sh.at[pl.ds(stripe0 + k * 128, 128)])
            return 0
        lax.fori_loop(0, 24, zchunk, 0)
        pltpu.sync_copy(zbuf.at[pl.ds(0, 56)],
                        acc_sh.at[pl.ds(stripe0 + 24 * 128, 56)])
        plsc.subcore_barrier()

        iota16 = lax.iota(jnp.int32, 16)

        def sup(j, _):
            row0 = s * (_EPT // _CH) + j * _SK
            pltpu.sync_copy(srcp.at[pl.ds(row0, _SK)], idx_t)
            pltpu.async_copy(
                msg_hbm.at[pl.ds(row0 * _CH, _SK * _CH)], msg_t, sem_g).wait()
            for b in range(_SK):
                cinv = jnp.where(row0 + b < _NVAL, 0, -1)
                for l in range(8):
                    v = idx_t[b, pl.ds(l * 16, 16)]
                    d = v - base
                    oob = ((d | (_NHALF - 1 - d)) >> 31) | cinv
                    trash = _NHALF + ((iota16 + l * 16) & 31)
                    idx_t[b, pl.ds(l * 16, 16)] = (d & ~oob) | (trash & oob)
            for b in range(_SK):
                pltpu.sync_copy(msg_t.at[pl.ds(b * _CH, _CH)],
                                acc_sh.at[idx_t.at[b]], add=True)
            return 0

        lax.fori_loop(0, _SSUP, sup, 0)
        plsc.subcore_barrier()
        pltpu.sync_copy(
            acc_sh.at[pl.ds(stripe0, _STRIPE)],
            out_hbm.at[pl.ds(c * _NTR + stripe0, _STRIPE)])

    return pl.kernel(
        body,
        out_type=jax.ShapeDtypeStruct((2 * _NTR, 32), jnp.float32),
        mesh=mesh,
        scratch_types=[pltpu.VMEM_SHARED((_NTR, 32), jnp.float32),
                       pltpu.VMEM((_SK, _CH), jnp.int32),
                       pltpu.VMEM((_SK * _CH, 32), jnp.float32),
                       pltpu.VMEM((128, 32), jnp.float32),
                       pltpu.SemaphoreType.DMA],
        compiler_params=pltpu.CompilerParams(use_tc_tiling_on_sc=False),
    )(msg32, srcp2d)


def _edge_mlp_body(combs_ref, combd_ref, attr_ref, dist_ref, offs_ref,
                   Wa_ref, Wd_ref, We2_ref, be1_ref, be2_ref,
                   Wf1e_ref, Wf1s_ref, Wf1d_ref, bf1_ref, Wf2_ref, bf2_ref,
                   coeff_ref, out_ref):
    n_src = combs_ref[:, 0:24]
    p_src = combs_ref[:, 24:48]
    n_dst = combd_ref[:]
    d = dist_ref[:]
    offs = offs_ref[:]
    coeff = coeff_ref[0, 0]
    dd = d - offs
    dist_emb = jnp.exp(coeff * dd * dd)
    e = attr_ref[:] @ Wa_ref[:] + dist_emb @ Wd_ref[:] + p_src + be1_ref[:]
    e = jnp.maximum(e, 0.0)
    e = e @ We2_ref[:] + be2_ref[:]
    h = e @ Wf1e_ref[:] + n_src @ Wf1s_ref[:] + n_dst @ Wf1d_ref[:] + bf1_ref[:]
    h = jnp.maximum(h, 0.0)
    w = h @ Wf2_ref[:] + bf2_ref[:]
    msg = n_dst * w
    one = jnp.ones((msg.shape[0], 1), jnp.float32)
    zero = jnp.zeros((msg.shape[0], 7), jnp.float32)
    out_ref[:] = jnp.concatenate([msg, one, zero], axis=1)


def _edge_mlp(n_edges, comb_s, comb_d, edge_attr, edge_dist, offs, Wa, Wd, We2,
              be1, be2, Wf1e, Wf1s, Wf1d, bf1, Wf2, bf2, coeff):
    grid = n_edges // E_BLK
    eb = lambda w: pl.BlockSpec((E_BLK, w), lambda i: (i, 0))
    full = lambda a: pl.BlockSpec(a.shape, lambda i: tuple(0 for _ in a.shape))
    return pl.pallas_call(
        _edge_mlp_body,
        grid=(grid,),
        in_specs=[eb(48), eb(24), eb(4), eb(1), full(offs),
                  full(Wa), full(Wd), full(We2), full(be1), full(be2),
                  full(Wf1e), full(Wf1s), full(Wf1d), full(bf1), full(Wf2),
                  full(bf2),
                  pl.BlockSpec(memory_space=pltpu.SMEM)],
        out_specs=eb(32),
        out_shape=jax.ShapeDtypeStruct((n_edges, 32), jnp.float32),
    )(comb_s, comb_d, edge_attr, edge_dist, offs, Wa, Wd, We2, be1, be2,
      Wf1e, Wf1s, Wf1d, bf1, Wf2, bf2, coeff)


def kernel(x_cat, sigma_emb, edge_index, edge_attr, edge_dist,
           emb0, emb1, emb2, emb3, W_sigma, b_sigma, W_e1, b_e1,
           W_e2, b_e2, W_f1, b_f1, W_f2, b_f2):
    n_nodes = sigma_emb.shape[0]
    ns = W_sigma.shape[1]
    dist_dim = 32

    node = (emb0[x_cat[:, 0]] + emb1[x_cat[:, 1]] + emb2[x_cat[:, 2]]
            + emb3[x_cat[:, 3]])
    node = node + sigma_emb @ W_sigma + b_sigma
    p_sig = sigma_emb @ W_e1[4:4 + 32]
    table48 = jnp.concatenate([node, p_sig], axis=1)

    src = edge_index[0].astype(jnp.int32)
    dst = edge_index[1].astype(jnp.int32)
    n_edges = src.shape[0]

    pad_idx = (jnp.arange(_EPAD - n_edges, dtype=jnp.int32) % n_nodes)
    srcp = jnp.concatenate([src, pad_idx])
    dstp = jnp.concatenate([dst, pad_idx])
    srcp2d = srcp.reshape(_EPAD // _CH, _CH)
    comb_s, comb_d = _sc_gather(table48, node, srcp2d,
                                dstp.reshape(_EPAD // _CH, _CH))

    lig_max_radius = 5.0
    offs = jnp.linspace(0.0, lig_max_radius, dist_dim)
    coeff = jnp.full((1, 1), -0.5 / (offs[1] - offs[0]) ** 2, jnp.float32)
    Wa = W_e1[0:4]
    Wd = W_e1[36:68]
    Wf1e = W_f1[0:ns]
    Wf1s = W_f1[ns:2 * ns]
    Wf1d = W_f1[2 * ns:3 * ns]
    attr_p = jnp.zeros((_EPAD, 4), jnp.float32).at[:n_edges].set(edge_attr)
    dist_p = jnp.zeros((_EPAD, 1), jnp.float32).at[:n_edges, 0].set(edge_dist)
    msg32 = _edge_mlp(_EPAD, comb_s, comb_d, attr_p,
                      dist_p, offs.reshape(1, dist_dim),
                      Wa, Wd, W_e2, b_e1.reshape(1, ns), b_e2.reshape(1, ns),
                      Wf1e, Wf1s, Wf1d, b_f1.reshape(1, 3 * ns), W_f2,
                      b_f2.reshape(1, ns), coeff)

    acc2 = _sc_scatter(msg32, srcp2d)
    acc = jnp.concatenate([acc2[:_NHALF], acc2[_NTR:_NTR + _NHALF]], axis=0)
    return acc[:, :24] / jnp.maximum(acc[:, 24:25], 1.0)

# --- scband reference (transcript-rebuilt; emitter-appended) ---
"""Pipeline reference for scband-fit-model-77867757076858 (READ-ONLY COPY).

The authoritative reference and input builder live on the scoring server;
editing this copy changes nothing except your own understanding.
"""

import jax, jax.numpy as jnp
import numpy as np

N_NODES = 100000
N_EDGES = 1600000
NS = 24
SIGMA_DIM = 32
DIST_DIM = 32
EDGE_FEAT = 4
CAT_DIMS = [128, 16, 16, 8]
LIG_MAX_RADIUS = 5.0


def _gaussian_smearing(dist, start, stop, num):
    offset = jnp.linspace(start, stop, num)
    coeff = -0.5 / (offset[1] - offset[0]) ** 2
    d = dist[:, None] - offset[None, :]
    return jnp.exp(coeff * d * d)


def setup_inputs(seed: int = 0):
    key = jax.random.key(seed)
    ks = jax.random.split(key, 24)
    inp = {}
    inp['x_cat'] = jax.random.randint(ks[0], (N_NODES, len(CAT_DIMS)), 0, min(CAT_DIMS))
    inp['sigma_emb'] = jax.random.normal(ks[1], (N_NODES, SIGMA_DIM), dtype=jnp.float32)
    inp['edge_index'] = jax.random.randint(ks[2], (2, N_EDGES), 0, N_NODES)
    inp['edge_attr'] = jax.random.normal(ks[3], (N_EDGES, EDGE_FEAT), dtype=jnp.float32)
    inp['edge_dist'] = jax.random.uniform(ks[4], (N_EDGES,), dtype=jnp.float32) * LIG_MAX_RADIUS
    for i, d in enumerate(CAT_DIMS):
        inp['emb%d' % i] = 0.1 * jax.random.normal(ks[5 + i], (d, NS), dtype=jnp.float32)

    def lin(k, fan_in, fan_out):
        s = 1.0 / np.sqrt(fan_in)
        return jax.random.uniform(k, (fan_in, fan_out), minval=-s, maxval=s, dtype=jnp.float32)

    edge_dim = EDGE_FEAT + SIGMA_DIM + DIST_DIM
    inp['W_sigma'] = lin(ks[10], SIGMA_DIM, NS)
    inp['b_sigma'] = jnp.zeros((NS,), jnp.float32)
    inp['W_e1'] = lin(ks[11], edge_dim, NS)
    inp['b_e1'] = jnp.zeros((NS,), jnp.float32)
    inp['W_e2'] = lin(ks[12], NS, NS)
    inp['b_e2'] = jnp.zeros((NS,), jnp.float32)
    inp['W_f1'] = lin(ks[13], 3 * NS, 3 * NS)
    inp['b_f1'] = jnp.zeros((3 * NS,), jnp.float32)
    inp['W_f2'] = lin(ks[14], 3 * NS, NS)
    inp['b_f2'] = jnp.zeros((NS,), jnp.float32)
    return inp


def _forward(x_cat, edge_index, sigma_emb, edge_attr, edge_dist, emb0, emb1, emb2, emb3, W_sigma, b_sigma, W_e1, b_e1, W_e2, b_e2, W_f1, b_f1, W_f2, b_f2):
    # AtomEncoder: sum of categorical embeddings + linear on sigma embedding
    node = emb0[x_cat[:, 0]] + emb1[x_cat[:, 1]] + emb2[x_cat[:, 2]] + emb3[x_cat[:, 3]]
    node = node + sigma_emb @ W_sigma + b_sigma
    src = edge_index[0]
    dst = edge_index[1]
    # GaussianSmearing of edge distances
    dist_emb = _gaussian_smearing(edge_dist, 0.0, LIG_MAX_RADIUS, DIST_DIM)
    # lig_edge_embedding MLP on [edge_attr, edge sigma emb (gathered), dist emb]
    e = jnp.concatenate([edge_attr, jnp.take(sigma_emb, src, axis=0), dist_emb], axis=1)
    e = jnp.maximum(e @ W_e1 + b_e1, 0.0)
    e = e @ W_e2 + b_e2
    # TensorProductConvLayer (scalar 0e channel): fc on [edge_emb, node[src,:ns], node[dst,:ns]]
    n_src = jnp.take(node, src, axis=0)
    n_dst = jnp.take(node, dst, axis=0)
    ef = jnp.concatenate([e, n_src, n_dst], axis=1)
    h = jnp.maximum(ef @ W_f1 + b_f1, 0.0)
    w = h @ W_f2 + b_f2
    # tp(node_attr[edge_dst], edge_sh, weights) scalar part -> elementwise weighted message
    msg = n_dst * w
    # scatter(tp, edge_src, dim_size=out_nodes, reduce='mean')
    sums = jax.ops.segment_sum(msg, src, num_segments=N_NODES)
    cnt = jax.ops.segment_sum(jnp.ones((msg.shape[0], 1), msg.dtype), src, num_segments=N_NODES)
    return sums / jnp.maximum(cnt, 1.0)


def reference(x_cat, sigma_emb, edge_index, edge_attr, edge_dist, emb0, emb1, emb2, emb3, W_sigma, b_sigma, W_e1, b_e1, W_e2, b_e2, W_f1, b_f1, W_f2, b_f2):
    return _forward(x_cat, edge_index, sigma_emb, edge_attr, edge_dist, emb0, emb1, emb2, emb3, W_sigma, b_sigma, W_e1, b_e1, W_e2, b_e2, W_f1, b_f1, W_f2, b_f2)

if __name__ == "__main__":
    import jax
    _d = setup_inputs()
    print(jax.jit(kernel)(*tuple(_d.values())))

</pallas_src>

<mosaic_0001>
#map = affine_map<(d0, d1) -> (0, 0)>
module attributes {stable_mosaic.version = 14 : i64} {
  func.func @body(%arg0: i32, %arg1: i32, %arg2: memref<100000x48xf32, #tpu.memory_space<hbm>>, %arg3: memref<100000x24xf32, #tpu.memory_space<hbm>>, %arg4: memref<12800x128xi32, #tpu.memory_space<hbm>>, %arg5: memref<12800x128xi32, #tpu.memory_space<hbm>>, %arg6: memref<1638400x48xf32, #tpu.memory_space<hbm>>, %arg7: memref<1638400x24xf32, #tpu.memory_space<hbm>>, %arg8: memref<8x128xi32, #tpu.memory_space<vmem>>, %arg9: memref<8x128xi32, #tpu.memory_space<vmem>>, %arg10: memref<8x128x48xf32, #tpu.memory_space<vmem>>, %arg11: memref<8x128x24xf32, #tpu.memory_space<vmem>>, %arg12: memref<!tpu.dma_semaphore, #tpu.memory_space<semaphore_mem>>, %arg13: memref<!tpu.dma_semaphore, #tpu.memory_space<semaphore_mem>>) attributes {dimension_semantics = [#tpu.dimension_semantics<core_parallel>, #tpu.dimension_semantics<subcore_parallel>], iteration_bounds = array<i64: 2, 16>, scalar_prefetch = 0 : i64, scratch_operands = 6 : i64, tpu.core_type = #tpu.core_type<sc_vector_subcore>, window_params = [{transform_indices = #map}, {transform_indices = #map}, {transform_indices = #map}, {transform_indices = #map}, {transform_indices = #map}, {transform_indices = #map}]} {
    %mul3A = arith.constant 2 : i32
    %mul3A_0 = arith.muli %arg1, %mul3A : i32
    %add3A = arith.addi %mul3A_0, %arg0 : i32
    %mul3A_1 = arith.constant 400 : i32
    %mul3A_2 = arith.muli %add3A, %mul3A_1 : i32
    %scan3A = arith.constant 0 : i32
    %scan3A_3 = arith.constant 0 : i32
    %scan3A_4 = arith.constant 50 : i32
    %scan3A_5 = arith.addi %scan3A_3, %scan3A_4 : i32
    %scan3A_6 = arith.constant 1 : i32
    %scan3A_7 = scf.for %scan3A_9 = %scan3A_3 to %scan3A_5 step %scan3A_6 iter_args(%scan3A_10 = %scan3A) -> (i32)  : i32 {
      %mul3A_11 = arith.constant 8 : i32
      %mul3A_12 = arith.muli %scan3A_9, %mul3A_11 : i32
      %add3A_13 = arith.addi %mul3A_2, %mul3A_12 : i32
      %mul3A_14 = arith.constant 128 : i32
      %mul3A_15 = arith.muli %add3A_13, %mul3A_14 : i32
      "tpu.region"() ({
        %run_scoped3A = tpu.sem_alloc : memref<!tpu.dma_semaphore, #tpu.memory_space<semaphore_mem>>
        %dma_start3A_847 = arith.constant 0 : i32
        %dma_start3A_848 = tpu.memref_slice %arg4[%add3A_13, %dma_start3A_847] : memref<12800x128xi32, #tpu.memory_space<hbm>> -> memref<8x128xi32, #tpu.memory_space<hbm>>
        %dma_start3A_849 = arith.constant 0 : i32
        %dma_start3A_850 = tpu.memref_slice %arg4[%add3A_13, %dma_start3A_849] : memref<12800x128xi32, #tpu.memory_space<hbm>> -> memref<8x128xi32, #tpu.memory_space<hbm>>
        tpu.enqueue_dma source(%dma_start3A_850 : memref<8x128xi32, #tpu.memory_space<hbm>>) target(%arg8 : memref<8x128xi32, #tpu.memory_space<vmem>>) target_semaphore(%run_scoped3A : memref<!tpu.dma_semaphore, #tpu.memory_space<semaphore_mem>>)
        %dma_wait3A_851 = arith.constant 0 : i32
        %dma_wait3A_852 = tpu.memref_slice %arg4[%add3A_13, %dma_wait3A_851] : memref<12800x128xi32, #tpu.memory_space<hbm>> -> memref<8x128xi32, #tpu.memory_space<hbm>>
        %dma_wait3A_853 = arith.constant 0 : i32
        %dma_wait3A_854 = tpu.memref_slice %arg4[%add3A_13, %dma_wait3A_853] : memref<12800x128xi32, #tpu.memory_space<hbm>> -> memref<8x128xi32, #tpu.memory_space<hbm>>
        tpu.wait_dma2 semaphore(%run_scoped3A : memref<!tpu.dma_semaphore, #tpu.memory_space<semaphore_mem>>) src(%dma_wait3A_854 : memref<8x128xi32, #tpu.memory_space<hbm>>) dst(%arg8 : memref<8x128xi32, #tpu.memory_space<vmem>>)
        tpu.yield
      }) : () -> ()
      "tpu.region"() ({
        %run_scoped3A = tpu.sem_alloc : memref<!tpu.dma_semaphore, #tpu.memory_space<semaphore_mem>>
        %dma_start3A_847 = arith.constant 0 : i32
        %dma_start3A_848 = tpu.memref_slice %arg5[%add3A_13, %dma_start3A_847] : memref<12800x128xi32, #tpu.memory_space<hbm>> -> memref<8x128xi32, #tpu.memory_space<hbm>>
        %dma_start3A_849 = arith.constant 0 : i32
        %dma_start3A_850 = tpu.memref_slice %arg5[%add3A_13, %dma_start3A_849] : memref<12800x128xi32, #tpu.memory_space<hbm>> -> memref<8x128xi32, #tpu.memory_space<hbm>>
        tpu.enqueue_dma source(%dma_start3A_850 : memref<8x128xi32, #tpu.memory_space<hbm>>) target(%arg9 : memref<8x128xi32, #tpu.memory_space<vmem>>) target_semaphore(%run_scoped3A : memref<!tpu.dma_semaphore, #tpu.memory_space<semaphore_mem>>)
        %dma_wait3A_851 = arith.constant 0 : i32
        %dma_wait3A_852 = tpu.memref_slice %arg5[%add3A_13, %dma_wait3A_851] : memref<12800x128xi32, #tpu.memory_space<hbm>> -> memref<8x128xi32, #tpu.memory_space<hbm>>
        %dma_wait3A_853 = arith.constant 0 : i32
        %dma_wait3A_854 = tpu.memref_slice %arg5[%add3A_13, %dma_wait3A_853] : memref<12800x128xi32, #tpu.memory_space<hbm>> -> memref<8x128xi32, #tpu.memory_space<hbm>>
        tpu.wait_dma2 semaphore(%run_scoped3A : memref<!tpu.dma_semaphore, #tpu.memory_space<semaphore_mem>>) src(%dma_wait3A_854 : memref<8x128xi32, #tpu.memory_space<hbm>>) dst(%arg9 : memref<8x128xi32, #tpu.memory_space<vmem>>)
        tpu.yield
      }) : () -> ()
      %dma_start3A = arith.constant 0 : i32
      %dma_start3A_16 = arith.constant 0 : i32
      %dma_start3A_17 = arith.constant 0 : i32
      %dma_start3A_18 = arith.constant 0 : i32
      %dma_start3A_19 = tpu.memref_slice %arg10[%dma_start3A_16, %dma_start3A_17, %dma_start3A_18] : memref<8x128x48xf32, #tpu.memory_space<vmem>> -> memref<1x128x48xf32, #tpu.memory_space<vmem>>
      %dma_start3A_20 = tpu.memref_squeeze %dma_start3A_19 : memref<1x128x48xf32, #tpu.memory_space<vmem>> -> memref<128x48xf32, #tpu.memory_space<vmem>>
      %dma_start3A_21 = arith.constant 0 : i32
      %dma_start3A_22 = tpu.memref_slice %arg8[%dma_start3A, %dma_start3A_21] : memref<8x128xi32, #tpu.memory_space<vmem>> -> memref<1x128xi32, #tpu.memory_space<vmem>>
      %dma_start3A_23 = tpu.memref_squeeze %dma_start3A_22 : memref<1x128xi32, #tpu.memory_space<vmem>> -> memref<128xi32, #tpu.memory_space<vmem>>
      %dma_start3A_24 = arith.constant 0 : i32
      %dma_start3A_25 = arith.constant 0 : i32
      %dma_start3A_26 = tpu.memref_slice %arg2[%dma_start3A_24, %dma_start3A_25] : memref<100000x48xf32, #tpu.memory_space<hbm>> -> memref<100000x48xf32, #tpu.memory_space<hbm>>
      tpu.enqueue_indirect_dma source(%dma_start3A_26 : memref<100000x48xf32, #tpu.memory_space<hbm>>) target(%dma_start3A_20 : memref<128x48xf32, #tpu.memory_space<vmem>>) offsets(%dma_start3A_23 : memref<128xi32, #tpu.memory_space<vmem>>) semaphore(%arg12 : memref<!tpu.dma_semaphore, #tpu.memory_space<semaphore_mem>>)
      %dma_start3A_27 = arith.constant 0 : i32
      %dma_start3A_28 = arith.constant 0 : i32
      %dma_start3A_29 = arith.constant 0 : i32
      %dma_start3A_30 = arith.constant 0 : i32
      %dma_start3A_31 = tpu.memref_slice %arg11[%dma_start3A_28, %dma_start3A_29, %dma_start3A_30] : memref<8x128x24xf32, #tpu.memory_space<vmem>> -> memref<1x128x24xf32, #tpu.memory_space<vmem>>
      %dma_start3A_32 = tpu.memref_squeeze %dma_start3A_31 : memref<1x128x24xf32, #tpu.memory_space<vmem>> -> memref<128x24xf32, #tpu.memory_space<vmem>>
      %dma_start3A_33 = arith.constant 0 : i32
      %dma_start3A_34 = tpu.memref_slice %arg9[%dma_start3A_27, %dma_start3A_33] : memref<8x128xi32, #tpu.memory_space<vmem>> -> memref<1x128xi32, #tpu.memory_space<vmem>>
      %dma_start3A_35 = tpu.memref_squeeze %dma_start3A_34 : memref<1x128xi32, #tpu.memory_space<vmem>> -> memref<128xi32, #tpu.memory_space<vmem>>
      %dma_start3A_36 = arith.constant 0 : i32
      %dma_start3A_37 = arith.constant 0 : i32
      %dma_start3A_38 = tpu.memref_slice %arg3[%dma_start3A_36, %dma_start3A_37] : memref<100000x24xf32, #tpu.memory_space<hbm>> -> memref<100000x24xf32, #tpu.memory_space<hbm>>
      tpu.enqueue_indirect_dma source(%dma_start3A_38 : memref<100000x24xf32, #tpu.memory_space<hbm>>) target(%dma_start3A_32 : memref<128x24xf32, #tpu.memory_space<vmem>>) offsets(%dma_start3A_35 : memref<128xi32, #tpu.memory_space<vmem>>) semaphore(%arg12 : memref<!tpu.dma_semaphore, #tpu.memory_space<semaphore_mem>>)
      %dma_start3A_39 = arith.constant 1 : i32
      %dma_start3A_40 = arith.constant 1 : i32
      %dma_start3A_41 = arith.constant 0 : i32
      %dma_start3A_42 = arith.constant 0 : i32
      %dma_start3A_43 = tpu.memref_slice %arg10[%dma_start3A_40, %dma_start3A_41, %dma_start3A_42] : memref<8x128x48xf32, #tpu.memory_space<vmem>> -> memref<1x128x48xf32, #tpu.memory_space<vmem>>
      %dma_start3A_44 = tpu.memref_squeeze %dma_start3A_43 : memref<1x128x48xf32, #tpu.memory_space<vmem>> -> memref<128x48xf32, #tpu.memory_space<vmem>>
      %dma_start3A_45 = arith.constant 0 : i32
      %dma_start3A_46 = tpu.memref_slice %arg8[%dma_start3A_39, %dma_start3A_45] : memref<8x128xi32, #tpu.memory_space<vmem>> -> memref<1x128xi32, #tpu.memory_space<vmem>>
      %dma_start3A_47 = tpu.memref_squeeze %dma_start3A_46 : memref<1x128xi32, #tpu.memory_space<vmem>> -> memref<128xi32, #tpu.memory_space<vmem>>
      %dma_start3A_48 = arith.constant 0 : i32
      %dma_start3A_49 = arith.constant 0 : i32
      %dma_start3A_50 = tpu.memref_slice %arg2[%dma_start3A_48, %dma_start3A_49] : memref<100000x48xf32, #tpu.memory_space<hbm>> -> memref<100000x48xf32, #tpu.memory_space<hbm>>
      tpu.enqueue_indirect_dma source(%dma_start3A_50 : memref<100000x48xf32, #tpu.memory_space<hbm>>) target(%dma_start3A_44 : memref<128x48xf32, #tpu.memory_space<vmem>>) offsets(%dma_start3A_47 : memref<128xi32, #tpu.memory_space<vmem>>) semaphore(%arg12 : memref<!tpu.dma_semaphore, #tpu.memory_space<semaphore_mem>>)
      %dma_start3A_51 = arith.constant 1 : i32
      %dma_start3A_52 = arith.constant 1 : i32
      %dma_start3A_53 = arith.constant 0 : i32
      %dma_start3A_54 = arith.constant 0 : i32
      %dma_start3A_55 = tpu.memref_slice %arg11[%dma_start3A_52, %dma_start3A_53, %dma_start3A_54] : memref<8x128x24xf32, #tpu.memory_space<vmem>> -> memref<1x128x24xf32, #tpu.memory_space<vmem>>
      %dma_start3A_56 = tpu.memref_squeeze %dma_start3A_55 : memref<1x128x24xf32, #tpu.memory_space<vmem>> -> memref<128x24xf32, #tpu.memory_space<vmem>>
      %dma_start3A_57 = arith.constant 0 : i32
      %dma_start3A_58 = tpu.memref_slice %arg9[%dma_start3A_51, %dma_start3A_57] : memref<8x128xi32, #tpu.memory_space<vmem>> -> memref<1x128xi32, #tpu.memory_space<vmem>>
      %dma_start3A_59 = tpu.memref_squeeze %dma_start3A_58 : memref<1x128xi32, #tpu.memory_space<vmem>> -> memref<128xi32, #tpu.memory_space<vmem>>
      %dma_start3A_60 = arith.constant 0 : i32
      %dma_start3A_61 = arith.constant 0 : i32
      %dma_start3A_62 = tpu.memref_slice %arg3[%dma_start3A_60, %dma_start3A_61] : memref<100000x24xf32, #tpu.memory_space<hbm>> -> memref<100000x24xf32, #tpu.memory_space<hbm>>
      tpu.enqueue_indirect_dma source(%dma_start3A_62 : memref<100000x24xf32, #tpu.memory_space<hbm>>) target(%dma_start3A_56 : memref<128x24xf32, #tpu.memory_space<vmem>>) offsets(%dma_start3A_59 : memref<128xi32, #tpu.memory_space<vmem>>) semaphore(%arg12 : memref<!tpu.dma_semaphore, #tpu.memory_space<semaphore_mem>>)
      %dma_start3A_63 = arith.constant 2 : i32
      %dma_start3A_64 = arith.constant 2 : i32
      %dma_start3A_65 = arith.constant 0 : i32
      %dma_start3A_66 = arith.constant 0 : i32
      %dma_start3A_67 = tpu.memref_slice %arg10[%dma_start3A_64, %dma_start3A_65, %dma_start3A_66] : memref<8x128x48xf32, #tpu.memory_space<vmem>> -> memref<1x128x48xf32, #tpu.memory_space<vmem>>
      %dma_start3A_68 = tpu.memref_squeeze %dma_start3A_67 : memref<1x128x48xf32, #tpu.memory_space<vmem>> -> memref<128x48xf32, #tpu.memory_space<vmem>>
      %dma_start3A_69 = arith.constant 0 : i32
      %dma_start3A_70 = tpu.memref_slice %arg8[%dma_start3A_63, %dma_start3A_69] : memref<8x128xi32, #tpu.memory_space<vmem>> -> memref<1x128xi32, #tpu.memory_space<vmem>>
      %dma_start3A_71 = tpu.memref_squeeze %dma_start3A_70 : memref<1x128xi32, #tpu.memory_space<vmem>> -> memref<128xi32, #tpu.memory_space<vmem>>
      %dma_start3A_72 = arith.constant 0 : i32
      %dma_start3A_73 = arith.constant 0 : i32
      %dma_start3A_74 = tpu.memref_slice %arg2[%dma_start3A_72, %dma_start3A_73] : memref<100000x48xf32, #tpu.memory_space<hbm>> -> memref<100000x48xf32, #tpu.memory_space<hbm>>
      tpu.enqueue_indirect_dma source(%dma_start3A_74 : memref<100000x48xf32, #tpu.memory_space<hbm>>) target(%dma_start3A_68 : memref<128x48xf32, #tpu.memory_space<vmem>>) offsets(%dma_start3A_71 : memref<128xi32, #tpu.memory_space<vmem>>) semaphore(%arg12 : memref<!tpu.dma_semaphore, #tpu.memory_space<semaphore_mem>>)
      %dma_start3A_75 = arith.constant 2 : i32
      %dma_start3A_76 = arith.constant 2 : i32
      %dma_start3A_77 = arith.constant 0 : i32
      %dma_start3A_78 = arith.constant 0 : i32
      %dma_start3A_79 = tpu.memref_slice %arg11[%dma_start3A_76, %dma_start3A_77, %dma_start3A_78] : memref<8x128x24xf32, #tpu.memory_space<vmem>> -> memref<1x128x24xf32, #tpu.memory_space<vmem>>
      %dma_start3A_80 = tpu.memref_squeeze %dma_start3A_79 : memref<1x128x24xf32, #tpu.memory_space<vmem>> -> memref<128x24xf32, #tpu.memory_space<vmem>>
      %dma_start3A_81 = arith.constant 0 : i32
      %dma_start3A_82 = tpu.memref_slice %arg9[%dma_start3A_75, %dma_start3A_81] : memref<8x128xi32, #tpu.memory_space<vmem>> -> memref<1x128xi32, #tpu.memory_space<vmem>>
      %dma_start3A_83 = tpu.memref_squeeze %dma_start3A_82 : memref<1x128xi32, #tpu.memory_space<vmem>> -> memref<128xi32, #tpu.memory_space<vmem>>
      %dma_start3A_84 = arith.constant 0 : i32
      %dma_start3A_85 = arith.constant 0 : i32
      %dma_start3A_86 = tpu.memref_slice %arg3[%dma_start3A_84, %dma_start3A_85] : memref<100000x24xf32, #tpu.memory_space<hbm>> -> memref<100000x24xf32, #tpu.memory_space<hbm>>
      tpu.enqueue_indirect_dma source(%dma_start3A_86 : memref<100000x24xf32, #tpu.memory_space<hbm>>) target(%dma_start3A_80 : memref<128x24xf32, #tpu.memory_space<vmem>>) offsets(%dma_start3A_83 : memref<128xi32, #tpu.memory_space<vmem>>) semaphore(%arg12 : memref<!tpu.dma_semaphore, #tpu.memory_space<semaphore_mem>>)
      %dma_start3A_87 = arith.constant 3 : i32
      %dma_start3A_88 = arith.constant 3 : i32
      %dma_start3A_89 = arith.constant 0 : i32
      %dma_start3A_90 = arith.constant 0 : i32
      %dma_start3A_91 = tpu.memref_slice %arg10[%dma_start3A_88, %dma_start3A_89, %dma_start3A_90] : memref<8x128x48xf32, #tpu.memory_space<vmem>> -> memref<1x128x48xf32, #tpu.memory_space<vmem>>
      %dma_start3A_92 = tpu.memref_squeeze %dma_start3A_91 : memref<1x128x48xf32, #tpu.memory_space<vmem>> -> memref<128x48xf32, #tpu.memory_space<vmem>>
      %dma_start3A_93 = arith.constant 0 : i32
      %dma_start3A_94 = tpu.memref_slice %arg8[%dma_start3A_87, %dma_start3A_93] : memref<8x128xi32, #tpu.memory_space<vmem>> -> memref<1x128xi32, #tpu.memory_space<vmem>>
      %dma_start3A_95 = tpu.memref_squeeze %dma_start3A_94 : memref<1x128xi32, #tpu.memory_space<vmem>> -> memref<128xi32, #tpu.memory_space<vmem>>
      %dma_start3A_96 = arith.constant 0 : i32
      %dma_start3A_97 = arith.constant 0 : i32
      %dma_start3A_98 = tpu.memref_slice %arg2[%dma_start3A_96, %dma_start3A_97] : memref<100000x48xf32, #tpu.memory_space<hbm>> -> memref<100000x48xf32, #tpu.memory_space<hbm>>
      tpu.enqueue_indirect_dma source(%dma_start3A_98 : memref<100000x48xf32, #tpu.memory_space<hbm>>) target(%dma_start3A_92 : memref<128x48xf32, #tpu.memory_space<vmem>>) offsets(%dma_start3A_95 : memref<128xi32, #tpu.memory_space<vmem>>) semaphore(%arg12 : memref<!tpu.dma_semaphore, #tpu.memory_space<semaphore_mem>>)
      %dma_start3A_99 = arith.constant 3 : i32
      %dma_start3A_100 = arith.constant 3 : i32
      %dma_start3A_101 = arith.constant 0 : i32
      %dma_start3A_102 = arith.constant 0 : i32
      %dma_start3A_103 = tpu.memref_slice %arg11[%dma_start3A_100, %dma_start3A_101, %dma_start3A_102] : memref<8x128x24xf32, #tpu.memory_space<vmem>> -> memref<1x128x24xf32, #tpu.memory_space<vmem>>
      %dma_start3A_104 = tpu.memref_squeeze %dma_start3A_103 : memref<1x128x24xf32, #tpu.memory_space<vmem>> -> memref<128x24xf32, #tpu.memory_space<vmem>>
      %dma_start3A_105 = arith.constant 0 : i32
      %dma_start3A_106 = tpu.memref_slice %arg9[%dma_start3A_99, %dma_start3A_105] : memref<8x128xi32, #tpu.memory_space<vmem>> -> memref<1x128xi32, #tpu.memory_space<vmem>>
      %dma_start3A_107 = tpu.memref_squeeze %dma_start3A_106 : memref<1x128xi32, #tpu.memory_space<vmem>> -> memref<128xi32, #tpu.memory_space<vmem>>
      %dma_start3A_108 = arith.constant 0 : i32
      %dma_start3A_109 = arith.constant 0 : i32
      %dma_start3A_110 = tpu.memref_slice %arg3[%dma_start3A_108, %dma_start3A_109] : memref<100000x24xf32, #tpu.memory_space<hbm>> -> memref<100000x24xf32, #tpu.memory_space<hbm>>
      tpu.enqueue_indirect_dma source(%dma_start3A_110 : memref<100000x24xf32, #tpu.memory_space<hbm>>) target(%dma_start3A_104 : memref<128x24xf32, #tpu.memory_space<vmem>>) offsets(%dma_start3A_107 : memref<128xi32, #tpu.memory_space<vmem>>) semaphore(%arg12 : memref<!tpu.dma_semaphore, #tpu.memory_space<semaphore_mem>>)
      %dma_start3A_111 = arith.constant 4 : i32
      %dma_start3A_112 = arith.constant 4 : i32
      %dma_start3A_113 = arith.constant 0 : i32
      %dma_start3A_114 = arith.constant 0 : i32
      %dma_start3A_115 = tpu.memref_slice %arg10[%dma_start3A_112, %dma_start3A_113, %dma_start3A_114] : memref<8x128x48xf32, #tpu.memory_space<vmem>> -> memref<1x128x48xf32, #tpu.memory_space<vmem>>
      %dma_start3A_116 = tpu.memref_squeeze %dma_start3A_115 : memref<1x128x48xf32, #tpu.memory_space<vmem>> -> memref<128x48xf32, #tpu.memory_space<vmem>>
      %dma_start3A_117 = arith.constant 0 : i32
      %dma_start3A_118 = tpu.memref_slice %arg8[%dma_start3A_111, %dma_start3A_117] : memref<8x128xi32, #tpu.memory_space<vmem>> -> memref<1x128xi32, #tpu.memory_space<vmem>>
      %dma_start3A_119 = tpu.memref_squeeze %dma_start3A_118 : memref<1x128xi32, #tpu.memory_space<vmem>> -> memref<128xi32, #tpu.memory_space<vmem>>
      %dma_start3A_120 = arith.constant 0 : i32
      %dma_start3A_121 = arith.constant 0 : i32
      %dma_start3A_122 = tpu.memref_slice %arg2[%dma_start3A_120, %dma_start3A_121] : memref<100000x48xf32, #tpu.memory_space<hbm>> -> memref<100000x48xf32, #tpu.memory_space<hbm>>
      tpu.enqueue_indirect_dma source(%dma_start3A_122 : memref<100000x48xf32, #tpu.memory_space<hbm>>) target(%dma_start3A_116 : memref<128x48xf32, #tpu.memory_space<vmem>>) offsets(%dma_start3A_119 : memref<128xi32, #tpu.memory_space<vmem>>) semaphore(%arg12 : memref<!tpu.dma_semaphore, #tpu.memory_space<semaphore_mem>>)
      %dma_start3A_123 = arith.constant 4 : i32
      %dma_start3A_124 = arith.constant 4 : i32
      %dma_start3A_125 = arith.constant 0 : i32
      %dma_start3A_126 = arith.constant 0 : i32
      %dma_start3A_127 = tpu.memref_slice %arg11[%dma_start3A_124, %dma_start3A_125, %dma_start3A_126] : memref<8x128x24xf32, #tpu.memory_space<vmem>> -> memref<1x128x24xf32, #tpu.memory_space<vmem>>
      %dma_start3A_128 = tpu.memref_squeeze %dma_start3A_127 : memref<1x128x24xf32, #tpu.memory_space<vmem>> -> memref<128x24xf32, #tpu.memory_space<vmem>>
      %dma_start3A_129 = arith.constant 0 : i32
      %dma_start3A_130 = tpu.memref_slice %arg9[%dma_start3A_123, %dma_start3A_129] : memref<8x128xi32, #tpu.memory_space<vmem>> -> memref<1x128xi32, #tpu.memory_space<vmem>>
      %dma_start3A_131 = tpu.memref_squeeze %dma_start3A_130 : memref<1x128xi32, #tpu.memory_space<vmem>> -> memref<128xi32, #tpu.memory_space<vmem>>
      %dma_start3A_132 = arith.constant 0 : i32
      %dma_start3A_133 = arith.constant 0 : i32
      %dma_start3A_134 = tpu.memref_slice %arg3[%dma_start3A_132, %dma_start3A_133] : memref<100000x24xf32, #tpu.memory_space<hbm>> -> memref<100000x24xf32, #tpu.memory_space<hbm>>
      tpu.enqueue_indirect_dma source(%dma_start3A_134 : memref<100000x24xf32, #tpu.memory_space<hbm>>) target(%dma_start3A_128 : memref<128x24xf32, #tpu.memory_space<vmem>>) offsets(%dma_start3A_131 : memref<128xi32, #tpu.memory_space<vmem>>) semaphore(%arg12 : memref<!tpu.dma_semaphore, #tpu.memory_space<semaphore_mem>>)
      %dma_start3A_135 = arith.constant 5 : i32
      %dma_start3A_136 = arith.constant 5 : i32
      %dma_start3A_137 = arith.constant 0 : i32
      %dma_start3A_138 = arith.constant 0 : i32
      %dma_start3A_139 = tpu.memref_slice %arg10[%dma_start3A_136, %dma_start3A_137, %dma_start3A_138] : memref<8x128x48xf32, #tpu.memory_space<vmem>> -> memref<1x128x48xf32, #tpu.memory_space<vmem>>
      %dma_start3A_140 = tpu.memref_squeeze %dma_start3A_139 : memref<1x128x48xf32, #tpu.memory_space<vmem>> -> memref<128x48xf32, #tpu.memory_space<vmem>>
      %dma_start3A_141 = arith.constant 0 : i32
      %dma_start3A_142 = tpu.memref_slice %arg8[%dma_start3A_135, %dma_start3A_141] : memref<8x128xi32, #tpu.memory_space<vmem>> -> memref<1x128xi32, #tpu.memory_space<vmem>>
      %dma_start3A_143 = tpu.memref_squeeze %dma_start3A_142 : memref<1x128xi32, #tpu.memory_space<vmem>> -> memref<128xi32, #tpu.memory_space<vmem>>
      %dma_start3A_144 = arith.constant 0 : i32
      %dma_start3A_145 = arith.constant 0 : i32
      %dma_start3A_146 = tpu.memref_slice %arg2[%dma_start3A_144, %dma_start3A_145] : memref<100000x48xf32, #tpu.memory_space<hbm>> -> memref<100000x48xf32, #tpu.memory_space<hbm>>
      tpu.enqueue_indirect_dma source(%dma_start3A_146 : memref<100000x48xf32, #tpu.memory_space<hbm>>) target(%dma_start3A_140 : memref<128x48xf32, #tpu.memory_space<vmem>>) offsets(%dma_start3A_143 : memref<128xi32, #tpu.memory_space<vmem>>) semaphore(%arg12 : memref<!tpu.dma_semaphore, #tpu.memory_space<semaphore_mem>>)
      %dma_start3A_147 = arith.constant 5 : i32
      %dma_start3A_148 = arith.constant 5 : i32
      %dma_start3A_149 = arith.constant 0 : i32
      %dma_start3A_150 = arith.constant 0 : i32
      %dma_start3A_151 = tpu.memref_slice %arg11[%dma_start3A_148, %dma_start3A_149, %dma_start3A_150] : memref<8x128x24xf32, #tpu.memory_space<vmem>> -> memref<1x128x24xf32, #tpu.memory_space<vmem>>
      %dma_start3A_152 = tpu.memref_squeeze %dma_start3A_151 : memref<1x128x24xf32, #tpu.memory_space<vmem>> -> memref<128x24xf32, #tpu.memory_space<vmem>>
      %dma_start3A_153 = arith.constant 0 : i32
      %dma_start3A_154 = tpu.memref_slice %arg9[%dma_start3A_147, %dma_start3A_153] : memref<8x128xi32, #tpu.memory_space<vmem>> -> memref<1x128xi32, #tpu.memory_space<vmem>>
      %dma_start3A_155 = tpu.memref_squeeze %dma_start3A_154 : memref<1x128xi32, #tpu.memory_space<vmem>> -> memref<128xi32, #tpu.memory_space<vmem>>
      %dma_start3A_156 = arith.constant 0 : i32
      %dma_start3A_157 = arith.constant 0 : i32
      %dma_start3A_158 = tpu.memref_slice %arg3[%dma_start3A_156, %dma_start3A_157] : memref<100000x24xf32, #tpu.memory_space<hbm>> -> memref<100000x24xf32, #tpu.memory_space<hbm>>
      tpu.enqueue_indirect_dma source(%dma_start3A_158 : memref<100000x24xf32, #tpu.memory_space<hbm>>) target(%dma_start3A_152 : memref<128x24xf32, #tpu.memory_space<vmem>>) offsets(%dma_start3A_155 : memref<128xi32, #tpu.memory_space<vmem>>) semaphore(%arg12 : memref<!tpu.dma_semaphore, #tpu.memory_space<semaphore_mem>>)
      %dma_start3A_159 = arith.constant 6 : i32
      %dma_start3A_160 = arith.constant 6 : i32
      %dma_start3A_161 = arith.constant 0 : i32
      %dma_start3A_162 = arith.constant 0 : i32
      %dma_start3A_163 = tpu.memref_slice %arg10[%dma_start3A_160, %dma_start3A_161, %dma_start3A_162] : memref<8x128x48xf32, #tpu.memory_space<vmem>> -> memref<1x128x48xf32, #tpu.memory_space<vmem>>
      %dma_start3A_164 = tpu.memref_squeeze %dma_start3A_163 : memref<1x128x48xf32, #tpu.memory_space<vmem>> -> memref<128x48xf32, #tpu.memory_space<vmem>>
      %dma_start3A_165 = arith.constant 0 : i32
      %dma_start3A_166 = tpu.memref_slice %arg8[%dma_start3A_159, %dma_start3A_165] : memref<8x128xi32, #tpu.memory_space<vmem>> -> memref<1x128xi32, #tpu.memory_space<vmem>>
      %dma_start3A_167 = tpu.memref_squeeze %dma_start3A_166 : memref<1x128xi32, #tpu.memory_space<vmem>> -> memref<128xi32, #tpu.memory_space<vmem>>
      %dma_start3A_168 = arith.constant 0 : i32
      %dma_start3A_169 = arith.constant 0 : i32
      %dma_start3A_170 = tpu.memref_slice %arg2[%dma_start3A_168, %dma_start3A_169] : memref<100000x48xf32, #tpu.memory_space<hbm>> -> memref<100000x48xf32, #tpu.memory_space<hbm>>
      tpu.enqueue_indirect_dma source(%dma_start3A_170 : memref<100000x48xf32, #tpu.memory_space<hbm>>) target(%dma_start3A_164 : memref<128x48xf32, #tpu.memory_space<vmem>>) offsets(%dma_start3A_167 : memref<128xi32, #tpu.memory_space<vmem>>) semaphore(%arg12 : memref<!tpu.dma_semaphore, #tpu.memory_space<semaphore_mem>>)
      %dma_start3A_171 = arith.constant 6 : i32
      %dma_start3A_172 = arith.constant 6 : i32
      %dma_start3A_173 = arith.constant 0 : i32
      %dma_start3A_174 = arith.constant 0 : i32
      %dma_start3A_175 = tpu.memref_slice %arg11[%dma_start3A_172, %dma_start3A_173, %dma_start3A_174] : memref<8x128x24xf32, #tpu.memory_space<vmem>> -> memref<1x128x24xf32, #tpu.memory_space<vmem>>
      %dma_start3A_176 = tpu.memref_squeeze %dma_start3A_175 : memref<1x128x24xf32, #tpu.memory_space<vmem>> -> memref<128x24xf32, #tpu.memory_space<vmem>>
      %dma_start3A_177 = arith.constant 0 : i32
      %dma_start3A_178 = tpu.memref_slice %arg9[%dma_start3A_171, %dma_start3A_177] : memref<8x128xi32, #tpu.memory_space<vmem>> -> memref<1x128xi32, #tpu.memory_space<vmem>>
      %dma_start3A_179 = tpu.memref_squeeze %dma_start3A_178 : memref<1x128xi32, #tpu.memory_space<vmem>> -> memref<128xi32, #tpu.memory_space<vmem>>
      %dma_start3A_180 = arith.constant 0 : i32
      %dma_start3A_181 = arith.constant 0 : i32
      %dma_start3A_182 = tpu.memref_slice %arg3[%dma_start3A_180, %dma_start3A_181] : memref<100000x24xf32, #tpu.memory_space<hbm>> -> memref<100000x24xf32, #tpu.memory_space<hbm>>
      tpu.enqueue_indirect_dma source(%dma_start3A_182 : memref<100000x24xf32, #tpu.memory_space<hbm>>) target(%dma_start3A_176 : memref<128x24xf32, #tpu.memory_space<vmem>>) offsets(%dma_start3A_179 : memref<128xi32, #tpu.memory_space<vmem>>) semaphore(%arg12 : memref<!tpu.dma_semaphore, #tpu.memory_space<semaphore_mem>>)
      %dma_start3A_183 = arith.constant 7 : i32
      %dma_start3A_184 = arith.constant 7 : i32
      %dma_start3A_185 = arith.constant 0 : i32
      %dma_start3A_186 = arith.constant 0 : i32
      %dma_start3A_187 = tpu.memref_slice %arg10[%dma_start3A_184, %dma_start3A_185, %dma_start3A_186] : memref<8x128x48xf32, #tpu.memory_space<vmem>> -> memref<1x128x48xf32, #tpu.memory_space<vmem>>
      %dma_start3A_188 = tpu.memref_squeeze %dma_start3A_187 : memref<1x128x48xf32, #tpu.memory_space<vmem>> -> memref<128x48xf32, #tpu.memory_space<vmem>>
      %dma_start3A_189 = arith.constant 0 : i32
      %dma_start3A_190 = tpu.memref_slice %arg8[%dma_start3A_183, %dma_start3A_189] : memref<8x128xi32, #tpu.memory_space<vmem>> -> memref<1x128xi32, #tpu.memory_space<vmem>>
      %dma_start3A_191 = tpu.memref_squeeze %dma_start3A_190 : memref<1x128xi32, #tpu.memory_space<vmem>> -> memref<128xi32, #tpu.memory_space<vmem>>
      %dma_start3A_192 = arith.constant 0 : i32
      %dma_start3A_193 = arith.constant 0 : i32
      %dma_start3A_194 = tpu.memref_slice %arg2[%dma_start3A_192, %dma_start3A_193] : memref<100000x48xf32, #tpu.memory_space<hbm>> -> memref<100000x48xf32, #tpu.memory_space<hbm>>
      tpu.enqueue_indirect_dma source(%dma_start3A_194 : memref<100000x48xf32, #tpu.memory_space<hbm>>) target(%dma_start3A_188 : memref<128x48xf32, #tpu.memory_space<vmem>>) offsets(%dma_start3A_191 : memref<128xi32, #tpu.memory_space<vmem>>) semaphore(%arg12 : memref<!tpu.dma_semaphore, #tpu.memory_space<semaphore_mem>>)
      %dma_start3A_195 = arith.constant 7 : i32
      %dma_start3A_196 = arith.constant 7 : i32
      %dma_start3A_197 = arith.constant 0 : i32
      %dma_start3A_198 = arith.constant 0 : i32
      %dma_start3A_199 = tpu.memref_slice %arg11[%dma_start3A_196, %dma_start3A_197, %dma_start3A_198] : memref<8x128x24xf32, #tpu.memory_space<vmem>> -> memref<1x128x24xf32, #tpu.memory_space<vmem>>
      %dma_start3A_200 = tpu.memref_squeeze %dma_start3A_199 : memref<1x128x24xf32, #tpu.memory_space<vmem>> -> memref<128x24xf32, #tpu.memory_space<vmem>>
      %dma_start3A_201 = arith.constant 0 : i32
      %dma_start3A_202 = tpu.memref_slice %arg9[%dma_start3A_195, %dma_start3A_201] : memref<8x128xi32, #tpu.memory_space<vmem>> -> memref<1x128xi32, #tpu.memory_space<vmem>>
      %dma_start3A_203 = tpu.memref_squeeze %dma_start3A_202 : memref<1x128xi32, #tpu.memory_space<vmem>> -> memref<128xi32, #tpu.memory_space<vmem>>
      %dma_start3A_204 = arith.constant 0 : i32
      %dma_start3A_205 = arith.constant 0 : i32
      %dma_start3A_206 = tpu.memref_slice %arg3[%dma_start3A_204, %dma_start3A_205] : memref<100000x24xf32, #tpu.memory_space<hbm>> -> memref<100000x24xf32, #tpu.memory_space<hbm>>
      tpu.enqueue_indirect_dma source(%dma_start3A_206 : memref<100000x24xf32, #tpu.memory_space<hbm>>) target(%dma_start3A_200 : memref<128x24xf32, #tpu.memory_space<vmem>>) offsets(%dma_start3A_203 : memref<128xi32, #tpu.memory_space<vmem>>) semaphore(%arg12 : memref<!tpu.dma_semaphore, #tpu.memory_space<semaphore_mem>>)
      %dma_wait3A = arith.constant 0 : i32
      %dma_wait3A_207 = arith.constant 0 : i32
      %dma_wait3A_208 = arith.constant 0 : i32
      %dma_wait3A_209 = arith.constant 0 : i32
      %dma_wait3A_210 = tpu.memref_slice %arg10[%dma_wait3A_207, %dma_wait3A_208, %dma_wait3A_209] : memref<8x128x48xf32, #tpu.memory_space<vmem>> -> memref<1x128x48xf32, #tpu.memory_space<vmem>>
      %dma_wait3A_211 = tpu.memref_squeeze %dma_wait3A_210 : memref<1x128x48xf32, #tpu.memory_space<vmem>> -> memref<128x48xf32, #tpu.memory_space<vmem>>
      %dma_wait3A_212 = arith.constant 0 : i32
      %dma_wait3A_213 = tpu.memref_slice %arg8[%dma_wait3A, %dma_wait3A_212] : memref<8x128xi32, #tpu.memory_space<vmem>> -> memref<1x128xi32, #tpu.memory_space<vmem>>
      %dma_wait3A_214 = tpu.memref_squeeze %dma_wait3A_213 : memref<1x128xi32, #tpu.memory_space<vmem>> -> memref<128xi32, #tpu.memory_space<vmem>>
      %dma_wait3A_215 = arith.constant 0 : i32
      %dma_wait3A_216 = arith.constant 0 : i32
      %dma_wait3A_217 = tpu.memref_slice %arg2[%dma_wait3A_215, %dma_wait3A_216] : memref<100000x48xf32, #tpu.memory_space<hbm>> -> memref<100000x48xf32, #tpu.memory_space<hbm>>
      tpu.wait_indirect_dma semaphore(%arg12 : memref<!tpu.dma_semaphore, #tpu.memory_space<semaphore_mem>>) src(%dma_wait3A_217 : memref<100000x48xf32, #tpu.memory_space<hbm>>) dst(%dma_wait3A_211 : memref<128x48xf32, #tpu.memory_space<vmem>>)
      %dma_wait3A_218 = arith.constant 0 : i32
      %dma_wait3A_219 = arith.constant 0 : i32
      %dma_wait3A_220 = arith.constant 0 : i32
      %dma_wait3A_221 = arith.constant 0 : i32
      %dma_wait3A_222 = tpu.memref_slice %arg11[%dma_wait3A_219, %dma_wait3A_220, %dma_wait3A_221] : memref<8x128x24xf32, #tpu.memory_space<vmem>> -> memref<1x128x24xf32, #tpu.memory_space<vmem>>
      %dma_wait3A_223 = tpu.memref_squeeze %dma_wait3A_222 : memref<1x128x24xf32, #tpu.memory_space<vmem>> -> memref<128x24xf32, #tpu.memory_space<vmem>>
      %dma_wait3A_224 = arith.constant 0 : i32
      %dma_wait3A_225 = tpu.memref_slice %arg9[%dma_wait3A_218, %dma_wait3A_224] : memref<8x128xi32, #tpu.memory_space<vmem>> -> memref<1x128xi32, #tpu.memory_space<vmem>>
      %dma_wait3A_226 = tpu.memref_squeeze %dma_wait3A_225 : memref<1x128xi32, #tpu.memory_space<vmem>> -> memref<128xi32, #tpu.memory_space<vmem>>
      %dma_wait3A_227 = arith.constant 0 : i32
      %dma_wait3A_228 = arith.constant 0 : i32
      %dma_wait3A_229 = tpu.memref_slice %arg3[%dma_wait3A_227, %dma_wait3A_228] : memref<100000x24xf32, #tpu.memory_space<hbm>> -> memref<100000x24xf32, #tpu.memory_space<hbm>>
      tpu.wait_indirect_dma semaphore(%arg12 : memref<!tpu.dma_semaphore, #tpu.memory_space<semaphore_mem>>) src(%dma_wait3A_229 : memref<100000x24xf32, #tpu.memory_space<hbm>>) dst(%dma_wait3A_223 : memref<128x24xf32, #tpu.memory_space<vmem>>)
      %dma_wait3A_230 = arith.constant 1 : i32
      %dma_wait3A_231 = arith.constant 1 : i32
      %dma_wait3A_232 = arith.constant 0 : i32
      %dma_wait3A_233 = arith.constant 0 : i32
      %dma_wait3A_234 = tpu.memref_slice %arg10[%dma_wait3A_231, %dma_wait3A_232, %dma_wait3A_233] : memref<8x128x48xf32, #tpu.memory_space<vmem>> -> memref<1x128x48xf32, #tpu.memory_space<vmem>>
      %dma_wait3A_235 = tpu.memref_squeeze %dma_wait3A_234 : memref<1x128x48xf32, #tpu.memory_space<vmem>> -> memref<128x48xf32, #tpu.memory_space<vmem>>
      %dma_wait3A_236 = arith.constant 0 : i32
      %dma_wait3A_237 = tpu.memref_slice %arg8[%dma_wait3A_230, %dma_wait3A_236] : memref<8x128xi32, #tpu.memory_space<vmem>> -> memref<1x128xi32, #tpu.memory_space<vmem>>
      %dma_wait3A_238 = tpu.memref_squeeze %dma_wait3A_237 : memref<1x128xi32, #tpu.memory_space<vmem>> -> memref<128xi32, #tpu.memory_space<vmem>>
      %dma_wait3A_239 = arith.constant 0 : i32
      %dma_wait3A_240 = arith.constant 0 : i32
      %dma_wait3A_241 = tpu.memref_slice %arg2[%dma_wait3A_239, %dma_wait3A_240] : memref<100000x48xf32, #tpu.memory_space<hbm>> -> memref<100000x48xf32, #tpu.memory_space<hbm>>
      tpu.wait_indirect_dma semaphore(%arg12 : memref<!tpu.dma_semaphore, #tpu.memory_space<semaphore_mem>>) src(%dma_wait3A_241 : memref<100000x48xf32, #tpu.memory_space<hbm>>) dst(%dma_wait3A_235 : memref<128x48xf32, #tpu.memory_space<vmem>>)
      %dma_wait3A_242 = arith.constant 1 : i32
      %dma_wait3A_243 = arith.constant 1 : i32
      %dma_wait3A_244 = arith.constant 0 : i32
      %dma_wait3A_245 = arith.constant 0 : i32
      %dma_wait3A_246 = tpu.memref_slice %arg11[%dma_wait3A_243, %dma_wait3A_244, %dma_wait3A_245] : memref<8x128x24xf32, #tpu.memory_space<vmem>> -> memref<1x128x24xf32, #tpu.memory_space<vmem>>
      %dma_wait3A_247 = tpu.memref_squeeze %dma_wait3A_246 : memref<1x128x24xf32, #tpu.memory_space<vmem>> -> memref<128x24xf32, #tpu.memory_space<vmem>>
      %dma_wait3A_248 = arith.constant 0 : i32
      %dma_wait3A_249 = tpu.memref_slice %arg9[%dma_wait3A_242, %dma_wait3A_248] : memref<8x128xi32, #tpu.memory_space<vmem>> -> memref<1x128xi32, #tpu.memory_space<vmem>>
      %dma_wait3A_250 = tpu.memref_squeeze %dma_wait3A_249 : memref<1x128xi32, #tpu.memory_space<vmem>> -> memref<128xi32, #tpu.memory_space<vmem>>
      %dma_wait3A_251 = arith.constant 0 : i32
      %dma_wait3A_252 = arith.constant 0 : i32
      %dma_wait3A_253 = tpu.memref_slice %arg3[%dma_wait3A_251, %dma_wait3A_252] : memref<100000x24xf32, #tpu.memory_space<hbm>> -> memref<100000x24xf32, #tpu.memory_space<hbm>>
      tpu.wait_indirect_dma semaphore(%arg12 : memref<!tpu.dma_semaphore, #tpu.memory_space<semaphore_mem>>) src(%dma_wait3A_253 : memref<100000x24xf32, #tpu.memory_space<hbm>>) dst(%dma_wait3A_247 : memref<128x24xf32, #tpu.memory_space<vmem>>)
      %dma_wait3A_254 = arith.constant 2 : i32
      %dma_wait3A_255 = arith.constant 2 : i32
      %dma_wait3A_256 = arith.constant 0 : i32
      %dma_wait3A_257 = arith.constant 0 : i32
      %dma_wait3A_258 = tpu.memref_slice %arg10[%dma_wait3A_255, %dma_wait3A_256, %dma_wait3A_257] : memref<8x128x48xf32, #tpu.memory_space<vmem>> -> memref<1x128x48xf32, #tpu.memory_space<vmem>>
      %dma_wait3A_259 = tpu.memref_squeeze %dma_wait3A_258 : memref<1x128x48xf32, #tpu.memory_space<vmem>> -> memref<128x48xf32, #tpu.memory_space<vmem>>
      %dma_wait3A_260 = arith.constant 0 : i32
      %dma_wait3A_261 = tpu.memref_slice %arg8[%dma_wait3A_254, %dma_wait3A_260] : memref<8x128xi32, #tpu.memory_space<vmem>> -> memref<1x128xi32, #tpu.memory_space<vmem>>
      %dma_wait3A_262 = tpu.memref_squeeze %dma_wait3A_261 : memref<1x128xi32, #tpu.memory_space<vmem>> -> memref<128xi32, #tpu.memory_space<vmem>>
      %dma_wait3A_263 = arith.constant 0 : i32
      %dma_wait3A_264 = arith.constant 0 : i32
      %dma_wait3A_265 = tpu.memref_slice %arg2[%dma_wait3A_263, %dma_wait3A_264] : memref<100000x48xf32, #tpu.memory_space<hbm>> -> memref<100000x48xf32, #tpu.memory_space<hbm>>
      tpu.wait_indirect_dma semaphore(%arg12 : memref<!tpu.dma_semaphore, #tpu.memory_space<semaphore_mem>>) src(%dma_wait3A_265 : memref<100000x48xf32, #tpu.memory_space<hbm>>) dst(%dma_wait3A_259 : memref<128x48xf32, #tpu.memory_space<vmem>>)
      %dma_wait3A_266 = arith.constant 2 : i32
      %dma_wait3A_267 = arith.constant 2 : i32
      %dma_wait3A_268 = arith.constant 0 : i32
      %dma_wait3A_269 = arith.constant 0 : i32
      %dma_wait3A_270 = tpu.memref_slice %arg11[%dma_wait3A_267, %dma_wait3A_268, %dma_wait3A_269] : memref<8x128x24xf32, #tpu.memory_space<vmem>> -> memref<1x128x24xf32, #tpu.memory_space<vmem>>
      %dma_wait3A_271 = tpu.memref_squeeze %dma_wait3A_270 : memref<1x128x24xf32, #tpu.memory_space<vmem>> -> memref<128x24xf32, #tpu.memory_space<vmem>>
      %dma_wait3A_272 = arith.constant 0 : i32
      %dma_wait3A_273 = tpu.memref_slice %arg9[%dma_wait3A_266, %dma_wait3A_272] : memref<8x128xi32, #tpu.memory_space<vmem>> -> memref<1x128xi32, #tpu.memory_space<vmem>>
      %dma_wait3A_274 = tpu.memref_squeeze %dma_wait3A_273 : memref<1x128xi32, #tpu.memory_space<vmem>> -> memref<128xi32, #tpu.memory_space<vmem>>
      %dma_wait3A_275 = arith.constant 0 : i32
      %dma_wait3A_276 = arith.constant 0 : i32
      %dma_wait3A_277 = tpu.memref_slice %arg3[%dma_wait3A_275, %dma_wait3A_276] : memref<100000x24xf32, #tpu.memory_space<hbm>> -> memref<100000x24xf32, #tpu.memory_space<hbm>>
      tpu.wait_indirect_dma semaphore(%arg12 : memref<!tpu.dma_semaphore, #tpu.memory_space<semaphore_mem>>) src(%dma_wait3A_277 : memref<100000x24xf32, #tpu.memory_space<hbm>>) dst(%dma_wait3A_271 : memref<128x24xf32, #tpu.memory_space<vmem>>)
      %dma_wait3A_278 = arith.constant 3 : i32
      %dma_wait3A_279 = arith.constant 3 : i32
      %dma_wait3A_280 = arith.constant 0 : i32
      %dma_wait3A_281 = arith.constant 0 : i32
      %dma_wait3A_282 = tpu.memref_slice %arg10[%dma_wait3A_279, %dma_wait3A_280, %dma_wait3A_281] : memref<8x128x48xf32, #tpu.memory_space<vmem>> -> memref<1x128x48xf32, #tpu.memory_space<vmem>>
      %dma_wait3A_283 = tpu.memref_squeeze %dma_wait3A_282 : memref<1x128x48xf32, #tpu.memory_space<vmem>> -> memref<128x48xf32, #tpu.memory_space<vmem>>
      %dma_wait3A_284 = arith.constant 0 : i32
      %dma_wait3A_285 = tpu.memref_slice %arg8[%dma_wait3A_278, %dma_wait3A_284] : memref<8x128xi32, #tpu.memory_space<vmem>> -> memref<1x128xi32, #tpu.memory_space<vmem>>
      %dma_wait3A_286 = tpu.memref_squeeze %dma_wait3A_285 : memref<1x128xi32, #tpu.memory_space<vmem>> -> memref<128xi32, #tpu.memory_space<vmem>>
      %dma_wait3A_287 = arith.constant 0 : i32
      %dma_wait3A_288 = arith.constant 0 : i32
      %dma_wait3A_289 = tpu.memref_slice %arg2[%dma_wait3A_287, %dma_wait3A_288] : memref<100000x48xf32, #tpu.memory_space<hbm>> -> memref<100000x48xf32, #tpu.memory_space<hbm>>
      tpu.wait_indirect_dma semaphore(%arg12 : memref<!tpu.dma_semaphore, #tpu.memory_space<semaphore_mem>>) src(%dma_wait3A_289 : memref<100000x48xf32, #tpu.memory_space<hbm>>) dst(%dma_wait3A_283 : memref<128x48xf32, #tpu.memory_space<vmem>>)
      %dma_wait3A_290 = arith.constant 3 : i32
      %dma_wait3A_291 = arith.constant 3 : i32
      %dma_wait3A_292 = arith.constant 0 : i32
      %dma_wait3A_293 = arith.constant 0 : i32
      %dma_wait3A_294 = tpu.memref_slice %arg11[%dma_wait3A_291, %dma_wait3A_292, %dma_wait3A_293] : memref<8x128x24xf32, #tpu.memory_space<vmem>> -> memref<1x128x24xf32, #tpu.memory_space<vmem>>
      %dma_wait3A_295 = tpu.memref_squeeze %dma_wait3A_294 : memref<1x128x24xf32, #tpu.memory_space<vmem>> -> memref<128x24xf32, #tpu.memory_space<vmem>>
      %dma_wait3A_296 = arith.constant 0 : i32
      %dma_wait3A_297 = tpu.memref_slice %arg9[%dma_wait3A_290, %dma_wait3A_296] : memref<8x128xi32, #tpu.memory_space<vmem>> -> memref<1x128xi32, #tpu.memory_space<vmem>>
      %dma_wait3A_298 = tpu.memref_squeeze %dma_wait3A_297 : memref<1x128xi32, #tpu.memory_space<vmem>> -> memref<128xi32, #tpu.memory_space<vmem>>
      %dma_wait3A_299 = arith.constant 0 : i32
      %dma_wait3A_300 = arith.constant 0 : i32
      %dma_wait3A_301 = tpu.memref_slice %arg3[%dma_wait3A_299, %dma_wait3A_300] : memref<100000x24xf32, #tpu.memory_space<hbm>> -> memref<100000x24xf32, #tpu.memory_space<hbm>>
      tpu.wait_indirect_dma semaphore(%arg12 : memref<!tpu.dma_semaphore, #tpu.memory_space<semaphore_mem>>) src(%dma_wait3A_301 : memref<100000x24xf32, #tpu.memory_space<hbm>>) dst(%dma_wait3A_295 : memref<128x24xf32, #tpu.memory_space<vmem>>)
      %dma_wait3A_302 = arith.constant 4 : i32
      %dma_wait3A_303 = arith.constant 4 : i32
      %dma_wait3A_304 = arith.constant 0 : i32
      %dma_wait3A_305 = arith.constant 0 : i32
      %dma_wait3A_306 = tpu.memref_slice %arg10[%dma_wait3A_303, %dma_wait3A_304, %dma_wait3A_305] : memref<8x128x48xf32, #tpu.memory_space<vmem>> -> memref<1x128x48xf32, #tpu.memory_space<vmem>>
      %dma_wait3A_307 = tpu.memref_squeeze %dma_wait3A_306 : memref<1x128x48xf32, #tpu.memory_space<vmem>> -> memref<128x48xf32, #tpu.memory_space<vmem>>
      %dma_wait3A_308 = arith.constant 0 : i32
      %dma_wait3A_309 = tpu.memref_slice %arg8[%dma_wait3A_302, %dma_wait3A_308] : memref<8x128xi32, #tpu.memory_space<vmem>> -> memref<1x128xi32, #tpu.memory_space<vmem>>
      %dma_wait3A_310 = tpu.memref_squeeze %dma_wait3A_309 : memref<1x128xi32, #tpu.memory_space<vmem>> -> memref<128xi32, #tpu.memory_space<vmem>>
      %dma_wait3A_311 = arith.constant 0 : i32
      %dma_wait3A_312 = arith.constant 0 : i32
      %dma_wait3A_313 = tpu.memref_slice %arg2[%dma_wait3A_311, %dma_wait3A_312] : memref<100000x48xf32, #tpu.memory_space<hbm>> -> memref<100000x48xf32, #tpu.memory_space<hbm>>
      tpu.wait_indirect_dma semaphore(%arg12 : memref<!tpu.dma_semaphore, #tpu.memory_space<semaphore_mem>>) src(%dma_wait3A_313 : memref<100000x48xf32, #tpu.memory_space<hbm>>) dst(%dma_wait3A_307 : memref<128x48xf32, #tpu.memory_space<vmem>>)
      %dma_wait3A_314 = arith.constant 4 : i32
      %dma_wait3A_315 = arith.constant 4 : i32
      %dma_wait3A_316 = arith.constant 0 : i32
      %dma_wait3A_317 = arith.constant 0 : i32
      %dma_wait3A_318 = tpu.memref_slice %arg11[%dma_wait3A_315, %dma_wait3A_316, %dma_wait3A_317] : memref<8x128x24xf32, #tpu.memory_space<vmem>> -> memref<1x128x24xf32, #tpu.memory_space<vmem>>
      %dma_wait3A_319 = tpu.memref_squeeze %dma_wait3A_318 : memref<1x128x24xf32, #tpu.memory_space<vmem>> -> memref<128x24xf32, #tpu.memory_space<vmem>>
      %dma_wait3A_320 = arith.constant 0 : i32
      %dma_wait3A_321 = tpu.memref_slice %arg9[%dma_wait3A_314, %dma_wait3A_320] : memref<8x128xi32, #tpu.memory_space<vmem>> -> memref<1x128xi32, #tpu.memory_space<vmem>>
      %dma_wait3A_322 = tpu.memref_squeeze %dma_wait3A_321 : memref<1x128xi32, #tpu.memory_space<vmem>> -> memref<128xi32, #tpu.memory_space<vmem>>
      %dma_wait3A_323 = arith.constant 0 : i32
      %dma_wait3A_324 = arith.constant 0 : i32
      %dma_wait3A_325 = tpu.memref_slice %arg3[%dma_wait3A_323, %dma_wait3A_324] : memref<100000x24xf32, #tpu.memory_space<hbm>> -> memref<100000x24xf32, #tpu.memory_space<hbm>>
      tpu.wait_indirect_dma semaphore(%arg12 : memref<!tpu.dma_semaphore, #tpu.memory_space<semaphore_mem>>) src(%dma_wait3A_325 : memref<100000x24xf32, #tpu.memory_space<hbm>>) dst(%dma_wait3A_319 : memref<128x24xf32, #tpu.memory_space<vmem>>)
      %dma_wait3A_326 = arith.constant 5 : i32
      %dma_wait3A_327 = arith.constant 5 : i32
      %dma_wait3A_328 = arith.constant 0 : i32
      %dma_wait3A_329 = arith.constant 0 : i32
      %dma_wait3A_330 = tpu.memref_slice %arg10[%dma_wait3A_327, %dma_wait3A_328, %dma_wait3A_329] : memref<8x128x48xf32, #tpu.memory_space<vmem>> -> memref<1x128x48xf32, #tpu.memory_space<vmem>>
      %dma_wait3A_331 = tpu.memref_squeeze %dma_wait3A_330 : memref<1x128x48xf32, #tpu.memory_space<vmem>> -> memref<128x48xf32, #tpu.memory_space<vmem>>
      %dma_wait3A_332 = arith.constant 0 : i32
      %dma_wait3A_333 = tpu.memref_slice %arg8[%dma_wait3A_326, %dma_wait3A_332] : memref<8x128xi32, #tpu.memory_space<vmem>> -> memref<1x128xi32, #tpu.memory_space<vmem>>
      %dma_wait3A_334 = tpu.memref_squeeze %dma_wait3A_333 : memref<1x128xi32, #tpu.memory_space<vmem>> -> memref<128xi32, #tpu.memory_space<vmem>>
      %dma_wait3A_335 = arith.constant 0 : i32
      %dma_wait3A_336 = arith.constant 0 : i32
      %dma_wait3A_337 = tpu.memref_slice %arg2[%dma_wait3A_335, %dma_wait3A_336] : memref<100000x48xf32, #tpu.memory_space<hbm>> -> memref<100000x48xf32, #tpu.memory_space<hbm>>
      tpu.wait_indirect_dma semaphore(%arg12 : memref<!tpu.dma_semaphore, #tpu.memory_space<semaphore_mem>>) src(%dma_wait3A_337 : memref<100000x48xf32, #tpu.memory_space<hbm>>) dst(%dma_wait3A_331 : memref<128x48xf32, #tpu.memory_space<vmem>>)
      %dma_wait3A_338 = arith.constant 5 : i32
      %dma_wait3A_339 = arith.constant 5 : i32
      %dma_wait3A_340 = arith.constant 0 : i32
      %dma_wait3A_341 = arith.constant 0 : i32
      %dma_wait3A_342 = tpu.memref_slice %arg11[%dma_wait3A_339, %dma_wait3A_340, %dma_wait3A_341] : memref<8x128x24xf32, #tpu.memory_space<vmem>> -> memref<1x128x24xf32, #tpu.memory_space<vmem>>
      %dma_wait3A_343 = tpu.memref_squeeze %dma_wait3A_342 : memref<1x128x24xf32, #tpu.memory_space<vmem>> -> memref<128x24xf32, #tpu.memory_space<vmem>>
      %dma_wait3A_344 = arith.constant 0 : i32
      %dma_wait3A_345 = tpu.memref_slice %arg9[%dma_wait3A_338, %dma_wait3A_344] : memref<8x128xi32, #tpu.memory_space<vmem>> -> memref<1x128xi32, #tpu.memory_space<vmem>>
      %dma_wait3A_346 = tpu.memref_squeeze %dma_wait3A_345 : memref<1x128xi32, #tpu.memory_space<vmem>> -> memref<128xi32, #tpu.memory_space<vmem>>
      %dma_wait3A_347 = arith.constant 0 : i32
      %dma_wait3A_348 = arith.constant 0 : i32
      %dma_wait3A_349 = tpu.memref_slice %arg3[%dma_wait3A_347, %dma_wait3A_348] : memref<100000x24xf32, #tpu.memory_space<hbm>> -> memref<100000x24xf32, #tpu.memory_space<hbm>>
      tpu.wait_indirect_dma semaphore(%arg12 : memref<!tpu.dma_semaphore, #tpu.memory_space<semaphore_mem>>) src(%dma_wait3A_349 : memref<100000x24xf32, #tpu.memory_space<hbm>>) dst(%dma_wait3A_343 : memref<128x24xf32, #tpu.memory_space<vmem>>)
      %dma_wait3A_350 = arith.constant 6 : i32
      %dma_wait3A_351 = arith.constant 6 : i32
      %dma_wait3A_352 = arith.constant 0 : i32
      %dma_wait3A_353 = arith.constant 0 : i32
      %dma_wait3A_354 = tpu.memref_slice %arg10[%dma_wait3A_351, %dma_wait3A_352, %dma_wait3A_353] : memref<8x128x48xf32, #tpu.memory_space<vmem>> -> memref<1x128x48xf32, #tpu.memory_space<vmem>>
      %dma_wait3A_355 = tpu.memref_squeeze %dma_wait3A_354 : memref<1x128x48xf32, #tpu.memory_space<vmem>> -> memref<128x48xf32, #tpu.memory_space<vmem>>
      %dma_wait3A_356 = arith.constant 0 : i32
      %dma_wait3A_357 = tpu.memref_slice %arg8[%dma_wait3A_350, %dma_wait3A_356] : memref<8x128xi32, #tpu.memory_space<vmem>> -> memref<1x128xi32, #tpu.memory_space<vmem>>
      %dma_wait3A_358 = tpu.memref_squeeze %dma_wait3A_357 : memref<1x128xi32, #tpu.memory_space<vmem>> -> memref<128xi32, #tpu.memory_space<vmem>>
      %dma_wait3A_359 = arith.constant 0 : i32
      %dma_wait3A_360 = arith.constant 0 : i32
      %dma_wait3A_361 = tpu.memref_slice %arg2[%dma_wait3A_359, %dma_wait3A_360] : memref<100000x48xf32, #tpu.memory_space<hbm>> -> memref<100000x48xf32, #tpu.memory_space<hbm>>
      tpu.wait_indirect_dma semaphore(%arg12 : memref<!tpu.dma_semaphore, #tpu.memory_space<semaphore_mem>>) src(%dma_wait3A_361 : memref<100000x48xf32, #tpu.memory_space<hbm>>) dst(%dma_wait3A_355 : memref<128x48xf32, #tpu.memory_space<vmem>>)
      %dma_wait3A_362 = arith.constant 6 : i32
      %dma_wait3A_363 = arith.constant 6 : i32
      %dma_wait3A_364 = arith.constant 0 : i32
      %dma_wait3A_365 = arith.constant 0 : i32
      %dma_wait3A_366 = tpu.memref_slice %arg11[%dma_wait3A_363, %dma_wait3A_364, %dma_wait3A_365] : memref<8x128x24xf32, #tpu.memory_space<vmem>> -> memref<1x128x24xf32, #tpu.memory_space<vmem>>
      %dma_wait3A_367 = tpu.memref_squeeze %dma_wait3A_366 : memref<1x128x24xf32, #tpu.memory_space<vmem>> -> memref<128x24xf32, #tpu.memory_space<vmem>>
      %dma_wait3A_368 = arith.constant 0 : i32
      %dma_wait3A_369 = tpu.memref_slice %arg9[%dma_wait3A_362, %dma_wait3A_368] : memref<8x128xi32, #tpu.memory_space<vmem>> -> memref<1x128xi32, #tpu.memory_space<vmem>>
      %dma_wait3A_370 = tpu.memref_squeeze %dma_wait3A_369 : memref<1x128xi32, #tpu.memory_space<vmem>> -> memref<128xi32, #tpu.memory_space<vmem>>
      %dma_wait3A_371 = arith.constant 0 : i32
      %dma_wait3A_372 = arith.constant 0 : i32
      %dma_wait3A_373 = tpu.memref_slice %arg3[%dma_wait3A_371, %dma_wait3A_372] : memref<100000x24xf32, #tpu.memory_space<hbm>> -> memref<100000x24xf32, #tpu.memory_space<hbm>>
      tpu.wait_indirect_dma semaphore(%arg12 : memref<!tpu.dma_semaphore, #tpu.memory_space<semaphore_mem>>) src(%dma_wait3A_373 : memref<100000x24xf32, #tpu.memory_space<hbm>>) dst(%dma_wait3A_367 : memref<128x24xf32, #tpu.memory_space<vmem>>)
      %dma_wait3A_374 = arith.constant 7 : i32
      %dma_wait3A_375 = arith.constant 7 : i32
      %dma_wait3A_376 = arith.constant 0 : i32
      %dma_wait3A_377 = arith.constant 0 : i32
      %dma_wait3A_378 = tpu.memref_slice %arg10[%dma_wait3A_375, %dma_wait3A_376, %dma_wait3A_377] : memref<8x128x48xf32, #tpu.memory_space<vmem>> -> memref<1x128x48xf32, #tpu.memory_space<vmem>>
      %dma_wait3A_379 = tpu.memref_squeeze %dma_wait3A_378 : memref<1x128x48xf32, #tpu.memory_space<vmem>> -> memref<128x48xf32, #tpu.memory_space<vmem>>
      %dma_wait3A_380 = arith.constant 0 : i32
      %dma_wait3A_381 = tpu.memref_slice %arg8[%dma_wait3A_374, %dma_wait3A_380] : memref<8x128xi32, #tpu.memory_space<vmem>> -> memref<1x128xi32, #tpu.memory_space<vmem>>
      %dma_wait3A_382 = tpu.memref_squeeze %dma_wait3A_381 : memref<1x128xi32, #tpu.memory_space<vmem>> -> memref<128xi32, #tpu.memory_space<vmem>>
      %dma_wait3A_383 = arith.constant 0 : i32
      %dma_wait3A_384 = arith.constant 0 : i32
      %dma_wait3A_385 = tpu.memref_slice %arg2[%dma_wait3A_383, %dma_wait3A_384] : memref<100000x48xf32, #tpu.memory_space<hbm>> -> memref<100000x48xf32, #tpu.memory_space<hbm>>
      tpu.wait_indirect_dma semaphore(%arg12 : memref<!tpu.dma_semaphore, #tpu.memory_space<semaphore_mem>>) src(%dma_wait3A_385 : memref<100000x48xf32, #tpu.memory_space<hbm>>) dst(%dma_wait3A_379 : memref<128x48xf32, #tpu.memory_space<vmem>>)
      %dma_wait3A_386 = arith.constant 7 : i32
      %dma_wait3A_387 = arith.constant 7 : i32
      %dma_wait3A_388 = arith.constant 0 : i32
      %dma_wait3A_389 = arith.constant 0 : i32
      %dma_wait3A_390 = tpu.memref_slice %arg11[%dma_wait3A_387, %dma_wait3A_388, %dma_wait3A_389] : memref<8x128x24xf32, #tpu.memory_space<vmem>> -> memref<1x128x24xf32, #tpu.memory_space<vmem>>
      %dma_wait3A_391 = tpu.memref_squeeze %dma_wait3A_390 : memref<1x128x24xf32, #tpu.memory_space<vmem>> -> memref<128x24xf32, #tpu.memory_space<vmem>>
      %dma_wait3A_392 = arith.constant 0 : i32
      %dma_wait3A_393 = tpu.memref_slice %arg9[%dma_wait3A_386, %dma_wait3A_392] : memref<8x128xi32, #tpu.memory_space<vmem>> -> memref<1x128xi32, #tpu.memory_space<vmem>>
      %dma_wait3A_394 = tpu.memref_squeeze %dma_wait3A_393 : memref<1x128xi32, #tpu.memory_space<vmem>> -> memref<128xi32, #tpu.memory_space<vmem>>
      %dma_wait3A_395 = arith.constant 0 : i32
      %dma_wait3A_396 = arith.constant 0 : i32
      %dma_wait3A_397 = tpu.memref_slice %arg3[%dma_wait3A_395, %dma_wait3A_396] : memref<100000x24xf32, #tpu.memory_space<hbm>> -> memref<100000x24xf32, #tpu.memory_space<hbm>>
      tpu.wait_indirect_dma semaphore(%arg12 : memref<!tpu.dma_semaphore, #tpu.memory_space<semaphore_mem>>) src(%dma_wait3A_397 : memref<100000x24xf32, #tpu.memory_space<hbm>>) dst(%dma_wait3A_391 : memref<128x24xf32, #tpu.memory_space<vmem>>)
      %add3A_398 = arith.constant 0 : i32
      %add3A_399 = arith.addi %mul3A_15, %add3A_398 : i32
      %dma_start3A_400 = arith.constant 0 : i32
      %dma_start3A_401 = arith.constant 0 : i32
      %dma_start3A_402 = arith.constant 0 : i32
      %dma_start3A_403 = tpu.memref_slice %arg10[%dma_start3A_400, %dma_start3A_401, %dma_start3A_402] : memref<8x128x48xf32, #tpu.memory_space<vmem>> -> memref<1x128x48xf32, #tpu.memory_space<vmem>>
      %dma_start3A_404 = tpu.memref_squeeze %dma_start3A_403 : memref<1x128x48xf32, #tpu.memory_space<vmem>> -> memref<128x48xf32, #tpu.memory_space<vmem>>
      %dma_start3A_405 = arith.constant 0 : i32
      %dma_start3A_406 = tpu.memref_slice %arg6[%add3A_399, %dma_start3A_405] : memref<1638400x48xf32, #tpu.memory_space<hbm>> -> memref<128x48xf32, #tpu.memory_space<hbm>>
      %dma_start3A_407 = arith.constant 0 : i32
      %dma_start3A_408 = tpu.memref_slice %arg6[%add3A_399, %dma_start3A_407] : memref<1638400x48xf32, #tpu.memory_space<hbm>> -> memref<128x48xf32, #tpu.memory_space<hbm>>
      %dma_start3A_409 = arith.constant 0 : i32
      %dma_start3A_410 = arith.constant 0 : i32
      %dma_start3A_411 = tpu.memref_slice %arg10[%dma_start3A_400, %dma_start3A_409, %dma_start3A_410] : memref<8x128x48xf32, #tpu.memory_space<vmem>> -> memref<1x128x48xf32, #tpu.memory_space<vmem>>
      %dma_start3A_412 = tpu.memref_squeeze %dma_start3A_411 : memref<1x128x48xf32, #tpu.memory_space<vmem>> -> memref<128x48xf32, #tpu.memory_space<vmem>>
      tpu.enqueue_dma source(%dma_start3A_412 : memref<128x48xf32, #tpu.memory_space<vmem>>) target(%dma_start3A_408 : memref<128x48xf32, #tpu.memory_space<hbm>>) target_semaphore(%arg13 : memref<!tpu.dma_semaphore, #tpu.memory_space<semaphore_mem>>)
      %add3A_413 = arith.constant 0 : i32
      %add3A_414 = arith.addi %mul3A_15, %add3A_413 : i32
      %dma_start3A_415 = arith.constant 0 : i32
      %dma_start3A_416 = arith.constant 0 : i32
      %dma_start3A_417 = arith.constant 0 : i32
      %dma_start3A_418 = tpu.memref_slice %arg11[%dma_start3A_415, %dma_start3A_416, %dma_start3A_417] : memref<8x128x24xf32, #tpu.memory_space<vmem>> -> memref<1x128x24xf32, #tpu.memory_space<vmem>>
      %dma_start3A_419 = tpu.memref_squeeze %dma_start3A_418 : memref<1x128x24xf32, #tpu.memory_space<vmem>> -> memref<128x24xf32, #tpu.memory_space<vmem>>
      %dma_start3A_420 = arith.constant 0 : i32
      %dma_start3A_421 = tpu.memref_slice %arg7[%add3A_414, %dma_start3A_420] : memref<1638400x24xf32, #tpu.memory_space<hbm>> -> memref<128x24xf32, #tpu.memory_space<hbm>>
      %dma_start3A_422 = arith.constant 0 : i32
      %dma_start3A_423 = tpu.memref_slice %arg7[%add3A_414, %dma_start3A_422] : memref<1638400x24xf32, #tpu.memory_space<hbm>> -> memref<128x24xf32, #tpu.memory_space<hbm>>
      %dma_start3A_424 = arith.constant 0 : i32
      %dma_start3A_425 = arith.constant 0 : i32
      %dma_start3A_426 = tpu.memref_slice %arg11[%dma_start3A_415, %dma_start3A_424, %dma_start3A_425] : memref<8x128x24xf32, #tpu.memory_space<vmem>> -> memref<1x128x24xf32, #tpu.memory_space<vmem>>
      %dma_start3A_427 = tpu.memref_squeeze %dma_start3A_426 : memref<1x128x24xf32, #tpu.memory_space<vmem>> -> memref<128x24xf32, #tpu.memory_space<vmem>>
      tpu.enqueue_dma source(%dma_start3A_427 : memref<128x24xf32, #tpu.memory_space<vmem>>) target(%dma_start3A_423 : memref<128x24xf32, #tpu.memory_space<hbm>>) target_semaphore(%arg13 : memref<!tpu.dma_semaphore, #tpu.memory_space<semaphore_mem>>)
      %add3A_428 = arith.constant 128 : i32
      %add3A_429 = arith.addi %mul3A_15, %add3A_428 : i32
      %dma_start3A_430 = arith.constant 1 : i32
      %dma_start3A_431 = arith.constant 0 : i32
      %dma_start3A_432 = arith.constant 0 : i32
      %dma_start3A_433 = tpu.memref_slice %arg10[%dma_start3A_430, %dma_start3A_431, %dma_start3A_432] : memref<8x128x48xf32, #tpu.memory_space<vmem>> -> memref<1x128x48xf32, #tpu.memory_space<vmem>>
      %dma_start3A_434 = tpu.memref_squeeze %dma_start3A_433 : memref<1x128x48xf32, #tpu.memory_space<vmem>> -> memref<128x48xf32, #tpu.memory_space<vmem>>
      %dma_start3A_435 = arith.constant 0 : i32
      %dma_start3A_436 = tpu.memref_slice %arg6[%add3A_429, %dma_start3A_435] : memref<1638400x48xf32, #tpu.memory_space<hbm>> -> memref<128x48xf32, #tpu.memory_space<hbm>>
      %dma_start3A_437 = arith.constant 0 : i32
      %dma_start3A_438 = tpu.memref_slice %arg6[%add3A_429, %dma_start3A_437] : memref<1638400x48xf32, #tpu.memory_space<hbm>> -> memref<128x48xf32, #tpu.memory_space<hbm>>
      %dma_start3A_439 = arith.constant 0 : i32
      %dma_start3A_440 = arith.constant 0 : i32
      %dma_start3A_441 = tpu.memref_slice %arg10[%dma_start3A_430, %dma_start3A_439, %dma_start3A_440] : memref<8x128x48xf32, #tpu.memory_space<vmem>> -> memref<1x128x48xf32, #tpu.memory_space<vmem>>
      %dma_start3A_442 = tpu.memref_squeeze %dma_start3A_441 : memref<1x128x48xf32, #tpu.memory_space<vmem>> -> memref<128x48xf32, #tpu.memory_space<vmem>>
      tpu.enqueue_dma source(%dma_start3A_442 : memref<128x48xf32, #tpu.memory_space<vmem>>) target(%dma_start3A_438 : memref<128x48xf32, #tpu.memory_space<hbm>>) target_semaphore(%arg13 : memref<!tpu.dma_semaphore, #tpu.memory_space<semaphore_mem>>)
      %add3A_443 = arith.constant 128 : i32
      %add3A_444 = arith.addi %mul3A_15, %add3A_443 : i32
      %dma_start3A_445 = arith.constant 1 : i32
      %dma_start3A_446 = arith.constant 0 : i32
      %dma_start3A_447 = arith.constant 0 : i32
      %dma_start3A_448 = tpu.memref_slice %arg11[%dma_start3A_445, %dma_start3A_446, %dma_start3A_447] : memref<8x128x24xf32, #tpu.memory_space<vmem>> -> memref<1x128x24xf32, #tpu.memory_space<vmem>>
      %dma_start3A_449 = tpu.memref_squeeze %dma_start3A_448 : memref<1x128x24xf32, #tpu.memory_space<vmem>> -> memref<128x24xf32, #tpu.memory_space<vmem>>
      %dma_start3A_450 = arith.constant 0 : i32
      %dma_start3A_451 = tpu.memref_slice %arg7[%add3A_444, %dma_start3A_450] : memref<1638400x24xf32, #tpu.memory_space<hbm>> -> memref<128x24xf32, #tpu.memory_space<hbm>>
      %dma_start3A_452 = arith.constant 0 : i32
      %dma_start3A_453 = tpu.memref_slice %arg7[%add3A_444, %dma_start3A_452] : memref<1638400x24xf32, #tpu.memory_space<hbm>> -> memref<128x24xf32, #tpu.memory_space<hbm>>
      %dma_start3A_454 = arith.constant 0 : i32
      %dma_start3A_455 = arith.constant 0 : i32
      %dma_start3A_456 = tpu.memref_slice %arg11[%dma_start3A_445, %dma_start3A_454, %dma_start3A_455] : memref<8x128x24xf32, #tpu.memory_space<vmem>> -> memref<1x128x24xf32, #tpu.memory_space<vmem>>
      %dma_start3A_457 = tpu.memref_squeeze %dma_start3A_456 : memref<1x128x24xf32, #tpu.memory_space<vmem>> -> memref<128x24xf32, #tpu.memory_space<vmem>>
      tpu.enqueue_dma source(%dma_start3A_457 : memref<128x24xf32, #tpu.memory_space<vmem>>) target(%dma_start3A_453 : memref<128x24xf32, #tpu.memory_space<hbm>>) target_semaphore(%arg13 : memref<!tpu.dma_semaphore, #tpu.memory_space<semaphore_mem>>)
      %add3A_458 = arith.constant 256 : i32
      %add3A_459 = arith.addi %mul3A_15, %add3A_458 : i32
      %dma_start3A_460 = arith.constant 2 : i32
      %dma_start3A_461 = arith.constant 0 : i32
      %dma_start3A_462 = arith.constant 0 : i32
      %dma_start3A_463 = tpu.memref_slice %arg10[%dma_start3A_460, %dma_start3A_461, %dma_start3A_462] : memref<8x128x48xf32, #tpu.memory_space<vmem>> -> memref<1x128x48xf32, #tpu.memory_space<vmem>>
      %dma_start3A_464 = tpu.memref_squeeze %dma_start3A_463 : memref<1x128x48xf32, #tpu.memory_space<vmem>> -> memref<128x48xf32, #tpu.memory_space<vmem>>
      %dma_start3A_465 = arith.constant 0 : i32
      %dma_start3A_466 = tpu.memref_slice %arg6[%add3A_459, %dma_start3A_465] : memref<1638400x48xf32, #tpu.memory_space<hbm>> -> memref<128x48xf32, #tpu.memory_space<hbm>>
      %dma_start3A_467 = arith.constant 0 : i32
      %dma_start3A_468 = tpu.memref_slice %arg6[%add3A_459, %dma_start3A_467] : memref<1638400x48xf32, #tpu.memory_space<hbm>> -> memref<128x48xf32, #tpu.memory_space<hbm>>
      %dma_start3A_469 = arith.constant 0 : i32
      %dma_start3A_470 = arith.constant 0 : i32
      %dma_start3A_471 = tpu.memref_slice %arg10[%dma_start3A_460, %dma_start3A_469, %dma_start3A_470] : memref<8x128x48xf32, #tpu.memory_space<vmem>> -> memref<1x128x48xf32, #tpu.memory_space<vmem>>
      %dma_start3A_472 = tpu.memref_squeeze %dma_start3A_471 : memref<1x128x48xf32, #tpu.memory_space<vmem>> -> memref<128x48xf32, #tpu.memory_space<vmem>>
      tpu.enqueue_dma source(%dma_start3A_472 : memref<128x48xf32, #tpu.memory_space<vmem>>) target(%dma_start3A_468 : memref<128x48xf32, #tpu.memory_space<hbm>>) target_semaphore(%arg13 : memref<!tpu.dma_semaphore, #tpu.memory_space<semaphore_mem>>)
      %add3A_473 = arith.constant 256 : i32
      %add3A_474 = arith.addi %mul3A_15, %add3A_473 : i32
      %dma_start3A_475 = arith.constant 2 : i32
      %dma_start3A_476 = arith.constant 0 : i32
      %dma_start3A_477 = arith.constant 0 : i32
      %dma_start3A_478 = tpu.memref_slice %arg11[%dma_start3A_475, %dma_start3A_476, %dma_start3A_477] : memref<8x128x24xf32, #tpu.memory_space<vmem>> -> memref<1x128x24xf32, #tpu.memory_space<vmem>>
      %dma_start3A_479 = tpu.memref_squeeze %dma_start3A_478 : memref<1x128x24xf32, #tpu.memory_space<vmem>> -> memref<128x24xf32, #tpu.memory_space<vmem>>
      %dma_start3A_480 = arith.constant 0 : i32
      %dma_start3A_481 = tpu.memref_slice %arg7[%add3A_474, %dma_start3A_480] : memref<1638400x24xf32, #tpu.memory_space<hbm>> -> memref<128x24xf32, #tpu.memory_space<hbm>>
      %dma_start3A_482 = arith.constant 0 : i32
      %dma_start3A_483 = tpu.memref_slice %arg7[%add3A_474, %dma_start3A_482] : memref<1638400x24xf32, #tpu.memory_space<hbm>> -> memref<128x24xf32, #tpu.memory_space<hbm>>
      %dma_start3A_484 = arith.constant 0 : i32
      %dma_start3A_485 = arith.constant 0 : i32
      %dma_start3A_486 = tpu.memref_slice %arg11[%dma_start3A_475, %dma_start3A_484, %dma_start3A_485] : memref<8x128x24xf32, #tpu.memory_space<vmem>> -> memref<1x128x24xf32, #tpu.memory_space<vmem>>
      %dma_start3A_487 = tpu.memref_squeeze %dma_start3A_486 : memref<1x128x24xf32, #tpu.memory_space<vmem>> -> memref<128x24xf32, #tpu.memory_space<vmem>>
      tpu.enqueue_dma source(%dma_start3A_487 : memref<128x24xf32, #tpu.memory_space<vmem>>) target(%dma_start3A_483 : memref<128x24xf32, #tpu.memory_space<hbm>>) target_semaphore(%arg13 : memref<!tpu.dma_semaphore, #tpu.memory_space<semaphore_mem>>)
      %add3A_488 = arith.constant 384 : i32
      %add3A_489 = arith.addi %mul3A_15, %add3A_488 : i32
      %dma_start3A_490 = arith.constant 3 : i32
      %dma_start3A_491 = arith.constant 0 : i32
      %dma_start3A_492 = arith.constant 0 : i32
      %dma_start3A_493 = tpu.memref_slice %arg10[%dma_start3A_490, %dma_start3A_491, %dma_start3A_492] : memref<8x128x48xf32, #tpu.memory_space<vmem>> -> memref<1x128x48xf32, #tpu.memory_space<vmem>>
      %dma_start3A_494 = tpu.memref_squeeze %dma_start3A_493 : memref<1x128x48xf32, #tpu.memory_space<vmem>> -> memref<128x48xf32, #tpu.memory_space<vmem>>
      %dma_start3A_495 = arith.constant 0 : i32
      %dma_start3A_496 = tpu.memref_slice %arg6[%add3A_489, %dma_start3A_495] : memref<1638400x48xf32, #tpu.memory_space<hbm>> -> memref<128x48xf32, #tpu.memory_space<hbm>>
      %dma_start3A_497 = arith.constant 0 : i32
      %dma_start3A_498 = tpu.memref_slice %arg6[%add3A_489, %dma_start3A_497] : memref<1638400x48xf32, #tpu.memory_space<hbm>> -> memref<128x48xf32, #tpu.memory_space<hbm>>
      %dma_start3A_499 = arith.constant 0 : i32
      %dma_start3A_500 = arith.constant 0 : i32
      %dma_start3A_501 = tpu.memref_slice %arg10[%dma_start3A_490, %dma_start3A_499, %dma_start3A_500] : memref<8x128x48xf32, #tpu.memory_space<vmem>> -> memref<1x128x48xf32, #tpu.memory_space<vmem>>
      %dma_start3A_502 = tpu.memref_squeeze %dma_start3A_501 : memref<1x128x48xf32, #tpu.memory_space<vmem>> -> memref<128x48xf32, #tpu.memory_space<vmem>>
      tpu.enqueue_dma source(%dma_start3A_502 : memref<128x48xf32, #tpu.memory_space<vmem>>) target(%dma_start3A_498 : memref<128x48xf32, #tpu.memory_space<hbm>>) target_semaphore(%arg13 : memref<!tpu.dma_semaphore, #tpu.memory_space<semaphore_mem>>)
      %add3A_503 = arith.constant 384 : i32
      %add3A_504 = arith.addi %mul3A_15, %add3A_503 : i32
      %dma_start3A_505 = arith.constant 3 : i32
      %dma_start3A_506 = arith.constant 0 : i32
      %dma_start3A_507 = arith.constant 0 : i32
      %dma_start3A_508 = tpu.memref_slice %arg11[%dma_start3A_505, %dma_start3A_506, %dma_start3A_507] : memref<8x128x24xf32, #tpu.memory_space<vmem>> -> memref<1x128x24xf32, #tpu.memory_space<vmem>>
      %dma_start3A_509 = tpu.memref_squeeze %dma_start3A_508 : memref<1x128x24xf32, #tpu.memory_space<vmem>> -> memref<128x24xf32, #tpu.memory_space<vmem>>
      %dma_start3A_510 = arith.constant 0 : i32
      %dma_start3A_511 = tpu.memref_slice %arg7[%add3A_504, %dma_start3A_510] : memref<1638400x24xf32, #tpu.memory_space<hbm>> -> memref<128x24xf32, #tpu.memory_space<hbm>>
      %dma_start3A_512 = arith.constant 0 : i32
      %dma_start3A_513 = tpu.memref_slice %arg7[%add3A_504, %dma_start3A_512] : memref<1638400x24xf32, #tpu.memory_space<hbm>> -> memref<128x24xf32, #tpu.memory_space<hbm>>
      %dma_start3A_514 = arith.constant 0 : i32
      %dma_start3A_515 = arith.constant 0 : i32
      %dma_start3A_516 = tpu.memref_slice %arg11[%dma_start3A_505, %dma_start3A_514, %dma_start3A_515] : memref<8x128x24xf32, #tpu.memory_space<vmem>> -> memref<1x128x24xf32, #tpu.memory_space<vmem>>
      %dma_start3A_517 = tpu.memref_squeeze %dma_start3A_516 : memref<1x128x24xf32, #tpu.memory_space<vmem>> -> memref<128x24xf32, #tpu.memory_space<vmem>>
      tpu.enqueue_dma source(%dma_start3A_517 : memref<128x24xf32, #tpu.memory_space<vmem>>) target(%dma_start3A_513 : memref<128x24xf32, #tpu.memory_space<hbm>>) target_semaphore(%arg13 : memref<!tpu.dma_semaphore, #tpu.memory_space<semaphore_mem>>)
      %add3A_518 = arith.constant 512 : i32
      %add3A_519 = arith.addi %mul3A_15, %add3A_518 : i32
      %dma_start3A_520 = arith.constant 4 : i32
      %dma_start3A_521 = arith.constant 0 : i32
      %dma_start3A_522 = arith.constant 0 : i32
      %dma_start3A_523 = tpu.memref_slice %arg10[%dma_start3A_520, %dma_start3A_521, %dma_start3A_522] : memref<8x128x48xf32, #tpu.memory_space<vmem>> -> memref<1x128x48xf32, #tpu.memory_space<vmem>>
      %dma_start3A_524 = tpu.memref_squeeze %dma_start3A_523 : memref<1x128x48xf32, #tpu.memory_space<vmem>> -> memref<128x48xf32, #tpu.memory_space<vmem>>
      %dma_start3A_525 = arith.constant 0 : i32
      %dma_start3A_526 = tpu.memref_slice %arg6[%add3A_519, %dma_start3A_525] : memref<1638400x48xf32, #tpu.memory_space<hbm>> -> memref<128x48xf32, #tpu.memory_space<hbm>>
      %dma_start3A_527 = arith.constant 0 : i32
      %dma_start3A_528 = tpu.memref_slice %arg6[%add3A_519, %dma_start3A_527] : memref<1638400x48xf32, #tpu.memory_space<hbm>> -> memref<128x48xf32, #tpu.memory_space<hbm>>
      %dma_start3A_529 = arith.constant 0 : i32
      %dma_start3A_530 = arith.constant 0 : i32
      %dma_start3A_531 = tpu.memref_slice %arg10[%dma_start3A_520, %dma_start3A_529, %dma_start3A_530] : memref<8x128x48xf32, #tpu.memory_space<vmem>> -> memref<1x128x48xf32, #tpu.memory_space<vmem>>
      %dma_start3A_532 = tpu.memref_squeeze %dma_start3A_531 : memref<1x128x48xf32, #tpu.memory_space<vmem>> -> memref<128x48xf32, #tpu.memory_space<vmem>>
      tpu.enqueue_dma source(%dma_start3A_532 : memref<128x48xf32, #tpu.memory_space<vmem>>) target(%dma_start3A_528 : memref<128x48xf32, #tpu.memory_space<hbm>>) target_semaphore(%arg13 : memref<!tpu.dma_semaphore, #tpu.memory_space<semaphore_mem>>)
      %add3A_533 = arith.constant 512 : i32
      %add3A_534 = arith.addi %mul3A_15, %add3A_533 : i32
      %dma_start3A_535 = arith.constant 4 : i32
      %dma_start3A_536 = arith.constant 0 : i32
      %dma_start3A_537 = arith.constant 0 : i32
      %dma_start3A_538 = tpu.memref_slice %arg11[%dma_start3A_535, %dma_start3A_536, %dma_start3A_537] : memref<8x128x24xf32, #tpu.memory_space<vmem>> -> memref<1x128x24xf32, #tpu.memory_space<vmem>>
      %dma_start3A_539 = tpu.memref_squeeze %dma_start3A_538 : memref<1x128x24xf32, #tpu.memory_space<vmem>> -> memref<128x24xf32, #tpu.memory_space<vmem>>
      %dma_start3A_540 = arith.constant 0 : i32
      %dma_start3A_541 = tpu.memref_slice %arg7[%add3A_534, %dma_start3A_540] : memref<1638400x24xf32, #tpu.memory_space<hbm>> -> memref<128x24xf32, #tpu.memory_space<hbm>>
      %dma_start3A_542 = arith.constant 0 : i32
      %dma_start3A_543 = tpu.memref_slice %arg7[%add3A_534, %dma_start3A_542] : memref<1638400x24xf32, #tpu.memory_space<hbm>> -> memref<128x24xf32, #tpu.memory_space<hbm>>
      %dma_start3A_544 = arith.constant 0 : i32
      %dma_start3A_545 = arith.constant 0 : i32
      %dma_start3A_546 = tpu.memref_slice %arg11[%dma_start3A_535, %dma_start3A_544, %dma_start3A_545] : memref<8x128x24xf32, #tpu.memory_space<vmem>> -> memref<1x128x24xf32, #tpu.memory_space<vmem>>
      %dma_start3A_547 = tpu.memref_squeeze %dma_start3A_546 : memref<1x128x24xf32, #tpu.memory_space<vmem>> -> memref<128x24xf32, #tpu.memory_space<vmem>>
      tpu.enqueue_dma source(%dma_start3A_547 : memref<128x24xf32, #tpu.memory_space<vmem>>) target(%dma_start3A_543 : memref<128x24xf32, #tpu.memory_space<hbm>>) target_semaphore(%arg13 : memref<!tpu.dma_semaphore, #tpu.memory_space<semaphore_mem>>)
      %add3A_548 = arith.constant 640 : i32
      %add3A_549 = arith.addi %mul3A_15, %add3A_548 : i32
      %dma_start3A_550 = arith.constant 5 : i32
      %dma_start3A_551 = arith.constant 0 : i32
      %dma_start3A_552 = arith.constant 0 : i32
      %dma_start3A_553 = tpu.memref_slice %arg10[%dma_start3A_550, %dma_start3A_551, %dma_start3A_552] : memref<8x128x48xf32, #tpu.memory_space<vmem>> -> memref<1x128x48xf32, #tpu.memory_space<vmem>>
      %dma_start3A_554 = tpu.memref_squeeze %dma_start3A_553 : memref<1x128x48xf32, #tpu.memory_space<vmem>> -> memref<128x48xf32, #tpu.memory_space<vmem>>
      %dma_start3A_555 = arith.constant 0 : i32
      %dma_start3A_556 = tpu.memref_slice %arg6[%add3A_549, %dma_start3A_555] : memref<1638400x48xf32, #tpu.memory_space<hbm>> -> memref<128x48xf32, #tpu.memory_space<hbm>>
      %dma_start3A_557 = arith.constant 0 : i32
      %dma_start3A_558 = tpu.memref_slice %arg6[%add3A_549, %dma_start3A_557] : memref<1638400x48xf32, #tpu.memory_space<hbm>> -> memref<128x48xf32, #tpu.memory_space<hbm>>
      %dma_start3A_559 = arith.constant 0 : i32
      %dma_start3A_560 = arith.constant 0 : i32
      %dma_start3A_561 = tpu.memref_slice %arg10[%dma_start3A_550, %dma_start3A_559, %dma_start3A_560] : memref<8x128x48xf32, #tpu.memory_space<vmem>> -> memref<1x128x48xf32, #tpu.memory_space<vmem>>
      %dma_start3A_562 = tpu.memref_squeeze %dma_start3A_561 : memref<1x128x48xf32, #tpu.memory_space<vmem>> -> memref<128x48xf32, #tpu.memory_space<vmem>>
      tpu.enqueue_dma source(%dma_start3A_562 : memref<128x48xf32, #tpu.memory_space<vmem>>) target(%dma_start3A_558 : memref<128x48xf32, #tpu.memory_space<hbm>>) target_semaphore(%arg13 : memref<!tpu.dma_semaphore, #tpu.memory_space<semaphore_mem>>)
      %add3A_563 = arith.constant 640 : i32
      %add3A_564 = arith.addi %mul3A_15, %add3A_563 : i32
      %dma_start3A_565 = arith.constant 5 : i32
      %dma_start3A_566 = arith.constant 0 : i32
      %dma_start3A_567 = arith.constant 0 : i32
      %dma_start3A_568 = tpu.memref_slice %arg11[%dma_start3A_565, %dma_start3A_566, %dma_start3A_567] : memref<8x128x24xf32, #tpu.memory_space<vmem>> -> memref<1x128x24xf32, #tpu.memory_space<vmem>>
      %dma_start3A_569 = tpu.memref_squeeze %dma_start3A_568 : memref<1x128x24xf32, #tpu.memory_space<vmem>> -> memref<128x24xf32, #tpu.memory_space<vmem>>
      %dma_start3A_570 = arith.constant 0 : i32
      %dma_start3A_571 = tpu.memref_slice %arg7[%add3A_564, %dma_start3A_570] : memref<1638400x24xf32, #tpu.memory_space<hbm>> -> memref<128x24xf32, #tpu.memory_space<hbm>>
      %dma_start3A_572 = arith.constant 0 : i32
      %dma_start3A_573 = tpu.memref_slice %arg7[%add3A_564, %dma_start3A_572] : memref<1638400x24xf32, #tpu.memory_space<hbm>> -> memref<128x24xf32, #tpu.memory_space<hbm>>
      %dma_start3A_574 = arith.constant 0 : i32
      %dma_start3A_575 = arith.constant 0 : i32
      %dma_start3A_576 = tpu.memref_slice %arg11[%dma_start3A_565, %dma_start3A_574, %dma_start3A_575] : memref<8x128x24xf32, #tpu.memory_space<vmem>> -> memref<1x128x24xf32, #tpu.memory_space<vmem>>
      %dma_start3A_577 = tpu.memref_squeeze %dma_start3A_576 : memref<1x128x24xf32, #tpu.memory_space<vmem>> -> memref<128x24xf32, #tpu.memory_space<vmem>>
      tpu.enqueue_dma source(%dma_start3A_577 : memref<128x24xf32, #tpu.memory_space<vmem>>) target(%dma_start3A_573 : memref<128x24xf32, #tpu.memory_space<hbm>>) target_semaphore(%arg13 : memref<!tpu.dma_semaphore, #tpu.memory_space<semaphore_mem>>)
      %add3A_578 = arith.constant 768 : i32
      %add3A_579 = arith.addi %mul3A_15, %add3A_578 : i32
      %dma_start3A_580 = arith.constant 6 : i32
      %dma_start3A_581 = arith.constant 0 : i32
      %dma_start3A_582 = arith.constant 0 : i32
      %dma_start3A_583 = tpu.memref_slice %arg10[%dma_start3A_580, %dma_start3A_581, %dma_start3A_582] : memref<8x128x48xf32, #tpu.memory_space<vmem>> -> memref<1x128x48xf32, #tpu.memory_space<vmem>>
      %dma_start3A_584 = tpu.memref_squeeze %dma_start3A_583 : memref<1x128x48xf32, #tpu.memory_space<vmem>> -> memref<128x48xf32, #tpu.memory_space<vmem>>
      %dma_start3A_585 = arith.constant 0 : i32
      %dma_start3A_586 = tpu.memref_slice %arg6[%add3A_579, %dma_start3A_585] : memref<1638400x48xf32, #tpu.memory_space<hbm>> -> memref<128x48xf32, #tpu.memory_space<hbm>>
      %dma_start3A_587 = arith.constant 0 : i32
      %dma_start3A_588 = tpu.memref_slice %arg6[%add3A_579, %dma_start3A_587] : memref<1638400x48xf32, #tpu.memory_space<hbm>> -> memref<128x48xf32, #tpu.memory_space<hbm>>
      %dma_start3A_589 = arith.constant 0 : i32
      %dma_start3A_590 = arith.constant 0 : i32
      %dma_start3A_591 = tpu.memref_slice %arg10[%dma_start3A_580, %dma_start3A_589, %dma_start3A_590] : memref<8x128x48xf32, #tpu.memory_space<vmem>> -> memref<1x128x48xf32, #tpu.memory_space<vmem>>
      %dma_start3A_592 = tpu.memref_squeeze %dma_start3A_591 : memref<1x128x48xf32, #tpu.memory_space<vmem>> -> memref<128x48xf32, #tpu.memory_space<vmem>>
      tpu.enqueue_dma source(%dma_start3A_592 : memref<128x48xf32, #tpu.memory_space<vmem>>) target(%dma_start3A_588 : memref<128x48xf32, #tpu.memory_space<hbm>>) target_semaphore(%arg13 : memref<!tpu.dma_semaphore, #tpu.memory_space<semaphore_mem>>)
      %add3A_593 = arith.constant 768 : i32
      %add3A_594 = arith.addi %mul3A_15, %add3A_593 : i32
      %dma_start3A_595 = arith.constant 6 : i32
      %dma_start3A_596 = arith.constant 0 : i32
      %dma_start3A_597 = arith.constant 0 : i32
      %dma_start3A_598 = tpu.memref_slice %arg11[%dma_start3A_595, %dma_start3A_596, %dma_start3A_597] : memref<8x128x24xf32, #tpu.memory_space<vmem>> -> memref<1x128x24xf32, #tpu.memory_space<vmem>>
      %dma_start3A_599 = tpu.memref_squeeze %dma_start3A_598 : memref<1x128x24xf32, #tpu.memory_space<vmem>> -> memref<128x24xf32, #tpu.memory_space<vmem>>
      %dma_start3A_600 = arith.constant 0 : i32
      %dma_start3A_601 = tpu.memref_slice %arg7[%add3A_594, %dma_start3A_600] : memref<1638400x24xf32, #tpu.memory_space<hbm>> -> memref<128x24xf32, #tpu.memory_space<hbm>>
      %dma_start3A_602 = arith.constant 0 : i32
      %dma_start3A_603 = tpu.memref_slice %arg7[%add3A_594, %dma_start3A_602] : memref<1638400x24xf32, #tpu.memory_space<hbm>> -> memref<128x24xf32, #tpu.memory_space<hbm>>
      %dma_start3A_604 = arith.constant 0 : i32
      %dma_start3A_605 = arith.constant 0 : i32
      %dma_start3A_606 = tpu.memref_slice %arg11[%dma_start3A_595, %dma_start3A_604, %dma_start3A_605] : memref<8x128x24xf32, #tpu.memory_space<vmem>> -> memref<1x128x24xf32, #tpu.memory_space<vmem>>
      %dma_start3A_607 = tpu.memref_squeeze %dma_start3A_606 : memref<1x128x24xf32, #tpu.memory_space<vmem>> -> memref<128x24xf32, #tpu.memory_space<vmem>>
      tpu.enqueue_dma source(%dma_start3A_607 : memref<128x24xf32, #tpu.memory_space<vmem>>) target(%dma_start3A_603 : memref<128x24xf32, #tpu.memory_space<hbm>>) target_semaphore(%arg13 : memref<!tpu.dma_semaphore, #tpu.memory_space<semaphore_mem>>)
      %add3A_608 = arith.constant 896 : i32
      %add3A_609 = arith.addi %mul3A_15, %add3A_608 : i32
      %dma_start3A_610 = arith.constant 7 : i32
      %dma_start3A_611 = arith.constant 0 : i32
      %dma_start3A_612 = arith.constant 0 : i32
      %dma_start3A_613 = tpu.memref_slice %arg10[%dma_start3A_610, %dma_start3A_611, %dma_start3A_612] : memref<8x128x48xf32, #tpu.memory_space<vmem>> -> memref<1x128x48xf32, #tpu.memory_space<vmem>>
      %dma_start3A_614 = tpu.memref_squeeze %dma_start3A_613 : memref<1x128x48xf32, #tpu.memory_space<vmem>> -> memref<128x48xf32, #tpu.memory_space<vmem>>
      %dma_start3A_615 = arith.constant 0 : i32
      %dma_start3A_616 = tpu.memref_slice %arg6[%add3A_609, %dma_start3A_615] : memref<1638400x48xf32, #tpu.memory_space<hbm>> -> memref<128x48xf32, #tpu.memory_space<hbm>>
      %dma_start3A_617 = arith.constant 0 : i32
      %dma_start3A_618 = tpu.memref_slice %arg6[%add3A_609, %dma_start3A_617] : memref<1638400x48xf32, #tpu.memory_space<hbm>> -> memref<128x48xf32, #tpu.memory_space<hbm>>
      %dma_start3A_619 = arith.constant 0 : i32
      %dma_start3A_620 = arith.constant 0 : i32
      %dma_start3A_621 = tpu.memref_slice %arg10[%dma_start3A_610, %dma_start3A_619, %dma_start3A_620] : memref<8x128x48xf32, #tpu.memory_space<vmem>> -> memref<1x128x48xf32, #tpu.memory_space<vmem>>
      %dma_start3A_622 = tpu.memref_squeeze %dma_start3A_621 : memref<1x128x48xf32, #tpu.memory_space<vmem>> -> memref<128x48xf32, #tpu.memory_space<vmem>>
      tpu.enqueue_dma source(%dma_start3A_622 : memref<128x48xf32, #tpu.memory_space<vmem>>) target(%dma_start3A_618 : memref<128x48xf32, #tpu.memory_space<hbm>>) target_semaphore(%arg13 : memref<!tpu.dma_semaphore, #tpu.memory_space<semaphore_mem>>)
      %add3A_623 = arith.constant 896 : i32
      %add3A_624 = arith.addi %mul3A_15, %add3A_623 : i32
      %dma_start3A_625 = arith.constant 7 : i32
      %dma_start3A_626 = arith.constant 0 : i32
      %dma_start3A_627 = arith.constant 0 : i32
      %dma_start3A_628 = tpu.memref_slice %arg11[%dma_start3A_625, %dma_start3A_626, %dma_start3A_627] : memref<8x128x24xf32, #tpu.memory_space<vmem>> -> memref<1x128x24xf32, #tpu.memory_space<vmem>>
      %dma_start3A_629 = tpu.memref_squeeze %dma_start3A_628 : memref<1x128x24xf32, #tpu.memory_space<vmem>> -> memref<128x24xf32, #tpu.memory_space<vmem>>
      %dma_start3A_630 = arith.constant 0 : i32
      %dma_start3A_631 = tpu.memref_slice %arg7[%add3A_624, %dma_start3A_630] : memref<1638400x24xf32, #tpu.memory_space<hbm>> -> memref<128x24xf32, #tpu.memory_space<hbm>>
      %dma_start3A_632 = arith.constant 0 : i32
      %dma_start3A_633 = tpu.memref_slice %arg7[%add3A_624, %dma_start3A_632] : memref<1638400x24xf32, #tpu.memory_space<hbm>> -> memref<128x24xf32, #tpu.memory_space<hbm>>
      %dma_start3A_634 = arith.constant 0 : i32
      %dma_start3A_635 = arith.constant 0 : i32
      %dma_start3A_636 = tpu.memref_slice %arg11[%dma_start3A_625, %dma_start3A_634, %dma_start3A_635] : memref<8x128x24xf32, #tpu.memory_space<vmem>> -> memref<1x128x24xf32, #tpu.memory_space<vmem>>
      %dma_start3A_637 = tpu.memref_squeeze %dma_start3A_636 : memref<1x128x24xf32, #tpu.memory_space<vmem>> -> memref<128x24xf32, #tpu.memory_space<vmem>>
      tpu.enqueue_dma source(%dma_start3A_637 : memref<128x24xf32, #tpu.memory_space<vmem>>) target(%dma_start3A_633 : memref<128x24xf32, #tpu.memory_space<hbm>>) target_semaphore(%arg13 : memref<!tpu.dma_semaphore, #tpu.memory_space<semaphore_mem>>)
      %dma_wait3A_638 = arith.constant 0 : i32
      %dma_wait3A_639 = arith.constant 0 : i32
      %dma_wait3A_640 = arith.constant 0 : i32
      %dma_wait3A_641 = tpu.memref_slice %arg10[%dma_wait3A_638, %dma_wait3A_639, %dma_wait3A_640] : memref<8x128x48xf32, #tpu.memory_space<vmem>> -> memref<1x128x48xf32, #tpu.memory_space<vmem>>
      %dma_wait3A_642 = tpu.memref_squeeze %dma_wait3A_641 : memref<1x128x48xf32, #tpu.memory_space<vmem>> -> memref<128x48xf32, #tpu.memory_space<vmem>>
      %dma_wait3A_643 = arith.constant 0 : i32
      %dma_wait3A_644 = tpu.memref_slice %arg6[%add3A_399, %dma_wait3A_643] : memref<1638400x48xf32, #tpu.memory_space<hbm>> -> memref<128x48xf32, #tpu.memory_space<hbm>>
      %dma_wait3A_645 = arith.constant 0 : i32
      %dma_wait3A_646 = tpu.memref_slice %arg6[%add3A_399, %dma_wait3A_645] : memref<1638400x48xf32, #tpu.memory_space<hbm>> -> memref<128x48xf32, #tpu.memory_space<hbm>>
      %dma_wait3A_647 = arith.constant 0 : i32
      %dma_wait3A_648 = arith.constant 0 : i32
      %dma_wait3A_649 = tpu.memref_slice %arg10[%dma_wait3A_638, %dma_wait3A_647, %dma_wait3A_648] : memref<8x128x48xf32, #tpu.memory_space<vmem>> -> memref<1x128x48xf32, #tpu.memory_space<vmem>>
      %dma_wait3A_650 = tpu.memref_squeeze %dma_wait3A_649 : memref<1x128x48xf32, #tpu.memory_space<vmem>> -> memref<128x48xf32, #tpu.memory_space<vmem>>
      tpu.wait_dma2 semaphore(%arg13 : memref<!tpu.dma_semaphore, #tpu.memory_space<semaphore_mem>>) src(%dma_wait3A_650 : memref<128x48xf32, #tpu.memory_space<vmem>>) dst(%dma_wait3A_646 : memref<128x48xf32, #tpu.memory_space<hbm>>)
      %dma_wait3A_651 = arith.constant 0 : i32
      %dma_wait3A_652 = arith.constant 0 : i32
      %dma_wait3A_653 = arith.constant 0 : i32
      %dma_wait3A_654 = tpu.memref_slice %arg11[%dma_wait3A_651, %dma_wait3A_652, %dma_wait3A_653] : memref<8x128x24xf32, #tpu.memory_space<vmem>> -> memref<1x128x24xf32, #tpu.memory_space<vmem>>
      %dma_wait3A_655 = tpu.memref_squeeze %dma_wait3A_654 : memref<1x128x24xf32, #tpu.memory_space<vmem>> -> memref<128x24xf32, #tpu.memory_space<vmem>>
      %dma_wait3A_656 = arith.constant 0 : i32
      %dma_wait3A_657 = tpu.memref_slice %arg7[%add3A_414, %dma_wait3A_656] : memref<1638400x24xf32, #tpu.memory_space<hbm>> -> memref<128x24xf32, #tpu.memory_space<hbm>>
      %dma_wait3A_658 = arith.constant 0 : i32
      %dma_wait3A_659 = tpu.memref_slice %arg7[%add3A_414, %dma_wait3A_658] : memref<1638400x24xf32, #tpu.memory_space<hbm>> -> memref<128x24xf32, #tpu.memory_space<hbm>>
      %dma_wait3A_660 = arith.constant 0 : i32
      %dma_wait3A_661 = arith.constant 0 : i32
      %dma_wait3A_662 = tpu.memref_slice %arg11[%dma_wait3A_651, %dma_wait3A_660, %dma_wait3A_661] : memref<8x128x24xf32, #tpu.memory_space<vmem>> -> memref<1x128x24xf32, #tpu.memory_space<vmem>>
      %dma_wait3A_663 = tpu.memref_squeeze %dma_wait3A_662 : memref<1x128x24xf32, #tpu.memory_space<vmem>> -> memref<128x24xf32, #tpu.memory_space<vmem>>
      tpu.wait_dma2 semaphore(%arg13 : memref<!tpu.dma_semaphore, #tpu.memory_space<semaphore_mem>>) src(%dma_wait3A_663 : memref<128x24xf32, #tpu.memory_space<vmem>>) dst(%dma_wait3A_659 : memref<128x24xf32, #tpu.memory_space<hbm>>)
      %dma_wait3A_664 = arith.constant 1 : i32
      %dma_wait3A_665 = arith.constant 0 : i32
      %dma_wait3A_666 = arith.constant 0 : i32
      %dma_wait3A_667 = tpu.memref_slice %arg10[%dma_wait3A_664, %dma_wait3A_665, %dma_wait3A_666] : memref<8x128x48xf32, #tpu.memory_space<vmem>> -> memref<1x128x48xf32, #tpu.memory_space<vmem>>
      %dma_wait3A_668 = tpu.memref_squeeze %dma_wait3A_667 : memref<1x128x48xf32, #tpu.memory_space<vmem>> -> memref<128x48xf32, #tpu.memory_space<vmem>>
      %dma_wait3A_669 = arith.constant 0 : i32
      %dma_wait3A_670 = tpu.memref_slice %arg6[%add3A_429, %dma_wait3A_669] : memref<1638400x48xf32, #tpu.memory_space<hbm>> -> memref<128x48xf32, #tpu.memory_space<hbm>>
      %dma_wait3A_671 = arith.constant 0 : i32
      %dma_wait3A_672 = tpu.memref_slice %arg6[%add3A_429, %dma_wait3A_671] : memref<1638400x48xf32, #tpu.memory_space<hbm>> -> memref<128x48xf32, #tpu.memory_space<hbm>>
      %dma_wait3A_673 = arith.constant 0 : i32
      %dma_wait3A_674 = arith.constant 0 : i32
      %dma_wait3A_675 = tpu.memref_slice %arg10[%dma_wait3A_664, %dma_wait3A_673, %dma_wait3A_674] : memref<8x128x48xf32, #tpu.memory_space<vmem>> -> memref<1x128x48xf32, #tpu.memory_space<vmem>>
      %dma_wait3A_676 = tpu.memref_squeeze %dma_wait3A_675 : memref<1x128x48xf32, #tpu.memory_space<vmem>> -> memref<128x48xf32, #tpu.memory_space<vmem>>
      tpu.wait_dma2 semaphore(%arg13 : memref<!tpu.dma_semaphore, #tpu.memory_space<semaphore_mem>>) src(%dma_wait3A_676 : memref<128x48xf32, #tpu.memory_space<vmem>>) dst(%dma_wait3A_672 : memref<128x48xf32, #tpu.memory_space<hbm>>)
      %dma_wait3A_677 = arith.constant 1 : i32
      %dma_wait3A_678 = arith.constant 0 : i32
      %dma_wait3A_679 = arith.constant 0 : i32
      %dma_wait3A_680 = tpu.memref_slice %arg11[%dma_wait3A_677, %dma_wait3A_678, %dma_wait3A_679] : memref<8x128x24xf32, #tpu.memory_space<vmem>> -> memref<1x128x24xf32, #tpu.memory_space<vmem>>
      %dma_wait3A_681 = tpu.memref_squeeze %dma_wait3A_680 : memref<1x128x24xf32, #tpu.memory_space<vmem>> -> memref<128x24xf32, #tpu.memory_space<vmem>>
      %dma_wait3A_682 = arith.constant 0 : i32
      %dma_wait3A_683 = tpu.memref_slice %arg7[%add3A_444, %dma_wait3A_682] : memref<1638400x24xf32, #tpu.memory_space<hbm>> -> memref<128x24xf32, #tpu.memory_space<hbm>>
      %dma_wait3A_684 = arith.constant 0 : i32
      %dma_wait3A_685 = tpu.memref_slice %arg7[%add3A_444, %dma_wait3A_684] : memref<1638400x24xf32, #tpu.memory_space<hbm>> -> memref<128x24xf32, #tpu.memory_space<hbm>>
      %dma_wait3A_686 = arith.constant 0 : i32
      %dma_wait3A_687 = arith.constant 0 : i32
      %dma_wait3A_688 = tpu.memref_slice %arg11[%dma_wait3A_677, %dma_wait3A_686, %dma_wait3A_687] : memref<8x128x24xf32, #tpu.memory_space<vmem>> -> memref<1x128x24xf32, #tpu.memory_space<vmem>>
      %dma_wait3A_689 = tpu.memref_squeeze %dma_wait3A_688 : memref<1x128x24xf32, #tpu.memory_space<vmem>> -> memref<128x24xf32, #tpu.memory_space<vmem>>
      tpu.wait_dma2 semaphore(%arg13 : memref<!tpu.dma_semaphore, #tpu.memory_space<semaphore_mem>>) src(%dma_wait3A_689 : memref<128x24xf32, #tpu.memory_space<vmem>>) dst(%dma_wait3A_685 : memref<128x24xf32, #tpu.memory_space<hbm>>)
      %dma_wait3A_690 = arith.constant 2 : i32
      %dma_wait3A_691 = arith.constant 0 : i32
      %dma_wait3A_692 = arith.constant 0 : i32
      %dma_wait3A_693 = tpu.memref_slice %arg10[%dma_wait3A_690, %dma_wait3A_691, %dma_wait3A_692] : memref<8x128x48xf32, #tpu.memory_space<vmem>> -> memref<1x128x48xf32, #tpu.memory_space<vmem>>
      %dma_wait3A_694 = tpu.memref_squeeze %dma_wait3A_693 : memref<1x128x48xf32, #tpu.memory_space<vmem>> -> memref<128x48xf32, #tpu.memory_space<vmem>>
      %dma_wait3A_695 = arith.constant 0 : i32
      %dma_wait3A_696 = tpu.memref_slice %arg6[%add3A_459, %dma_wait3A_695] : memref<1638400x48xf32, #tpu.memory_space<hbm>> -> memref<128x48xf32, #tpu.memory_space<hbm>>
      %dma_wait3A_697 = arith.constant 0 : i32
      %dma_wait3A_698 = tpu.memref_slice %arg6[%add3A_459, %dma_wait3A_697] : memref<1638400x48xf32, #tpu.memory_space<hbm>> -> memref<128x48xf32, #tpu.memory_space<hbm>>
      %dma_wait3A_699 = arith.constant 0 : i32
      %dma_wait3A_700 = arith.constant 0 : i32
      %dma_wait3A_701 = tpu.memref_slice %arg10[%dma_wait3A_690, %dma_wait3A_699, %dma_wait3A_700] : memref<8x128x48xf32, #tpu.memory_space<vmem>> -> memref<1x128x48xf32, #tpu.memory_space<vmem>>
      %dma_wait3A_702 = tpu.memref_squeeze %dma_wait3A_701 : memref<1x128x48xf32, #tpu.memory_space<vmem>> -> memref<128x48xf32, #tpu.memory_space<vmem>>
      tpu.wait_dma2 semaphore(%arg13 : memref<!tpu.dma_semaphore, #tpu.memory_space<semaphore_mem>>) src(%dma_wait3A_702 : memref<128x48xf32, #tpu.memory_space<vmem>>) dst(%dma_wait3A_698 : memref<128x48xf32, #tpu.memory_space<hbm>>)
      %dma_wait3A_703 = arith.constant 2 : i32
      %dma_wait3A_704 = arith.constant 0 : i32
      %dma_wait3A_705 = arith.constant 0 : i32
      %dma_wait3A_706 = tpu.memref_slice %arg11[%dma_wait3A_703, %dma_wait3A_704, %dma_wait3A_705] : memref<8x128x24xf32, #tpu.memory_space<vmem>> -> memref<1x128x24xf32, #tpu.memory_space<vmem>>
      %dma_wait3A_707 = tpu.memref_squeeze %dma_wait3A_706 : memref<1x128x24xf32, #tpu.memory_space<vmem>> -> memref<128x24xf32, #tpu.memory_space<vmem>>
      %dma_wait3A_708 = arith.constant 0 : i32
      %dma_wait3A_709 = tpu.memref_slice %arg7[%add3A_474, %dma_wait3A_708] : memref<1638400x24xf32, #tpu.memory_space<hbm>> -> memref<128x24xf32, #tpu.memory_space<hbm>>
      %dma_wait3A_710 = arith.constant 0 : i32
      %dma_wait3A_711 = tpu.memref_slice %arg7[%add3A_474, %dma_wait3A_710] : memref<1638400x24xf32, #tpu.memory_space<hbm>> -> memref<128x24xf32, #tpu.memory_space<hbm>>
      %dma_wait3A_712 = arith.constant 0 : i32
      %dma_wait3A_713 = arith.constant 0 : i32
      %dma_wait3A_714 = tpu.memref_slice %arg11[%dma_wait3A_703, %dma_wait3A_712, %dma_wait3A_713] : memref<8x128x24xf32, #tpu.memory_space<vmem>> -> memref<1x128x24xf32, #tpu.memory_space<vmem>>
      %dma_wait3A_715 = tpu.memref_squeeze %dma_wait3A_714 : memref<1x128x24xf32, #tpu.memory_space<vmem>> -> memref<128x24xf32, #tpu.memory_space<vmem>>
      tpu.wait_dma2 semaphore(%arg13 : memref<!tpu.dma_semaphore, #tpu.memory_space<semaphore_mem>>) src(%dma_wait3A_715 : memref<128x24xf32, #tpu.memory_space<vmem>>) dst(%dma_wait3A_711 : memref<128x24xf32, #tpu.memory_space<hbm>>)
      %dma_wait3A_716 = arith.constant 3 : i32
      %dma_wait3A_717 = arith.constant 0 : i32
      %dma_wait3A_718 = arith.constant 0 : i32
      %dma_wait3A_719 = tpu.memref_slice %arg10[%dma_wait3A_716, %dma_wait3A_717, %dma_wait3A_718] : memref<8x128x48xf32, #tpu.memory_space<vmem>> -> memref<1x128x48xf32, #tpu.memory_space<vmem>>
      %dma_wait3A_720 = tpu.memref_squeeze %dma_wait3A_719 : memref<1x128x48xf32, #tpu.memory_space<vmem>> -> memref<128x48xf32, #tpu.memory_space<vmem>>
      %dma_wait3A_721 = arith.constant 0 : i32
      %dma_wait3A_722 = tpu.memref_slice %arg6[%add3A_489, %dma_wait3A_721] : memref<1638400x48xf32, #tpu.memory_space<hbm>> -> memref<128x48xf32, #tpu.memory_space<hbm>>
      %dma_wait3A_723 = arith.constant 0 : i32
      %dma_wait3A_724 = tpu.memref_slice %arg6[%add3A_489, %dma_wait3A_723] : memref<1638400x48xf32, #tpu.memory_space<hbm>> -> memref<128x48xf32, #tpu.memory_space<hbm>>
      %dma_wait3A_725 = arith.constant 0 : i32
      %dma_wait3A_726 = arith.constant 0 : i32
      %dma_wait3A_727 = tpu.memref_slice %arg10[%dma_wait3A_716, %dma_wait3A_725, %dma_wait3A_726] : memref<8x128x48xf32, #tpu.memory_space<vmem>> -> memref<1x128x48xf32, #tpu.memory_space<vmem>>
      %dma_wait3A_728 = tpu.memref_squeeze %dma_wait3A_727 : memref<1x128x48xf32, #tpu.memory_space<vmem>> -> memref<128x48xf32, #tpu.memory_space<vmem>>
      tpu.wait_dma2 semaphore(%arg13 : memref<!tpu.dma_semaphore, #tpu.memory_space<semaphore_mem>>) src(%dma_wait3A_728 : memref<128x48xf32, #tpu.memory_space<vmem>>) dst(%dma_wait3A_724 : memref<128x48xf32, #tpu.memory_space<hbm>>)
      %dma_wait3A_729 = arith.constant 3 : i32
      %dma_wait3A_730 = arith.constant 0 : i32
      %dma_wait3A_731 = arith.constant 0 : i32
      %dma_wait3A_732 = tpu.memref_slice %arg11[%dma_wait3A_729, %dma_wait3A_730, %dma_wait3A_731] : memref<8x128x24xf32, #tpu.memory_space<vmem>> -> memref<1x128x24xf32, #tpu.memory_space<vmem>>
      %dma_wait3A_733 = tpu.memref_squeeze %dma_wait3A_732 : memref<1x128x24xf32, #tpu.memory_space<vmem>> -> memref<128x24xf32, #tpu.memory_space<vmem>>
      %dma_wait3A_734 = arith.constant 0 : i32
      %dma_wait3A_735 = tpu.memref_slice %arg7[%add3A_504, %dma_wait3A_734] : memref<1638400x24xf32, #tpu.memory_space<hbm>> -> memref<128x24xf32, #tpu.memory_space<hbm>>
      %dma_wait3A_736 = arith.constant 0 : i32
      %dma_wait3A_737 = tpu.memref_slice %arg7[%add3A_504, %dma_wait3A_736] : memref<1638400x24xf32, #tpu.memory_space<hbm>> -> memref<128x24xf32, #tpu.memory_space<hbm>>
      %dma_wait3A_738 = arith.constant 0 : i32
      %dma_wait3A_739 = arith.constant 0 : i32
      %dma_wait3A_740 = tpu.memref_slice %arg11[%dma_wait3A_729, %dma_wait3A_738, %dma_wait3A_739] : memref<8x128x24xf32, #tpu.memory_space<vmem>> -> memref<1x128x24xf32, #tpu.memory_space<vmem>>
      %dma_wait3A_741 = tpu.memref_squeeze %dma_wait3A_740 : memref<1x128x24xf32, #tpu.memory_space<vmem>> -> memref<128x24xf32, #tpu.memory_space<vmem>>
      tpu.wait_dma2 semaphore(%arg13 : memref<!tpu.dma_semaphore, #tpu.memory_space<semaphore_mem>>) src(%dma_wait3A_741 : memref<128x24xf32, #tpu.memory_space<vmem>>) dst(%dma_wait3A_737 : memref<128x24xf32, #tpu.memory_space<hbm>>)
      %dma_wait3A_742 = arith.constant 4 : i32
      %dma_wait3A_743 = arith.constant 0 : i32
      %dma_wait3A_744 = arith.constant 0 : i32
      %dma_wait3A_745 = tpu.memref_slice %arg10[%dma_wait3A_742, %dma_wait3A_743, %dma_wait3A_744] : memref<8x128x48xf32, #tpu.memory_space<vmem>> -> memref<1x128x48xf32, #tpu.memory_space<vmem>>
      %dma_wait3A_746 = tpu.memref_squeeze %dma_wait3A_745 : memref<1x128x48xf32, #tpu.memory_space<vmem>> -> memref<128x48xf32, #tpu.memory_space<vmem>>
      %dma_wait3A_747 = arith.constant 0 : i32
      %dma_wait3A_748 = tpu.memref_slice %arg6[%add3A_519, %dma_wait3A_747] : memref<1638400x48xf32, #tpu.memory_space<hbm>> -> memref<128x48xf32, #tpu.memory_space<hbm>>
      %dma_wait3A_749 = arith.constant 0 : i32
      %dma_wait3A_750 = tpu.memref_slice %arg6[%add3A_519, %dma_wait3A_749] : memref<1638400x48xf32, #tpu.memory_space<hbm>> -> memref<128x48xf32, #tpu.memory_space<hbm>>
      %dma_wait3A_751 = arith.constant 0 : i32
      %dma_wait3A_752 = arith.constant 0 : i32
      %dma_wait3A_753 = tpu.memref_slice %arg10[%dma_wait3A_742, %dma_wait3A_751, %dma_wait3A_752] : memref<8x128x48xf32, #tpu.memory_space<vmem>> -> memref<1x128x48xf32, #tpu.memory_space<vmem>>
      %dma_wait3A_754 = tpu.memref_squeeze %dma_wait3A_753 : memref<1x128x48xf32, #tpu.memory_space<vmem>> -> memref<128x48xf32, #tpu.memory_space<vmem>>
      tpu.wait_dma2 semaphore(%arg13 : memref<!tpu.dma_semaphore, #tpu.memory_space<semaphore_mem>>) src(%dma_wait3A_754 : memref<128x48xf32, #tpu.memory_space<vmem>>) dst(%dma_wait3A_750 : memref<128x48xf32, #tpu.memory_space<hbm>>)
      %dma_wait3A_755 = arith.constant 4 : i32
      %dma_wait3A_756 = arith.constant 0 : i32
      %dma_wait3A_757 = arith.constant 0 : i32
      %dma_wait3A_758 = tpu.memref_slice %arg11[%dma_wait3A_755, %dma_wait3A_756, %dma_wait3A_757] : memref<8x128x24xf32, #tpu.memory_space<vmem>> -> memref<1x128x24xf32, #tpu.memory_space<vmem>>
      %dma_wait3A_759 = tpu.memref_squeeze %dma_wait3A_758 : memref<1x128x24xf32, #tpu.memory_space<vmem>> -> memref<128x24xf32, #tpu.memory_space<vmem>>
      %dma_wait3A_760 = arith.constant 0 : i32
      %dma_wait3A_761 = tpu.memref_slice %arg7[%add3A_534, %dma_wait3A_760] : memref<1638400x24xf32, #tpu.memory_space<hbm>> -> memref<128x24xf32, #tpu.memory_space<hbm>>
      %dma_wait3A_762 = arith.constant 0 : i32
      %dma_wait3A_763 = tpu.memref_slice %arg7[%add3A_534, %dma_wait3A_762] : memref<1638400x24xf32, #tpu.memory_space<hbm>> -> memref<128x24xf32, #tpu.memory_space<hbm>>
      %dma_wait3A_764 = arith.constant 0 : i32
      %dma_wait3A_765 = arith.constant 0 : i32
      %dma_wait3A_766 = tpu.memref_slice %arg11[%dma_wait3A_755, %dma_wait3A_764, %dma_wait3A_765] : memref<8x128x24xf32, #tpu.memory_space<vmem>> -> memref<1x128x24xf32, #tpu.memory_space<vmem>>
      %dma_wait3A_767 = tpu.memref_squeeze %dma_wait3A_766 : memref<1x128x24xf32, #tpu.memory_space<vmem>> -> memref<128x24xf32, #tpu.memory_space<vmem>>
      tpu.wait_dma2 semaphore(%arg13 : memref<!tpu.dma_semaphore, #tpu.memory_space<semaphore_mem>>) src(%dma_wait3A_767 : memref<128x24xf32, #tpu.memory_space<vmem>>) dst(%dma_wait3A_763 : memref<128x24xf32, #tpu.memory_space<hbm>>)
      %dma_wait3A_768 = arith.constant 5 : i32
      %dma_wait3A_769 = arith.constant 0 : i32
      %dma_wait3A_770 = arith.constant 0 : i32
      %dma_wait3A_771 = tpu.memref_slice %arg10[%dma_wait3A_768, %dma_wait3A_769, %dma_wait3A_770] : memref<8x128x48xf32, #tpu.memory_space<vmem>> -> memref<1x128x48xf32, #tpu.memory_space<vmem>>
      %dma_wait3A_772 = tpu.memref_squeeze %dma_wait3A_771 : memref<1x128x48xf32, #tpu.memory_space<vmem>> -> memref<128x48xf32, #tpu.memory_space<vmem>>
      %dma_wait3A_773 = arith.constant 0 : i32
      %dma_wait3A_774 = tpu.memref_slice %arg6[%add3A_549, %dma_wait3A_773] : memref<1638400x48xf32, #tpu.memory_space<hbm>> -> memref<128x48xf32, #tpu.memory_space<hbm>>
      %dma_wait3A_775 = arith.constant 0 : i32
      %dma_wait3A_776 = tpu.memref_slice %arg6[%add3A_549, %dma_wait3A_775] : memref<1638400x48xf32, #tpu.memory_space<hbm>> -> memref<128x48xf32, #tpu.memory_space<hbm>>
      %dma_wait3A_777 = arith.constant 0 : i32
      %dma_wait3A_778 = arith.constant 0 : i32
      %dma_wait3A_779 = tpu.memref_slice %arg10[%dma_wait3A_768, %dma_wait3A_777, %dma_wait3A_778] : memref<8x128x48xf32, #tpu.memory_space<vmem>> -> memref<1x128x48xf32, #tpu.memory_space<vmem>>
      %dma_wait3A_780 = tpu.memref_squeeze %dma_wait3A_779 : memref<1x128x48xf32, #tpu.memory_space<vmem>> -> memref<128x48xf32, #tpu.memory_space<vmem>>
      tpu.wait_dma2 semaphore(%arg13 : memref<!tpu.dma_semaphore, #tpu.memory_space<semaphore_mem>>) src(%dma_wait3A_780 : memref<128x48xf32, #tpu.memory_space<vmem>>) dst(%dma_wait3A_776 : memref<128x48xf32, #tpu.memory_space<hbm>>)
      %dma_wait3A_781 = arith.constant 5 : i32
      %dma_wait3A_782 = arith.constant 0 : i32
      %dma_wait3A_783 = arith.constant 0 : i32
      %dma_wait3A_784 = tpu.memref_slice %arg11[%dma_wait3A_781, %dma_wait3A_782, %dma_wait3A_783] : memref<8x128x24xf32, #tpu.memory_space<vmem>> -> memref<1x128x24xf32, #tpu.memory_space<vmem>>
      %dma_wait3A_785 = tpu.memref_squeeze %dma_wait3A_784 : memref<1x128x24xf32, #tpu.memory_space<vmem>> -> memref<128x24xf32, #tpu.memory_space<vmem>>
      %dma_wait3A_786 = arith.constant 0 : i32
      %dma_wait3A_787 = tpu.memref_slice %arg7[%add3A_564, %dma_wait3A_786] : memref<1638400x24xf32, #tpu.memory_space<hbm>> -> memref<128x24xf32, #tpu.memory_space<hbm>>
      %dma_wait3A_788 = arith.constant 0 : i32
      %dma_wait3A_789 = tpu.memref_slice %arg7[%add3A_564, %dma_wait3A_788] : memref<1638400x24xf32, #tpu.memory_space<hbm>> -> memref<128x24xf32, #tpu.memory_space<hbm>>
      %dma_wait3A_790 = arith.constant 0 : i32
      %dma_wait3A_791 = arith.constant 0 : i32
      %dma_wait3A_792 = tpu.memref_slice %arg11[%dma_wait3A_781, %dma_wait3A_790, %dma_wait3A_791] : memref<8x128x24xf32, #tpu.memory_space<vmem>> -> memref<1x128x24xf32, #tpu.memory_space<vmem>>
      %dma_wait3A_793 = tpu.memref_squeeze %dma_wait3A_792 : memref<1x128x24xf32, #tpu.memory_space<vmem>> -> memref<128x24xf32, #tpu.memory_space<vmem>>
      tpu.wait_dma2 semaphore(%arg13 : memref<!tpu.dma_semaphore, #tpu.memory_space<semaphore_mem>>) src(%dma_wait3A_793 : memref<128x24xf32, #tpu.memory_space<vmem>>) dst(%dma_wait3A_789 : memref<128x24xf32, #tpu.memory_space<hbm>>)
      %dma_wait3A_794 = arith.constant 6 : i32
      %dma_wait3A_795 = arith.constant 0 : i32
      %dma_wait3A_796 = arith.constant 0 : i32
      %dma_wait3A_797 = tpu.memref_slice %arg10[%dma_wait3A_794, %dma_wait3A_795, %dma_wait3A_796] : memref<8x128x48xf32, #tpu.memory_space<vmem>> -> memref<1x128x48xf32, #tpu.memory_space<vmem>>
      %dma_wait3A_798 = tpu.memref_squeeze %dma_wait3A_797 : memref<1x128x48xf32, #tpu.memory_space<vmem>> -> memref<128x48xf32, #tpu.memory_space<vmem>>
      %dma_wait3A_799 = arith.constant 0 : i32
      %dma_wait3A_800 = tpu.memref_slice %arg6[%add3A_579, %dma_wait3A_799] : memref<1638400x48xf32, #tpu.memory_space<hbm>> -> memref<128x48xf32, #tpu.memory_space<hbm>>
      %dma_wait3A_801 = arith.constant 0 : i32
      %dma_wait3A_802 = tpu.memref_slice %arg6[%add3A_579, %dma_wait3A_801] : memref<1638400x48xf32, #tpu.memory_space<hbm>> -> memref<128x48xf32, #tpu.memory_space<hbm>>
      %dma_wait3A_803 = arith.constant 0 : i32
      %dma_wait3A_804 = arith.constant 0 : i32
      %dma_wait3A_805 = tpu.memref_slice %arg10[%dma_wait3A_794, %dma_wait3A_803, %dma_wait3A_804] : memref<8x128x48xf32, #tpu.memory_space<vmem>> -> memref<1x128x48xf32, #tpu.memory_space<vmem>>
      %dma_wait3A_806 = tpu.memref_squeeze %dma_wait3A_805 : memref<1x128x48xf32, #tpu.memory_space<vmem>> -> memref<128x48xf32, #tpu.memory_space<vmem>>
      tpu.wait_dma2 semaphore(%arg13 : memref<!tpu.dma_semaphore, #tpu.memory_space<semaphore_mem>>) src(%dma_wait3A_806 : memref<128x48xf32, #tpu.memory_space<vmem>>) dst(%dma_wait3A_802 : memref<128x48xf32, #tpu.memory_space<hbm>>)
      %dma_wait3A_807 = arith.constant 6 : i32
      %dma_wait3A_808 = arith.constant 0 : i32
      %dma_wait3A_809 = arith.constant 0 : i32
      %dma_wait3A_810 = tpu.memref_slice %arg11[%dma_wait3A_807, %dma_wait3A_808, %dma_wait3A_809] : memref<8x128x24xf32, #tpu.memory_space<vmem>> -> memref<1x128x24xf32, #tpu.memory_space<vmem>>
      %dma_wait3A_811 = tpu.memref_squeeze %dma_wait3A_810 : memref<1x128x24xf32, #tpu.memory_space<vmem>> -> memref<128x24xf32, #tpu.memory_space<vmem>>
      %dma_wait3A_812 = arith.constant 0 : i32
      %dma_wait3A_813 = tpu.memref_slice %arg7[%add3A_594, %dma_wait3A_812] : memref<1638400x24xf32, #tpu.memory_space<hbm>> -> memref<128x24xf32, #tpu.memory_space<hbm>>
      %dma_wait3A_814 = arith.constant 0 : i32
      %dma_wait3A_815 = tpu.memref_slice %arg7[%add3A_594, %dma_wait3A_814] : memref<1638400x24xf32, #tpu.memory_space<hbm>> -> memref<128x24xf32, #tpu.memory_space<hbm>>
      %dma_wait3A_816 = arith.constant 0 : i32
      %dma_wait3A_817 = arith.constant 0 : i32
      %dma_wait3A_818 = tpu.memref_slice %arg11[%dma_wait3A_807, %dma_wait3A_816, %dma_wait3A_817] : memref<8x128x24xf32, #tpu.memory_space<vmem>> -> memref<1x128x24xf32, #tpu.memory_space<vmem>>
      %dma_wait3A_819 = tpu.memref_squeeze %dma_wait3A_818 : memref<1x128x24xf32, #tpu.memory_space<vmem>> -> memref<128x24xf32, #tpu.memory_space<vmem>>
      tpu.wait_dma2 semaphore(%arg13 : memref<!tpu.dma_semaphore, #tpu.memory_space<semaphore_mem>>) src(%dma_wait3A_819 : memref<128x24xf32, #tpu.memory_space<vmem>>) dst(%dma_wait3A_815 : memref<128x24xf32, #tpu.memory_space<hbm>>)
      %dma_wait3A_820 = arith.constant 7 : i32
      %dma_wait3A_821 = arith.constant 0 : i32
      %dma_wait3A_822 = arith.constant 0 : i32
      %dma_wait3A_823 = tpu.memref_slice %arg10[%dma_wait3A_820, %dma_wait3A_821, %dma_wait3A_822] : memref<8x128x48xf32, #tpu.memory_space<vmem>> -> memref<1x128x48xf32, #tpu.memory_space<vmem>>
      %dma_wait3A_824 = tpu.memref_squeeze %dma_wait3A_823 : memref<1x128x48xf32, #tpu.memory_space<vmem>> -> memref<128x48xf32, #tpu.memory_space<vmem>>
      %dma_wait3A_825 = arith.constant 0 : i32
      %dma_wait3A_826 = tpu.memref_slice %arg6[%add3A_609, %dma_wait3A_825] : memref<1638400x48xf32, #tpu.memory_space<hbm>> -> memref<128x48xf32, #tpu.memory_space<hbm>>
      %dma_wait3A_827 = arith.constant 0 : i32
      %dma_wait3A_828 = tpu.memref_slice %arg6[%add3A_609, %dma_wait3A_827] : memref<1638400x48xf32, #tpu.memory_space<hbm>> -> memref<128x48xf32, #tpu.memory_space<hbm>>
      %dma_wait3A_829 = arith.constant 0 : i32
      %dma_wait3A_830 = arith.constant 0 : i32
      %dma_wait3A_831 = tpu.memref_slice %arg10[%dma_wait3A_820, %dma_wait3A_829, %dma_wait3A_830] : memref<8x128x48xf32, #tpu.memory_space<vmem>> -> memref<1x128x48xf32, #tpu.memory_space<vmem>>
      %dma_wait3A_832 = tpu.memref_squeeze %dma_wait3A_831 : memref<1x128x48xf32, #tpu.memory_space<vmem>> -> memref<128x48xf32, #tpu.memory_space<vmem>>
      tpu.wait_dma2 semaphore(%arg13 : memref<!tpu.dma_semaphore, #tpu.memory_space<semaphore_mem>>) src(%dma_wait3A_832 : memref<128x48xf32, #tpu.memory_space<vmem>>) dst(%dma_wait3A_828 : memref<128x48xf32, #tpu.memory_space<hbm>>)
      %dma_wait3A_833 = arith.constant 7 : i32
      %dma_wait3A_834 = arith.constant 0 : i32
      %dma_wait3A_835 = arith.constant 0 : i32
      %dma_wait3A_836 = tpu.memref_slice %arg11[%dma_wait3A_833, %dma_wait3A_834, %dma_wait3A_835] : memref<8x128x24xf32, #tpu.memory_space<vmem>> -> memref<1x128x24xf32, #tpu.memory_space<vmem>>
      %dma_wait3A_837 = tpu.memref_squeeze %dma_wait3A_836 : memref<1x128x24xf32, #tpu.memory_space<vmem>> -> memref<128x24xf32, #tpu.memory_space<vmem>>
      %dma_wait3A_838 = arith.constant 0 : i32
      %dma_wait3A_839 = tpu.memref_slice %arg7[%add3A_624, %dma_wait3A_838] : memref<1638400x24xf32, #tpu.memory_space<hbm>> -> memref<128x24xf32, #tpu.memory_space<hbm>>
      %dma_wait3A_840 = arith.constant 0 : i32
      %dma_wait3A_841 = tpu.memref_slice %arg7[%add3A_624, %dma_wait3A_840] : memref<1638400x24xf32, #tpu.memory_space<hbm>> -> memref<128x24xf32, #tpu.memory_space<hbm>>
      %dma_wait3A_842 = arith.constant 0 : i32
      %dma_wait3A_843 = arith.constant 0 : i32
      %dma_wait3A_844 = tpu.memref_slice %arg11[%dma_wait3A_833, %dma_wait3A_842, %dma_wait3A_843] : memref<8x128x24xf32, #tpu.memory_space<vmem>> -> memref<1x128x24xf32, #tpu.memory_space<vmem>>
      %dma_wait3A_845 = tpu.memref_squeeze %dma_wait3A_844 : memref<1x128x24xf32, #tpu.memory_space<vmem>> -> memref<128x24xf32, #tpu.memory_space<vmem>>
      tpu.wait_dma2 semaphore(%arg13 : memref<!tpu.dma_semaphore, #tpu.memory_space<semaphore_mem>>) src(%dma_wait3A_845 : memref<128x24xf32, #tpu.memory_space<vmem>>) dst(%dma_wait3A_841 : memref<128x24xf32, #tpu.memory_space<hbm>>)
      %scan3A_846 = arith.constant 0 : i32
      scf.yield %scan3A_846 : i32
    }
    %scan3A_8 = arith.constant 50 : i32
    return
  }
}

#map = affine_map<(d0, d1) -> (0, 0)>
module attributes {stable_mosaic.version = 14 : i64} {
  func.func @body(%arg0: i32, %arg1: i32, %arg2: memref<1638400x32xf32, #tpu.memory_space<hbm>>, %arg3: memref<12800x128xi32, #tpu.memory_space<hbm>>, %arg4: memref<100096x32xf32, #tpu.memory_space<hbm>>, %arg5: memref<50048x32xf32, #tpu.memory_space<vmem_shared>>, %arg6: memref<4x128xi32, #tpu.memory_space<vmem>>, %arg7: memref<512x32xf32, #tpu.memory_space<vmem>>, %arg8: memref<128x32xf32, #tpu.memory_space<vmem>>, %arg9: memref<!tpu.dma_semaphore, #tpu.memory_space<semaphore_mem>>) attributes {dimension_semantics = [#tpu.dimension_semantics<core_parallel>, #tpu.dimension_semantics<subcore_parallel>], iteration_bounds = array<i64: 2, 16>, scalar_prefetch = 0 : i64, scratch_operands = 5 : i64, tpu.core_type = #tpu.core_type<sc_vector_subcore>, window_params = [{transform_indices = #map}, {transform_indices = #map}, {transform_indices = #map}]} {
    %mul3A = arith.constant 50000 : i32
    %mul3A_0 = arith.muli %arg0, %mul3A : i32
    %scan3A = arith.constant 0 : i32
    %scan3A_1 = arith.constant 0 : i32
    %scan3A_2 = arith.constant 128 : i32
    %scan3A_3 = arith.addi %scan3A_1, %scan3A_2 : i32
    %scan3A_4 = arith.constant 1 : i32
    %scan3A_5 = scf.for %scan3A_28 = %scan3A_1 to %scan3A_3 step %scan3A_4 iter_args(%scan3A_29 = %scan3A) -> (i32)  : i32 {
      %broadcast_in_dim3A = arith.constant 0.000000e+00 : f32
      %broadcast_in_dim3A_30 = vector.broadcast %broadcast_in_dim3A : f32 to vector<16xf32>
      %swap3A = arith.index_cast %scan3A_28 : i32 to index
      %swap3A_31 = arith.constant 0 : index
      %swap3A_32 = tpu.vector_load %arg8[%swap3A, %swap3A_31] {strides = array<i32>} : memref<128x32xf32, #tpu.memory_space<vmem>>, vector<1x16xf32>,
      %swap3A_33 = vector.shape_cast %swap3A_32 : vector<1x16xf32> to vector<16xf32>
      %swap3A_34 = vector.shape_cast %broadcast_in_dim3A_30 : vector<16xf32> to vector<1x16xf32>
      tpu.vector_store %arg8[%swap3A, %swap3A_31], %swap3A_34 {strides = array<i32>} : memref<128x32xf32, #tpu.memory_space<vmem>>, vector<1x16xf32>,
      %broadcast_in_dim3A_35 = arith.constant 0.000000e+00 : f32
      %broadcast_in_dim3A_36 = vector.broadcast %broadcast_in_dim3A_35 : f32 to vector<16xf32>
      %swap3A_37 = arith.index_cast %scan3A_28 : i32 to index
      %swap3A_38 = arith.constant 16 : index
      %swap3A_39 = tpu.vector_load %arg8[%swap3A_37, %swap3A_38] {strides = array<i32>} : memref<128x32xf32, #tpu.memory_space<vmem>>, vector<1x16xf32>,
      %swap3A_40 = vector.shape_cast %swap3A_39 : vector<1x16xf32> to vector<16xf32>
      %swap3A_41 = vector.shape_cast %broadcast_in_dim3A_36 : vector<16xf32> to vector<1x16xf32>
      tpu.vector_store %arg8[%swap3A_37, %swap3A_38], %swap3A_41 {strides = array<i32>} : memref<128x32xf32, #tpu.memory_space<vmem>>, vector<1x16xf32>,
      %scan3A_42 = arith.constant 0 : i32
      scf.yield %scan3A_42 : i32
    }
    %scan3A_6 = arith.constant 128 : i32
    %mul3A_7 = arith.constant 3128 : i32
    %mul3A_8 = arith.muli %arg1, %mul3A_7 : i32
    %scan3A_9 = arith.constant 0 : i32
    %scan3A_10 = arith.constant 0 : i32
    %scan3A_11 = arith.constant 24 : i32
    %scan3A_12 = arith.addi %scan3A_10, %scan3A_11 : i32
    %scan3A_13 = arith.constant 1 : i32
    %scan3A_14 = scf.for %scan3A_28 = %scan3A_10 to %scan3A_12 step %scan3A_13 iter_args(%scan3A_29 = %scan3A_9) -> (i32)  : i32 {
      %mul3A_30 = arith.constant 128 : i32
      %mul3A_31 = arith.muli %scan3A_28, %mul3A_30 : i32
      %add3A_32 = arith.addi %mul3A_8, %mul3A_31 : i32
      "tpu.region"() ({
        %run_scoped3A = tpu.sem_alloc : memref<!tpu.dma_semaphore, #tpu.memory_space<semaphore_mem>>
        %dma_start3A = arith.constant 0 : i32
        %dma_start3A_34 = tpu.memref_slice %arg5[%add3A_32, %dma_start3A] : memref<50048x32xf32, #tpu.memory_space<vmem_shared>> -> memref<128x32xf32, #tpu.memory_space<vmem_shared>>
        %dma_start3A_35 = arith.constant 0 : i32
        %dma_start3A_36 = tpu.memref_slice %arg5[%add3A_32, %dma_start3A_35] : memref<50048x32xf32, #tpu.memory_space<vmem_shared>> -> memref<128x32xf32, #tpu.memory_space<vmem_shared>>
        tpu.enqueue_dma source(%arg8 : memref<128x32xf32, #tpu.memory_space<vmem>>) target(%dma_start3A_36 : memref<128x32xf32, #tpu.memory_space<vmem_shared>>) target_semaphore(%run_scoped3A : memref<!tpu.dma_semaphore, #tpu.memory_space<semaphore_mem>>)
        %dma_wait3A = arith.constant 0 : i32
        %dma_wait3A_37 = tpu.memref_slice %arg5[%add3A_32, %dma_wait3A] : memref<50048x32xf32, #tpu.memory_space<vmem_shared>> -> memref<128x32xf32, #tpu.memory_space<vmem_shared>>
        %dma_wait3A_38 = arith.constant 0 : i32
        %dma_wait3A_39 = tpu.memref_slice %arg5[%add3A_32, %dma_wait3A_38] : memref<50048x32xf32, #tpu.memory_space<vmem_shared>> -> memref<128x32xf32, #tpu.memory_space<vmem_shared>>
        tpu.wait_dma2 semaphore(%run_scoped3A : memref<!tpu.dma_semaphore, #tpu.memory_space<semaphore_mem>>) src(%arg8 : memref<128x32xf32, #tpu.memory_space<vmem>>) dst(%dma_wait3A_39 : memref<128x32xf32, #tpu.memory_space<vmem_shared>>)
        tpu.yield
      }) : () -> ()
      %scan3A_33 = arith.constant 0 : i32
      scf.yield %scan3A_33 : i32
    }
    %scan3A_15 = arith.constant 24 : i32
    %add3A = arith.constant 3072 : i32
    %add3A_16 = arith.addi %mul3A_8, %add3A : i32
    "tpu.region"() ({
      %run_scoped3A = tpu.sem_alloc : memref<!tpu.dma_semaphore, #tpu.memory_space<semaphore_mem>>
      %dma_start3A = arith.constant 0 : i32
      %dma_start3A_28 = arith.constant 0 : i32
      %dma_start3A_29 = tpu.memref_slice %arg8[%dma_start3A, %dma_start3A_28] : memref<128x32xf32, #tpu.memory_space<vmem>> -> memref<56x32xf32, #tpu.memory_space<vmem>>
      %dma_start3A_30 = arith.constant 0 : i32
      %dma_start3A_31 = tpu.memref_slice %arg5[%add3A_16, %dma_start3A_30] : memref<50048x32xf32, #tpu.memory_space<vmem_shared>> -> memref<56x32xf32, #tpu.memory_space<vmem_shared>>
      %dma_start3A_32 = arith.constant 0 : i32
      %dma_start3A_33 = tpu.memref_slice %arg5[%add3A_16, %dma_start3A_32] : memref<50048x32xf32, #tpu.memory_space<vmem_shared>> -> memref<56x32xf32, #tpu.memory_space<vmem_shared>>
      %dma_start3A_34 = arith.constant 0 : i32
      %dma_start3A_35 = arith.constant 0 : i32
      %dma_start3A_36 = tpu.memref_slice %arg8[%dma_start3A_34, %dma_start3A_35] : memref<128x32xf32, #tpu.memory_space<vmem>> -> memref<56x32xf32, #tpu.memory_space<vmem>>
      tpu.enqueue_dma source(%dma_start3A_36 : memref<56x32xf32, #tpu.memory_space<vmem>>) target(%dma_start3A_33 : memref<56x32xf32, #tpu.memory_space<vmem_shared>>) target_semaphore(%run_scoped3A : memref<!tpu.dma_semaphore, #tpu.memory_space<semaphore_mem>>)
      %dma_wait3A = arith.constant 0 : i32
      %dma_wait3A_37 = arith.constant 0 : i32
      %dma_wait3A_38 = tpu.memref_slice %arg8[%dma_wait3A, %dma_wait3A_37] : memref<128x32xf32, #tpu.memory_space<vmem>> -> memref<56x32xf32, #tpu.memory_space<vmem>>
      %dma_wait3A_39 = arith.constant 0 : i32
      %dma_wait3A_40 = tpu.memref_slice %arg5[%add3A_16, %dma_wait3A_39] : memref<50048x32xf32, #tpu.memory_space<vmem_shared>> -> memref<56x32xf32, #tpu.memory_space<vmem_shared>>
      %dma_wait3A_41 = arith.constant 0 : i32
      %dma_wait3A_42 = tpu.memref_slice %arg5[%add3A_16, %dma_wait3A_41] : memref<50048x32xf32, #tpu.memory_space<vmem_shared>> -> memref<56x32xf32, #tpu.memory_space<vmem_shared>>
      %dma_wait3A_43 = arith.constant 0 : i32
      %dma_wait3A_44 = arith.constant 0 : i32
      %dma_wait3A_45 = tpu.memref_slice %arg8[%dma_wait3A_43, %dma_wait3A_44] : memref<128x32xf32, #tpu.memory_space<vmem>> -> memref<56x32xf32, #tpu.memory_space<vmem>>
      tpu.wait_dma2 semaphore(%run_scoped3A : memref<!tpu.dma_semaphore, #tpu.memory_space<semaphore_mem>>) src(%dma_wait3A_45 : memref<56x32xf32, #tpu.memory_space<vmem>>) dst(%dma_wait3A_42 : memref<56x32xf32, #tpu.memory_space<vmem_shared>>)
      tpu.yield
    }) : () -> ()
    %barrier3A = arith.constant 0 : index
    tpu.barrier barrier_id(%barrier3A)
    %iota3A = tpu.iota {dimensions = array<i32: 0>} : vector<16xi32>
    %scan3A_17 = arith.constant 0 : i32
    %scan3A_18 = arith.constant 0 : i32
    %scan3A_19 = arith.constant 200 : i32
    %scan3A_20 = arith.addi %scan3A_18, %scan3A_19 : i32
    %scan3A_21 = arith.constant 1 : i32
    %scan3A_22 = scf.for %scan3A_28 = %scan3A_18 to %scan3A_20 step %scan3A_21 iter_args(%scan3A_29 = %scan3A_17) -> (i32)  : i32 {
      %mul3A_30 = arith.constant 800 : i32
      %mul3A_31 = arith.muli %arg1, %mul3A_30 : i32
      %mul3A_32 = arith.constant 4 : i32
      %mul3A_33 = arith.muli %scan3A_28, %mul3A_32 : i32
      %add3A_34 = arith.addi %mul3A_31, %mul3A_33 : i32
      "tpu.region"() ({
        %run_scoped3A_1217 = tpu.sem_alloc : memref<!tpu.dma_semaphore, #tpu.memory_space<semaphore_mem>>
        %dma_start3A_1218 = arith.constant 0 : i32
        %dma_start3A_1219 = tpu.memref_slice %arg3[%add3A_34, %dma_start3A_1218] : memref<12800x128xi32, #tpu.memory_space<hbm>> -> memref<4x128xi32, #tpu.memory_space<hbm>>
        %dma_start3A_1220 = arith.constant 0 : i32
        %dma_start3A_1221 = tpu.memref_slice %arg3[%add3A_34, %dma_start3A_1220] : memref<12800x128xi32, #tpu.memory_space<hbm>> -> memref<4x128xi32, #tpu.memory_space<hbm>>
        tpu.enqueue_dma source(%dma_start3A_1221 : memref<4x128xi32, #tpu.memory_space<hbm>>) target(%arg6 : memref<4x128xi32, #tpu.memory_space<vmem>>) target_semaphore(%run_scoped3A_1217 : memref<!tpu.dma_semaphore, #tpu.memory_space<semaphore_mem>>)
        %dma_wait3A_1222 = arith.constant 0 : i32
        %dma_wait3A_1223 = tpu.memref_slice %arg3[%add3A_34, %dma_wait3A_1222] : memref<12800x128xi32, #tpu.memory_space<hbm>> -> memref<4x128xi32, #tpu.memory_space<hbm>>
        %dma_wait3A_1224 = arith.constant 0 : i32
        %dma_wait3A_1225 = tpu.memref_slice %arg3[%add3A_34, %dma_wait3A_1224] : memref<12800x128xi32, #tpu.memory_space<hbm>> -> memref<4x128xi32, #tpu.memory_space<hbm>>
        tpu.wait_dma2 semaphore(%run_scoped3A_1217 : memref<!tpu.dma_semaphore, #tpu.memory_space<semaphore_mem>>) src(%dma_wait3A_1225 : memref<4x128xi32, #tpu.memory_space<hbm>>) dst(%arg6 : memref<4x128xi32, #tpu.memory_space<vmem>>)
        tpu.yield
      }) : () -> ()
      %mul3A_35 = arith.constant 128 : i32
      %mul3A_36 = arith.muli %add3A_34, %mul3A_35 : i32
      %dma_start3A = arith.constant 0 : i32
      %dma_start3A_37 = tpu.memref_slice %arg2[%mul3A_36, %dma_start3A] : memref<1638400x32xf32, #tpu.memory_space<hbm>> -> memref<512x32xf32, #tpu.memory_space<hbm>>
      %dma_start3A_38 = arith.constant 0 : i32
      %dma_start3A_39 = tpu.memref_slice %arg2[%mul3A_36, %dma_start3A_38] : memref<1638400x32xf32, #tpu.memory_space<hbm>> -> memref<512x32xf32, #tpu.memory_space<hbm>>
      tpu.enqueue_dma source(%dma_start3A_39 : memref<512x32xf32, #tpu.memory_space<hbm>>) target(%arg7 : memref<512x32xf32, #tpu.memory_space<vmem>>) target_semaphore(%arg9 : memref<!tpu.dma_semaphore, #tpu.memory_space<semaphore_mem>>)
      %dma_wait3A = arith.constant 0 : i32
      %dma_wait3A_40 = tpu.memref_slice %arg2[%mul3A_36, %dma_wait3A] : memref<1638400x32xf32, #tpu.memory_space<hbm>> -> memref<512x32xf32, #tpu.memory_space<hbm>>
      %dma_wait3A_41 = arith.constant 0 : i32
      %dma_wait3A_42 = tpu.memref_slice %arg2[%mul3A_36, %dma_wait3A_41] : memref<1638400x32xf32, #tpu.memory_space<hbm>> -> memref<512x32xf32, #tpu.memory_space<hbm>>
      tpu.wait_dma2 semaphore(%arg9 : memref<!tpu.dma_semaphore, #tpu.memory_space<semaphore_mem>>) src(%dma_wait3A_42 : memref<512x32xf32, #tpu.memory_space<hbm>>) dst(%arg7 : memref<512x32xf32, #tpu.memory_space<vmem>>)
      %add3A_43 = arith.constant 0 : i32
      %add3A_44 = arith.addi %add3A_34, %add3A_43 : i32
      %lt3A = arith.constant 12500 : i32
      %lt3A_45 = arith.cmpi slt, %add3A_44, %lt3A : i32
      %jit3A = arith.constant 0 : i32
      %jit3A_46 = arith.constant -1 : i32
      %select_n3A = arith.select %lt3A_45, %jit3A, %jit3A_46 : i32
      %get3A = arith.constant 0 : i32
      %get3A_47 = arith.index_cast %get3A : i32 to index
      %get3A_48 = arith.constant 0 : index
      %get3A_49 = tpu.vector_load %arg6[%get3A_47, %get3A_48] {strides = array<i32>} : memref<4x128xi32, #tpu.memory_space<vmem>>, vector<1x16xi32>,
      %get3A_50 = vector.shape_cast %get3A_49 : vector<1x16xi32> to vector<16xi32>
      %sub3A = vector.broadcast %mul3A_0 : i32 to vector<16xi32>
      %sub3A_51 = arith.subi %get3A_50, %sub3A : vector<16xi32>
      %sub3A_52 = arith.constant 49999 : i32
      %sub3A_53 = vector.broadcast %sub3A_52 : i32 to vector<16xi32>
      %sub3A_54 = arith.subi %sub3A_53, %sub3A_51 : vector<16xi32>
      %or3A = arith.ori %sub3A_51, %sub3A_54 : vector<16xi32>
      %shift_right_arithmetic3A = arith.constant 31 : i32
      %shift_right_arithmetic3A_55 = vector.broadcast %shift_right_arithmetic3A : i32 to vector<16xi32>
      %shift_right_arithmetic3A_56 = arith.shrsi %or3A, %shift_right_arithmetic3A_55 : vector<16xi32>
      %or3A_57 = vector.broadcast %select_n3A : i32 to vector<16xi32>
      %or3A_58 = arith.ori %shift_right_arithmetic3A_56, %or3A_57 : vector<16xi32>
      %add3A_59 = arith.constant 0 : i32
      %add3A_60 = vector.broadcast %add3A_59 : i32 to vector<16xi32>
      %add3A_61 = arith.addi %iota3A, %add3A_60 : vector<16xi32>
      %and3A = arith.constant 31 : i32
      %and3A_62 = vector.broadcast %and3A : i32 to vector<16xi32>
      %and3A_63 = arith.andi %add3A_61, %and3A_62 : vector<16xi32>
      %add3A_64 = arith.constant 50000 : i32
      %add3A_65 = vector.broadcast %add3A_64 : i32 to vector<16xi32>
      %add3A_66 = arith.addi %add3A_65, %and3A_63 : vector<16xi32>
      %not3A = arith.constant dense<-1> : vector<16xi32>
      %not3A_67 = arith.xori %or3A_58, %not3A : vector<16xi32>
      %and3A_68 = arith.andi %sub3A_51, %not3A_67 : vector<16xi32>
      %and3A_69 = arith.andi %add3A_66, %or3A_58 : vector<16xi32>
      %or3A_70 = arith.ori %and3A_68, %and3A_69 : vector<16xi32>
      %swap3A = arith.constant 0 : i32
      %swap3A_71 = arith.index_cast %swap3A : i32 to index
      %swap3A_72 = arith.constant 0 : index
      %swap3A_73 = tpu.vector_load %arg6[%swap3A_71, %swap3A_72] {strides = array<i32>} : memref<4x128xi32, #tpu.memory_space<vmem>>, vector<1x16xi32>,
      %swap3A_74 = vector.shape_cast %swap3A_73 : vector<1x16xi32> to vector<16xi32>
      %swap3A_75 = vector.shape_cast %or3A_70 : vector<16xi32> to vector<1x16xi32>
      tpu.vector_store %arg6[%swap3A_71, %swap3A_72], %swap3A_75 {strides = array<i32>} : memref<4x128xi32, #tpu.memory_space<vmem>>, vector<1x16xi32>,
      %get3A_76 = arith.constant 0 : i32
      %get3A_77 = arith.index_cast %get3A_76 : i32 to index
      %get3A_78 = arith.constant 16 : index
      %get3A_79 = tpu.vector_load %arg6[%get3A_77, %get3A_78] {strides = array<i32>} : memref<4x128xi32, #tpu.memory_space<vmem>>, vector<1x16xi32>,
      %get3A_80 = vector.shape_cast %get3A_79 : vector<1x16xi32> to vector<16xi32>
      %sub3A_81 = vector.broadcast %mul3A_0 : i32 to vector<16xi32>
      %sub3A_82 = arith.subi %get3A_80, %sub3A_81 : vector<16xi32>
      %sub3A_83 = arith.constant 49999 : i32
      %sub3A_84 = vector.broadcast %sub3A_83 : i32 to vector<16xi32>
      %sub3A_85 = arith.subi %sub3A_84, %sub3A_82 : vector<16xi32>
      %or3A_86 = arith.ori %sub3A_82, %sub3A_85 : vector<16xi32>
      %shift_right_arithmetic3A_87 = arith.constant 31 : i32
      %shift_right_arithmetic3A_88 = vector.broadcast %shift_right_arithmetic3A_87 : i32 to vector<16xi32>
      %shift_right_arithmetic3A_89 = arith.shrsi %or3A_86, %shift_right_arithmetic3A_88 : vector<16xi32>
      %or3A_90 = vector.broadcast %select_n3A : i32 to vector<16xi32>
      %or3A_91 = arith.ori %shift_right_arithmetic3A_89, %or3A_90 : vector<16xi32>
      %add3A_92 = arith.constant 16 : i32
      %add3A_93 = vector.broadcast %add3A_92 : i32 to vector<16xi32>
      %add3A_94 = arith.addi %iota3A, %add3A_93 : vector<16xi32>
      %and3A_95 = arith.constant 31 : i32
      %and3A_96 = vector.broadcast %and3A_95 : i32 to vector<16xi32>
      %and3A_97 = arith.andi %add3A_94, %and3A_96 : vector<16xi32>
      %add3A_98 = arith.constant 50000 : i32
      %add3A_99 = vector.broadcast %add3A_98 : i32 to vector<16xi32>
      %add3A_100 = arith.addi %add3A_99, %and3A_97 : vector<16xi32>
      %not3A_101 = arith.constant dense<-1> : vector<16xi32>
      %not3A_102 = arith.xori %or3A_91, %not3A_101 : vector<16xi32>
      %and3A_103 = arith.andi %sub3A_82, %not3A_102 : vector<16xi32>
      %and3A_104 = arith.andi %add3A_100, %or3A_91 : vector<16xi32>
      %or3A_105 = arith.ori %and3A_103, %and3A_104 : vector<16xi32>
      %swap3A_106 = arith.constant 0 : i32
      %swap3A_107 = arith.index_cast %swap3A_106 : i32 to index
      %swap3A_108 = arith.constant 16 : index
      %swap3A_109 = tpu.vector_load %arg6[%swap3A_107, %swap3A_108] {strides = array<i32>} : memref<4x128xi32, #tpu.memory_space<vmem>>, vector<1x16xi32>,
      %swap3A_110 = vector.shape_cast %swap3A_109 : vector<1x16xi32> to vector<16xi32>
      %swap3A_111 = vector.shape_cast %or3A_105 : vector<16xi32> to vector<1x16xi32>
      tpu.vector_store %arg6[%swap3A_107, %swap3A_108], %swap3A_111 {strides = array<i32>} : memref<4x128xi32, #tpu.memory_space<vmem>>, vector<1x16xi32>,
      %get3A_112 = arith.constant 0 : i32
      %get3A_113 = arith.index_cast %get3A_112 : i32 to index
      %get3A_114 = arith.constant 32 : index
      %get3A_115 = tpu.vector_load %arg6[%get3A_113, %get3A_114] {strides = array<i32>} : memref<4x128xi32, #tpu.memory_space<vmem>>, vector<1x16xi32>,
      %get3A_116 = vector.shape_cast %get3A_115 : vector<1x16xi32> to vector<16xi32>
      %sub3A_117 = vector.broadcast %mul3A_0 : i32 to vector<16xi32>
      %sub3A_118 = arith.subi %get3A_116, %sub3A_117 : vector<16xi32>
      %sub3A_119 = arith.constant 49999 : i32
      %sub3A_120 = vector.broadcast %sub3A_119 : i32 to vector<16xi32>
      %sub3A_121 = arith.subi %sub3A_120, %sub3A_118 : vector<16xi32>
      %or3A_122 = arith.ori %sub3A_118, %sub3A_121 : vector<16xi32>
      %shift_right_arithmetic3A_123 = arith.constant 31 : i32
      %shift_right_arithmetic3A_124 = vector.broadcast %shift_right_arithmetic3A_123 : i32 to vector<16xi32>
      %shift_right_arithmetic3A_125 = arith.shrsi %or3A_122, %shift_right_arithmetic3A_124 : vector<16xi32>
      %or3A_126 = vector.broadcast %select_n3A : i32 to vector<16xi32>
      %or3A_127 = arith.ori %shift_right_arithmetic3A_125, %or3A_126 : vector<16xi32>
      %add3A_128 = arith.constant 32 : i32
      %add3A_129 = vector.broadcast %add3A_128 : i32 to vector<16xi32>
      %add3A_130 = arith.addi %iota3A, %add3A_129 : vector<16xi32>
      %and3A_131 = arith.constant 31 : i32
      %and3A_132 = vector.broadcast %and3A_131 : i32 to vector<16xi32>
      %and3A_133 = arith.andi %add3A_130, %and3A_132 : vector<16xi32>
      %add3A_134 = arith.constant 50000 : i32
      %add3A_135 = vector.broadcast %add3A_134 : i32 to vector<16xi32>
      %add3A_136 = arith.addi %add3A_135, %and3A_133 : vector<16xi32>
      %not3A_137 = arith.constant dense<-1> : vector<16xi32>
      %not3A_138 = arith.xori %or3A_127, %not3A_137 : vector<16xi32>
      %and3A_139 = arith.andi %sub3A_118, %not3A_138 : vector<16xi32>
      %and3A_140 = arith.andi %add3A_136, %or3A_127 : vector<16xi32>
      %or3A_141 = arith.ori %and3A_139, %and3A_140 : vector<16xi32>
      %swap3A_142 = arith.constant 0 : i32
      %swap3A_143 = arith.index_cast %swap3A_142 : i32 to index
      %swap3A_144 = arith.constant 32 : index
      %swap3A_145 = tpu.vector_load %arg6[%swap3A_143, %swap3A_144] {strides = array<i32>} : memref<4x128xi32, #tpu.memory_space<vmem>>, vector<1x16xi32>,
      %swap3A_146 = vector.shape_cast %swap3A_145 : vector<1x16xi32> to vector<16xi32>
      %swap3A_147 = vector.shape_cast %or3A_141 : vector<16xi32> to vector<1x16xi32>
      tpu.vector_store %arg6[%swap3A_143, %swap3A_144], %swap3A_147 {strides = array<i32>} : memref<4x128xi32, #tpu.memory_space<vmem>>, vector<1x16xi32>,
      %get3A_148 = arith.constant 0 : i32
      %get3A_149 = arith.index_cast %get3A_148 : i32 to index
      %get3A_150 = arith.constant 48 : index
      %get3A_151 = tpu.vector_load %arg6[%get3A_149, %get3A_150] {strides = array<i32>} : memref<4x128xi32, #tpu.memory_space<vmem>>, vector<1x16xi32>,
      %get3A_152 = vector.shape_cast %get3A_151 : vector<1x16xi32> to vector<16xi32>
      %sub3A_153 = vector.broadcast %mul3A_0 : i32 to vector<16xi32>
      %sub3A_154 = arith.subi %get3A_152, %sub3A_153 : vector<16xi32>
      %sub3A_155 = arith.constant 49999 : i32
      %sub3A_156 = vector.broadcast %sub3A_155 : i32 to vector<16xi32>
      %sub3A_157 = arith.subi %sub3A_156, %sub3A_154 : vector<16xi32>
      %or3A_158 = arith.ori %sub3A_154, %sub3A_157 : vector<16xi32>
      %shift_right_arithmetic3A_159 = arith.constant 31 : i32
      %shift_right_arithmetic3A_160 = vector.broadcast %shift_right_arithmetic3A_159 : i32 to vector<16xi32>
      %shift_right_arithmetic3A_161 = arith.shrsi %or3A_158, %shift_right_arithmetic3A_160 : vector<16xi32>
      %or3A_162 = vector.broadcast %select_n3A : i32 to vector<16xi32>
      %or3A_163 = arith.ori %shift_right_arithmetic3A_161, %or3A_162 : vector<16xi32>
      %add3A_164 = arith.constant 48 : i32
      %add3A_165 = vector.broadcast %add3A_164 : i32 to vector<16xi32>
      %add3A_166 = arith.addi %iota3A, %add3A_165 : vector<16xi32>
      %and3A_167 = arith.constant 31 : i32
      %and3A_168 = vector.broadcast %and3A_167 : i32 to vector<16xi32>
      %and3A_169 = arith.andi %add3A_166, %and3A_168 : vector<16xi32>
      %add3A_170 = arith.constant 50000 : i32
      %add3A_171 = vector.broadcast %add3A_170 : i32 to vector<16xi32>
      %add3A_172 = arith.addi %add3A_171, %and3A_169 : vector<16xi32>
      %not3A_173 = arith.constant dense<-1> : vector<16xi32>
      %not3A_174 = arith.xori %or3A_163, %not3A_173 : vector<16xi32>
      %and3A_175 = arith.andi %sub3A_154, %not3A_174 : vector<16xi32>
      %and3A_176 = arith.andi %add3A_172, %or3A_163 : vector<16xi32>
      %or3A_177 = arith.ori %and3A_175, %and3A_176 : vector<16xi32>
      %swap3A_178 = arith.constant 0 : i32
      %swap3A_179 = arith.index_cast %swap3A_178 : i32 to index
      %swap3A_180 = arith.constant 48 : index
      %swap3A_181 = tpu.vector_load %arg6[%swap3A_179, %swap3A_180] {strides = array<i32>} : memref<4x128xi32, #tpu.memory_space<vmem>>, vector<1x16xi32>,
      %swap3A_182 = vector.shape_cast %swap3A_181 : vector<1x16xi32> to vector<16xi32>
      %swap3A_183 = vector.shape_cast %or3A_177 : vector<16xi32> to vector<1x16xi32>
      tpu.vector_store %arg6[%swap3A_179, %swap3A_180], %swap3A_183 {strides = array<i32>} : memref<4x128xi32, #tpu.memory_space<vmem>>, vector<1x16xi32>,
      %get3A_184 = arith.constant 0 : i32
      %get3A_185 = arith.index_cast %get3A_184 : i32 to index
      %get3A_186 = arith.constant 64 : index
      %get3A_187 = tpu.vector_load %arg6[%get3A_185, %get3A_186] {strides = array<i32>} : memref<4x128xi32, #tpu.memory_space<vmem>>, vector<1x16xi32>,
      %get3A_188 = vector.shape_cast %get3A_187 : vector<1x16xi32> to vector<16xi32>
      %sub3A_189 = vector.broadcast %mul3A_0 : i32 to vector<16xi32>
      %sub3A_190 = arith.subi %get3A_188, %sub3A_189 : vector<16xi32>
      %sub3A_191 = arith.constant 49999 : i32
      %sub3A_192 = vector.broadcast %sub3A_191 : i32 to vector<16xi32>
      %sub3A_193 = arith.subi %sub3A_192, %sub3A_190 : vector<16xi32>
      %or3A_194 = arith.ori %sub3A_190, %sub3A_193 : vector<16xi32>
      %shift_right_arithmetic3A_195 = arith.constant 31 : i32
      %shift_right_arithmetic3A_196 = vector.broadcast %shift_right_arithmetic3A_195 : i32 to vector<16xi32>
      %shift_right_arithmetic3A_197 = arith.shrsi %or3A_194, %shift_right_arithmetic3A_196 : vector<16xi32>
      %or3A_198 = vector.broadcast %select_n3A : i32 to vector<16xi32>
      %or3A_199 = arith.ori %shift_right_arithmetic3A_197, %or3A_198 : vector<16xi32>
      %add3A_200 = arith.constant 64 : i32
      %add3A_201 = vector.broadcast %add3A_200 : i32 to vector<16xi32>
      %add3A_202 = arith.addi %iota3A, %add3A_201 : vector<16xi32>
      %and3A_203 = arith.constant 31 : i32
      %and3A_204 = vector.broadcast %and3A_203 : i32 to vector<16xi32>
      %and3A_205 = arith.andi %add3A_202, %and3A_204 : vector<16xi32>
      %add3A_206 = arith.constant 50000 : i32
      %add3A_207 = vector.broadcast %add3A_206 : i32 to vector<16xi32>
      %add3A_208 = arith.addi %add3A_207, %and3A_205 : vector<16xi32>
      %not3A_209 = arith.constant dense<-1> : vector<16xi32>
      %not3A_210 = arith.xori %or3A_199, %not3A_209 : vector<16xi32>
      %and3A_211 = arith.andi %sub3A_190, %not3A_210 : vector<16xi32>
      %and3A_212 = arith.andi %add3A_208, %or3A_199 : vector<16xi32>
      %or3A_213 = arith.ori %and3A_211, %and3A_212 : vector<16xi32>
      %swap3A_214 = arith.constant 0 : i32
      %swap3A_215 = arith.index_cast %swap3A_214 : i32 to index
      %swap3A_216 = arith.constant 64 : index
      %swap3A_217 = tpu.vector_load %arg6[%swap3A_215, %swap3A_216] {strides = array<i32>} : memref<4x128xi32, #tpu.memory_space<vmem>>, vector<1x16xi32>,
      %swap3A_218 = vector.shape_cast %swap3A_217 : vector<1x16xi32> to vector<16xi32>
      %swap3A_219 = vector.shape_cast %or3A_213 : vector<16xi32> to vector<1x16xi32>
      tpu.vector_store %arg6[%swap3A_215, %swap3A_216], %swap3A_219 {strides = array<i32>} : memref<4x128xi32, #tpu.memory_space<vmem>>, vector<1x16xi32>,
      %get3A_220 = arith.constant 0 : i32
      %get3A_221 = arith.index_cast %get3A_220 : i32 to index
      %get3A_222 = arith.constant 80 : index
      %get3A_223 = tpu.vector_load %arg6[%get3A_221, %get3A_222] {strides = array<i32>} : memref<4x128xi32, #tpu.memory_space<vmem>>, vector<1x16xi32>,
      %get3A_224 = vector.shape_cast %get3A_223 : vector<1x16xi32> to vector<16xi32>
      %sub3A_225 = vector.broadcast %mul3A_0 : i32 to vector<16xi32>
      %sub3A_226 = arith.subi %get3A_224, %sub3A_225 : vector<16xi32>
      %sub3A_227 = arith.constant 49999 : i32
      %sub3A_228 = vector.broadcast %sub3A_227 : i32 to vector<16xi32>
      %sub3A_229 = arith.subi %sub3A_228, %sub3A_226 : vector<16xi32>
      %or3A_230 = arith.ori %sub3A_226, %sub3A_229 : vector<16xi32>
      %shift_right_arithmetic3A_231 = arith.constant 31 : i32
      %shift_right_arithmetic3A_232 = vector.broadcast %shift_right_arithmetic3A_231 : i32 to vector<16xi32>
      %shift_right_arithmetic3A_233 = arith.shrsi %or3A_230, %shift_right_arithmetic3A_232 : vector<16xi32>
      %or3A_234 = vector.broadcast %select_n3A : i32 to vector<16xi32>
      %or3A_235 = arith.ori %shift_right_arithmetic3A_233, %or3A_234 : vector<16xi32>
      %add3A_236 = arith.constant 80 : i32
      %add3A_237 = vector.broadcast %add3A_236 : i32 to vector<16xi32>
      %add3A_238 = arith.addi %iota3A, %add3A_237 : vector<16xi32>
      %and3A_239 = arith.constant 31 : i32
      %and3A_240 = vector.broadcast %and3A_239 : i32 to vector<16xi32>
      %and3A_241 = arith.andi %add3A_238, %and3A_240 : vector<16xi32>
      %add3A_242 = arith.constant 50000 : i32
      %add3A_243 = vector.broadcast %add3A_242 : i32 to vector<16xi32>
      %add3A_244 = arith.addi %add3A_243, %and3A_241 : vector<16xi32>
      %not3A_245 = arith.constant dense<-1> : vector<16xi32>
      %not3A_246 = arith.xori %or3A_235, %not3A_245 : vector<16xi32>
      %and3A_247 = arith.andi %sub3A_226, %not3A_246 : vector<16xi32>
      %and3A_248 = arith.andi %add3A_244, %or3A_235 : vector<16xi32>
      %or3A_249 = arith.ori %and3A_247, %and3A_248 : vector<16xi32>
      %swap3A_250 = arith.constant 0 : i32
      %swap3A_251 = arith.index_cast %swap3A_250 : i32 to index
      %swap3A_252 = arith.constant 80 : index
      %swap3A_253 = tpu.vector_load %arg6[%swap3A_251, %swap3A_252] {strides = array<i32>} : memref<4x128xi32, #tpu.memory_space<vmem>>, vector<1x16xi32>,
      %swap3A_254 = vector.shape_cast %swap3A_253 : vector<1x16xi32> to vector<16xi32>
      %swap3A_255 = vector.shape_cast %or3A_249 : vector<16xi32> to vector<1x16xi32>
      tpu.vector_store %arg6[%swap3A_251, %swap3A_252], %swap3A_255 {strides = array<i32>} : memref<4x128xi32, #tpu.memory_space<vmem>>, vector<1x16xi32>,
      %get3A_256 = arith.constant 0 : i32
      %get3A_257 = arith.index_cast %get3A_256 : i32 to index
      %get3A_258 = arith.constant 96 : index
      %get3A_259 = tpu.vector_load %arg6[%get3A_257, %get3A_258] {strides = array<i32>} : memref<4x128xi32, #tpu.memory_space<vmem>>, vector<1x16xi32>,
      %get3A_260 = vector.shape_cast %get3A_259 : vector<1x16xi32> to vector<16xi32>
      %sub3A_261 = vector.broadcast %mul3A_0 : i32 to vector<16xi32>
      %sub3A_262 = arith.subi %get3A_260, %sub3A_261 : vector<16xi32>
      %sub3A_263 = arith.constant 49999 : i32
      %sub3A_264 = vector.broadcast %sub3A_263 : i32 to vector<16xi32>
      %sub3A_265 = arith.subi %sub3A_264, %sub3A_262 : vector<16xi32>
      %or3A_266 = arith.ori %sub3A_262, %sub3A_265 : vector<16xi32>
      %shift_right_arithmetic3A_267 = arith.constant 31 : i32
      %shift_right_arithmetic3A_268 = vector.broadcast %shift_right_arithmetic3A_267 : i32 to vector<16xi32>
      %shift_right_arithmetic3A_269 = arith.shrsi %or3A_266, %shift_right_arithmetic3A_268 : vector<16xi32>
      %or3A_270 = vector.broadcast %select_n3A : i32 to vector<16xi32>
      %or3A_271 = arith.ori %shift_right_arithmetic3A_269, %or3A_270 : vector<16xi32>
      %add3A_272 = arith.constant 96 : i32
      %add3A_273 = vector.broadcast %add3A_272 : i32 to vector<16xi32>
      %add3A_274 = arith.addi %iota3A, %add3A_273 : vector<16xi32>
      %and3A_275 = arith.constant 31 : i32
      %and3A_276 = vector.broadcast %and3A_275 : i32 to vector<16xi32>
      %and3A_277 = arith.andi %add3A_274, %and3A_276 : vector<16xi32>
      %add3A_278 = arith.constant 50000 : i32
      %add3A_279 = vector.broadcast %add3A_278 : i32 to vector<16xi32>
      %add3A_280 = arith.addi %add3A_279, %and3A_277 : vector<16xi32>
      %not3A_281 = arith.constant dense<-1> : vector<16xi32>
      %not3A_282 = arith.xori %or3A_271, %not3A_281 : vector<16xi32>
      %and3A_283 = arith.andi %sub3A_262, %not3A_282 : vector<16xi32>
      %and3A_284 = arith.andi %add3A_280, %or3A_271 : vector<16xi32>
      %or3A_285 = arith.ori %and3A_283, %and3A_284 : vector<16xi32>
      %swap3A_286 = arith.constant 0 : i32
      %swap3A_287 = arith.index_cast %swap3A_286 : i32 to index
      %swap3A_288 = arith.constant 96 : index
      %swap3A_289 = tpu.vector_load %arg6[%swap3A_287, %swap3A_288] {strides = array<i32>} : memref<4x128xi32, #tpu.memory_space<vmem>>, vector<1x16xi32>,
      %swap3A_290 = vector.shape_cast %swap3A_289 : vector<1x16xi32> to vector<16xi32>
      %swap3A_291 = vector.shape_cast %or3A_285 : vector<16xi32> to vector<1x16xi32>
      tpu.vector_store %arg6[%swap3A_287, %swap3A_288], %swap3A_291 {strides = array<i32>} : memref<4x128xi32, #tpu.memory_space<vmem>>, vector<1x16xi32>,
      %get3A_292 = arith.constant 0 : i32
      %get3A_293 = arith.index_cast %get3A_292 : i32 to index
      %get3A_294 = arith.constant 112 : index
      %get3A_295 = tpu.vector_load %arg6[%get3A_293, %get3A_294] {strides = array<i32>} : memref<4x128xi32, #tpu.memory_space<vmem>>, vector<1x16xi32>,
      %get3A_296 = vector.shape_cast %get3A_295 : vector<1x16xi32> to vector<16xi32>
      %sub3A_297 = vector.broadcast %mul3A_0 : i32 to vector<16xi32>
      %sub3A_298 = arith.subi %get3A_296, %sub3A_297 : vector<16xi32>
      %sub3A_299 = arith.constant 49999 : i32
      %sub3A_300 = vector.broadcast %sub3A_299 : i32 to vector<16xi32>
      %sub3A_301 = arith.subi %sub3A_300, %sub3A_298 : vector<16xi32>
      %or3A_302 = arith.ori %sub3A_298, %sub3A_301 : vector<16xi32>
      %shift_right_arithmetic3A_303 = arith.constant 31 : i32
      %shift_right_arithmetic3A_304 = vector.broadcast %shift_right_arithmetic3A_303 : i32 to vector<16xi32>
      %shift_right_arithmetic3A_305 = arith.shrsi %or3A_302, %shift_right_arithmetic3A_304 : vector<16xi32>
      %or3A_306 = vector.broadcast %select_n3A : i32 to vector<16xi32>
      %or3A_307 = arith.ori %shift_right_arithmetic3A_305, %or3A_306 : vector<16xi32>
      %add3A_308 = arith.constant 112 : i32
      %add3A_309 = vector.broadcast %add3A_308 : i32 to vector<16xi32>
      %add3A_310 = arith.addi %iota3A, %add3A_309 : vector<16xi32>
      %and3A_311 = arith.constant 31 : i32
      %and3A_312 = vector.broadcast %and3A_311 : i32 to vector<16xi32>
      %and3A_313 = arith.andi %add3A_310, %and3A_312 : vector<16xi32>
      %add3A_314 = arith.constant 50000 : i32
      %add3A_315 = vector.broadcast %add3A_314 : i32 to vector<16xi32>
      %add3A_316 = arith.addi %add3A_315, %and3A_313 : vector<16xi32>
      %not3A_317 = arith.constant dense<-1> : vector<16xi32>
      %not3A_318 = arith.xori %or3A_307, %not3A_317 : vector<16xi32>
      %and3A_319 = arith.andi %sub3A_298, %not3A_318 : vector<16xi32>
      %and3A_320 = arith.andi %add3A_316, %or3A_307 : vector<16xi32>
      %or3A_321 = arith.ori %and3A_319, %and3A_320 : vector<16xi32>
      %swap3A_322 = arith.constant 0 : i32
      %swap3A_323 = arith.index_cast %swap3A_322 : i32 to index
      %swap3A_324 = arith.constant 112 : index
      %swap3A_325 = tpu.vector_load %arg6[%swap3A_323, %swap3A_324] {strides = array<i32>} : memref<4x128xi32, #tpu.memory_space<vmem>>, vector<1x16xi32>,
      %swap3A_326 = vector.shape_cast %swap3A_325 : vector<1x16xi32> to vector<16xi32>
      %swap3A_327 = vector.shape_cast %or3A_321 : vector<16xi32> to vector<1x16xi32>
      tpu.vector_store %arg6[%swap3A_323, %swap3A_324], %swap3A_327 {strides = array<i32>} : memref<4x128xi32, #tpu.memory_space<vmem>>, vector<1x16xi32>,
      %add3A_328 = arith.constant 1 : i32
      %add3A_329 = arith.addi %add3A_34, %add3A_328 : i32
      %lt3A_330 = arith.constant 12500 : i32
      %lt3A_331 = arith.cmpi slt, %add3A_329, %lt3A_330 : i32
      %jit3A_332 = arith.constant 0 : i32
      %jit3A_333 = arith.constant -1 : i32
      %select_n3A_334 = arith.select %lt3A_331, %jit3A_332, %jit3A_333 : i32
      %get3A_335 = arith.constant 1 : i32
      %get3A_336 = arith.index_cast %get3A_335 : i32 to index
      %get3A_337 = arith.constant 0 : index
      %get3A_338 = tpu.vector_load %arg6[%get3A_336, %get3A_337] {strides = array<i32>} : memref<4x128xi32, #tpu.memory_space<vmem>>, vector<1x16xi32>,
      %get3A_339 = vector.shape_cast %get3A_338 : vector<1x16xi32> to vector<16xi32>
      %sub3A_340 = vector.broadcast %mul3A_0 : i32 to vector<16xi32>
      %sub3A_341 = arith.subi %get3A_339, %sub3A_340 : vector<16xi32>
      %sub3A_342 = arith.constant 49999 : i32
      %sub3A_343 = vector.broadcast %sub3A_342 : i32 to vector<16xi32>
      %sub3A_344 = arith.subi %sub3A_343, %sub3A_341 : vector<16xi32>
      %or3A_345 = arith.ori %sub3A_341, %sub3A_344 : vector<16xi32>
      %shift_right_arithmetic3A_346 = arith.constant 31 : i32
      %shift_right_arithmetic3A_347 = vector.broadcast %shift_right_arithmetic3A_346 : i32 to vector<16xi32>
      %shift_right_arithmetic3A_348 = arith.shrsi %or3A_345, %shift_right_arithmetic3A_347 : vector<16xi32>
      %or3A_349 = vector.broadcast %select_n3A_334 : i32 to vector<16xi32>
      %or3A_350 = arith.ori %shift_right_arithmetic3A_348, %or3A_349 : vector<16xi32>
      %add3A_351 = arith.constant 0 : i32
      %add3A_352 = vector.broadcast %add3A_351 : i32 to vector<16xi32>
      %add3A_353 = arith.addi %iota3A, %add3A_352 : vector<16xi32>
      %and3A_354 = arith.constant 31 : i32
      %and3A_355 = vector.broadcast %and3A_354 : i32 to vector<16xi32>
      %and3A_356 = arith.andi %add3A_353, %and3A_355 : vector<16xi32>
      %add3A_357 = arith.constant 50000 : i32
      %add3A_358 = vector.broadcast %add3A_357 : i32 to vector<16xi32>
      %add3A_359 = arith.addi %add3A_358, %and3A_356 : vector<16xi32>
      %not3A_360 = arith.constant dense<-1> : vector<16xi32>
      %not3A_361 = arith.xori %or3A_350, %not3A_360 : vector<16xi32>
      %and3A_362 = arith.andi %sub3A_341, %not3A_361 : vector<16xi32>
      %and3A_363 = arith.andi %add3A_359, %or3A_350 : vector<16xi32>
      %or3A_364 = arith.ori %and3A_362, %and3A_363 : vector<16xi32>
      %swap3A_365 = arith.constant 1 : i32
      %swap3A_366 = arith.index_cast %swap3A_365 : i32 to index
      %swap3A_367 = arith.constant 0 : index
      %swap3A_368 = tpu.vector_load %arg6[%swap3A_366, %swap3A_367] {strides = array<i32>} : memref<4x128xi32, #tpu.memory_space<vmem>>, vector<1x16xi32>,
      %swap3A_369 = vector.shape_cast %swap3A_368 : vector<1x16xi32> to vector<16xi32>
      %swap3A_370 = vector.shape_cast %or3A_364 : vector<16xi32> to vector<1x16xi32>
      tpu.vector_store %arg6[%swap3A_366, %swap3A_367], %swap3A_370 {strides = array<i32>} : memref<4x128xi32, #tpu.memory_space<vmem>>, vector<1x16xi32>,
      %get3A_371 = arith.constant 1 : i32
      %get3A_372 = arith.index_cast %get3A_371 : i32 to index
      %get3A_373 = arith.constant 16 : index
      %get3A_374 = tpu.vector_load %arg6[%get3A_372, %get3A_373] {strides = array<i32>} : memref<4x128xi32, #tpu.memory_space<vmem>>, vector<1x16xi32>,
      %get3A_375 = vector.shape_cast %get3A_374 : vector<1x16xi32> to vector<16xi32>
      %sub3A_376 = vector.broadcast %mul3A_0 : i32 to vector<16xi32>
      %sub3A_377 = arith.subi %get3A_375, %sub3A_376 : vector<16xi32>
      %sub3A_378 = arith.constant 49999 : i32
      %sub3A_379 = vector.broadcast %sub3A_378 : i32 to vector<16xi32>
      %sub3A_380 = arith.subi %sub3A_379, %sub3A_377 : vector<16xi32>
      %or3A_381 = arith.ori %sub3A_377, %sub3A_380 : vector<16xi32>
      %shift_right_arithmetic3A_382 = arith.constant 31 : i32
      %shift_right_arithmetic3A_383 = vector.broadcast %shift_right_arithmetic3A_382 : i32 to vector<16xi32>
      %shift_right_arithmetic3A_384 = arith.shrsi %or3A_381, %shift_right_arithmetic3A_383 : vector<16xi32>
      %or3A_385 = vector.broadcast %select_n3A_334 : i32 to vector<16xi32>
      %or3A_386 = arith.ori %shift_right_arithmetic3A_384, %or3A_385 : vector<16xi32>
      %add3A_387 = arith.constant 16 : i32
      %add3A_388 = vector.broadcast %add3A_387 : i32 to vector<16xi32>
      %add3A_389 = arith.addi %iota3A, %add3A_388 : vector<16xi32>
      %and3A_390 = arith.constant 31 : i32
      %and3A_391 = vector.broadcast %and3A_390 : i32 to vector<16xi32>
      %and3A_392 = arith.andi %add3A_389, %and3A_391 : vector<16xi32>
      %add3A_393 = arith.constant 50000 : i32
      %add3A_394 = vector.broadcast %add3A_393 : i32 to vector<16xi32>
      %add3A_395 = arith.addi %add3A_394, %and3A_392 : vector<16xi32>
      %not3A_396 = arith.constant dense<-1> : vector<16xi32>
      %not3A_397 = arith.xori %or3A_386, %not3A_396 : vector<16xi32>
      %and3A_398 = arith.andi %sub3A_377, %not3A_397 : vector<16xi32>
      %and3A_399 = arith.andi %add3A_395, %or3A_386 : vector<16xi32>
      %or3A_400 = arith.ori %and3A_398, %and3A_399 : vector<16xi32>
      %swap3A_401 = arith.constant 1 : i32
      %swap3A_402 = arith.index_cast %swap3A_401 : i32 to index
      %swap3A_403 = arith.constant 16 : index
      %swap3A_404 = tpu.vector_load %arg6[%swap3A_402, %swap3A_403] {strides = array<i32>} : memref<4x128xi32, #tpu.memory_space<vmem>>, vector<1x16xi32>,
      %swap3A_405 = vector.shape_cast %swap3A_404 : vector<1x16xi32> to vector<16xi32>
      %swap3A_406 = vector.shape_cast %or3A_400 : vector<16xi32> to vector<1x16xi32>
      tpu.vector_store %arg6[%swap3A_402, %swap3A_403], %swap3A_406 {strides = array<i32>} : memref<4x128xi32, #tpu.memory_space<vmem>>, vector<1x16xi32>,
      %get3A_407 = arith.constant 1 : i32
      %get3A_408 = arith.index_cast %get3A_407 : i32 to index
      %get3A_409 = arith.constant 32 : index
      %get3A_410 = tpu.vector_load %arg6[%get3A_408, %get3A_409] {strides = array<i32>} : memref<4x128xi32, #tpu.memory_space<vmem>>, vector<1x16xi32>,
      %get3A_411 = vector.shape_cast %get3A_410 : vector<1x16xi32> to vector<16xi32>
      %sub3A_412 = vector.broadcast %mul3A_0 : i32 to vector<16xi32>
      %sub3A_413 = arith.subi %get3A_411, %sub3A_412 : vector<16xi32>
      %sub3A_414 = arith.constant 49999 : i32
      %sub3A_415 = vector.broadcast %sub3A_414 : i32 to vector<16xi32>
      %sub3A_416 = arith.subi %sub3A_415, %sub3A_413 : vector<16xi32>
      %or3A_417 = arith.ori %sub3A_413, %sub3A_416 : vector<16xi32>
      %shift_right_arithmetic3A_418 = arith.constant 31 : i32
      %shift_right_arithmetic3A_419 = vector.broadcast %shift_right_arithmetic3A_418 : i32 to vector<16xi32>
      %shift_right_arithmetic3A_420 = arith.shrsi %or3A_417, %shift_right_arithmetic3A_419 : vector<16xi32>
      %or3A_421 = vector.broadcast %select_n3A_334 : i32 to vector<16xi32>
      %or3A_422 = arith.ori %shift_right_arithmetic3A_420, %or3A_421 : vector<16xi32>
      %add3A_423 = arith.constant 32 : i32
      %add3A_424 = vector.broadcast %add3A_423 : i32 to vector<16xi32>
      %add3A_425 = arith.addi %iota3A, %add3A_424 : vector<16xi32>
      %and3A_426 = arith.constant 31 : i32
      %and3A_427 = vector.broadcast %and3A_426 : i32 to vector<16xi32>
      %and3A_428 = arith.andi %add3A_425, %and3A_427 : vector<16xi32>
      %add3A_429 = arith.constant 50000 : i32
      %add3A_430 = vector.broadcast %add3A_429 : i32 to vector<16xi32>
      %add3A_431 = arith.addi %add3A_430, %and3A_428 : vector<16xi32>
      %not3A_432 = arith.constant dense<-1> : vector<16xi32>
      %not3A_433 = arith.xori %or3A_422, %not3A_432 : vector<16xi32>
      %and3A_434 = arith.andi %sub3A_413, %not3A_433 : vector<16xi32>
      %and3A_435 = arith.andi %add3A_431, %or3A_422 : vector<16xi32>
      %or3A_436 = arith.ori %and3A_434, %and3A_435 : vector<16xi32>
      %swap3A_437 = arith.constant 1 : i32
      %swap3A_438 = arith.index_cast %swap3A_437 : i32 to index
      %swap3A_439 = arith.constant 32 : index
      %swap3A_440 = tpu.vector_load %arg6[%swap3A_438, %swap3A_439] {strides = array<i32>} : memref<4x128xi32, #tpu.memory_space<vmem>>, vector<1x16xi32>,
      %swap3A_441 = vector.shape_cast %swap3A_440 : vector<1x16xi32> to vector<16xi32>
      %swap3A_442 = vector.shape_cast %or3A_436 : vector<16xi32> to vector<1x16xi32>
      tpu.vector_store %arg6[%swap3A_438, %swap3A_439], %swap3A_442 {strides = array<i32>} : memref<4x128xi32, #tpu.memory_space<vmem>>, vector<1x16xi32>,
      %get3A_443 = arith.constant 1 : i32
      %get3A_444 = arith.index_cast %get3A_443 : i32 to index
      %get3A_445 = arith.constant 48 : index
      %get3A_446 = tpu.vector_load %arg6[%get3A_444, %get3A_445] {strides = array<i32>} : memref<4x128xi32, #tpu.memory_space<vmem>>, vector<1x16xi32>,
      %get3A_447 = vector.shape_cast %get3A_446 : vector<1x16xi32> to vector<16xi32>
      %sub3A_448 = vector.broadcast %mul3A_0 : i32 to vector<16xi32>
      %sub3A_449 = arith.subi %get3A_447, %sub3A_448 : vector<16xi32>
      %sub3A_450 = arith.constant 49999 : i32
      %sub3A_451 = vector.broadcast %sub3A_450 : i32 to vector<16xi32>
      %sub3A_452 = arith.subi %sub3A_451, %sub3A_449 : vector<16xi32>
      %or3A_453 = arith.ori %sub3A_449, %sub3A_452 : vector<16xi32>
      %shift_right_arithmetic3A_454 = arith.constant 31 : i32
      %shift_right_arithmetic3A_455 = vector.broadcast %shift_right_arithmetic3A_454 : i32 to vector<16xi32>
      %shift_right_arithmetic3A_456 = arith.shrsi %or3A_453, %shift_right_arithmetic3A_455 : vector<16xi32>
      %or3A_457 = vector.broadcast %select_n3A_334 : i32 to vector<16xi32>
      %or3A_458 = arith.ori %shift_right_arithmetic3A_456, %or3A_457 : vector<16xi32>
      %add3A_459 = arith.constant 48 : i32
      %add3A_460 = vector.broadcast %add3A_459 : i32 to vector<16xi32>
      %add3A_461 = arith.addi %iota3A, %add3A_460 : vector<16xi32>
      %and3A_462 = arith.constant 31 : i32
      %and3A_463 = vector.broadcast %and3A_462 : i32 to vector<16xi32>
      %and3A_464 = arith.andi %add3A_461, %and3A_463 : vector<16xi32>
      %add3A_465 = arith.constant 50000 : i32
      %add3A_466 = vector.broadcast %add3A_465 : i32 to vector<16xi32>
      %add3A_467 = arith.addi %add3A_466, %and3A_464 : vector<16xi32>
      %not3A_468 = arith.constant dense<-1> : vector<16xi32>
      %not3A_469 = arith.xori %or3A_458, %not3A_468 : vector<16xi32>
      %and3A_470 = arith.andi %sub3A_449, %not3A_469 : vector<16xi32>
      %and3A_471 = arith.andi %add3A_467, %or3A_458 : vector<16xi32>
      %or3A_472 = arith.ori %and3A_470, %and3A_471 : vector<16xi32>
      %swap3A_473 = arith.constant 1 : i32
      %swap3A_474 = arith.index_cast %swap3A_473 : i32 to index
      %swap3A_475 = arith.constant 48 : index
      %swap3A_476 = tpu.vector_load %arg6[%swap3A_474, %swap3A_475] {strides = array<i32>} : memref<4x128xi32, #tpu.memory_space<vmem>>, vector<1x16xi32>,
      %swap3A_477 = vector.shape_cast %swap3A_476 : vector<1x16xi32> to vector<16xi32>
      %swap3A_478 = vector.shape_cast %or3A_472 : vector<16xi32> to vector<1x16xi32>
      tpu.vector_store %arg6[%swap3A_474, %swap3A_475], %swap3A_478 {strides = array<i32>} : memref<4x128xi32, #tpu.memory_space<vmem>>, vector<1x16xi32>,
      %get3A_479 = arith.constant 1 : i32
      %get3A_480 = arith.index_cast %get3A_479 : i32 to index
      %get3A_481 = arith.constant 64 : index
      %get3A_482 = tpu.vector_load %arg6[%get3A_480, %get3A_481] {strides = array<i32>} : memref<4x128xi32, #tpu.memory_space<vmem>>, vector<1x16xi32>,
      %get3A_483 = vector.shape_cast %get3A_482 : vector<1x16xi32> to vector<16xi32>
      %sub3A_484 = vector.broadcast %mul3A_0 : i32 to vector<16xi32>
      %sub3A_485 = arith.subi %get3A_483, %sub3A_484 : vector<16xi32>
      %sub3A_486 = arith.constant 49999 : i32
      %sub3A_487 = vector.broadcast %sub3A_486 : i32 to vector<16xi32>
      %sub3A_488 = arith.subi %sub3A_487, %sub3A_485 : vector<16xi32>
      %or3A_489 = arith.ori %sub3A_485, %sub3A_488 : vector<16xi32>
      %shift_right_arithmetic3A_490 = arith.constant 31 : i32
      %shift_right_arithmetic3A_491 = vector.broadcast %shift_right_arithmetic3A_490 : i32 to vector<16xi32>
      %shift_right_arithmetic3A_492 = arith.shrsi %or3A_489, %shift_right_arithmetic3A_491 : vector<16xi32>
      %or3A_493 = vector.broadcast %select_n3A_334 : i32 to vector<16xi32>
      %or3A_494 = arith.ori %shift_right_arithmetic3A_492, %or3A_493 : vector<16xi32>
      %add3A_495 = arith.constant 64 : i32
      %add3A_496 = vector.broadcast %add3A_495 : i32 to vector<16xi32>
      %add3A_497 = arith.addi %iota3A, %add3A_496 : vector<16xi32>
      %and3A_498 = arith.constant 31 : i32
      %and3A_499 = vector.broadcast %and3A_498 : i32 to vector<16xi32>
      %and3A_500 = arith.andi %add3A_497, %and3A_499 : vector<16xi32>
      %add3A_501 = arith.constant 50000 : i32
      %add3A_502 = vector.broadcast %add3A_501 : i32 to vector<16xi32>
      %add3A_503 = arith.addi %add3A_502, %and3A_500 : vector<16xi32>
      %not3A_504 = arith.constant dense<-1> : vector<16xi32>
      %not3A_505 = arith.xori %or3A_494, %not3A_504 : vector<16xi32>
      %and3A_506 = arith.andi %sub3A_485, %not3A_505 : vector<16xi32>
      %and3A_507 = arith.andi %add3A_503, %or3A_494 : vector<16xi32>
      %or3A_508 = arith.ori %and3A_506, %and3A_507 : vector<16xi32>
      %swap3A_509 = arith.constant 1 : i32
      %swap3A_510 = arith.index_cast %swap3A_509 : i32 to index
      %swap3A_511 = arith.constant 64 : index
      %swap3A_512 = tpu.vector_load %arg6[%swap3A_510, %swap3A_511] {strides = array<i32>} : memref<4x128xi32, #tpu.memory_space<vmem>>, vector<1x16xi32>,
      %swap3A_513 = vector.shape_cast %swap3A_512 : vector<1x16xi32> to vector<16xi32>
      %swap3A_514 = vector.shape_cast %or3A_508 : vector<16xi32> to vector<1x16xi32>
      tpu.vector_store %arg6[%swap3A_510, %swap3A_511], %swap3A_514 {strides = array<i32>} : memref<4x128xi32, #tpu.memory_space<vmem>>, vector<1x16xi32>,
      %get3A_515 = arith.constant 1 : i32
      %get3A_516 = arith.index_cast %get3A_515 : i32 to index
      %get3A_517 = arith.constant 80 : index
      %get3A_518 = tpu.vector_load %arg6[%get3A_516, %get3A_517] {strides = array<i32>} : memref<4x128xi32, #tpu.memory_space<vmem>>, vector<1x16xi32>,
      %get3A_519 = vector.shape_cast %get3A_518 : vector<1x16xi32> to vector<16xi32>
      %sub3A_520 = vector.broadcast %mul3A_0 : i32 to vector<16xi32>
      %sub3A_521 = arith.subi %get3A_519, %sub3A_520 : vector<16xi32>
      %sub3A_522 = arith.constant 49999 : i32
      %sub3A_523 = vector.broadcast %sub3A_522 : i32 to vector<16xi32>
      %sub3A_524 = arith.subi %sub3A_523, %sub3A_521 : vector<16xi32>
      %or3A_525 = arith.ori %sub3A_521, %sub3A_524 : vector<16xi32>
      %shift_right_arithmetic3A_526 = arith.constant 31 : i32
      %shift_right_arithmetic3A_527 = vector.broadcast %shift_right_arithmetic3A_526 : i32 to vector<16xi32>
      %shift_right_arithmetic3A_528 = arith.shrsi %or3A_525, %shift_right_arithmetic3A_527 : vector<16xi32>
      %or3A_529 = vector.broadcast %select_n3A_334 : i32 to vector<16xi32>
      %or3A_530 = arith.ori %shift_right_arithmetic3A_528, %or3A_529 : vector<16xi32>
      %add3A_531 = arith.constant 80 : i32
      %add3A_532 = vector.broadcast %add3A_531 : i32 to vector<16xi32>
      %add3A_533 = arith.addi %iota3A, %add3A_532 : vector<16xi32>
      %and3A_534 = arith.constant 31 : i32
      %and3A_535 = vector.broadcast %and3A_534 : i32 to vector<16xi32>
      %and3A_536 = arith.andi %add3A_533, %and3A_535 : vector<16xi32>
      %add3A_537 = arith.constant 50000 : i32
      %add3A_538 = vector.broadcast %add3A_537 : i32 to vector<16xi32>
      %add3A_539 = arith.addi %add3A_538, %and3A_536 : vector<16xi32>
      %not3A_540 = arith.constant dense<-1> : vector<16xi32>
      %not3A_541 = arith.xori %or3A_530, %not3A_540 : vector<16xi32>
      %and3A_542 = arith.andi %sub3A_521, %not3A_541 : vector<16xi32>
      %and3A_543 = arith.andi %add3A_539, %or3A_530 : vector<16xi32>
      %or3A_544 = arith.ori %and3A_542, %and3A_543 : vector<16xi32>
      %swap3A_545 = arith.constant 1 : i32
      %swap3A_546 = arith.index_cast %swap3A_545 : i32 to index
      %swap3A_547 = arith.constant 80 : index
      %swap3A_548 = tpu.vector_load %arg6[%swap3A_546, %swap3A_547] {strides = array<i32>} : memref<4x128xi32, #tpu.memory_space<vmem>>, vector<1x16xi32>,
      %swap3A_549 = vector.shape_cast %swap3A_548 : vector<1x16xi32> to vector<16xi32>
      %swap3A_550 = vector.shape_cast %or3A_544 : vector<16xi32> to vector<1x16xi32>
      tpu.vector_store %arg6[%swap3A_546, %swap3A_547], %swap3A_550 {strides = array<i32>} : memref<4x128xi32, #tpu.memory_space<vmem>>, vector<1x16xi32>,
      %get3A_551 = arith.constant 1 : i32
      %get3A_552 = arith.index_cast %get3A_551 : i32 to index
      %get3A_553 = arith.constant 96 : index
      %get3A_554 = tpu.vector_load %arg6[%get3A_552, %get3A_553] {strides = array<i32>} : memref<4x128xi32, #tpu.memory_space<vmem>>, vector<1x16xi32>,
      %get3A_555 = vector.shape_cast %get3A_554 : vector<1x16xi32> to vector<16xi32>
      %sub3A_556 = vector.broadcast %mul3A_0 : i32 to vector<16xi32>
      %sub3A_557 = arith.subi %get3A_555, %sub3A_556 : vector<16xi32>
      %sub3A_558 = arith.constant 49999 : i32
      %sub3A_559 = vector.broadcast %sub3A_558 : i32 to vector<16xi32>
      %sub3A_560 = arith.subi %sub3A_559, %sub3A_557 : vector<16xi32>
      %or3A_561 = arith.ori %sub3A_557, %sub3A_560 : vector<16xi32>
      %shift_right_arithmetic3A_562 = arith.constant 31 : i32
      %shift_right_arithmetic3A_563 = vector.broadcast %shift_right_arithmetic3A_562 : i32 to vector<16xi32>
      %shift_right_arithmetic3A_564 = arith.shrsi %or3A_561, %shift_right_arithmetic3A_563 : vector<16xi32>
      %or3A_565 = vector.broadcast %select_n3A_334 : i32 to vector<16xi32>
      %or3A_566 = arith.ori %shift_right_arithmetic3A_564, %or3A_565 : vector<16xi32>
      %add3A_567 = arith.constant 96 : i32
      %add3A_568 = vector.broadcast %add3A_567 : i32 to vector<16xi32>
      %add3A_569 = arith.addi %iota3A, %add3A_568 : vector<16xi32>
      %and3A_570 = arith.constant 31 : i32
      %and3A_571 = vector.broadcast %and3A_570 : i32 to vector<16xi32>
      %and3A_572 = arith.andi %add3A_569, %and3A_571 : vector<16xi32>
      %add3A_573 = arith.constant 50000 : i32
      %add3A_574 = vector.broadcast %add3A_573 : i32 to vector<16xi32>
      %add3A_575 = arith.addi %add3A_574, %and3A_572 : vector<16xi32>
      %not3A_576 = arith.constant dense<-1> : vector<16xi32>
      %not3A_577 = arith.xori %or3A_566, %not3A_576 : vector<16xi32>
      %and3A_578 = arith.andi %sub3A_557, %not3A_577 : vector<16xi32>
      %and3A_579 = arith.andi %add3A_575, %or3A_566 : vector<16xi32>
      %or3A_580 = arith.ori %and3A_578, %and3A_579 : vector<16xi32>
      %swap3A_581 = arith.constant 1 : i32
      %swap3A_582 = arith.index_cast %swap3A_581 : i32 to index
      %swap3A_583 = arith.constant 96 : index
      %swap3A_584 = tpu.vector_load %arg6[%swap3A_582, %swap3A_583] {strides = array<i32>} : memref<4x128xi32, #tpu.memory_space<vmem>>, vector<1x16xi32>,
      %swap3A_585 = vector.shape_cast %swap3A_584 : vector<1x16xi32> to vector<16xi32>
      %swap3A_586 = vector.shape_cast %or3A_580 : vector<16xi32> to vector<1x16xi32>
      tpu.vector_store %arg6[%swap3A_582, %swap3A_583], %swap3A_586 {strides = array<i32>} : memref<4x128xi32, #tpu.memory_space<vmem>>, vector<1x16xi32>,
      %get3A_587 = arith.constant 1 : i32
      %get3A_588 = arith.index_cast %get3A_587 : i32 to index
      %get3A_589 = arith.constant 112 : index
      %get3A_590 = tpu.vector_load %arg6[%get3A_588, %get3A_589] {strides = array<i32>} : memref<4x128xi32, #tpu.memory_space<vmem>>, vector<1x16xi32>,
      %get3A_591 = vector.shape_cast %get3A_590 : vector<1x16xi32> to vector<16xi32>
      %sub3A_592 = vector.broadcast %mul3A_0 : i32 to vector<16xi32>
      %sub3A_593 = arith.subi %get3A_591, %sub3A_592 : vector<16xi32>
      %sub3A_594 = arith.constant 49999 : i32
      %sub3A_595 = vector.broadcast %sub3A_594 : i32 to vector<16xi32>
      %sub3A_596 = arith.subi %sub3A_595, %sub3A_593 : vector<16xi32>
      %or3A_597 = arith.ori %sub3A_593, %sub3A_596 : vector<16xi32>
      %shift_right_arithmetic3A_598 = arith.constant 31 : i32
      %shift_right_arithmetic3A_599 = vector.broadcast %shift_right_arithmetic3A_598 : i32 to vector<16xi32>
      %shift_right_arithmetic3A_600 = arith.shrsi %or3A_597, %shift_right_arithmetic3A_599 : vector<16xi32>
      %or3A_601 = vector.broadcast %select_n3A_334 : i32 to vector<16xi32>
      %or3A_602 = arith.ori %shift_right_arithmetic3A_600, %or3A_601 : vector<16xi32>
      %add3A_603 = arith.constant 112 : i32
      %add3A_604 = vector.broadcast %add3A_603 : i32 to vector<16xi32>
      %add3A_605 = arith.addi %iota3A, %add3A_604 : vector<16xi32>
      %and3A_606 = arith.constant 31 : i32
      %and3A_607 = vector.broadcast %and3A_606 : i32 to vector<16xi32>
      %and3A_608 = arith.andi %add3A_605, %and3A_607 : vector<16xi32>
      %add3A_609 = arith.constant 50000 : i32
      %add3A_610 = vector.broadcast %add3A_609 : i32 to vector<16xi32>
      %add3A_611 = arith.addi %add3A_610, %and3A_608 : vector<16xi32>
      %not3A_612 = arith.constant dense<-1> : vector<16xi32>
      %not3A_613 = arith.xori %or3A_602, %not3A_612 : vector<16xi32>
      %and3A_614 = arith.andi %sub3A_593, %not3A_613 : vector<16xi32>
      %and3A_615 = arith.andi %add3A_611, %or3A_602 : vector<16xi32>
      %or3A_616 = arith.ori %and3A_614, %and3A_615 : vector<16xi32>
      %swap3A_617 = arith.constant 1 : i32
      %swap3A_618 = arith.index_cast %swap3A_617 : i32 to index
      %swap3A_619 = arith.constant 112 : index
      %swap3A_620 = tpu.vector_load %arg6[%swap3A_618, %swap3A_619] {strides = array<i32>} : memref<4x128xi32, #tpu.memory_space<vmem>>, vector<1x16xi32>,
      %swap3A_621 = vector.shape_cast %swap3A_620 : vector<1x16xi32> to vector<16xi32>
      %swap3A_622 = vector.shape_cast %or3A_616 : vector<16xi32> to vector<1x16xi32>
      tpu.vector_store %arg6[%swap3A_618, %swap3A_619], %swap3A_622 {strides = array<i32>} : memref<4x128xi32, #tpu.memory_space<vmem>>, vector<1x16xi32>,
      %add3A_623 = arith.constant 2 : i32
      %add3A_624 = arith.addi %add3A_34, %add3A_623 : i32
      %lt3A_625 = arith.constant 12500 : i32
      %lt3A_626 = arith.cmpi slt, %add3A_624, %lt3A_625 : i32
      %jit3A_627 = arith.constant 0 : i32
      %jit3A_628 = arith.constant -1 : i32
      %select_n3A_629 = arith.select %lt3A_626, %jit3A_627, %jit3A_628 : i32
      %get3A_630 = arith.constant 2 : i32
      %get3A_631 = arith.index_cast %get3A_630 : i32 to index
      %get3A_632 = arith.constant 0 : index
      %get3A_633 = tpu.vector_load %arg6[%get3A_631, %get3A_632] {strides = array<i32>} : memref<4x128xi32, #tpu.memory_space<vmem>>, vector<1x16xi32>,
      %get3A_634 = vector.shape_cast %get3A_633 : vector<1x16xi32> to vector<16xi32>
      %sub3A_635 = vector.broadcast %mul3A_0 : i32 to vector<16xi32>
      %sub3A_636 = arith.subi %get3A_634, %sub3A_635 : vector<16xi32>
      %sub3A_637 = arith.constant 49999 : i32
      %sub3A_638 = vector.broadcast %sub3A_637 : i32 to vector<16xi32>
      %sub3A_639 = arith.subi %sub3A_638, %sub3A_636 : vector<16xi32>
      %or3A_640 = arith.ori %sub3A_636, %sub3A_639 : vector<16xi32>
      %shift_right_arithmetic3A_641 = arith.constant 31 : i32
      %shift_right_arithmetic3A_642 = vector.broadcast %shift_right_arithmetic3A_641 : i32 to vector<16xi32>
      %shift_right_arithmetic3A_643 = arith.shrsi %or3A_640, %shift_right_arithmetic3A_642 : vector<16xi32>
      %or3A_644 = vector.broadcast %select_n3A_629 : i32 to vector<16xi32>
      %or3A_645 = arith.ori %shift_right_arithmetic3A_643, %or3A_644 : vector<16xi32>
      %add3A_646 = arith.constant 0 : i32
      %add3A_647 = vector.broadcast %add3A_646 : i32 to vector<16xi32>
      %add3A_648 = arith.addi %iota3A, %add3A_647 : vector<16xi32>
      %and3A_649 = arith.constant 31 : i32
      %and3A_650 = vector.broadcast %and3A_649 : i32 to vector<16xi32>
      %and3A_651 = arith.andi %add3A_648, %and3A_650 : vector<16xi32>
      %add3A_652 = arith.constant 50000 : i32
      %add3A_653 = vector.broadcast %add3A_652 : i32 to vector<16xi32>
      %add3A_654 = arith.addi %add3A_653, %and3A_651 : vector<16xi32>
      %not3A_655 = arith.constant dense<-1> : vector<16xi32>
      %not3A_656 = arith.xori %or3A_645, %not3A_655 : vector<16xi32>
      %and3A_657 = arith.andi %sub3A_636, %not3A_656 : vector<16xi32>
      %and3A_658 = arith.andi %add3A_654, %or3A_645 : vector<16xi32>
      %or3A_659 = arith.ori %and3A_657, %and3A_658 : vector<16xi32>
      %swap3A_660 = arith.constant 2 : i32
      %swap3A_661 = arith.index_cast %swap3A_660 : i32 to index
      %swap3A_662 = arith.constant 0 : index
      %swap3A_663 = tpu.vector_load %arg6[%swap3A_661, %swap3A_662] {strides = array<i32>} : memref<4x128xi32, #tpu.memory_space<vmem>>, vector<1x16xi32>,
      %swap3A_664 = vector.shape_cast %swap3A_663 : vector<1x16xi32> to vector<16xi32>
      %swap3A_665 = vector.shape_cast %or3A_659 : vector<16xi32> to vector<1x16xi32>
      tpu.vector_store %arg6[%swap3A_661, %swap3A_662], %swap3A_665 {strides = array<i32>} : memref<4x128xi32, #tpu.memory_space<vmem>>, vector<1x16xi32>,
      %get3A_666 = arith.constant 2 : i32
      %get3A_667 = arith.index_cast %get3A_666 : i32 to index
      %get3A_668 = arith.constant 16 : index
      %get3A_669 = tpu.vector_load %arg6[%get3A_667, %get3A_668] {strides = array<i32>} : memref<4x128xi32, #tpu.memory_space<vmem>>, vector<1x16xi32>,
      %get3A_670 = vector.shape_cast %get3A_669 : vector<1x16xi32> to vector<16xi32>
      %sub3A_671 = vector.broadcast %mul3A_0 : i32 to vector<16xi32>
      %sub3A_672 = arith.subi %get3A_670, %sub3A_671 : vector<16xi32>
      %sub3A_673 = arith.constant 49999 : i32
      %sub3A_674 = vector.broadcast %sub3A_673 : i32 to vector<16xi32>
      %sub3A_675 = arith.subi %sub3A_674, %sub3A_672 : vector<16xi32>
      %or3A_676 = arith.ori %sub3A_672, %sub3A_675 : vector<16xi32>
      %shift_right_arithmetic3A_677 = arith.constant 31 : i32
      %shift_right_arithmetic3A_678 = vector.broadcast %shift_right_arithmetic3A_677 : i32 to vector<16xi32>
      %shift_right_arithmetic3A_679 = arith.shrsi %or3A_676, %shift_right_arithmetic3A_678 : vector<16xi32>
      %or3A_680 = vector.broadcast %select_n3A_629 : i32 to vector<16xi32>
      %or3A_681 = arith.ori %shift_right_arithmetic3A_679, %or3A_680 : vector<16xi32>
      %add3A_682 = arith.constant 16 : i32
      %add3A_683 = vector.broadcast %add3A_682 : i32 to vector<16xi32>
      %add3A_684 = arith.addi %iota3A, %add3A_683 : vector<16xi32>
      %and3A_685 = arith.constant 31 : i32
      %and3A_686 = vector.broadcast %and3A_685 : i32 to vector<16xi32>
      %and3A_687 = arith.andi %add3A_684, %and3A_686 : vector<16xi32>
      %add3A_688 = arith.constant 50000 : i32
      %add3A_689 = vector.broadcast %add3A_688 : i32 to vector<16xi32>
      %add3A_690 = arith.addi %add3A_689, %and3A_687 : vector<16xi32>
      %not3A_691 = arith.constant dense<-1> : vector<16xi32>
      %not3A_692 = arith.xori %or3A_681, %not3A_691 : vector<16xi32>
      %and3A_693 = arith.andi %sub3A_672, %not3A_692 : vector<16xi32>
      %and3A_694 = arith.andi %add3A_690, %or3A_681 : vector<16xi32>
      %or3A_695 = arith.ori %and3A_693, %and3A_694 : vector<16xi32>
      %swap3A_696 = arith.constant 2 : i32
      %swap3A_697 = arith.index_cast %swap3A_696 : i32 to index
      %swap3A_698 = arith.constant 16 : index
      %swap3A_699 = tpu.vector_load %arg6[%swap3A_697, %swap3A_698] {strides = array<i32>} : memref<4x128xi32, #tpu.memory_space<vmem>>, vector<1x16xi32>,
      %swap3A_700 = vector.shape_cast %swap3A_699 : vector<1x16xi32> to vector<16xi32>
      %swap3A_701 = vector.shape_cast %or3A_695 : vector<16xi32> to vector<1x16xi32>
      tpu.vector_store %arg6[%swap3A_697, %swap3A_698], %swap3A_701 {strides = array<i32>} : memref<4x128xi32, #tpu.memory_space<vmem>>, vector<1x16xi32>,
      %get3A_702 = arith.constant 2 : i32
      %get3A_703 = arith.index_cast %get3A_702 : i32 to index
      %get3A_704 = arith.constant 32 : index
      %get3A_705 = tpu.vector_load %arg6[%get3A_703, %get3A_704] {strides = array<i32>} : memref<4x128xi32, #tpu.memory_space<vmem>>, vector<1x16xi32>,
      %get3A_706 = vector.shape_cast %get3A_705 : vector<1x16xi32> to vector<16xi32>
      %sub3A_707 = vector.broadcast %mul3A_0 : i32 to vector<16xi32>
      %sub3A_708 = arith.subi %get3A_706, %sub3A_707 : vector<16xi32>
      %sub3A_709 = arith.constant 49999 : i32
      %sub3A_710 = vector.broadcast %sub3A_709 : i32 to vector<16xi32>
      %sub3A_711 = arith.subi %sub3A_710, %sub3A_708 : vector<16xi32>
      %or3A_712 = arith.ori %sub3A_708, %sub3A_711 : vector<16xi32>
      %shift_right_arithmetic3A_713 = arith.constant 31 : i32
      %shift_right_arithmetic3A_714 = vector.broadcast %shift_right_arithmetic3A_713 : i32 to vector<16xi32>
      %shift_right_arithmetic3A_715 = arith.shrsi %or3A_712, %shift_right_arithmetic3A_714 : vector<16xi32>
      %or3A_716 = vector.broadcast %select_n3A_629 : i32 to vector<16xi32>
      %or3A_717 = arith.ori %shift_right_arithmetic3A_715, %or3A_716 : vector<16xi32>
      %add3A_718 = arith.constant 32 : i32
      %add3A_719 = vector.broadcast %add3A_718 : i32 to vector<16xi32>
      %add3A_720 = arith.addi %iota3A, %add3A_719 : vector<16xi32>
      %and3A_721 = arith.constant 31 : i32
      %and3A_722 = vector.broadcast %and3A_721 : i32 to vector<16xi32>
      %and3A_723 = arith.andi %add3A_720, %and3A_722 : vector<16xi32>
      %add3A_724 = arith.constant 50000 : i32
      %add3A_725 = vector.broadcast %add3A_724 : i32 to vector<16xi32>
      %add3A_726 = arith.addi %add3A_725, %and3A_723 : vector<16xi32>
      %not3A_727 = arith.constant dense<-1> : vector<16xi32>
      %not3A_728 = arith.xori %or3A_717, %not3A_727 : vector<16xi32>
      %and3A_729 = arith.andi %sub3A_708, %not3A_728 : vector<16xi32>
      %and3A_730 = arith.andi %add3A_726, %or3A_717 : vector<16xi32>
      %or3A_731 = arith.ori %and3A_729, %and3A_730 : vector<16xi32>
      %swap3A_732 = arith.constant 2 : i32
      %swap3A_733 = arith.index_cast %swap3A_732 : i32 to index
      %swap3A_734 = arith.constant 32 : index
      %swap3A_735 = tpu.vector_load %arg6[%swap3A_733, %swap3A_734] {strides = array<i32>} : memref<4x128xi32, #tpu.memory_space<vmem>>, vector<1x16xi32>,
      %swap3A_736 = vector.shape_cast %swap3A_735 : vector<1x16xi32> to vector<16xi32>
      %swap3A_737 = vector.shape_cast %or3A_731 : vector<16xi32> to vector<1x16xi32>
      tpu.vector_store %arg6[%swap3A_733, %swap3A_734], %swap3A_737 {strides = array<i32>} : memref<4x128xi32, #tpu.memory_space<vmem>>, vector<1x16xi32>,
      %get3A_738 = arith.constant 2 : i32
      %get3A_739 = arith.index_cast %get3A_738 : i32 to index
      %get3A_740 = arith.constant 48 : index
      %get3A_741 = tpu.vector_load %arg6[%get3A_739, %get3A_740] {strides = array<i32>} : memref<4x128xi32, #tpu.memory_space<vmem>>, vector<1x16xi32>,
      %get3A_742 = vector.shape_cast %get3A_741 : vector<1x16xi32> to vector<16xi32>
      %sub3A_743 = vector.broadcast %mul3A_0 : i32 to vector<16xi32>
      %sub3A_744 = arith.subi %get3A_742, %sub3A_743 : vector<16xi32>
      %sub3A_745 = arith.constant 49999 : i32
      %sub3A_746 = vector.broadcast %sub3A_745 : i32 to vector<16xi32>
      %sub3A_747 = arith.subi %sub3A_746, %sub3A_744 : vector<16xi32>
      %or3A_748 = arith.ori %sub3A_744, %sub3A_747 : vector<16xi32>
      %shift_right_arithmetic3A_749 = arith.constant 31 : i32
      %shift_right_arithmetic3A_750 = vector.broadcast %shift_right_arithmetic3A_749 : i32 to vector<16xi32>
      %shift_right_arithmetic3A_751 = arith.shrsi %or3A_748, %shift_right_arithmetic3A_750 : vector<16xi32>
      %or3A_752 = vector.broadcast %select_n3A_629 : i32 to vector<16xi32>
      %or3A_753 = arith.ori %shift_right_arithmetic3A_751, %or3A_752 : vector<16xi32>
      %add3A_754 = arith.constant 48 : i32
      %add3A_755 = vector.broadcast %add3A_754 : i32 to vector<16xi32>
      %add3A_756 = arith.addi %iota3A, %add3A_755 : vector<16xi32>
      %and3A_757 = arith.constant 31 : i32
      %and3A_758 = vector.broadcast %and3A_757 : i32 to vector<16xi32>
      %and3A_759 = arith.andi %add3A_756, %and3A_758 : vector<16xi32>
      %add3A_760 = arith.constant 50000 : i32
      %add3A_761 = vector.broadcast %add3A_760 : i32 to vector<16xi32>
      %add3A_762 = arith.addi %add3A_761, %and3A_759 : vector<16xi32>
      %not3A_763 = arith.constant dense<-1> : vector<16xi32>
      %not3A_764 = arith.xori %or3A_753, %not3A_763 : vector<16xi32>
      %and3A_765 = arith.andi %sub3A_744, %not3A_764 : vector<16xi32>
      %and3A_766 = arith.andi %add3A_762, %or3A_753 : vector<16xi32>
      %or3A_767 = arith.ori %and3A_765, %and3A_766 : vector<16xi32>
      %swap3A_768 = arith.constant 2 : i32
      %swap3A_769 = arith.index_cast %swap3A_768 : i32 to index
      %swap3A_770 = arith.constant 48 : index
      %swap3A_771 = tpu.vector_load %arg6[%swap3A_769, %swap3A_770] {strides = array<i32>} : memref<4x128xi32, #tpu.memory_space<vmem>>, vector<1x16xi32>,
      %swap3A_772 = vector.shape_cast %swap3A_771 : vector<1x16xi32> to vector<16xi32>
      %swap3A_773 = vector.shape_cast %or3A_767 : vector<16xi32> to vector<1x16xi32>
      tpu.vector_store %arg6[%swap3A_769, %swap3A_770], %swap3A_773 {strides = array<i32>} : memref<4x128xi32, #tpu.memory_space<vmem>>, vector<1x16xi32>,
      %get3A_774 = arith.constant 2 : i32
      %get3A_775 = arith.index_cast %get3A_774 : i32 to index
      %get3A_776 = arith.constant 64 : index
      %get3A_777 = tpu.vector_load %arg6[%get3A_775, %get3A_776] {strides = array<i32>} : memref<4x128xi32, #tpu.memory_space<vmem>>, vector<1x16xi32>,
      %get3A_778 = vector.shape_cast %get3A_777 : vector<1x16xi32> to vector<16xi32>
      %sub3A_779 = vector.broadcast %mul3A_0 : i32 to vector<16xi32>
      %sub3A_780 = arith.subi %get3A_778, %sub3A_779 : vector<16xi32>
      %sub3A_781 = arith.constant 49999 : i32
      %sub3A_782 = vector.broadcast %sub3A_781 : i32 to vector<16xi32>
      %sub3A_783 = arith.subi %sub3A_782, %sub3A_780 : vector<16xi32>
      %or3A_784 = arith.ori %sub3A_780, %sub3A_783 : vector<16xi32>
      %shift_right_arithmetic3A_785 = arith.constant 31 : i32
      %shift_right_arithmetic3A_786 = vector.broadcast %shift_right_arithmetic3A_785 : i32 to vector<16xi32>
      %shift_right_arithmetic3A_787 = arith.shrsi %or3A_784, %shift_right_arithmetic3A_786 : vector<16xi32>
      %or3A_788 = vector.broadcast %select_n3A_629 : i32 to vector<16xi32>
      %or3A_789 = arith.ori %shift_right_arithmetic3A_787, %or3A_788 : vector<16xi32>
      %add3A_790 = arith.constant 64 : i32
      %add3A_791 = vector.broadcast %add3A_790 : i32 to vector<16xi32>
      %add3A_792 = arith.addi %iota3A, %add3A_791 : vector<16xi32>
      %and3A_793 = arith.constant 31 : i32
      %and3A_794 = vector.broadcast %and3A_793 : i32 to vector<16xi32>
      %and3A_795 = arith.andi %add3A_792, %and3A_794 : vector<16xi32>
      %add3A_796 = arith.constant 50000 : i32
      %add3A_797 = vector.broadcast %add3A_796 : i32 to vector<16xi32>
      %add3A_798 = arith.addi %add3A_797, %and3A_795 : vector<16xi32>
      %not3A_799 = arith.constant dense<-1> : vector<16xi32>
      %not3A_800 = arith.xori %or3A_789, %not3A_799 : vector<16xi32>
      %and3A_801 = arith.andi %sub3A_780, %not3A_800 : vector<16xi32>
      %and3A_802 = arith.andi %add3A_798, %or3A_789 : vector<16xi32>
      %or3A_803 = arith.ori %and3A_801, %and3A_802 : vector<16xi32>
      %swap3A_804 = arith.constant 2 : i32
      %swap3A_805 = arith.index_cast %swap3A_804 : i32 to index
      %swap3A_806 = arith.constant 64 : index
      %swap3A_807 = tpu.vector_load %arg6[%swap3A_805, %swap3A_806] {strides = array<i32>} : memref<4x128xi32, #tpu.memory_space<vmem>>, vector<1x16xi32>,
      %swap3A_808 = vector.shape_cast %swap3A_807 : vector<1x16xi32> to vector<16xi32>
      %swap3A_809 = vector.shape_cast %or3A_803 : vector<16xi32> to vector<1x16xi32>
      tpu.vector_store %arg6[%swap3A_805, %swap3A_806], %swap3A_809 {strides = array<i32>} : memref<4x128xi32, #tpu.memory_space<vmem>>, vector<1x16xi32>,
      %get3A_810 = arith.constant 2 : i32
      %get3A_811 = arith.index_cast %get3A_810 : i32 to index
      %get3A_812 = arith.constant 80 : index
      %get3A_813 = tpu.vector_load %arg6[%get3A_811, %get3A_812] {strides = array<i32>} : memref<4x128xi32, #tpu.memory_space<vmem>>, vector<1x16xi32>,
      %get3A_814 = vector.shape_cast %get3A_813 : vector<1x16xi32> to vector<16xi32>
      %sub3A_815 = vector.broadcast %mul3A_0 : i32 to vector<16xi32>
      %sub3A_816 = arith.subi %get3A_814, %sub3A_815 : vector<16xi32>
      %sub3A_817 = arith.constant 49999 : i32
      %sub3A_818 = vector.broadcast %sub3A_817 : i32 to vector<16xi32>
      %sub3A_819 = arith.subi %sub3A_818, %sub3A_816 : vector<16xi32>
      %or3A_820 = arith.ori %sub3A_816, %sub3A_819 : vector<16xi32>
      %shift_right_arithmetic3A_821 = arith.constant 31 : i32
      %shift_right_arithmetic3A_822 = vector.broadcast %shift_right_arithmetic3A_821 : i32 to vector<16xi32>
      %shift_right_arithmetic3A_823 = arith.shrsi %or3A_820, %shift_right_arithmetic3A_822 : vector<16xi32>
      %or3A_824 = vector.broadcast %select_n3A_629 : i32 to vector<16xi32>
      %or3A_825 = arith.ori %shift_right_arithmetic3A_823, %or3A_824 : vector<16xi32>
      %add3A_826 = arith.constant 80 : i32
      %add3A_827 = vector.broadcast %add3A_826 : i32 to vector<16xi32>
      %add3A_828 = arith.addi %iota3A, %add3A_827 : vector<16xi32>
      %and3A_829 = arith.constant 31 : i32
      %and3A_830 = vector.broadcast %and3A_829 : i32 to vector<16xi32>
      %and3A_831 = arith.andi %add3A_828, %and3A_830 : vector<16xi32>
      %add3A_832 = arith.constant 50000 : i32
      %add3A_833 = vector.broadcast %add3A_832 : i32 to vector<16xi32>
      %add3A_834 = arith.addi %add3A_833, %and3A_831 : vector<16xi32>
      %not3A_835 = arith.constant dense<-1> : vector<16xi32>
      %not3A_836 = arith.xori %or3A_825, %not3A_835 : vector<16xi32>
      %and3A_837 = arith.andi %sub3A_816, %not3A_836 : vector<16xi32>
      %and3A_838 = arith.andi %add3A_834, %or3A_825 : vector<16xi32>
      %or3A_839 = arith.ori %and3A_837, %and3A_838 : vector<16xi32>
      %swap3A_840 = arith.constant 2 : i32
      %swap3A_841 = arith.index_cast %swap3A_840 : i32 to index
      %swap3A_842 = arith.constant 80 : index
      %swap3A_843 = tpu.vector_load %arg6[%swap3A_841, %swap3A_842] {strides = array<i32>} : memref<4x128xi32, #tpu.memory_space<vmem>>, vector<1x16xi32>,
      %swap3A_844 = vector.shape_cast %swap3A_843 : vector<1x16xi32> to vector<16xi32>
      %swap3A_845 = vector.shape_cast %or3A_839 : vector<16xi32> to vector<1x16xi32>
      tpu.vector_store %arg6[%swap3A_841, %swap3A_842], %swap3A_845 {strides = array<i32>} : memref<4x128xi32, #tpu.memory_space<vmem>>, vector<1x16xi32>,
      %get3A_846 = arith.constant 2 : i32
      %get3A_847 = arith.index_cast %get3A_846 : i32 to index
      %get3A_848 = arith.constant 96 : index
      %get3A_849 = tpu.vector_load %arg6[%get3A_847, %get3A_848] {strides = array<i32>} : memref<4x128xi32, #tpu.memory_space<vmem>>, vector<1x16xi32>,
      %get3A_850 = vector.shape_cast %get3A_849 : vector<1x16xi32> to vector<16xi32>
      %sub3A_851 = vector.broadcast %mul3A_0 : i32 to vector<16xi32>
      %sub3A_852 = arith.subi %get3A_850, %sub3A_851 : vector<16xi32>
      %sub3A_853 = arith.constant 49999 : i32
      %sub3A_854 = vector.broadcast %sub3A_853 : i32 to vector<16xi32>
      %sub3A_855 = arith.subi %sub3A_854, %sub3A_852 : vector<16xi32>
      %or3A_856 = arith.ori %sub3A_852, %sub3A_855 : vector<16xi32>
      %shift_right_arithmetic3A_857 = arith.constant 31 : i32
      %shift_right_arithmetic3A_858 = vector.broadcast %shift_right_arithmetic3A_857 : i32 to vector<16xi32>
      %shift_right_arithmetic3A_859 = arith.shrsi %or3A_856, %shift_right_arithmetic3A_858 : vector<16xi32>
      %or3A_860 = vector.broadcast %select_n3A_629 : i32 to vector<16xi32>
      %or3A_861 = arith.ori %shift_right_arithmetic3A_859, %or3A_860 : vector<16xi32>
      %add3A_862 = arith.constant 96 : i32
      %add3A_863 = vector.broadcast %add3A_862 : i32 to vector<16xi32>
      %add3A_864 = arith.addi %iota3A, %add3A_863 : vector<16xi32>
      %and3A_865 = arith.constant 31 : i32
      %and3A_866 = vector.broadcast %and3A_865 : i32 to vector<16xi32>
      %and3A_867 = arith.andi %add3A_864, %and3A_866 : vector<16xi32>
      %add3A_868 = arith.constant 50000 : i32
      %add3A_869 = vector.broadcast %add3A_868 : i32 to vector<16xi32>
      %add3A_870 = arith.addi %add3A_869, %and3A_867 : vector<16xi32>
      %not3A_871 = arith.constant dense<-1> : vector<16xi32>
      %not3A_872 = arith.xori %or3A_861, %not3A_871 : vector<16xi32>
      %and3A_873 = arith.andi %sub3A_852, %not3A_872 : vector<16xi32>
      %and3A_874 = arith.andi %add3A_870, %or3A_861 : vector<16xi32>
      %or3A_875 = arith.ori %and3A_873, %and3A_874 : vector<16xi32>
      %swap3A_876 = arith.constant 2 : i32
      %swap3A_877 = arith.index_cast %swap3A_876 : i32 to index
      %swap3A_878 = arith.constant 96 : index
      %swap3A_879 = tpu.vector_load %arg6[%swap3A_877, %swap3A_878] {strides = array<i32>} : memref<4x128xi32, #tpu.memory_space<vmem>>, vector<1x16xi32>,
      %swap3A_880 = vector.shape_cast %swap3A_879 : vector<1x16xi32> to vector<16xi32>
      %swap3A_881 = vector.shape_cast %or3A_875 : vector<16xi32> to vector<1x16xi32>
      tpu.vector_store %arg6[%swap3A_877, %swap3A_878], %swap3A_881 {strides = array<i32>} : memref<4x128xi32, #tpu.memory_space<vmem>>, vector<1x16xi32>,
      %get3A_882 = arith.constant 2 : i32
      %get3A_883 = arith.index_cast %get3A_882 : i32 to index
      %get3A_884 = arith.constant 112 : index
      %get3A_885 = tpu.vector_load %arg6[%get3A_883, %get3A_884] {strides = array<i32>} : memref<4x128xi32, #tpu.memory_space<vmem>>, vector<1x16xi32>,
      %get3A_886 = vector.shape_cast %get3A_885 : vector<1x16xi32> to vector<16xi32>
      %sub3A_887 = vector.broadcast %mul3A_0 : i32 to vector<16xi32>
      %sub3A_888 = arith.subi %get3A_886, %sub3A_887 : vector<16xi32>
      %sub3A_889 = arith.constant 49999 : i32
      %sub3A_890 = vector.broadcast %sub3A_889 : i32 to vector<16xi32>
      %sub3A_891 = arith.subi %sub3A_890, %sub3A_888 : vector<16xi32>
      %or3A_892 = arith.ori %sub3A_888, %sub3A_891 : vector<16xi32>
      %shift_right_arithmetic3A_893 = arith.constant 31 : i32
      %shift_right_arithmetic3A_894 = vector.broadcast %shift_right_arithmetic3A_893 : i32 to vector<16xi32>
      %shift_right_arithmetic3A_895 = arith.shrsi %or3A_892, %shift_right_arithmetic3A_894 : vector<16xi32>
      %or3A_896 = vector.broadcast %select_n3A_629 : i32 to vector<16xi32>
      %or3A_897 = arith.ori %shift_right_arithmetic3A_895, %or3A_896 : vector<16xi32>
      %add3A_898 = arith.constant 112 : i32
      %add3A_899 = vector.broadcast %add3A_898 : i32 to vector<16xi32>
      %add3A_900 = arith.addi %iota3A, %add3A_899 : vector<16xi32>
      %and3A_901 = arith.constant 31 : i32
      %and3A_902 = vector.broadcast %and3A_901 : i32 to vector<16xi32>
      %and3A_903 = arith.andi %add3A_900, %and3A_902 : vector<16xi32>
      %add3A_904 = arith.constant 50000 : i32
      %add3A_905 = vector.broadcast %add3A_904 : i32 to vector<16xi32>
      %add3A_906 = arith.addi %add3A_905, %and3A_903 : vector<16xi32>
      %not3A_907 = arith.constant dense<-1> : vector<16xi32>
      %not3A_908 = arith.xori %or3A_897, %not3A_907 : vector<16xi32>
      %and3A_909 = arith.andi %sub3A_888, %not3A_908 : vector<16xi32>
      %and3A_910 = arith.andi %add3A_906, %or3A_897 : vector<16xi32>
      %or3A_911 = arith.ori %and3A_909, %and3A_910 : vector<16xi32>
      %swap3A_912 = arith.constant 2 : i32
      %swap3A_913 = arith.index_cast %swap3A_912 : i32 to index
      %swap3A_914 = arith.constant 112 : index
      %swap3A_915 = tpu.vector_load %arg6[%swap3A_913, %swap3A_914] {strides = array<i32>} : memref<4x128xi32, #tpu.memory_space<vmem>>, vector<1x16xi32>,
      %swap3A_916 = vector.shape_cast %swap3A_915 : vector<1x16xi32> to vector<16xi32>
      %swap3A_917 = vector.shape_cast %or3A_911 : vector<16xi32> to vector<1x16xi32>
      tpu.vector_store %arg6[%swap3A_913, %swap3A_914], %swap3A_917 {strides = array<i32>} : memref<4x128xi32, #tpu.memory_space<vmem>>, vector<1x16xi32>,
      %add3A_918 = arith.constant 3 : i32
      %add3A_919 = arith.addi %add3A_34, %add3A_918 : i32
      %lt3A_920 = arith.constant 12500 : i32
      %lt3A_921 = arith.cmpi slt, %add3A_919, %lt3A_920 : i32
      %jit3A_922 = arith.constant 0 : i32
      %jit3A_923 = arith.constant -1 : i32
      %select_n3A_924 = arith.select %lt3A_921, %jit3A_922, %jit3A_923 : i32
      %get3A_925 = arith.constant 3 : i32
      %get3A_926 = arith.index_cast %get3A_925 : i32 to index
      %get3A_927 = arith.constant 0 : index
      %get3A_928 = tpu.vector_load %arg6[%get3A_926, %get3A_927] {strides = array<i32>} : memref<4x128xi32, #tpu.memory_space<vmem>>, vector<1x16xi32>,
      %get3A_929 = vector.shape_cast %get3A_928 : vector<1x16xi32> to vector<16xi32>
      %sub3A_930 = vector.broadcast %mul3A_0 : i32 to vector<16xi32>
      %sub3A_931 = arith.subi %get3A_929, %sub3A_930 : vector<16xi32>
      %sub3A_932 = arith.constant 49999 : i32
      %sub3A_933 = vector.broadcast %sub3A_932 : i32 to vector<16xi32>
      %sub3A_934 = arith.subi %sub3A_933, %sub3A_931 : vector<16xi32>
      %or3A_935 = arith.ori %sub3A_931, %sub3A_934 : vector<16xi32>
      %shift_right_arithmetic3A_936 = arith.constant 31 : i32
      %shift_right_arithmetic3A_937 = vector.broadcast %shift_right_arithmetic3A_936 : i32 to vector<16xi32>
      %shift_right_arithmetic3A_938 = arith.shrsi %or3A_935, %shift_right_arithmetic3A_937 : vector<16xi32>
      %or3A_939 = vector.broadcast %select_n3A_924 : i32 to vector<16xi32>
      %or3A_940 = arith.ori %shift_right_arithmetic3A_938, %or3A_939 : vector<16xi32>
      %add3A_941 = arith.constant 0 : i32
      %add3A_942 = vector.broadcast %add3A_941 : i32 to vector<16xi32>
      %add3A_943 = arith.addi %iota3A, %add3A_942 : vector<16xi32>
      %and3A_944 = arith.constant 31 : i32
      %and3A_945 = vector.broadcast %and3A_944 : i32 to vector<16xi32>
      %and3A_946 = arith.andi %add3A_943, %and3A_945 : vector<16xi32>
      %add3A_947 = arith.constant 50000 : i32
      %add3A_948 = vector.broadcast %add3A_947 : i32 to vector<16xi32>
      %add3A_949 = arith.addi %add3A_948, %and3A_946 : vector<16xi32>
      %not3A_950 = arith.constant dense<-1> : vector<16xi32>
      %not3A_951 = arith.xori %or3A_940, %not3A_950 : vector<16xi32>
      %and3A_952 = arith.andi %sub3A_931, %not3A_951 : vector<16xi32>
      %and3A_953 = arith.andi %add3A_949, %or3A_940 : vector<16xi32>
      %or3A_954 = arith.ori %and3A_952, %and3A_953 : vector<16xi32>
      %swap3A_955 = arith.constant 3 : i32
      %swap3A_956 = arith.index_cast %swap3A_955 : i32 to index
      %swap3A_957 = arith.constant 0 : index
      %swap3A_958 = tpu.vector_load %arg6[%swap3A_956, %swap3A_957] {strides = array<i32>} : memref<4x128xi32, #tpu.memory_space<vmem>>, vector<1x16xi32>,
      %swap3A_959 = vector.shape_cast %swap3A_958 : vector<1x16xi32> to vector<16xi32>
      %swap3A_960 = vector.shape_cast %or3A_954 : vector<16xi32> to vector<1x16xi32>
      tpu.vector_store %arg6[%swap3A_956, %swap3A_957], %swap3A_960 {strides = array<i32>} : memref<4x128xi32, #tpu.memory_space<vmem>>, vector<1x16xi32>,
      %get3A_961 = arith.constant 3 : i32
      %get3A_962 = arith.index_cast %get3A_961 : i32 to index
      %get3A_963 = arith.constant 16 : index
      %get3A_964 = tpu.vector_load %arg6[%get3A_962, %get3A_963] {strides = array<i32>} : memref<4x128xi32, #tpu.memory_space<vmem>>, vector<1x16xi32>,
      %get3A_965 = vector.shape_cast %get3A_964 : vector<1x16xi32> to vector<16xi32>
      %sub3A_966 = vector.broadcast %mul3A_0 : i32 to vector<16xi32>
      %sub3A_967 = arith.subi %get3A_965, %sub3A_966 : vector<16xi32>
      %sub3A_968 = arith.constant 49999 : i32
      %sub3A_969 = vector.broadcast %sub3A_968 : i32 to vector<16xi32>
      %sub3A_970 = arith.subi %sub3A_969, %sub3A_967 : vector<16xi32>
      %or3A_971 = arith.ori %sub3A_967, %sub3A_970 : vector<16xi32>
      %shift_right_arithmetic3A_972 = arith.constant 31 : i32
      %shift_right_arithmetic3A_973 = vector.broadcast %shift_right_arithmetic3A_972 : i32 to vector<16xi32>
      %shift_right_arithmetic3A_974 = arith.shrsi %or3A_971, %shift_right_arithmetic3A_973 : vector<16xi32>
      %or3A_975 = vector.broadcast %select_n3A_924 : i32 to vector<16xi32>
      %or3A_976 = arith.ori %shift_right_arithmetic3A_974, %or3A_975 : vector<16xi32>
      %add3A_977 = arith.constant 16 : i32
      %add3A_978 = vector.broadcast %add3A_977 : i32 to vector<16xi32>
      %add3A_979 = arith.addi %iota3A, %add3A_978 : vector<16xi32>
      %and3A_980 = arith.constant 31 : i32
      %and3A_981 = vector.broadcast %and3A_980 : i32 to vector<16xi32>
      %and3A_982 = arith.andi %add3A_979, %and3A_981 : vector<16xi32>
      %add3A_983 = arith.constant 50000 : i32
      %add3A_984 = vector.broadcast %add3A_983 : i32 to vector<16xi32>
      %add3A_985 = arith.addi %add3A_984, %and3A_982 : vector<16xi32>
      %not3A_986 = arith.constant dense<-1> : vector<16xi32>
      %not3A_987 = arith.xori %or3A_976, %not3A_986 : vector<16xi32>
      %and3A_988 = arith.andi %sub3A_967, %not3A_987 : vector<16xi32>
      %and3A_989 = arith.andi %add3A_985, %or3A_976 : vector<16xi32>
      %or3A_990 = arith.ori %and3A_988, %and3A_989 : vector<16xi32>
      %swap3A_991 = arith.constant 3 : i32
      %swap3A_992 = arith.index_cast %swap3A_991 : i32 to index
      %swap3A_993 = arith.constant 16 : index
      %swap3A_994 = tpu.vector_load %arg6[%swap3A_992, %swap3A_993] {strides = array<i32>} : memref<4x128xi32, #tpu.memory_space<vmem>>, vector<1x16xi32>,
      %swap3A_995 = vector.shape_cast %swap3A_994 : vector<1x16xi32> to vector<16xi32>
      %swap3A_996 = vector.shape_cast %or3A_990 : vector<16xi32> to vector<1x16xi32>
      tpu.vector_store %arg6[%swap3A_992, %swap3A_993], %swap3A_996 {strides = array<i32>} : memref<4x128xi32, #tpu.memory_space<vmem>>, vector<1x16xi32>,
      %get3A_997 = arith.constant 3 : i32
      %get3A_998 = arith.index_cast %get3A_997 : i32 to index
      %get3A_999 = arith.constant 32 : index
      %get3A_1000 = tpu.vector_load %arg6[%get3A_998, %get3A_999] {strides = array<i32>} : memref<4x128xi32, #tpu.memory_space<vmem>>, vector<1x16xi32>,
      %get3A_1001 = vector.shape_cast %get3A_1000 : vector<1x16xi32> to vector<16xi32>
      %sub3A_1002 = vector.broadcast %mul3A_0 : i32 to vector<16xi32>
      %sub3A_1003 = arith.subi %get3A_1001, %sub3A_1002 : vector<16xi32>
      %sub3A_1004 = arith.constant 49999 : i32
      %sub3A_1005 = vector.broadcast %sub3A_1004 : i32 to vector<16xi32>
      %sub3A_1006 = arith.subi %sub3A_1005, %sub3A_1003 : vector<16xi32>
      %or3A_1007 = arith.ori %sub3A_1003, %sub3A_1006 : vector<16xi32>
      %shift_right_arithmetic3A_1008 = arith.constant 31 : i32
      %shift_right_arithmetic3A_1009 = vector.broadcast %shift_right_arithmetic3A_1008 : i32 to vector<16xi32>
      %shift_right_arithmetic3A_1010 = arith.shrsi %or3A_1007, %shift_right_arithmetic3A_1009 : vector<16xi32>
      %or3A_1011 = vector.broadcast %select_n3A_924 : i32 to vector<16xi32>
      %or3A_1012 = arith.ori %shift_right_arithmetic3A_1010, %or3A_1011 : vector<16xi32>
      %add3A_1013 = arith.constant 32 : i32
      %add3A_1014 = vector.broadcast %add3A_1013 : i32 to vector<16xi32>
      %add3A_1015 = arith.addi %iota3A, %add3A_1014 : vector<16xi32>
      %and3A_1016 = arith.constant 31 : i32
      %and3A_1017 = vector.broadcast %and3A_1016 : i32 to vector<16xi32>
      %and3A_1018 = arith.andi %add3A_1015, %and3A_1017 : vector<16xi32>
      %add3A_1019 = arith.constant 50000 : i32
      %add3A_1020 = vector.broadcast %add3A_1019 : i32 to vector<16xi32>
      %add3A_1021 = arith.addi %add3A_1020, %and3A_1018 : vector<16xi32>
      %not3A_1022 = arith.constant dense<-1> : vector<16xi32>
      %not3A_1023 = arith.xori %or3A_1012, %not3A_1022 : vector<16xi32>
      %and3A_1024 = arith.andi %sub3A_1003, %not3A_1023 : vector<16xi32>
      %and3A_1025 = arith.andi %add3A_1021, %or3A_1012 : vector<16xi32>
      %or3A_1026 = arith.ori %and3A_1024, %and3A_1025 : vector<16xi32>
      %swap3A_1027 = arith.constant 3 : i32
      %swap3A_1028 = arith.index_cast %swap3A_1027 : i32 to index
      %swap3A_1029 = arith.constant 32 : index
      %swap3A_1030 = tpu.vector_load %arg6[%swap3A_1028, %swap3A_1029] {strides = array<i32>} : memref<4x128xi32, #tpu.memory_space<vmem>>, vector<1x16xi32>,
      %swap3A_1031 = vector.shape_cast %swap3A_1030 : vector<1x16xi32> to vector<16xi32>
      %swap3A_1032 = vector.shape_cast %or3A_1026 : vector<16xi32> to vector<1x16xi32>
      tpu.vector_store %arg6[%swap3A_1028, %swap3A_1029], %swap3A_1032 {strides = array<i32>} : memref<4x128xi32, #tpu.memory_space<vmem>>, vector<1x16xi32>,
      %get3A_1033 = arith.constant 3 : i32
      %get3A_1034 = arith.index_cast %get3A_1033 : i32 to index
      %get3A_1035 = arith.constant 48 : index
      %get3A_1036 = tpu.vector_load %arg6[%get3A_1034, %get3A_1035] {strides = array<i32>} : memref<4x128xi32, #tpu.memory_space<vmem>>, vector<1x16xi32>,
      %get3A_1037 = vector.shape_cast %get3A_1036 : vector<1x16xi32> to vector<16xi32>
      %sub3A_1038 = vector.broadcast %mul3A_0 : i32 to vector<16xi32>
      %sub3A_1039 = arith.subi %get3A_1037, %sub3A_1038 : vector<16xi32>
      %sub3A_1040 = arith.constant 49999 : i32
      %sub3A_1041 = vector.broadcast %sub3A_1040 : i32 to vector<16xi32>
      %sub3A_1042 = arith.subi %sub3A_1041, %sub3A_1039 : vector<16xi32>
      %or3A_1043 = arith.ori %sub3A_1039, %sub3A_1042 : vector<16xi32>
      %shift_right_arithmetic3A_1044 = arith.constant 31 : i32
      %shift_right_arithmetic3A_1045 = vector.broadcast %shift_right_arithmetic3A_1044 : i32 to vector<16xi32>
      %shift_right_arithmetic3A_1046 = arith.shrsi %or3A_1043, %shift_right_arithmetic3A_1045 : vector<16xi32>
      %or3A_1047 = vector.broadcast %select_n3A_924 : i32 to vector<16xi32>
      %or3A_1048 = arith.ori %shift_right_arithmetic3A_1046, %or3A_1047 : vector<16xi32>
      %add3A_1049 = arith.constant 48 : i32
      %add3A_1050 = vector.broadcast %add3A_1049 : i32 to vector<16xi32>
      %add3A_1051 = arith.addi %iota3A, %add3A_1050 : vector<16xi32>
      %and3A_1052 = arith.constant 31 : i32
      %and3A_1053 = vector.broadcast %and3A_1052 : i32 to vector<16xi32>
      %and3A_1054 = arith.andi %add3A_1051, %and3A_1053 : vector<16xi32>
      %add3A_1055 = arith.constant 50000 : i32
      %add3A_1056 = vector.broadcast %add3A_1055 : i32 to vector<16xi32>
      %add3A_1057 = arith.addi %add3A_1056, %and3A_1054 : vector<16xi32>
      %not3A_1058 = arith.constant dense<-1> : vector<16xi32>
      %not3A_1059 = arith.xori %or3A_1048, %not3A_1058 : vector<16xi32>
      %and3A_1060 = arith.andi %sub3A_1039, %not3A_1059 : vector<16xi32>
      %and3A_1061 = arith.andi %add3A_1057, %or3A_1048 : vector<16xi32>
      %or3A_1062 = arith.ori %and3A_1060, %and3A_1061 : vector<16xi32>
      %swap3A_1063 = arith.constant 3 : i32
      %swap3A_1064 = arith.index_cast %swap3A_1063 : i32 to index
      %swap3A_1065 = arith.constant 48 : index
      %swap3A_1066 = tpu.vector_load %arg6[%swap3A_1064, %swap3A_1065] {strides = array<i32>} : memref<4x128xi32, #tpu.memory_space<vmem>>, vector<1x16xi32>,
      %swap3A_1067 = vector.shape_cast %swap3A_1066 : vector<1x16xi32> to vector<16xi32>
      %swap3A_1068 = vector.shape_cast %or3A_1062 : vector<16xi32> to vector<1x16xi32>
      tpu.vector_store %arg6[%swap3A_1064, %swap3A_1065], %swap3A_1068 {strides = array<i32>} : memref<4x128xi32, #tpu.memory_space<vmem>>, vector<1x16xi32>,
      %get3A_1069 = arith.constant 3 : i32
      %get3A_1070 = arith.index_cast %get3A_1069 : i32 to index
      %get3A_1071 = arith.constant 64 : index
      %get3A_1072 = tpu.vector_load %arg6[%get3A_1070, %get3A_1071] {strides = array<i32>} : memref<4x128xi32, #tpu.memory_space<vmem>>, vector<1x16xi32>,
      %get3A_1073 = vector.shape_cast %get3A_1072 : vector<1x16xi32> to vector<16xi32>
      %sub3A_1074 = vector.broadcast %mul3A_0 : i32 to vector<16xi32>
      %sub3A_1075 = arith.subi %get3A_1073, %sub3A_1074 : vector<16xi32>
      %sub3A_1076 = arith.constant 49999 : i32
      %sub3A_1077 = vector.broadcast %sub3A_1076 : i32 to vector<16xi32>
      %sub3A_1078 = arith.subi %sub3A_1077, %sub3A_1075 : vector<16xi32>
      %or3A_1079 = arith.ori %sub3A_1075, %sub3A_1078 : vector<16xi32>
      %shift_right_arithmetic3A_1080 = arith.constant 31 : i32
      %shift_right_arithmetic3A_1081 = vector.broadcast %shift_right_arithmetic3A_1080 : i32 to vector<16xi32>
      %shift_right_arithmetic3A_1082 = arith.shrsi %or3A_1079, %shift_right_arithmetic3A_1081 : vector<16xi32>
      %or3A_1083 = vector.broadcast %select_n3A_924 : i32 to vector<16xi32>
      %or3A_1084 = arith.ori %shift_right_arithmetic3A_1082, %or3A_1083 : vector<16xi32>
      %add3A_1085 = arith.constant 64 : i32
      %add3A_1086 = vector.broadcast %add3A_1085 : i32 to vector<16xi32>
      %add3A_1087 = arith.addi %iota3A, %add3A_1086 : vector<16xi32>
      %and3A_1088 = arith.constant 31 : i32
      %and3A_1089 = vector.broadcast %and3A_1088 : i32 to vector<16xi32>
      %and3A_1090 = arith.andi %add3A_1087, %and3A_1089 : vector<16xi32>
      %add3A_1091 = arith.constant 50000 : i32
      %add3A_1092 = vector.broadcast %add3A_1091 : i32 to vector<16xi32>
      %add3A_1093 = arith.addi %add3A_1092, %and3A_1090 : vector<16xi32>
      %not3A_1094 = arith.constant dense<-1> : vector<16xi32>
      %not3A_1095 = arith.xori %or3A_1084, %not3A_1094 : vector<16xi32>
      %and3A_1096 = arith.andi %sub3A_1075, %not3A_1095 : vector<16xi32>
      %and3A_1097 = arith.andi %add3A_1093, %or3A_1084 : vector<16xi32>
      %or3A_1098 = arith.ori %and3A_1096, %and3A_1097 : vector<16xi32>
      %swap3A_1099 = arith.constant 3 : i32
      %swap3A_1100 = arith.index_cast %swap3A_1099 : i32 to index
      %swap3A_1101 = arith.constant 64 : index
      %swap3A_1102 = tpu.vector_load %arg6[%swap3A_1100, %swap3A_1101] {strides = array<i32>} : memref<4x128xi32, #tpu.memory_space<vmem>>, vector<1x16xi32>,
      %swap3A_1103 = vector.shape_cast %swap3A_1102 : vector<1x16xi32> to vector<16xi32>
      %swap3A_1104 = vector.shape_cast %or3A_1098 : vector<16xi32> to vector<1x16xi32>
      tpu.vector_store %arg6[%swap3A_1100, %swap3A_1101], %swap3A_1104 {strides = array<i32>} : memref<4x128xi32, #tpu.memory_space<vmem>>, vector<1x16xi32>,
      %get3A_1105 = arith.constant 3 : i32
      %get3A_1106 = arith.index_cast %get3A_1105 : i32 to index
      %get3A_1107 = arith.constant 80 : index
      %get3A_1108 = tpu.vector_load %arg6[%get3A_1106, %get3A_1107] {strides = array<i32>} : memref<4x128xi32, #tpu.memory_space<vmem>>, vector<1x16xi32>,
      %get3A_1109 = vector.shape_cast %get3A_1108 : vector<1x16xi32> to vector<16xi32>
      %sub3A_1110 = vector.broadcast %mul3A_0 : i32 to vector<16xi32>
      %sub3A_1111 = arith.subi %get3A_1109, %sub3A_1110 : vector<16xi32>
      %sub3A_1112 = arith.constant 49999 : i32
      %sub3A_1113 = vector.broadcast %sub3A_1112 : i32 to vector<16xi32>
      %sub3A_1114 = arith.subi %sub3A_1113, %sub3A_1111 : vector<16xi32>
      %or3A_1115 = arith.ori %sub3A_1111, %sub3A_1114 : vector<16xi32>
      %shift_right_arithmetic3A_1116 = arith.constant 31 : i32
      %shift_right_arithmetic3A_1117 = vector.broadcast %shift_right_arithmetic3A_1116 : i32 to vector<16xi32>
      %shift_right_arithmetic3A_1118 = arith.shrsi %or3A_1115, %shift_right_arithmetic3A_1117 : vector<16xi32>
      %or3A_1119 = vector.broadcast %select_n3A_924 : i32 to vector<16xi32>
      %or3A_1120 = arith.ori %shift_right_arithmetic3A_1118, %or3A_1119 : vector<16xi32>
      %add3A_1121 = arith.constant 80 : i32
      %add3A_1122 = vector.broadcast %add3A_1121 : i32 to vector<16xi32>
      %add3A_1123 = arith.addi %iota3A, %add3A_1122 : vector<16xi32>
      %and3A_1124 = arith.constant 31 : i32
      %and3A_1125 = vector.broadcast %and3A_1124 : i32 to vector<16xi32>
      %and3A_1126 = arith.andi %add3A_1123, %and3A_1125 : vector<16xi32>
      %add3A_1127 = arith.constant 50000 : i32
      %add3A_1128 = vector.broadcast %add3A_1127 : i32 to vector<16xi32>
      %add3A_1129 = arith.addi %add3A_1128, %and3A_1126 : vector<16xi32>
      %not3A_1130 = arith.constant dense<-1> : vector<16xi32>
      %not3A_1131 = arith.xori %or3A_1120, %not3A_1130 : vector<16xi32>
      %and3A_1132 = arith.andi %sub3A_1111, %not3A_1131 : vector<16xi32>
      %and3A_1133 = arith.andi %add3A_1129, %or3A_1120 : vector<16xi32>
      %or3A_1134 = arith.ori %and3A_1132, %and3A_1133 : vector<16xi32>
      %swap3A_1135 = arith.constant 3 : i32
      %swap3A_1136 = arith.index_cast %swap3A_1135 : i32 to index
      %swap3A_1137 = arith.constant 80 : index
      %swap3A_1138 = tpu.vector_load %arg6[%swap3A_1136, %swap3A_1137] {strides = array<i32>} : memref<4x128xi32, #tpu.memory_space<vmem>>, vector<1x16xi32>,
      %swap3A_1139 = vector.shape_cast %swap3A_1138 : vector<1x16xi32> to vector<16xi32>
      %swap3A_1140 = vector.shape_cast %or3A_1134 : vector<16xi32> to vector<1x16xi32>
      tpu.vector_store %arg6[%swap3A_1136, %swap3A_1137], %swap3A_1140 {strides = array<i32>} : memref<4x128xi32, #tpu.memory_space<vmem>>, vector<1x16xi32>,
      %get3A_1141 = arith.constant 3 : i32
      %get3A_1142 = arith.index_cast %get3A_1141 : i32 to index
      %get3A_1143 = arith.constant 96 : index
      %get3A_1144 = tpu.vector_load %arg6[%get3A_1142, %get3A_1143] {strides = array<i32>} : memref<4x128xi32, #tpu.memory_space<vmem>>, vector<1x16xi32>,
      %get3A_1145 = vector.shape_cast %get3A_1144 : vector<1x16xi32> to vector<16xi32>
      %sub3A_1146 = vector.broadcast %mul3A_0 : i32 to vector<16xi32>
      %sub3A_1147 = arith.subi %get3A_1145, %sub3A_1146 : vector<16xi32>
      %sub3A_1148 = arith.constant 49999 : i32
      %sub3A_1149 = vector.broadcast %sub3A_1148 : i32 to vector<16xi32>
      %sub3A_1150 = arith.subi %sub3A_1149, %sub3A_1147 : vector<16xi32>
      %or3A_1151 = arith.ori %sub3A_1147, %sub3A_1150 : vector<16xi32>
      %shift_right_arithmetic3A_1152 = arith.constant 31 : i32
      %shift_right_arithmetic3A_1153 = vector.broadcast %shift_right_arithmetic3A_1152 : i32 to vector<16xi32>
      %shift_right_arithmetic3A_1154 = arith.shrsi %or3A_1151, %shift_right_arithmetic3A_1153 : vector<16xi32>
      %or3A_1155 = vector.broadcast %select_n3A_924 : i32 to vector<16xi32>
      %or3A_1156 = arith.ori %shift_right_arithmetic3A_1154, %or3A_1155 : vector<16xi32>
      %add3A_1157 = arith.constant 96 : i32
      %add3A_1158 = vector.broadcast %add3A_1157 : i32 to vector<16xi32>
      %add3A_1159 = arith.addi %iota3A, %add3A_1158 : vector<16xi32>
      %and3A_1160 = arith.constant 31 : i32
      %and3A_1161 = vector.broadcast %and3A_1160 : i32 to vector<16xi32>
      %and3A_1162 = arith.andi %add3A_1159, %and3A_1161 : vector<16xi32>
      %add3A_1163 = arith.constant 50000 : i32
      %add3A_1164 = vector.broadcast %add3A_1163 : i32 to vector<16xi32>
      %add3A_1165 = arith.addi %add3A_1164, %and3A_1162 : vector<16xi32>
      %not3A_1166 = arith.constant dense<-1> : vector<16xi32>
      %not3A_1167 = arith.xori %or3A_1156, %not3A_1166 : vector<16xi32>
      %and3A_1168 = arith.andi %sub3A_1147, %not3A_1167 : vector<16xi32>
      %and3A_1169 = arith.andi %add3A_1165, %or3A_1156 : vector<16xi32>
      %or3A_1170 = arith.ori %and3A_1168, %and3A_1169 : vector<16xi32>
      %swap3A_1171 = arith.constant 3 : i32
      %swap3A_1172 = arith.index_cast %swap3A_1171 : i32 to index
      %swap3A_1173 = arith.constant 96 : index
      %swap3A_1174 = tpu.vector_load %arg6[%swap3A_1172, %swap3A_1173] {strides = array<i32>} : memref<4x128xi32, #tpu.memory_space<vmem>>, vector<1x16xi32>,
      %swap3A_1175 = vector.shape_cast %swap3A_1174 : vector<1x16xi32> to vector<16xi32>
      %swap3A_1176 = vector.shape_cast %or3A_1170 : vector<16xi32> to vector<1x16xi32>
      tpu.vector_store %arg6[%swap3A_1172, %swap3A_1173], %swap3A_1176 {strides = array<i32>} : memref<4x128xi32, #tpu.memory_space<vmem>>, vector<1x16xi32>,
      %get3A_1177 = arith.constant 3 : i32
      %get3A_1178 = arith.index_cast %get3A_1177 : i32 to index
      %get3A_1179 = arith.constant 112 : index
      %get3A_1180 = tpu.vector_load %arg6[%get3A_1178, %get3A_1179] {strides = array<i32>} : memref<4x128xi32, #tpu.memory_space<vmem>>, vector<1x16xi32>,
      %get3A_1181 = vector.shape_cast %get3A_1180 : vector<1x16xi32> to vector<16xi32>
      %sub3A_1182 = vector.broadcast %mul3A_0 : i32 to vector<16xi32>
      %sub3A_1183 = arith.subi %get3A_1181, %sub3A_1182 : vector<16xi32>
      %sub3A_1184 = arith.constant 49999 : i32
      %sub3A_1185 = vector.broadcast %sub3A_1184 : i32 to vector<16xi32>
      %sub3A_1186 = arith.subi %sub3A_1185, %sub3A_1183 : vector<16xi32>
      %or3A_1187 = arith.ori %sub3A_1183, %sub3A_1186 : vector<16xi32>
      %shift_right_arithmetic3A_1188 = arith.constant 31 : i32
      %shift_right_arithmetic3A_1189 = vector.broadcast %shift_right_arithmetic3A_1188 : i32 to vector<16xi32>
      %shift_right_arithmetic3A_1190 = arith.shrsi %or3A_1187, %shift_right_arithmetic3A_1189 : vector<16xi32>
      %or3A_1191 = vector.broadcast %select_n3A_924 : i32 to vector<16xi32>
      %or3A_1192 = arith.ori %shift_right_arithmetic3A_1190, %or3A_1191 : vector<16xi32>
      %add3A_1193 = arith.constant 112 : i32
      %add3A_1194 = vector.broadcast %add3A_1193 : i32 to vector<16xi32>
      %add3A_1195 = arith.addi %iota3A, %add3A_1194 : vector<16xi32>
      %and3A_1196 = arith.constant 31 : i32
      %and3A_1197 = vector.broadcast %and3A_1196 : i32 to vector<16xi32>
      %and3A_1198 = arith.andi %add3A_1195, %and3A_1197 : vector<16xi32>
      %add3A_1199 = arith.constant 50000 : i32
      %add3A_1200 = vector.broadcast %add3A_1199 : i32 to vector<16xi32>
      %add3A_1201 = arith.addi %add3A_1200, %and3A_1198 : vector<16xi32>
      %not3A_1202 = arith.constant dense<-1> : vector<16xi32>
      %not3A_1203 = arith.xori %or3A_1192, %not3A_1202 : vector<16xi32>
      %and3A_1204 = arith.andi %sub3A_1183, %not3A_1203 : vector<16xi32>
      %and3A_1205 = arith.andi %add3A_1201, %or3A_1192 : vector<16xi32>
      %or3A_1206 = arith.ori %and3A_1204, %and3A_1205 : vector<16xi32>
      %swap3A_1207 = arith.constant 3 : i32
      %swap3A_1208 = arith.index_cast %swap3A_1207 : i32 to index
      %swap3A_1209 = arith.constant 112 : index
      %swap3A_1210 = tpu.vector_load %arg6[%swap3A_1208, %swap3A_1209] {strides = array<i32>} : memref<4x128xi32, #tpu.memory_space<vmem>>, vector<1x16xi32>,
      %swap3A_1211 = vector.shape_cast %swap3A_1210 : vector<1x16xi32> to vector<16xi32>
      %swap3A_1212 = vector.shape_cast %or3A_1206 : vector<16xi32> to vector<1x16xi32>
      tpu.vector_store %arg6[%swap3A_1208, %swap3A_1209], %swap3A_1212 {strides = array<i32>} : memref<4x128xi32, #tpu.memory_space<vmem>>, vector<1x16xi32>,
      %run_scoped3A = arith.constant 0 : i32
      "tpu.region"() ({
        %run_scoped3A_1217 = tpu.sem_alloc : memref<!tpu.dma_semaphore, #tpu.memory_space<semaphore_mem>>
        %dma_start3A_1218 = arith.constant 0 : i32
        %dma_start3A_1219 = arith.constant 0 : i32
        %dma_start3A_1220 = tpu.memref_slice %arg7[%dma_start3A_1218, %dma_start3A_1219] : memref<512x32xf32, #tpu.memory_space<vmem>> -> memref<128x32xf32, #tpu.memory_space<vmem>>
        %dma_start3A_1221 = arith.constant 0 : i32
        %dma_start3A_1222 = tpu.memref_slice %arg6[%run_scoped3A, %dma_start3A_1221] : memref<4x128xi32, #tpu.memory_space<vmem>> -> memref<1x128xi32, #tpu.memory_space<vmem>>
        %dma_start3A_1223 = tpu.memref_squeeze %dma_start3A_1222 : memref<1x128xi32, #tpu.memory_space<vmem>> -> memref<128xi32, #tpu.memory_space<vmem>>
        %dma_start3A_1224 = arith.constant 0 : i32
        %dma_start3A_1225 = arith.constant 0 : i32
        %dma_start3A_1226 = tpu.memref_slice %arg5[%dma_start3A_1224, %dma_start3A_1225] : memref<50048x32xf32, #tpu.memory_space<vmem_shared>> -> memref<50048x32xf32, #tpu.memory_space<vmem_shared>>
        tpu.enqueue_indirect_dma source(%dma_start3A_1220 : memref<128x32xf32, #tpu.memory_space<vmem>>) target(%dma_start3A_1226 : memref<50048x32xf32, #tpu.memory_space<vmem_shared>>) offsets(%dma_start3A_1223 : memref<128xi32, #tpu.memory_space<vmem>>) semaphore(%run_scoped3A_1217 : memref<!tpu.dma_semaphore, #tpu.memory_space<semaphore_mem>>) {add = true}
        %dma_wait3A_1227 = arith.constant 0 : i32
        %dma_wait3A_1228 = arith.constant 0 : i32
        %dma_wait3A_1229 = tpu.memref_slice %arg7[%dma_wait3A_1227, %dma_wait3A_1228] : memref<512x32xf32, #tpu.memory_space<vmem>> -> memref<128x32xf32, #tpu.memory_space<vmem>>
        %dma_wait3A_1230 = arith.constant 0 : i32
        %dma_wait3A_1231 = tpu.memref_slice %arg6[%run_scoped3A, %dma_wait3A_1230] : memref<4x128xi32, #tpu.memory_space<vmem>> -> memref<1x128xi32, #tpu.memory_space<vmem>>
        %dma_wait3A_1232 = tpu.memref_squeeze %dma_wait3A_1231 : memref<1x128xi32, #tpu.memory_space<vmem>> -> memref<128xi32, #tpu.memory_space<vmem>>
        %dma_wait3A_1233 = arith.constant 0 : i32
        %dma_wait3A_1234 = arith.constant 0 : i32
        %dma_wait3A_1235 = tpu.memref_slice %arg5[%dma_wait3A_1233, %dma_wait3A_1234] : memref<50048x32xf32, #tpu.memory_space<vmem_shared>> -> memref<50048x32xf32, #tpu.memory_space<vmem_shared>>
        tpu.wait_indirect_dma semaphore(%run_scoped3A_1217 : memref<!tpu.dma_semaphore, #tpu.memory_space<semaphore_mem>>) src(%dma_wait3A_1229 : memref<128x32xf32, #tpu.memory_space<vmem>>) dst(%dma_wait3A_1235 : memref<50048x32xf32, #tpu.memory_space<vmem_shared>>)
        tpu.yield
      }) : () -> ()
      %run_scoped3A_1213 = arith.constant 1 : i32
      "tpu.region"() ({
        %run_scoped3A_1217 = tpu.sem_alloc : memref<!tpu.dma_semaphore, #tpu.memory_space<semaphore_mem>>
        %dma_start3A_1218 = arith.constant 128 : i32
        %dma_start3A_1219 = arith.constant 0 : i32
        %dma_start3A_1220 = tpu.memref_slice %arg7[%dma_start3A_1218, %dma_start3A_1219] : memref<512x32xf32, #tpu.memory_space<vmem>> -> memref<128x32xf32, #tpu.memory_space<vmem>>
        %dma_start3A_1221 = arith.constant 0 : i32
        %dma_start3A_1222 = tpu.memref_slice %arg6[%run_scoped3A_1213, %dma_start3A_1221] : memref<4x128xi32, #tpu.memory_space<vmem>> -> memref<1x128xi32, #tpu.memory_space<vmem>>
        %dma_start3A_1223 = tpu.memref_squeeze %dma_start3A_1222 : memref<1x128xi32, #tpu.memory_space<vmem>> -> memref<128xi32, #tpu.memory_space<vmem>>
        %dma_start3A_1224 = arith.constant 0 : i32
        %dma_start3A_1225 = arith.constant 0 : i32
        %dma_start3A_1226 = tpu.memref_slice %arg5[%dma_start3A_1224, %dma_start3A_1225] : memref<50048x32xf32, #tpu.memory_space<vmem_shared>> -> memref<50048x32xf32, #tpu.memory_space<vmem_shared>>
        tpu.enqueue_indirect_dma source(%dma_start3A_1220 : memref<128x32xf32, #tpu.memory_space<vmem>>) target(%dma_start3A_1226 : memref<50048x32xf32, #tpu.memory_space<vmem_shared>>) offsets(%dma_start3A_1223 : memref<128xi32, #tpu.memory_space<vmem>>) semaphore(%run_scoped3A_1217 : memref<!tpu.dma_semaphore, #tpu.memory_space<semaphore_mem>>) {add = true}
        %dma_wait3A_1227 = arith.constant 128 : i32
        %dma_wait3A_1228 = arith.constant 0 : i32
        %dma_wait3A_1229 = tpu.memref_slice %arg7[%dma_wait3A_1227, %dma_wait3A_1228] : memref<512x32xf32, #tpu.memory_space<vmem>> -> memref<128x32xf32, #tpu.memory_space<vmem>>
        %dma_wait3A_1230 = arith.constant 0 : i32
        %dma_wait3A_1231 = tpu.memref_slice %arg6[%run_scoped3A_1213, %dma_wait3A_1230] : memref<4x128xi32, #tpu.memory_space<vmem>> -> memref<1x128xi32, #tpu.memory_space<vmem>>
        %dma_wait3A_1232 = tpu.memref_squeeze %dma_wait3A_1231 : memref<1x128xi32, #tpu.memory_space<vmem>> -> memref<128xi32, #tpu.memory_space<vmem>>
        %dma_wait3A_1233 = arith.constant 0 : i32
        %dma_wait3A_1234 = arith.constant 0 : i32
        %dma_wait3A_1235 = tpu.memref_slice %arg5[%dma_wait3A_1233, %dma_wait3A_1234] : memref<50048x32xf32, #tpu.memory_space<vmem_shared>> -> memref<50048x32xf32, #tpu.memory_space<vmem_shared>>
        tpu.wait_indirect_dma semaphore(%run_scoped3A_1217 : memref<!tpu.dma_semaphore, #tpu.memory_space<semaphore_mem>>) src(%dma_wait3A_1229 : memref<128x32xf32, #tpu.memory_space<vmem>>) dst(%dma_wait3A_1235 : memref<50048x32xf32, #tpu.memory_space<vmem_shared>>)
        tpu.yield
      }) : () -> ()
      %run_scoped3A_1214 = arith.constant 2 : i32
      "tpu.region"() ({
        %run_scoped3A_1217 = tpu.sem_alloc : memref<!tpu.dma_semaphore, #tpu.memory_space<semaphore_mem>>
        %dma_start3A_1218 = arith.constant 256 : i32
        %dma_start3A_1219 = arith.constant 0 : i32
        %dma_start3A_1220 = tpu.memref_slice %arg7[%dma_start3A_1218, %dma_start3A_1219] : memref<512x32xf32, #tpu.memory_space<vmem>> -> memref<128x32xf32, #tpu.memory_space<vmem>>
        %dma_start3A_1221 = arith.constant 0 : i32
        %dma_start3A_1222 = tpu.memref_slice %arg6[%run_scoped3A_1214, %dma_start3A_1221] : memref<4x128xi32, #tpu.memory_space<vmem>> -> memref<1x128xi32, #tpu.memory_space<vmem>>
        %dma_start3A_1223 = tpu.memref_squeeze %dma_start3A_1222 : memref<1x128xi32, #tpu.memory_space<vmem>> -> memref<128xi32, #tpu.memory_space<vmem>>
        %dma_start3A_1224 = arith.constant 0 : i32
        %dma_start3A_1225 = arith.constant 0 : i32
        %dma_start3A_1226 = tpu.memref_slice %arg5[%dma_start3A_1224, %dma_start3A_1225] : memref<50048x32xf32, #tpu.memory_space<vmem_shared>> -> memref<50048x32xf32, #tpu.memory_space<vmem_shared>>
        tpu.enqueue_indirect_dma source(%dma_start3A_1220 : memref<128x32xf32, #tpu.memory_space<vmem>>) target(%dma_start3A_1226 : memref<50048x32xf32, #tpu.memory_space<vmem_shared>>) offsets(%dma_start3A_1223 : memref<128xi32, #tpu.memory_space<vmem>>) semaphore(%run_scoped3A_1217 : memref<!tpu.dma_semaphore, #tpu.memory_space<semaphore_mem>>) {add = true}
        %dma_wait3A_1227 = arith.constant 256 : i32
        %dma_wait3A_1228 = arith.constant 0 : i32
        %dma_wait3A_1229 = tpu.memref_slice %arg7[%dma_wait3A_1227, %dma_wait3A_1228] : memref<512x32xf32, #tpu.memory_space<vmem>> -> memref<128x32xf32, #tpu.memory_space<vmem>>
        %dma_wait3A_1230 = arith.constant 0 : i32
        %dma_wait3A_1231 = tpu.memref_slice %arg6[%run_scoped3A_1214, %dma_wait3A_1230] : memref<4x128xi32, #tpu.memory_space<vmem>> -> memref<1x128xi32, #tpu.memory_space<vmem>>
        %dma_wait3A_1232 = tpu.memref_squeeze %dma_wait3A_1231 : memref<1x128xi32, #tpu.memory_space<vmem>> -> memref<128xi32, #tpu.memory_space<vmem>>
        %dma_wait3A_1233 = arith.constant 0 : i32
        %dma_wait3A_1234 = arith.constant 0 : i32
        %dma_wait3A_1235 = tpu.memref_slice %arg5[%dma_wait3A_1233, %dma_wait3A_1234] : memref<50048x32xf32, #tpu.memory_space<vmem_shared>> -> memref<50048x32xf32, #tpu.memory_space<vmem_shared>>
        tpu.wait_indirect_dma semaphore(%run_scoped3A_1217 : memref<!tpu.dma_semaphore, #tpu.memory_space<semaphore_mem>>) src(%dma_wait3A_1229 : memref<128x32xf32, #tpu.memory_space<vmem>>) dst(%dma_wait3A_1235 : memref<50048x32xf32, #tpu.memory_space<vmem_shared>>)
        tpu.yield
      }) : () -> ()
      %run_scoped3A_1215 = arith.constant 3 : i32
      "tpu.region"() ({
        %run_scoped3A_1217 = tpu.sem_alloc : memref<!tpu.dma_semaphore, #tpu.memory_space<semaphore_mem>>
        %dma_start3A_1218 = arith.constant 384 : i32
        %dma_start3A_1219 = arith.constant 0 : i32
        %dma_start3A_1220 = tpu.memref_slice %arg7[%dma_start3A_1218, %dma_start3A_1219] : memref<512x32xf32, #tpu.memory_space<vmem>> -> memref<128x32xf32, #tpu.memory_space<vmem>>
        %dma_start3A_1221 = arith.constant 0 : i32
        %dma_start3A_1222 = tpu.memref_slice %arg6[%run_scoped3A_1215, %dma_start3A_1221] : memref<4x128xi32, #tpu.memory_space<vmem>> -> memref<1x128xi32, #tpu.memory_space<vmem>>
        %dma_start3A_1223 = tpu.memref_squeeze %dma_start3A_1222 : memref<1x128xi32, #tpu.memory_space<vmem>> -> memref<128xi32, #tpu.memory_space<vmem>>
        %dma_start3A_1224 = arith.constant 0 : i32
        %dma_start3A_1225 = arith.constant 0 : i32
        %dma_start3A_1226 = tpu.memref_slice %arg5[%dma_start3A_1224, %dma_start3A_1225] : memref<50048x32xf32, #tpu.memory_space<vmem_shared>> -> memref<50048x32xf32, #tpu.memory_space<vmem_shared>>
        tpu.enqueue_indirect_dma source(%dma_start3A_1220 : memref<128x32xf32, #tpu.memory_space<vmem>>) target(%dma_start3A_1226 : memref<50048x32xf32, #tpu.memory_space<vmem_shared>>) offsets(%dma_start3A_1223 : memref<128xi32, #tpu.memory_space<vmem>>) semaphore(%run_scoped3A_1217 : memref<!tpu.dma_semaphore, #tpu.memory_space<semaphore_mem>>) {add = true}
        %dma_wait3A_1227 = arith.constant 384 : i32
        %dma_wait3A_1228 = arith.constant 0 : i32
        %dma_wait3A_1229 = tpu.memref_slice %arg7[%dma_wait3A_1227, %dma_wait3A_1228] : memref<512x32xf32, #tpu.memory_space<vmem>> -> memref<128x32xf32, #tpu.memory_space<vmem>>
        %dma_wait3A_1230 = arith.constant 0 : i32
        %dma_wait3A_1231 = tpu.memref_slice %arg6[%run_scoped3A_1215, %dma_wait3A_1230] : memref<4x128xi32, #tpu.memory_space<vmem>> -> memref<1x128xi32, #tpu.memory_space<vmem>>
        %dma_wait3A_1232 = tpu.memref_squeeze %dma_wait3A_1231 : memref<1x128xi32, #tpu.memory_space<vmem>> -> memref<128xi32, #tpu.memory_space<vmem>>
        %dma_wait3A_1233 = arith.constant 0 : i32
        %dma_wait3A_1234 = arith.constant 0 : i32
        %dma_wait3A_1235 = tpu.memref_slice %arg5[%dma_wait3A_1233, %dma_wait3A_1234] : memref<50048x32xf32, #tpu.memory_space<vmem_shared>> -> memref<50048x32xf32, #tpu.memory_space<vmem_shared>>
        tpu.wait_indirect_dma semaphore(%run_scoped3A_1217 : memref<!tpu.dma_semaphore, #tpu.memory_space<semaphore_mem>>) src(%dma_wait3A_1229 : memref<128x32xf32, #tpu.memory_space<vmem>>) dst(%dma_wait3A_1235 : memref<50048x32xf32, #tpu.memory_space<vmem_shared>>)
        tpu.yield
      }) : () -> ()
      %scan3A_1216 = arith.constant 0 : i32
      scf.yield %scan3A_1216 : i32
    }
    %scan3A_23 = arith.constant 200 : i32
    %barrier3A_24 = arith.constant 0 : index
    tpu.barrier barrier_id(%barrier3A_24)
    %mul3A_25 = arith.constant 50048 : i32
    %mul3A_26 = arith.muli %arg0, %mul3A_25 : i32
    %add3A_27 = arith.addi %mul3A_26, %mul3A_8 : i32
    "tpu.region"() ({
      %run_scoped3A = tpu.sem_alloc : memref<!tpu.dma_semaphore, #tpu.memory_space<semaphore_mem>>
      %dma_start3A = arith.constant 0 : i32
      %dma_start3A_28 = tpu.memref_slice %arg4[%add3A_27, %dma_start3A] : memref<100096x32xf32, #tpu.memory_space<hbm>> -> memref<3128x32xf32, #tpu.memory_space<hbm>>
      %dma_start3A_29 = arith.constant 0 : i32
      %dma_start3A_30 = tpu.memref_slice %arg5[%mul3A_8, %dma_start3A_29] : memref<50048x32xf32, #tpu.memory_space<vmem_shared>> -> memref<3128x32xf32, #tpu.memory_space<vmem_shared>>
      tpu.enqueue_dma source(%dma_start3A_30 : memref<3128x32xf32, #tpu.memory_space<vmem_shared>>) target(%dma_start3A_28 : memref<3128x32xf32, #tpu.memory_space<hbm>>) target_semaphore(%run_scoped3A : memref<!tpu.dma_semaphore, #tpu.memory_space<semaphore_mem>>)
      %dma_wait3A = arith.constant 0 : i32
      %dma_wait3A_31 = tpu.memref_slice %arg4[%add3A_27, %dma_wait3A] : memref<100096x32xf32, #tpu.memory_space<hbm>> -> memref<3128x32xf32, #tpu.memory_space<hbm>>
      %dma_wait3A_32 = arith.constant 0 : i32
      %dma_wait3A_33 = tpu.memref_slice %arg5[%mul3A_8, %dma_wait3A_32] : memref<50048x32xf32, #tpu.memory_space<vmem_shared>> -> memref<3128x32xf32, #tpu.memory_space<vmem_shared>>
      tpu.wait_dma2 semaphore(%run_scoped3A : memref<!tpu.dma_semaphore, #tpu.memory_space<semaphore_mem>>) src(%dma_wait3A_33 : memref<3128x32xf32, #tpu.memory_space<vmem_shared>>) dst(%dma_wait3A_31 : memref<3128x32xf32, #tpu.memory_space<hbm>>)
      tpu.yield
    }) : () -> ()
    return
  }
}

module attributes {stable_mosaic.version = 14 : i64} {
  func.func @_edge_mlp_body(%arg0: i32, %arg1: memref<3200x48xf32, #tpu.memory_space<vmem>>, %arg2: memref<3200x24xf32, #tpu.memory_space<vmem>>, %arg3: memref<3200x4xf32, #tpu.memory_space<vmem>>, %arg4: memref<3200x1xf32, #tpu.memory_space<vmem>>, %arg5: memref<1x32xf32, #tpu.memory_space<vmem>>, %arg6: memref<4x24xf32, #tpu.memory_space<vmem>>, %arg7: memref<32x24xf32, #tpu.memory_space<vmem>>, %arg8: memref<24x24xf32, #tpu.memory_space<vmem>>, %arg9: memref<1x24xf32, #tpu.memory_space<vmem>>, %arg10: memref<1x24xf32, #tpu.memory_space<vmem>>, %arg11: memref<24x72xf32, #tpu.memory_space<vmem>>, %arg12: memref<24x72xf32, #tpu.memory_space<vmem>>, %arg13: memref<24x72xf32, #tpu.memory_space<vmem>>, %arg14: memref<1x72xf32, #tpu.memory_space<vmem>>, %arg15: memref<72x24xf32, #tpu.memory_space<vmem>>, %arg16: memref<1x24xf32, #tpu.memory_space<vmem>>, %arg17: memref<1x1xf32, #tpu.memory_space<smem>>, %arg18: memref<3200x32xf32, #tpu.memory_space<vmem>>) attributes {dimension_semantics = [#tpu.dimension_semantics<arbitrary>], iteration_bounds = array<i64: 512>, scalar_prefetch = 0 : i64, scratch_operands = 0 : i64, tpu.core_type = #tpu.core_type<tc>, window_params = [{transform_indices = @transform_0, window_bounds = array<i64: 3200, 48>}, {transform_indices = @transform_1, window_bounds = array<i64: 3200, 24>}, {transform_indices = @transform_2, window_bounds = array<i64: 3200, 4>}, {transform_indices = @transform_3, window_bounds = array<i64: 3200, 1>}, {pipeline_mode = #tpu.pipeline_mode<synchronous>, transform_indices = @transform_4, window_bounds = array<i64: 1, 32>}, {pipeline_mode = #tpu.pipeline_mode<synchronous>, transform_indices = @transform_5, window_bounds = array<i64: 4, 24>}, {pipeline_mode = #tpu.pipeline_mode<synchronous>, transform_indices = @transform_6, window_bounds = array<i64: 32, 24>}, {pipeline_mode = #tpu.pipeline_mode<synchronous>, transform_indices = @transform_7, window_bounds = array<i64: 24, 24>}, {pipeline_mode = #tpu.pipeline_mode<synchronous>, transform_indices = @transform_8, window_bounds = array<i64: 1, 24>}, {pipeline_mode = #tpu.pipeline_mode<synchronous>, transform_indices = @transform_9, window_bounds = array<i64: 1, 24>}, {pipeline_mode = #tpu.pipeline_mode<synchronous>, transform_indices = @transform_10, window_bounds = array<i64: 24, 72>}, {pipeline_mode = #tpu.pipeline_mode<synchronous>, transform_indices = @transform_11, window_bounds = array<i64: 24, 72>}, {pipeline_mode = #tpu.pipeline_mode<synchronous>, transform_indices = @transform_12, window_bounds = array<i64: 24, 72>}, {pipeline_mode = #tpu.pipeline_mode<synchronous>, transform_indices = @transform_13, window_bounds = array<i64: 1, 72>}, {pipeline_mode = #tpu.pipeline_mode<synchronous>, transform_indices = @transform_14, window_bounds = array<i64: 72, 24>}, {pipeline_mode = #tpu.pipeline_mode<synchronous>, transform_indices = @transform_15, window_bounds = array<i64: 1, 24>}, {transform_indices = @transform_16, window_bounds = array<i64: 1, 1>}, {transform_indices = @transform_17, window_bounds = array<i64: 3200, 32>}]} {
    %get3A = arith.constant 0 : index
    %get3A_0 = arith.constant 0 : index
    %get3A_1 = vector.load %arg1[%get3A, %get3A_0] : memref<3200x48xf32, #tpu.memory_space<vmem>>, vector<3200x24xf32>
    %get3A_2 = arith.constant 0 : index
    %get3A_3 = arith.constant 24 : index
    %get3A_4 = vector.load %arg1[%get3A_2, %get3A_3] : memref<3200x48xf32, #tpu.memory_space<vmem>>, vector<3200x24xf32>
    %get3A_5 = arith.constant 0 : index
    %get3A_6 = arith.constant 0 : index
    %get3A_7 = vector.load %arg2[%get3A_5, %get3A_6] : memref<3200x24xf32, #tpu.memory_space<vmem>>, vector<3200x24xf32>
    %get3A_8 = arith.constant 0 : index
    %get3A_9 = arith.constant 0 : index
    %get3A_10 = vector.load %arg4[%get3A_8, %get3A_9] : memref<3200x1xf32, #tpu.memory_space<vmem>>, vector<3200x1xf32>
    %get3A_11 = arith.constant 0 : index
    %get3A_12 = arith.constant 0 : index
    %get3A_13 = vector.load %arg5[%get3A_11, %get3A_12] : memref<1x32xf32, #tpu.memory_space<vmem>>, vector<1x32xf32>
    %get3A_14 = arith.constant 0 : index
    %get3A_15 = arith.constant 0 : index
    %get3A_16 = memref.load %arg17[%get3A_14, %get3A_15] : memref<1x1xf32, #tpu.memory_space<smem>>
    %sub3A = vector.broadcast %get3A_10 : vector<3200x1xf32> to vector<3200x32xf32>
    %sub3A_17 = vector.broadcast %get3A_13 : vector<1x32xf32> to vector<3200x32xf32>
    %sub3A_18 = arith.subf %sub3A, %sub3A_17 : vector<3200x32xf32>
    %mul3A = vector.broadcast %get3A_16 : f32 to vector<3200x32xf32>
    %mul3A_19 = arith.mulf %mul3A, %sub3A_18 : vector<3200x32xf32>
    %mul3A_20 = arith.mulf %mul3A_19, %sub3A_18 : vector<3200x32xf32>
    %exp3A = math.exp %mul3A_20 : vector<3200x32xf32>
    %get3A_21 = arith.constant 0 : index
    %get3A_22 = arith.constant 0 : index
    %get3A_23 = vector.load %arg3[%get3A_21, %get3A_22] : memref<3200x4xf32, #tpu.memory_space<vmem>>, vector<3200x4xf32>
    %get3A_24 = arith.constant 0 : index
    %get3A_25 = arith.constant 0 : index
    %get3A_26 = vector.load %arg6[%get3A_24, %get3A_25] : memref<4x24xf32, #tpu.memory_space<vmem>>, vector<4x24xf32>
    %dot_general3A = arith.constant dense<0.000000e+00> : vector<3200x24xf32>
    %dot_general3A_27 = tpu.matmul %get3A_23, %get3A_26, %dot_general3A {dimension_numbers = #tpu.dot_dimension_numbers<[1], [0], [0], [1], [0, 0, 1, 1], [], []>, transpose_lhs_hint = false} : vector<3200x4xf32>, vector<4x24xf32>, vector<3200x24xf32> -> vector<3200x24xf32>
    %get3A_28 = arith.constant 0 : index
    %get3A_29 = arith.constant 0 : index
    %get3A_30 = vector.load %arg7[%get3A_28, %get3A_29] : memref<32x24xf32, #tpu.memory_space<vmem>>, vector<32x24xf32>
    %dot_general3A_31 = arith.constant dense<0.000000e+00> : vector<3200x24xf32>
    %dot_general3A_32 = tpu.matmul %exp3A, %get3A_30, %dot_general3A_31 {dimension_numbers = #tpu.dot_dimension_numbers<[1], [0], [0], [1], [0, 0, 1, 1], [], []>, transpose_lhs_hint = false} : vector<3200x32xf32>, vector<32x24xf32>, vector<3200x24xf32> -> vector<3200x24xf32>
    %add3A = arith.addf %dot_general3A_27, %dot_general3A_32 : vector<3200x24xf32>
    %add3A_33 = arith.addf %add3A, %get3A_4 : vector<3200x24xf32>
    %get3A_34 = arith.constant 0 : index
    %get3A_35 = arith.constant 0 : index
    %get3A_36 = vector.load %arg9[%get3A_34, %get3A_35] : memref<1x24xf32, #tpu.memory_space<vmem>>, vector<1x24xf32>
    %add3A_37 = vector.broadcast %get3A_36 : vector<1x24xf32> to vector<3200x24xf32>
    %add3A_38 = arith.addf %add3A_33, %add3A_37 : vector<3200x24xf32>
    %max3A = arith.constant 0.000000e+00 : f32
    %max3A_39 = vector.broadcast %max3A : f32 to vector<3200x24xf32>
    %max3A_40 = arith.maximumf %add3A_38, %max3A_39 : vector<3200x24xf32>
    %get3A_41 = arith.constant 0 : index
    %get3A_42 = arith.constant 0 : index
    %get3A_43 = vector.load %arg8[%get3A_41, %get3A_42] : memref<24x24xf32, #tpu.memory_space<vmem>>, vector<24x24xf32>
    %dot_general3A_44 = arith.constant dense<0.000000e+00> : vector<3200x24xf32>
    %dot_general3A_45 = tpu.matmul %max3A_40, %get3A_43, %dot_general3A_44 {dimension_numbers = #tpu.dot_dimension_numbers<[1], [0], [0], [1], [0, 0, 1, 1], [], []>, transpose_lhs_hint = false} : vector<3200x24xf32>, vector<24x24xf32>, vector<3200x24xf32> -> vector<3200x24xf32>
    %get3A_46 = arith.constant 0 : index
    %get3A_47 = arith.constant 0 : index
    %get3A_48 = vector.load %arg10[%get3A_46, %get3A_47] : memref<1x24xf32, #tpu.memory_space<vmem>>, vector<1x24xf32>
    %add3A_49 = vector.broadcast %get3A_48 : vector<1x24xf32> to vector<3200x24xf32>
    %add3A_50 = arith.addf %dot_general3A_45, %add3A_49 : vector<3200x24xf32>
    %get3A_51 = arith.constant 0 : index
    %get3A_52 = arith.constant 0 : index
    %get3A_53 = vector.load %arg11[%get3A_51, %get3A_52] : memref<24x72xf32, #tpu.memory_space<vmem>>, vector<24x72xf32>
    %dot_general3A_54 = arith.constant dense<0.000000e+00> : vector<3200x72xf32>
    %dot_general3A_55 = tpu.matmul %add3A_50, %get3A_53, %dot_general3A_54 {dimension_numbers = #tpu.dot_dimension_numbers<[1], [0], [0], [1], [0, 0, 1, 1], [], []>, transpose_lhs_hint = false} : vector<3200x24xf32>, vector<24x72xf32>, vector<3200x72xf32> -> vector<3200x72xf32>
    %get3A_56 = arith.constant 0 : index
    %get3A_57 = arith.constant 0 : index
    %get3A_58 = vector.load %arg12[%get3A_56, %get3A_57] : memref<24x72xf32, #tpu.memory_space<vmem>>, vector<24x72xf32>
    %dot_general3A_59 = arith.constant dense<0.000000e+00> : vector<3200x72xf32>
    %dot_general3A_60 = tpu.matmul %get3A_1, %get3A_58, %dot_general3A_59 {dimension_numbers = #tpu.dot_dimension_numbers<[1], [0], [0], [1], [0, 0, 1, 1], [], []>, transpose_lhs_hint = false} : vector<3200x24xf32>, vector<24x72xf32>, vector<3200x72xf32> -> vector<3200x72xf32>
    %add3A_61 = arith.addf %dot_general3A_55, %dot_general3A_60 : vector<3200x72xf32>
    %get3A_62 = arith.constant 0 : index
    %get3A_63 = arith.constant 0 : index
    %get3A_64 = vector.load %arg13[%get3A_62, %get3A_63] : memref<24x72xf32, #tpu.memory_space<vmem>>, vector<24x72xf32>
    %dot_general3A_65 = arith.constant dense<0.000000e+00> : vector<3200x72xf32>
    %dot_general3A_66 = tpu.matmul %get3A_7, %get3A_64, %dot_general3A_65 {dimension_numbers = #tpu.dot_dimension_numbers<[1], [0], [0], [1], [0, 0, 1, 1], [], []>, transpose_lhs_hint = false} : vector<3200x24xf32>, vector<24x72xf32>, vector<3200x72xf32> -> vector<3200x72xf32>
    %add3A_67 = arith.addf %add3A_61, %dot_general3A_66 : vector<3200x72xf32>
    %get3A_68 = arith.constant 0 : index
    %get3A_69 = arith.constant 0 : index
    %get3A_70 = vector.load %arg14[%get3A_68, %get3A_69] : memref<1x72xf32, #tpu.memory_space<vmem>>, vector<1x72xf32>
    %add3A_71 = vector.broadcast %get3A_70 : vector<1x72xf32> to vector<3200x72xf32>
    %add3A_72 = arith.addf %add3A_67, %add3A_71 : vector<3200x72xf32>
    %max3A_73 = arith.constant 0.000000e+00 : f32
    %max3A_74 = vector.broadcast %max3A_73 : f32 to vector<3200x72xf32>
    %max3A_75 = arith.maximumf %add3A_72, %max3A_74 : vector<3200x72xf32>
    %get3A_76 = arith.constant 0 : index
    %get3A_77 = arith.constant 0 : index
    %get3A_78 = vector.load %arg15[%get3A_76, %get3A_77] : memref<72x24xf32, #tpu.memory_space<vmem>>, vector<72x24xf32>
    %dot_general3A_79 = arith.constant dense<0.000000e+00> : vector<3200x24xf32>
    %dot_general3A_80 = tpu.matmul %max3A_75, %get3A_78, %dot_general3A_79 {dimension_numbers = #tpu.dot_dimension_numbers<[1], [0], [0], [1], [0, 0, 1, 1], [], []>, transpose_lhs_hint = false} : vector<3200x72xf32>, vector<72x24xf32>, vector<3200x24xf32> -> vector<3200x24xf32>
    %get3A_81 = arith.constant 0 : index
    %get3A_82 = arith.constant 0 : index
    %get3A_83 = vector.load %arg16[%get3A_81, %get3A_82] : memref<1x24xf32, #tpu.memory_space<vmem>>, vector<1x24xf32>
    %add3A_84 = vector.broadcast %get3A_83 : vector<1x24xf32> to vector<3200x24xf32>
    %add3A_85 = arith.addf %dot_general3A_80, %add3A_84 : vector<3200x24xf32>
    %mul3A_86 = arith.mulf %get3A_7, %add3A_85 : vector<3200x24xf32>
    %broadcast_in_dim3A = arith.constant 1.000000e+00 : f32
    %broadcast_in_dim3A_87 = vector.broadcast %broadcast_in_dim3A : f32 to vector<3200x1xf32>
    %broadcast_in_dim3A_88 = arith.constant 0.000000e+00 : f32
    %broadcast_in_dim3A_89 = vector.broadcast %broadcast_in_dim3A_88 : f32 to vector<3200x7xf32>
    %concatenate3A = tpu.concatenate %mul3A_86, %broadcast_in_dim3A_87, %broadcast_in_dim3A_89 in 1 : vector<3200x24xf32>, vector<3200x1xf32>, vector<3200x7xf32> -> vector<3200x32xf32>
    %swap3A = arith.constant 0 : index
    %swap3A_90 = arith.constant 0 : index
    %swap3A_91 = vector.load %arg18[%swap3A, %swap3A_90] : memref<3200x32xf32, #tpu.memory_space<vmem>>, vector<3200x32xf32>
    tpu.vector_store %arg18[%swap3A, %swap3A_90], %concatenate3A {strides = array<i32>} : memref<3200x32xf32, #tpu.memory_space<vmem>>, vector<3200x32xf32>,
    return
  }
  func.func @transform_0(%arg0: i32) -> (i32, i32) {
    %c0_i32 = arith.constant 0 : i32
    %c0_i32_0 = arith.constant 0 : i32
    return %arg0, %c0_i32 : i32, i32
  }
  func.func @transform_1(%arg0: i32) -> (i32, i32) {
    %c0_i32 = arith.constant 0 : i32
    %c0_i32_0 = arith.constant 0 : i32
    return %arg0, %c0_i32 : i32, i32
  }
  func.func @transform_2(%arg0: i32) -> (i32, i32) {
    %c0_i32 = arith.constant 0 : i32
    %c0_i32_0 = arith.constant 0 : i32
    return %arg0, %c0_i32 : i32, i32
  }
  func.func @transform_3(%arg0: i32) -> (i32, i32) {
    %c0_i32 = arith.constant 0 : i32
    %c0_i32_0 = arith.constant 0 : i32
    return %arg0, %c0_i32 : i32, i32
  }
  func.func @transform_4(%arg0: i32) -> (i32, i32) {
    %c0_i32 = arith.constant 0 : i32
    %c0_i32_0 = arith.constant 0 : i32
    %c0_i32_1 = arith.constant 0 : i32
    return %c0_i32, %c0_i32_0 : i32, i32
  }
  func.func @transform_5(%arg0: i32) -> (i32, i32) {
    %c0_i32 = arith.constant 0 : i32
    %c0_i32_0 = arith.constant 0 : i32
    %c0_i32_1 = arith.constant 0 : i32
    return %c0_i32, %c0_i32_0 : i32, i32
  }
  func.func @transform_6(%arg0: i32) -> (i32, i32) {
    %c0_i32 = arith.constant 0 : i32
    %c0_i32_0 = arith.constant 0 : i32
    %c0_i32_1 = arith.constant 0 : i32
    return %c0_i32, %c0_i32_0 : i32, i32
  }
  func.func @transform_7(%arg0: i32) -> (i32, i32) {
    %c0_i32 = arith.constant 0 : i32
    %c0_i32_0 = arith.constant 0 : i32
    %c0_i32_1 = arith.constant 0 : i32
    return %c0_i32, %c0_i32_0 : i32, i32
  }
  func.func @transform_8(%arg0: i32) -> (i32, i32) {
    %c0_i32 = arith.constant 0 : i32
    %c0_i32_0 = arith.constant 0 : i32
    %c0_i32_1 = arith.constant 0 : i32
    return %c0_i32, %c0_i32_0 : i32, i32
  }
  func.func @transform_9(%arg0: i32) -> (i32, i32) {
    %c0_i32 = arith.constant 0 : i32
    %c0_i32_0 = arith.constant 0 : i32
    %c0_i32_1 = arith.constant 0 : i32
    return %c0_i32, %c0_i32_0 : i32, i32
  }
  func.func @transform_10(%arg0: i32) -> (i32, i32) {
    %c0_i32 = arith.constant 0 : i32
    %c0_i32_0 = arith.constant 0 : i32
    %c0_i32_1 = arith.constant 0 : i32
    return %c0_i32, %c0_i32_0 : i32, i32
  }
  func.func @transform_11(%arg0: i32) -> (i32, i32) {
    %c0_i32 = arith.constant 0 : i32
    %c0_i32_0 = arith.constant 0 : i32
    %c0_i32_1 = arith.constant 0 : i32
    return %c0_i32, %c0_i32_0 : i32, i32
  }
  func.func @transform_12(%arg0: i32) -> (i32, i32) {
    %c0_i32 = arith.constant 0 : i32
    %c0_i32_0 = arith.constant 0 : i32
    %c0_i32_1 = arith.constant 0 : i32
    return %c0_i32, %c0_i32_0 : i32, i32
  }
  func.func @transform_13(%arg0: i32) -> (i32, i32) {
    %c0_i32 = arith.constant 0 : i32
    %c0_i32_0 = arith.constant 0 : i32
    %c0_i32_1 = arith.constant 0 : i32
    return %c0_i32, %c0_i32_0 : i32, i32
  }
  func.func @transform_14(%arg0: i32) -> (i32, i32) {
    %c0_i32 = arith.constant 0 : i32
    %c0_i32_0 = arith.constant 0 : i32
    %c0_i32_1 = arith.constant 0 : i32
    return %c0_i32, %c0_i32_0 : i32, i32
  }
  func.func @transform_15(%arg0: i32) -> (i32, i32) {
    %c0_i32 = arith.constant 0 : i32
    %c0_i32_0 = arith.constant 0 : i32
    %c0_i32_1 = arith.constant 0 : i32
    return %c0_i32, %c0_i32_0 : i32, i32
  }
  func.func @transform_16(%arg0: i32) -> (i32, i32) {
    %c0_i32 = arith.constant 0 : i32
    %c0_i32_0 = arith.constant 0 : i32
    %c0_i32_1 = arith.constant 0 : i32
    return %c0_i32, %c0_i32_0 : i32, i32
  }
  func.func @transform_17(%arg0: i32) -> (i32, i32) {
    %c0_i32 = arith.constant 0 : i32
    %c0_i32_0 = arith.constant 0 : i32
    return %arg0, %c0_i32 : i32, i32
  }
}

</mosaic_0001>

<sc_bundles>
// kernel: kernel.5.cloned.1.call-start
scs
__scs_entry_jumppad:
0x0: {  	(pc) =	sbr.rel $0x88, $3  }
0x1: {  	(tag) =	ssettag $0x0;
	lr =	simm.s32 $0x1  }
0x2: {  	[smem:$0x3F8E] =	sst lr;
	_ =	strace $0xD0000000  }
0x3: {  	_ = 	snop  }
0x4: {  	_ = 	snop  }
0x5: {  	_ = 	snop  }
0x6: {  	_ = 	snop  }
0x7: {  	_ = 	snop  }
__scs_overlays_trampoline_lowered:
0x8: {  	[smem:$0x3F9D] =	sst s0  }
0x9: {  	[smem:$0x3F9E] =	sst s1  }
0xa: {  	[smem:$0x3F9F] =	sst s2  }
0xb: {  	[smem:$0x3FA0] =	sst s3  }
0xc: {  	[smem:$0x3FA1] =	sst s4  }
0xd: {  	[smem:$0x3FA2] =	sst s5  }
0xe: {  	[smem:$0x3FA3] =	sst s6  }
0xf: {  	[smem:$0x3FA4] =	sst s7  }
0x10: {  	[smem:$0x3FA5] =	sst s8  }
0x11: {  	[smem:$0x3FA6] =	sst s9;
	s0 =	simm.s32 @!p0 $0x0  }
0x12: {  	s1 =	sld [smem:$0x3F8C];
	s0 =	simm.s32 @p0 $0x1  }
0x13: {  	[smem:$0x3FA7] =	sst s0;
	s0 =	simm.s32 @!p1 $0x0  }
0x14: {  	s2 =	sld [smem:$0x3F8B];
	s0 =	simm.s32 @p1 $0x1  }
0x15: {  	[smem:$0x3FA8] =	sst s0;
	s0 =	simm.s32 @!p2 $0x0  }
0x16: {  	s3 =	sld [smem:$0x3FDB];
	s0 =	simm.s32 @p2 $0x1  }
0x17: {  	s4 =	simm.s32 $0x1BF5;
	[smem:$0x3FAA] =	sst s0  }
0x18: {  	s0 =	sld [smem:$0x3F8D];
	_ =	swait.ge [sflag:s4], $0x0  }
0x19: {  	s7 =	sld [smem:$0x3F8E]  }
0x1a: {  	s8 =	sadd.s32 $0xFFFFE003, lr  }
0x1b: {  	s9 =	sadd.s32 $0xFFFFFEF7, lr;
	s5 =	simm.s32 $0xFFFFFFFF;
	p2 =	slt.u32 s8, $0xFFFFF086  }
0x1c: {  	p1 =	slt.u32 s9, $0xF7A;
	s5 =	simm.s32 @!p2 $0x0  }
0x1d: {  	s5 =	simm.s32 @p1 $0x1;
	p0 =	seq.s32 s7, s2  }
0x1e: {  	s7 =	smul.u32 @!p0 $0xF7A, s2;
	p2 =	seq.s32 @!p0 s5, $0x0  }
0x1f: {  	s9 =	smul.u32 $0xF7A, s1;
	s8 =	simm.s32 @!p0 $0x1BF5;
	p2 =	por !p2, p0  }
0x20: {  	[sflag:s8] =	ssyncset.s32 @!p0 $0xFFFFF086;
	s6 =	sadd.s32 @!p0 s3, s7;
	s7 =	simm.s32 @!p0 $0x108  }
0x21: {  	s3 =	sadd.s32 s3, s9;
	s6 =	sadd.s32 @!p0 $0x88, s6;
	s7 =	simm.s32 @p2 $0x1082  }
0x22: {  	[simem:s7], [sflag:s8] =	dma.local @!p0 [hbm:s6], $0xF7A  }
0x23: {  	s9 =	sor.u32 $0xD0000000, s2;
	s6 =	simm.s32 $0x108;
	_ =	swait.ge @!p0 [sflag:s8], $0x0  }
0x24: {  	s3 =	sadd.s32 $0x88, s3;
	s6 =	simm.s32 @!p1 $0x1082;
	[sflag:s4] =	ssyncset.s32 $0xFFFFF086  }
0x25: {  	[simem:s6], [sflag:s4] =	dma.local [hbm:s3], $0xF7A  }
0x26: {  	[smem:$0x3F8E] =	sst s1;
	(tag) =	ssettag s2;
	_ =	strace s9  }
0x27: {  	s1 =	sld [smem:$0x3F9E]  }
0x28: {  	s2 =	sld [smem:$0x3F9F]  }
0x29: {  	s4 =	sld [smem:$0x3FA1]  }
0x2a: {  	p0 =	seq.s32 s5, $0x0;
	s5 =	sld [smem:$0x3FA2]  }
0x2b: {  	s6 =	sld [smem:$0x3FA3]  }
0x2c: {  	s7 =	sld [smem:$0x3FA4]  }
0x2d: {  	s3 =	simm.s32 $0x108;
	s8 =	sld [smem:$0x3FA5]  }
0x2e: {  	s3 =	simm.s32 @!p0 $0x1082;
	s9 =	sld [smem:$0x3FA6]  }
0x2f: {  	lr =	sadd.s32 s0, s3;
	s0 =	sld [smem:$0x3F9D]  }
0x30: {  	s3 =	sld [smem:$0x3FA0]  }
0x31: {  	[smem:$0x3FA9] =	sst s10  }
0x32: {  	s10 =	sld [smem:$0x3FA7];
	_ =	sdelay $0x3  }
0x33: {  	p0 =	seq.s32 s10, $0x1;
	s10 =	sld [smem:$0x3FA9];
	_ =	sdelay $0x3  }
0x34: {  	[smem:$0x3FA9] =	sst s10  }
0x35: {  	s10 =	sld [smem:$0x3FA8];
	_ =	sdelay $0x3  }
0x36: {  	p1 =	seq.s32 s10, $0x1;
	s10 =	sld [smem:$0x3FA9];
	_ =	sdelay $0x3  }
0x37: {  	[smem:$0x3FA9] =	sst s10  }
0x38: {  	s10 =	sld [smem:$0x3FAA]  }
0x39: {  	_ = 	snop;
	(pc) =	sbr.ind lr, $3  }
0x3a: {  	_ = 	snop  }
0x3b: {  	_ = 	snop  }
0x3c: {  	p2 =	seq.s32 s10, $0x1;
	s10 =	sld [smem:$0x3FA9]  }
0x3d: {  	_ =	shalt  }
0x3e: {  	_ =	shalt  }
0x3f: {  	_ =	shalt  }
0x40: {  	_ =	shalt  }
0x41: {  	_ =	shalt  }
0x42: {  	_ =	shalt  }
0x43: {  	_ =	shalt  }
0x44: {  	_ =	shalt  }
0x45: {  	_ =	shalt  }
0x46: {  	_ =	shalt  }
0x47: {  	_ =	shalt  }
0x48: {  	_ =	shalt  }
0x49: {  	_ =	shalt  }
0x4a: {  	_ =	shalt  }
0x4b: {  	_ =	shalt  }
0x4c: {  	_ =	shalt  }
0x4d: {  	_ =	shalt  }
0x4e: {  	_ =	shalt  }
0x4f: {  	_ =	shalt  }
0x50: {  	_ =	shalt  }
0x51: {  	_ =	shalt  }
0x52: {  	_ =	shalt  }
0x53: {  	_ =	shalt  }
0x54: {  	_ =	shalt  }
0x55: {  	_ =	shalt  }
0x56: {  	_ =	shalt  }
0x57: {  	_ =	shalt  }
0x58: {  	_ =	shalt  }
0x59: {  	_ =	shalt  }
0x5a: {  	_ =	shalt  }
0x5b: {  	_ =	shalt  }
0x5c: {  	_ =	shalt  }
0x5d: {  	_ =	shalt  }
0x5e: {  	_ =	shalt  }
0x5f: {  	_ =	shalt  }
0x60: {  	_ =	shalt  }
0x61: {  	_ =	shalt  }
0x62: {  	_ =	shalt  }
0x63: {  	_ =	shalt  }
0x64: {  	_ =	shalt  }
0x65: {  	_ =	shalt  }
0x66: {  	_ =	shalt  }
0x67: {  	_ =	shalt  }
0x68: {  	_ =	shalt  }
0x69: {  	_ =	shalt  }
0x6a: {  	_ =	shalt  }
0x6b: {  	_ =	shalt  }
0x6c: {  	_ =	shalt  }
0x6d: {  	_ =	shalt  }
0x6e: {  	_ =	shalt  }
0x6f: {  	_ =	shalt  }
0x70: {  	_ =	shalt  }
0x71: {  	_ =	shalt  }
0x72: {  	_ =	shalt  }
0x73: {  	_ =	shalt  }
0x74: {  	_ =	shalt  }
0x75: {  	_ =	shalt  }
0x76: {  	_ =	shalt  }
0x77: {  	_ =	shalt  }
0x78: {  	_ =	shalt  }
0x79: {  	_ =	shalt  }
0x7a: {  	_ =	shalt  }
0x7b: {  	_ =	shalt  }
0x7c: {  	_ =	shalt  }
0x7d: {  	_ =	shalt  }
0x7e: {  	_ =	shalt  }
0x7f: {  	_ =	shalt  }
0x80: {  	_ =	shalt  }
0x81: {  	_ =	shalt  }
0x82: {  	_ =	shalt  }
0x83: {  	_ =	shalt  }
0x84: {  	_ =	shalt  }
0x85: {  	_ =	shalt  }
0x86: {  	_ =	shalt  }
0x87: {  	_ =	shalt  }
.Lfunc_end0:
.L_simem_size_0:
called_computation_lowered:
.L_overlay_start_0:
0x88: {  	s2 =	sld [smem:$0x3FD9]  }
0x89: {  	s3 =	sld [smem:$0x3FFE];
	_ =	sdelay $0x1  }
0x8a: {  	s1 =	srdreg.scid  }
0x8b: {  	s0 =	sand.u32 $0x1, s1  }
0x8c: {  	s17 =	sshll.u32 s0, $0xA;
	s2 =	sadd.s32 s3, s2  }
0x8d: {  	s2 =	sadd.s32 s2, s17  }
0x8e: {  	[smem:$0x3FB5] =	sst s2  }
0x8f: {  	_ = 	snop  }
0x90: {  	s2 =	sld [smem:$0x3FD0];
	(tm) =	ssettm $0x1  }
0x91: {  	s18 =	sld [smem:$0x3FFB];
	_ =	sdelay $0x3  }
0x92: {  	_ =	strace s18  }
0x93: {  	s3 =	sld [smem:$0x3FFC];
	_ =	sdelay $0x3  }
0x94: {  	_ =	strace s3  }
0x95: {  	s3 =	sld [smem:$0x3FFD];
	_ =	sdelay $0x3  }
0x96: {  	_ =	strace s3  }
0x97: {  	_ =	strace $0x8FFFFFFF  }
0x98: {  	s19 =	sld [smem:$0x3FDB];
	_ =	sdelay $0x1  }
0x99: {  	s4 =	simm.s32 $_scs_section_size  }
0x9a: {  	s5 =	simm.s32 $_size__tile_overlayer_lowered;
	s6 =	simm.s32 $_tile_overlayer_lowered  }
0x9b: {  	s22 =	simm.s32 $0x1BFF;
	s21 =	sshll.u32 s6, $0x1;
	s3 =	sadd.s32 s4, s19  }
0x9c: {  	s7 =	simm.s32 $0x0;
	s20 =	sshll.u32 s5, $0x1;
	s5 =	sadd.s32 s21, s3  }
0x9d: {  	[timem:s7], [sflag:s22] =	dma.local [hbm:s5], s20  }
0x9e: {  	_ =	swait.ge [sflag:s22], s20  }
0x9f: {  	s4 =	ssub.s32 $0x0, s20;
	[sflag:s22] =	ssyncset.done $0x0  }
0xa0: {  	[sflag:s22] =	ssyncadd.s32 s4;
	_ =	sdelay $0x1  }
0xa1: {  	s23 =	simm.s32 $0x1B8B  }
0xa2: {  	_ =	swait.ge [sflag:s23], $0x1  }
0xa3: {  	[sflag:s23] =	ssyncset.done $0x0  }
0xa4: {  	s25 =	simm.s32 $0x1B8E;
	s24 =	sld [smem:$0x3FFE];
	[sflag:s23] =	ssyncadd.s32 $0xFFFFFFFF  }
0xa5: {  	s26 =	simm.s32 $execute0_lowered;
	[smem:$0x3FD2] =	sst s25  }
0xa6: {  	s5 =	sshll.u32 s26, $0x1;
	_ =	strace $0x80000046;
	[dreg:$0x1] =	wrdreg $0xFFFFFFFF  }
0xa7: {  	s28 =	simm.s32 $_size_execute0_lowered;
	s3 =	sadd.s32 s3, s5;
	[dreg:$0x0] =	wrdreg $0x0  }
0xa8: {  	s5 =	sshll.u32 s28, $0x1;
	[dreg:$0x2] =	wrdreg s3  }
0xa9: {  	[dreg:$0x3] =	wrdreg s5  }
0xaa: {  	[dreg:$0x4] =	wrdreg $0xC0  }
0xab: {  	_ =	task [dreg:s7], $0x5FFFF  }
0xac: {  	[dreg:$0x1] =	wrdreg $0xFFFFFFFF  }
0xad: {  	[dreg:$0x0] =	wrdreg $0x60  }
0xae: {  	[dreg:$0x2] =	wrdreg s24  }
0xaf: {  	[dreg:$0x3] =	wrdreg s2  }
0xb0: {  	[dreg:$0x4] =	wrdreg $0x9  }
0xb1: {  	_ =	task.clear_ibuf [dreg:s7], $0x5FFFF;
	_ =	strace $0x90000046  }
0xb2: {  	s29 =	simm.s32 $0x9;
	_ =	strace $0x80000048  }
0xb3: {  	_ =	swait.ge [sflag:s29], $0x1  }
0xb4: {  	[sflag:s29] =	ssyncadd.s32 $0xFFFFFFFF  }
0xb5: {  	_ =	strace $0x90000048  }
0xb6: {  	_ =	sfence  }
0xb7: {  	s30 =	sld [smem:$0x0];
	_ =	sdelay $0x2  }
0xb8: {  	s31 =	sshll.u32 s1, $0xD;
	s1 =	sshrl.u32 s1, $0x2  }
0xb9: {  	s3 =	sand.u32 $0x4000, s31;
	s1 =	sadd.s32 s1, s30  }
0xba: {  	s0 =	sor.u32 s3, s0;
	s1 =	sshll.u32 s1, $0x11  }
0xbb: {  	s0 =	sor.u32 s1, s0  }
0xbc: {  	s0 =	sadd.s32 $0x8F2B, s0  }
0xbd: {  	[sflag:s0] =	ssyncadd.remote.s32 $0x1  }
0xbe: {  	_ =	sfence.sel $0xFFFF  }
0xbf: {  	[dreg:$0x0] =	wrdreg $0xFFFFFFFF;
	(pc) =	sbr.abs _section_cstart, $3  }
0xc0: {  	[dreg:$0x1] =	wrdreg $0xFFFFFFFF  }
0xc1: {  	_ =	task.clear_ibuf [dreg:s7], $0x2FFFF;
	_ =	strace $0x9FFFFFFF  }
0xc2: {  	(tm) =	ssettm $0x7FFFFFFF  }
0xc3: {  	_ =	shalt  }
tec
execute0_lowered:
.L_overlay_start_1:
0x0: {  	(tag) =	ssettag $0x1  }
0x1: {  	s0 =	srdreg.scid;
	s1 =	rddreg [dreg:$0x0]  }
0x2: {  	s8 =	stileid.u32;
	s2 =	rddreg [dreg:$0x1];
	s3 =	simm.s32 $0x0  }
0x3: {  	s15 =	simm.s32 $0x480;
	s16 =	simm.s32 $0x100;
	s17 =	simm.s32 $0x500  }
0x4: {  	s18 =	simm.s32 $0x180;
	s19 =	simm.s32 $0x580;
	s20 =	simm.s32 $0x200  }
0x5: {  	s21 =	simm.s32 $0x600;
	s22 =	simm.s32 $0x280;
	s23 =	simm.s32 $0x680  }
0x6: {  	s24 =	simm.s32 $0x300;
	s25 =	simm.s32 $0x700;
	[smem:$0x7FF] =	sst s3  }
0x7: {  	s26 =	simm.s32 $0x380;
	_ =	strace $0x80000047;
	[dreg:$0x4] =	wrdreg s15  }
0x8: {  	s31 =	simm.s32 $0x780;
	s4 =	smul.u32 $0x19000, s8;
	[dreg:$0x5] =	wrdreg s16  }
0x9: {  	s28 =	simm.s32 $0x11C00;
	s6 =	smul.u32 $0x4B000, s8;
	[dreg:$0x6] =	wrdreg s17  }
0xa: {  	s0 =	sand.u32 $0x1, s0;
	s8 =	smul.u32 $0x96000, s8;
	[dreg:$0x7] =	wrdreg s18  }
0xb: {  	s29 =	simm.s32 $0x1;
	s5 =	smul.u32 $0xC800, s0;
	[dreg:$0x8] =	wrdreg s19  }
0xc: {  	s30 =	simm.s32 $0x2;
	s11 =	smul.u32 $0x25800, s0;
	[dreg:$0x9] =	wrdreg s20  }
0xd: {  	s9 =	ssub.s32 $0x2, s0;
	s0 =	smul.u32 $0x4B000, s0;
	[dreg:$0xa] =	wrdreg s21  }
0xe: {  	s15 =	simm.s32 $0xD400;
	s16 =	simm.s32 $0x3800;
	[dreg:$0xb] =	wrdreg s22  }
0xf: {  	s17 =	simm.s32 $0xE000;
	s18 =	simm.s32 $0x5000;
	[dreg:$0xc] =	wrdreg s23  }
0x10: {  	s19 =	simm.s32 $0xEC00;
	s20 =	simm.s32 $0x6800;
	[dreg:$0xd] =	wrdreg s24  }
0x11: {  	s21 =	simm.s32 $0xF800;
	[dreg:$0xe] =	wrdreg s25;
	s22 =	simm.s32 $0x8000  }
0x12: {  	[dreg:$0xf] =	wrdreg s26;
	s23 =	simm.s32 $0x10400;
	s24 =	simm.s32 $0x9800  }
0x13: {  	[dreg:$0x10] =	wrdreg s31;
	s25 =	simm.s32 $0x11000;
	s26 =	simm.s32 $0xB000  }
0x14: {  	s6 =	sadd.s32 s6, s1;
	s10 =	sshrl.u32 s9, $0x1;
	s4 =	sadd.s32 s5, s4  }
0x15: {  	s12 =	ssub.s32 s9, s10;
	s9 =	simm.s32 $0x3;
	s5 =	sshrl.u32 s4, $0x3  }
0x16: {  	s10 =	simm.s32 $0x400;
	s4 =	sadd.s32 $0x66000, s1;
	s7 =	sadd.s32 s5, s1  }
0x17: {  	s5 =	sadd.s32 s11, s6;
	s1 =	sadd.s32 s8, s1;
	s6 =	smax.u32 s12, $0x1  }
0x18: {  	s11 =	simm.s32 $0x80;
	s5 =	sadd.s32 $0xA8A800, s5;
	[dreg:$0x11] =	wrdreg s6  }
0x19: {  	s12 =	simm.s32 $0x800;
	s13 =	sadd.s32 $0x3C00, s7;
	[dreg:$0x3] =	wrdreg s5  }
0x1a: {  	s0 =	sadd.s32 s0, s1;
	s14 =	sadd.s32 $0xF8800, s7;
	[dreg:$0x13] =	wrdreg s13  }
0x1b: {  	s1 =	simm.s32 $0x0;
	s0 =	sadd.s32 $0x12A800, s0;
	[dreg:$0x14] =	wrdreg s14  }
0x1c: {  	s13 =	simm.s32 $0xC800;
	s14 =	simm.s32 $0x2000;
	[dreg:$0x12] =	wrdreg s0  }
.LBB2_1:
0x1d: {  	[dreg:$0x15] =	wrdreg s1  }
0x1e: {  	s5 =	rddreg [dreg:$0x14]  }
0x1f: {  	[tilespmem:s3], [sflag:$0x3] =	stream.linear.gather [hbm4b:s5+s3], $0x400, $0x38;
	[tilespmem:$0x12800] =	vst v63  }
0x20: {  	_ =	swait.ge [sflag:s9], $0x400  }
0x21: {  	[sflag:s9] =	ssyncset.done $0x0  }
0x22: {  	s7 =	rddreg [dreg:$0x13];
	[sflag:s9] =	ssyncadd.s32 $0xFFFFFC00  }
0x23: {  	[tilespmem:s10], [sflag:$0x3] =	stream.linear.gather [hbm4b:s7+s3], $0x400, $0x38;
	[tilespmem:$0x12800] =	vst v63  }
0x24: {  	_ =	swait.ge [sflag:s9], $0x400  }
0x25: {  	[sflag:s9] =	ssyncset.done $0x0  }
0x26: {  	[sflag:s9] =	ssyncadd.s32 $0xFFFFFC00  }
0x27: {  	[tilespmem:s12], [sflag:$0x1] =	stream.indirect.gather [hbm4b:s4+s11], $0x30, s3, s11, $0xb8;
	[tilespmem:$0x12800] =	vst v63  }
0x28: {  	_ = 	snop  }
0x29: {  	[tilespmem:s13], [sflag:$0x1] =	stream.indirect.gather [hbm4b:s2+s11], $0x18, s10, s11, $0xb8;
	[tilespmem:$0x12800] =	vst v63  }
0x2a: {  	_ = 	snop  }
0x2b: {  	[tilespmem:s14], [sflag:$0x1] =	stream.indirect.gather [hbm4b:s4+s11], $0x30, s11, s11, $0xb8;
	[tilespmem:$0x12800] =	vst v63  }
0x2c: {  	s0 =	rddreg [dreg:$0x4]  }
0x2d: {  	[tilespmem:s15], [sflag:$0x1] =	stream.indirect.gather [hbm4b:s2+s11], $0x18, s0, s11, $0xb8;
	[tilespmem:$0x12800] =	vst v63  }
0x2e: {  	s8 =	rddreg [dreg:$0x5]  }
0x2f: {  	[tilespmem:s16], [sflag:$0x1] =	stream.indirect.gather [hbm4b:s4+s11], $0x30, s8, s11, $0xb8;
	[tilespmem:$0x12800] =	vst v63  }
0x30: {  	s31 =	rddreg [dreg:$0x6]  }
0x31: {  	[tilespmem:s17], [sflag:$0x1] =	stream.indirect.gather [hbm4b:s2+s11], $0x18, s31, s11, $0xb8;
	[tilespmem:$0x12800] =	vst v63  }
0x32: {  	s6 =	rddreg [dreg:$0x7]  }
0x33: {  	[tilespmem:s18], [sflag:$0x1] =	stream.indirect.gather [hbm4b:s4+s11], $0x30, s6, s11, $0xb8;
	[tilespmem:$0x12800] =	vst v63  }
0x34: {  	s8 =	rddreg [dreg:$0x8]  }
0x35: {  	[tilespmem:s19], [sflag:$0x1] =	stream.indirect.gather [hbm4b:s2+s11], $0x18, s8, s11, $0xb8;
	[tilespmem:$0x12800] =	vst v63  }
0x36: {  	s31 =	rddreg [dreg:$0x9]  }
0x37: {  	[tilespmem:s20], [sflag:$0x1] =	stream.indirect.gather [hbm4b:s4+s11], $0x30, s31, s11, $0xb8;
	[tilespmem:$0x12800] =	vst v63  }
0x38: {  	s6 =	rddreg [dreg:$0xa]  }
0x39: {  	[tilespmem:s21], [sflag:$0x1] =	stream.indirect.gather [hbm4b:s2+s11], $0x18, s6, s11, $0xb8;
	[tilespmem:$0x12800] =	vst v63  }
0x3a: {  	s8 =	rddreg [dreg:$0xb]  }
0x3b: {  	[tilespmem:s22], [sflag:$0x1] =	stream.indirect.gather [hbm4b:s4+s11], $0x30, s8, s11, $0xb8;
	[tilespmem:$0x12800] =	vst v63  }
0x3c: {  	s31 =	rddreg [dreg:$0xc]  }
0x3d: {  	[tilespmem:s23], [sflag:$0x1] =	stream.indirect.gather [hbm4b:s2+s11], $0x18, s31, s11, $0xb8;
	[tilespmem:$0x12800] =	vst v63  }
0x3e: {  	s6 =	rddreg [dreg:$0xd]  }
0x3f: {  	[tilespmem:s24], [sflag:$0x1] =	stream.indirect.gather [hbm4b:s4+s11], $0x30, s6, s11, $0xb8;
	[tilespmem:$0x12800] =	vst v63  }
0x40: {  	s8 =	rddreg [dreg:$0xe]  }
0x41: {  	[tilespmem:s25], [sflag:$0x1] =	stream.indirect.gather [hbm4b:s2+s11], $0x18, s8, s11, $0xb8;
	[tilespmem:$0x12800] =	vst v63  }
0x42: {  	s31 =	rddreg [dreg:$0xf]  }
0x43: {  	[tilespmem:s26], [sflag:$0x1] =	stream.indirect.gather [hbm4b:s4+s11], $0x30, s31, s11, $0xb8;
	[tilespmem:$0x12800] =	vst v63  }
0x44: {  	s6 =	rddreg [dreg:$0x10]  }
0x45: {  	[tilespmem:s28], [sflag:$0x1] =	stream.indirect.gather [hbm4b:s2+s11], $0x18, s6, s11, $0xb8;
	[tilespmem:$0x12800] =	vst v63  }
0x46: {  	_ =	swait.ge [sflag:s29], $0x1800  }
0x47: {  	[sflag:s29] =	ssyncset.done $0x0  }
0x48: {  	[sflag:s29] =	ssyncadd.s32 $0xFFFFE800  }
0x49: {  	_ =	swait.ge [sflag:s29], $0xC00  }
0x4a: {  	[sflag:s29] =	ssyncset.done $0x0  }
0x4b: {  	[sflag:s29] =	ssyncadd.s32 $0xFFFFF400  }
0x4c: {  	_ =	swait.ge [sflag:s29], $0x1800  }
0x4d: {  	[sflag:s29] =	ssyncset.done $0x0  }
0x4e: {  	[sflag:s29] =	ssyncadd.s32 $0xFFFFE800  }
0x4f: {  	_ =	swait.ge [sflag:s29], $0xC00  }
0x50: {  	[sflag:s29] =	ssyncset.done $0x0  }
0x51: {  	[sflag:s29] =	ssyncadd.s32 $0xFFFFF400  }
0x52: {  	_ =	swait.ge [sflag:s29], $0x1800  }
0x53: {  	[sflag:s29] =	ssyncset.done $0x0  }
0x54: {  	[sflag:s29] =	ssyncadd.s32 $0xFFFFE800  }
0x55: {  	_ =	swait.ge [sflag:s29], $0xC00  }
0x56: {  	[sflag:s29] =	ssyncset.done $0x0  }
0x57: {  	[sflag:s29] =	ssyncadd.s32 $0xFFFFF400  }
0x58: {  	_ =	swait.ge [sflag:s29], $0x1800  }
0x59: {  	[sflag:s29] =	ssyncset.done $0x0  }
0x5a: {  	[sflag:s29] =	ssyncadd.s32 $0xFFFFE800  }
0x5b: {  	_ =	swait.ge [sflag:s29], $0xC00  }
0x5c: {  	[sflag:s29] =	ssyncset.done $0x0  }
0x5d: {  	[sflag:s29] =	ssyncadd.s32 $0xFFFFF400  }
0x5e: {  	_ =	swait.ge [sflag:s29], $0x1800  }
0x5f: {  	[sflag:s29] =	ssyncset.done $0x0  }
0x60: {  	[sflag:s29] =	ssyncadd.s32 $0xFFFFE800  }
0x61: {  	_ =	swait.ge [sflag:s29], $0xC00  }
0x62: {  	[sflag:s29] =	ssyncset.done $0x0  }
0x63: {  	[sflag:s29] =	ssyncadd.s32 $0xFFFFF400  }
0x64: {  	_ =	swait.ge [sflag:s29], $0x1800  }
0x65: {  	[sflag:s29] =	ssyncset.done $0x0  }
0x66: {  	[sflag:s29] =	ssyncadd.s32 $0xFFFFE800  }
0x67: {  	_ =	swait.ge [sflag:s29], $0xC00  }
0x68: {  	[sflag:s29] =	ssyncset.done $0x0  }
0x69: {  	[sflag:s29] =	ssyncadd.s32 $0xFFFFF400  }
0x6a: {  	_ =	swait.ge [sflag:s29], $0x1800  }
0x6b: {  	[sflag:s29] =	ssyncset.done $0x0  }
0x6c: {  	[sflag:s29] =	ssyncadd.s32 $0xFFFFE800  }
0x6d: {  	_ =	swait.ge [sflag:s29], $0xC00  }
0x6e: {  	[sflag:s29] =	ssyncset.done $0x0  }
0x6f: {  	[sflag:s29] =	ssyncadd.s32 $0xFFFFF400  }
0x70: {  	_ =	swait.ge [sflag:s29], $0x1800  }
0x71: {  	[sflag:s29] =	ssyncset.done $0x0  }
0x72: {  	[sflag:s29] =	ssyncadd.s32 $0xFFFFE800  }
0x73: {  	_ =	swait.ge [sflag:s29], $0xC00  }
0x74: {  	[sflag:s29] =	ssyncset.done $0x0;
	s8 =	rddreg [dreg:$0x3]  }
0x75: {  	s6 =	rddreg [dreg:$0x12];
	[sflag:s29] =	ssyncadd.s32 $0xFFFFF400  }
0x76: {  	[hbm4b:s6+s3] =	stream.linear.scatter [tilespmem:s12], [sflag:$0x2], $0x1800, $0x38;
	[tilespmem:$0x12800] =	vst v63  }
0x77: {  	s0 =	sadd.s32 $0x0, s8  }
0x78: {  	[hbm4b:s0+s3] =	stream.linear.scatter [tilespmem:s13], [sflag:$0x2], $0xC00, $0x38;
	[tilespmem:$0x12800] =	vst v63  }
0x79: {  	s31 =	sadd.s32 $0x300, s6  }
0x7a: {  	[hbm4b:s31+s3] =	stream.linear.scatter [tilespmem:s14], [sflag:$0x2], $0x1800, $0x38;
	[tilespmem:$0x12800] =	vst v63  }
0x7b: {  	s8 =	sadd.s32 $0x180, s0  }
0x7c: {  	[hbm4b:s8+s3] =	stream.linear.scatter [tilespmem:s15], [sflag:$0x2], $0xC00, $0x38;
	[tilespmem:$0x12800] =	vst v63  }
0x7d: {  	s31 =	sadd.s32 $0x600, s6  }
0x7e: {  	[hbm4b:s31+s3] =	stream.linear.scatter [tilespmem:s16], [sflag:$0x2], $0x1800, $0x38;
	[tilespmem:$0x12800] =	vst v63  }
0x7f: {  	s8 =	sadd.s32 $0x300, s0  }
0x80: {  	[hbm4b:s8+s3] =	stream.linear.scatter [tilespmem:s17], [sflag:$0x2], $0xC00, $0x38;
	[tilespmem:$0x12800] =	vst v63  }
0x81: {  	s31 =	sadd.s32 $0x900, s6  }
0x82: {  	[hbm4b:s31+s3] =	stream.linear.scatter [tilespmem:s18], [sflag:$0x2], $0x1800, $0x38;
	[tilespmem:$0x12800] =	vst v63  }
0x83: {  	s8 =	sadd.s32 $0x480, s0  }
0x84: {  	[hbm4b:s8+s3] =	stream.linear.scatter [tilespmem:s19], [sflag:$0x2], $0xC00, $0x38;
	[tilespmem:$0x12800] =	vst v63  }
0x85: {  	s31 =	sadd.s32 $0xC00, s6  }
0x86: {  	[hbm4b:s31+s3] =	stream.linear.scatter [tilespmem:s20], [sflag:$0x2], $0x1800, $0x38;
	[tilespmem:$0x12800] =	vst v63  }
0x87: {  	s8 =	sadd.s32 $0x600, s0  }
0x88: {  	[hbm4b:s8+s3] =	stream.linear.scatter [tilespmem:s21], [sflag:$0x2], $0xC00, $0x38;
	[tilespmem:$0x12800] =	vst v63  }
0x89: {  	s31 =	sadd.s32 $0xF00, s6  }
0x8a: {  	[hbm4b:s31+s3] =	stream.linear.scatter [tilespmem:s22], [sflag:$0x2], $0x1800, $0x38;
	[tilespmem:$0x12800] =	vst v63  }
0x8b: {  	s8 =	sadd.s32 $0x780, s0  }
0x8c: {  	[hbm4b:s8+s3] =	stream.linear.scatter [tilespmem:s23], [sflag:$0x2], $0xC00, $0x38;
	[tilespmem:$0x12800] =	vst v63  }
0x8d: {  	s31 =	sadd.s32 $0x1200, s6  }
0x8e: {  	[hbm4b:s31+s3] =	stream.linear.scatter [tilespmem:s24], [sflag:$0x2], $0x1800, $0x38;
	[tilespmem:$0x12800] =	vst v63  }
0x8f: {  	s8 =	sadd.s32 $0x900, s0  }
0x90: {  	[hbm4b:s8+s3] =	stream.linear.scatter [tilespmem:s25], [sflag:$0x2], $0xC00, $0x38;
	[tilespmem:$0x12800] =	vst v63  }
0x91: {  	s31 =	sadd.s32 $0x1500, s6  }
0x92: {  	[hbm4b:s31+s3] =	stream.linear.scatter [tilespmem:s26], [sflag:$0x2], $0x1800, $0x38;
	[tilespmem:$0x12800] =	vst v63  }
0x93: {  	s0 =	sadd.s32 $0xA80, s0  }
0x94: {  	[hbm4b:s0+s3] =	stream.linear.scatter [tilespmem:s28], [sflag:$0x2], $0xC00, $0x38;
	[tilespmem:$0x12800] =	vst v63  }
0x95: {  	_ =	swait.ge [sflag:s30], $0x1800  }
0x96: {  	[sflag:s30] =	ssyncset.done $0x0  }
0x97: {  	[sflag:s30] =	ssyncadd.s32 $0xFFFFE800  }
0x98: {  	_ =	swait.ge [sflag:s30], $0xC00  }
0x99: {  	[sflag:s30] =	ssyncset.done $0x0  }
0x9a: {  	[sflag:s30] =	ssyncadd.s32 $0xFFFFF400  }
0x9b: {  	_ =	swait.ge [sflag:s30], $0x1800  }
0x9c: {  	[sflag:s30] =	ssyncset.done $0x0  }
0x9d: {  	[sflag:s30] =	ssyncadd.s32 $0xFFFFE800  }
0x9e: {  	_ =	swait.ge [sflag:s30], $0xC00  }
0x9f: {  	[sflag:s30] =	ssyncset.done $0x0  }
0xa0: {  	[sflag:s30] =	ssyncadd.s32 $0xFFFFF400  }
0xa1: {  	_ =	swait.ge [sflag:s30], $0x1800  }
0xa2: {  	[sflag:s30] =	ssyncset.done $0x0  }
0xa3: {  	[sflag:s30] =	ssyncadd.s32 $0xFFFFE800  }
0xa4: {  	_ =	swait.ge [sflag:s30], $0xC00  }
0xa5: {  	[sflag:s30] =	ssyncset.done $0x0  }
0xa6: {  	[sflag:s30] =	ssyncadd.s32 $0xFFFFF400  }
0xa7: {  	_ =	swait.ge [sflag:s30], $0x1800  }
0xa8: {  	[sflag:s30] =	ssyncset.done $0x0  }
0xa9: {  	[sflag:s30] =	ssyncadd.s32 $0xFFFFE800  }
0xaa: {  	_ =	swait.ge [sflag:s30], $0xC00  }
0xab: {  	[sflag:s30] =	ssyncset.done $0x0  }
0xac: {  	[sflag:s30] =	ssyncadd.s32 $0xFFFFF400  }
0xad: {  	_ =	swait.ge [sflag:s30], $0x1800  }
0xae: {  	[sflag:s30] =	ssyncset.done $0x0  }
0xaf: {  	[sflag:s30] =	ssyncadd.s32 $0xFFFFE800  }
0xb0: {  	_ =	swait.ge [sflag:s30], $0xC00  }
0xb1: {  	[sflag:s30] =	ssyncset.done $0x0  }
0xb2: {  	[sflag:s30] =	ssyncadd.s32 $0xFFFFF400  }
0xb3: {  	_ =	swait.ge [sflag:s30], $0x1800  }
0xb4: {  	[sflag:s30] =	ssyncset.done $0x0  }
0xb5: {  	[sflag:s30] =	ssyncadd.s32 $0xFFFFE800  }
0xb6: {  	_ =	swait.ge [sflag:s30], $0xC00  }
0xb7: {  	[sflag:s30] =	ssyncset.done $0x0  }
0xb8: {  	[sflag:s30] =	ssyncadd.s32 $0xFFFFF400  }
0xb9: {  	_ =	swait.ge [sflag:s30], $0x1800  }
0xba: {  	[sflag:s30] =	ssyncset.done $0x0  }
0xbb: {  	[sflag:s30] =	ssyncadd.s32 $0xFFFFE800  }
0xbc: {  	_ =	swait.ge [sflag:s30], $0xC00  }
0xbd: {  	[sflag:s30] =	ssyncset.done $0x0  }
0xbe: {  	[sflag:s30] =	ssyncadd.s32 $0xFFFFF400  }
0xbf: {  	_ =	swait.ge [sflag:s30], $0x1800  }
0xc0: {  	[sflag:s30] =	ssyncset.done $0x0  }
0xc1: {  	[sflag:s30] =	ssyncadd.s32 $0xFFFFE800  }
0xc2: {  	_ =	swait.ge [sflag:s30], $0xC00  }
0xc3: {  	s1 =	simm.s32 $0xC00;
	s0 =	sadd.s32 $0x80, s5;
	[sflag:s30] =	ssyncset.done $0x0  }
.LBB2_2:
0xc4: {  	[sflag:s30] =	ssyncadd.s32 $0xFFFFF400  }
0xc5: {  	[tilespmem:s3], [sflag:$0x3] =	stream.linear.gather [hbm4b:s0+s3], $0x400, $0x38;
	[tilespmem:$0x12800] =	vst v63  }
0xc6: {  	_ =	swait.ge [sflag:s9], $0x400  }
0xc7: {  	[sflag:s9] =	ssyncset.done $0x0  }
0xc8: {  	s7 =	sadd.s32 $0x80, s7;
	[sflag:s9] =	ssyncadd.s32 $0xFFFFFC00  }
0xc9: {  	[tilespmem:s10], [sflag:$0x3] =	stream.linear.gather [hbm4b:s7+s3], $0x400, $0x38;
	[tilespmem:$0x12800] =	vst v63  }
0xca: {  	_ =	swait.ge [sflag:s9], $0x400  }
0xcb: {  	[sflag:s9] =	ssyncset.done $0x0  }
0xcc: {  	[sflag:s9] =	ssyncadd.s32 $0xFFFFFC00  }
0xcd: {  	[tilespmem:s12], [sflag:$0x1] =	stream.indirect.gather [hbm4b:s4+s11], $0x30, s3, s11, $0xb8;
	[tilespmem:$0x12800] =	vst v63  }
0xce: {  	_ = 	snop  }
0xcf: {  	[tilespmem:s13], [sflag:$0x1] =	stream.indirect.gather [hbm4b:s2+s11], $0x18, s10, s11, $0xb8;
	[tilespmem:$0x12800] =	vst v63  }
0xd0: {  	_ = 	snop  }
0xd1: {  	[tilespmem:s14], [sflag:$0x1] =	stream.indirect.gather [hbm4b:s4+s11], $0x30, s11, s11, $0xb8;
	[tilespmem:$0x12800] =	vst v63  }
0xd2: {  	s31 =	rddreg [dreg:$0x4]  }
0xd3: {  	[tilespmem:s15], [sflag:$0x1] =	stream.indirect.gather [hbm4b:s2+s11], $0x18, s31, s11, $0xb8;
	[tilespmem:$0x12800] =	vst v63  }
0xd4: {  	s5 =	rddreg [dreg:$0x5]  }
0xd5: {  	[tilespmem:s16], [sflag:$0x1] =	stream.indirect.gather [hbm4b:s4+s11], $0x30, s5, s11, $0xb8;
	[tilespmem:$0x12800] =	vst v63  }
0xd6: {  	s31 =	rddreg [dreg:$0x6]  }
0xd7: {  	[tilespmem:s17], [sflag:$0x1] =	stream.indirect.gather [hbm4b:s2+s11], $0x18, s31, s11, $0xb8;
	[tilespmem:$0x12800] =	vst v63  }
0xd8: {  	s5 =	rddreg [dreg:$0x7]  }
0xd9: {  	[tilespmem:s18], [sflag:$0x1] =	stream.indirect.gather [hbm4b:s4+s11], $0x30, s5, s11, $0xb8;
	[tilespmem:$0x12800] =	vst v63  }
0xda: {  	s31 =	rddreg [dreg:$0x8]  }
0xdb: {  	[tilespmem:s19], [sflag:$0x1] =	stream.indirect.gather [hbm4b:s2+s11], $0x18, s31, s11, $0xb8;
	[tilespmem:$0x12800] =	vst v63  }
0xdc: {  	s5 =	rddreg [dreg:$0x9]  }
0xdd: {  	[tilespmem:s20], [sflag:$0x1] =	stream.indirect.gather [hbm4b:s4+s11], $0x30, s5, s11, $0xb8;
	[tilespmem:$0x12800] =	vst v63  }
0xde: {  	s31 =	rddreg [dreg:$0xa]  }
0xdf: {  	[tilespmem:s21], [sflag:$0x1] =	stream.indirect.gather [hbm4b:s2+s11], $0x18, s31, s11, $0xb8;
	[tilespmem:$0x12800] =	vst v63  }
0xe0: {  	s5 =	rddreg [dreg:$0xb]  }
0xe1: {  	[tilespmem:s22], [sflag:$0x1] =	stream.indirect.gather [hbm4b:s4+s11], $0x30, s5, s11, $0xb8;
	[tilespmem:$0x12800] =	vst v63  }
0xe2: {  	s31 =	rddreg [dreg:$0xc]  }
0xe3: {  	[tilespmem:s23], [sflag:$0x1] =	stream.indirect.gather [hbm4b:s2+s11], $0x18, s31, s11, $0xb8;
	[tilespmem:$0x12800] =	vst v63  }
0xe4: {  	s5 =	rddreg [dreg:$0xd]  }
0xe5: {  	[tilespmem:s24], [sflag:$0x1] =	stream.indirect.gather [hbm4b:s4+s11], $0x30, s5, s11, $0xb8;
	[tilespmem:$0x12800] =	vst v63  }
0xe6: {  	s31 =	rddreg [dreg:$0xe]  }
0xe7: {  	[tilespmem:s25], [sflag:$0x1] =	stream.indirect.gather [hbm4b:s2+s11], $0x18, s31, s11, $0xb8;
	[tilespmem:$0x12800] =	vst v63  }
0xe8: {  	s5 =	rddreg [dreg:$0xf]  }
0xe9: {  	[tilespmem:s26], [sflag:$0x1] =	stream.indirect.gather [hbm4b:s4+s11], $0x30, s5, s11, $0xb8;
	[tilespmem:$0x12800] =	vst v63  }
0xea: {  	s31 =	rddreg [dreg:$0x10]  }
0xeb: {  	[tilespmem:s28], [sflag:$0x1] =	stream.indirect.gather [hbm4b:s2+s11], $0x18, s31, s11, $0xb8;
	[tilespmem:$0x12800] =	vst v63  }
0xec: {  	_ =	swait.ge [sflag:s29], $0x1800  }
0xed: {  	[sflag:s29] =	ssyncset.done $0x0  }
0xee: {  	[sflag:s29] =	ssyncadd.s32 $0xFFFFE800  }
0xef: {  	_ =	swait.ge [sflag:s29], $0xC00  }
0xf0: {  	[sflag:s29] =	ssyncset.done $0x0  }
0xf1: {  	[sflag:s29] =	ssyncadd.s32 $0xFFFFF400  }
0xf2: {  	_ =	swait.ge [sflag:s29], $0x1800  }
0xf3: {  	[sflag:s29] =	ssyncset.done $0x0  }
0xf4: {  	[sflag:s29] =	ssyncadd.s32 $0xFFFFE800  }
0xf5: {  	_ =	swait.ge [sflag:s29], $0xC00  }
0xf6: {  	[sflag:s29] =	ssyncset.done $0x0  }
0xf7: {  	[sflag:s29] =	ssyncadd.s32 $0xFFFFF400  }
0xf8: {  	_ =	swait.ge [sflag:s29], $0x1800  }
0xf9: {  	[sflag:s29] =	ssyncset.done $0x0  }
0xfa: {  	[sflag:s29] =	ssyncadd.s32 $0xFFFFE800  }
0xfb: {  	_ =	swait.ge [sflag:s29], $0xC00  }
0xfc: {  	[sflag:s29] =	ssyncset.done $0x0  }
0xfd: {  	[sflag:s29] =	ssyncadd.s32 $0xFFFFF400  }
0xfe: {  	_ =	swait.ge [sflag:s29], $0x1800  }
0xff: {  	[sflag:s29] =	ssyncset.done $0x0  }
0x100: {  	[sflag:s29] =	ssyncadd.s32 $0xFFFFE800  }
0x101: {  	_ =	swait.ge [sflag:s29], $0xC00  }
0x102: {  	[sflag:s29] =	ssyncset.done $0x0  }
0x103: {  	[sflag:s29] =	ssyncadd.s32 $0xFFFFF400  }
0x104: {  	_ =	swait.ge [sflag:s29], $0x1800  }
0x105: {  	[sflag:s29] =	ssyncset.done $0x0  }
0x106: {  	[sflag:s29] =	ssyncadd.s32 $0xFFFFE800  }
0x107: {  	_ =	swait.ge [sflag:s29], $0xC00  }
0x108: {  	[sflag:s29] =	ssyncset.done $0x0  }
0x109: {  	[sflag:s29] =	ssyncadd.s32 $0xFFFFF400  }
0x10a: {  	_ =	swait.ge [sflag:s29], $0x1800  }
0x10b: {  	[sflag:s29] =	ssyncset.done $0x0  }
0x10c: {  	[sflag:s29] =	ssyncadd.s32 $0xFFFFE800  }
0x10d: {  	_ =	swait.ge [sflag:s29], $0xC00  }
0x10e: {  	[sflag:s29] =	ssyncset.done $0x0  }
0x10f: {  	[sflag:s29] =	ssyncadd.s32 $0xFFFFF400  }
0x110: {  	_ =	swait.ge [sflag:s29], $0x1800  }
0x111: {  	[sflag:s29] =	ssyncset.done $0x0  }
0x112: {  	[sflag:s29] =	ssyncadd.s32 $0xFFFFE800  }
0x113: {  	_ =	swait.ge [sflag:s29], $0xC00  }
0x114: {  	[sflag:s29] =	ssyncset.done $0x0  }
0x115: {  	[sflag:s29] =	ssyncadd.s32 $0xFFFFF400  }
0x116: {  	_ =	swait.ge [sflag:s29], $0x1800  }
0x117: {  	[sflag:s29] =	ssyncset.done $0x0  }
0x118: {  	[sflag:s29] =	ssyncadd.s32 $0xFFFFE800  }
0x119: {  	_ =	swait.ge [sflag:s29], $0xC00  }
0x11a: {  	s6 =	sadd.s32 $0x1800, s6;
	[sflag:s29] =	ssyncset.done $0x0  }
0x11b: {  	s8 =	smov.u32 s1;
	s31 =	rddreg [dreg:$0x3];
	[sflag:s29] =	ssyncadd.s32 $0xFFFFF400  }
0x11c: {  	[hbm4b:s6+s3] =	stream.linear.scatter [tilespmem:s12], [sflag:$0x2], $0x1800, $0x38;
	[tilespmem:$0x12800] =	vst v63  }
0x11d: {  	s5 =	sadd.s32 s8, s31  }
0x11e: {  	[hbm4b:s5+s3] =	stream.linear.scatter [tilespmem:s13], [sflag:$0x2], $0xC00, $0x38;
	[tilespmem:$0x12800] =	vst v63  }
0x11f: {  	s31 =	sadd.s32 $0x300, s6  }
0x120: {  	[hbm4b:s31+s3] =	stream.linear.scatter [tilespmem:s14], [sflag:$0x2], $0x1800, $0x38;
	[tilespmem:$0x12800] =	vst v63  }
0x121: {  	s31 =	sadd.s32 $0x180, s5  }
0x122: {  	[hbm4b:s31+s3] =	stream.linear.scatter [tilespmem:s15], [sflag:$0x2], $0xC00, $0x38;
	[tilespmem:$0x12800] =	vst v63  }
0x123: {  	s31 =	sadd.s32 $0x600, s6  }
0x124: {  	[hbm4b:s31+s3] =	stream.linear.scatter [tilespmem:s16], [sflag:$0x2], $0x1800, $0x38;
	[tilespmem:$0x12800] =	vst v63  }
0x125: {  	s31 =	sadd.s32 $0x300, s5  }
0x126: {  	[hbm4b:s31+s3] =	stream.linear.scatter [tilespmem:s17], [sflag:$0x2], $0xC00, $0x38;
	[tilespmem:$0x12800] =	vst v63  }
0x127: {  	s31 =	sadd.s32 $0x900, s6  }
0x128: {  	[hbm4b:s31+s3] =	stream.linear.scatter [tilespmem:s18], [sflag:$0x2], $0x1800, $0x38;
	[tilespmem:$0x12800] =	vst v63  }
0x129: {  	s31 =	sadd.s32 $0x480, s5  }
0x12a: {  	[hbm4b:s31+s3] =	stream.linear.scatter [tilespmem:s19], [sflag:$0x2], $0xC00, $0x38;
	[tilespmem:$0x12800] =	vst v63  }
0x12b: {  	s31 =	sadd.s32 $0xC00, s6  }
0x12c: {  	[hbm4b:s31+s3] =	stream.linear.scatter [tilespmem:s20], [sflag:$0x2], $0x1800, $0x38;
	[tilespmem:$0x12800] =	vst v63  }
0x12d: {  	s31 =	sadd.s32 $0x600, s5  }
0x12e: {  	[hbm4b:s31+s3] =	stream.linear.scatter [tilespmem:s21], [sflag:$0x2], $0xC00, $0x38;
	[tilespmem:$0x12800] =	vst v63  }
0x12f: {  	s31 =	sadd.s32 $0xF00, s6  }
0x130: {  	[hbm4b:s31+s3] =	stream.linear.scatter [tilespmem:s22], [sflag:$0x2], $0x1800, $0x38;
	[tilespmem:$0x12800] =	vst v63  }
0x131: {  	s31 =	sadd.s32 $0x780, s5  }
0x132: {  	[hbm4b:s31+s3] =	stream.linear.scatter [tilespmem:s23], [sflag:$0x2], $0xC00, $0x38;
	[tilespmem:$0x12800] =	vst v63  }
0x133: {  	s31 =	sadd.s32 $0x1200, s6  }
0x134: {  	[hbm4b:s31+s3] =	stream.linear.scatter [tilespmem:s24], [sflag:$0x2], $0x1800, $0x38;
	[tilespmem:$0x12800] =	vst v63  }
0x135: {  	s31 =	sadd.s32 $0x900, s5  }
0x136: {  	[hbm4b:s31+s3] =	stream.linear.scatter [tilespmem:s25], [sflag:$0x2], $0xC00, $0x38;
	[tilespmem:$0x12800] =	vst v63  }
0x137: {  	s31 =	sadd.s32 $0x1500, s6  }
0x138: {  	[hbm4b:s31+s3] =	stream.linear.scatter [tilespmem:s26], [sflag:$0x2], $0x1800, $0x38;
	[tilespmem:$0x12800] =	vst v63  }
0x139: {  	s5 =	sadd.s32 $0xA80, s5  }
0x13a: {  	[hbm4b:s5+s3] =	stream.linear.scatter [tilespmem:s28], [sflag:$0x2], $0xC00, $0x38;
	[tilespmem:$0x12800] =	vst v63  }
0x13b: {  	_ =	swait.ge [sflag:s30], $0x1800  }
0x13c: {  	[sflag:s30] =	ssyncset.done $0x0  }
0x13d: {  	[sflag:s30] =	ssyncadd.s32 $0xFFFFE800  }
0x13e: {  	_ =	swait.ge [sflag:s30], $0xC00  }
0x13f: {  	[sflag:s30] =	ssyncset.done $0x0  }
0x140: {  	[sflag:s30] =	ssyncadd.s32 $0xFFFFF400  }
0x141: {  	_ =	swait.ge [sflag:s30], $0x1800  }
0x142: {  	[sflag:s30] =	ssyncset.done $0x0  }
0x143: {  	[sflag:s30] =	ssyncadd.s32 $0xFFFFE800  }
0x144: {  	_ =	swait.ge [sflag:s30], $0xC00  }
0x145: {  	[sflag:s30] =	ssyncset.done $0x0  }
0x146: {  	[sflag:s30] =	ssyncadd.s32 $0xFFFFF400  }
0x147: {  	_ =	swait.ge [sflag:s30], $0x1800  }
0x148: {  	[sflag:s30] =	ssyncset.done $0x0  }
0x149: {  	[sflag:s30] =	ssyncadd.s32 $0xFFFFE800  }
0x14a: {  	_ =	swait.ge [sflag:s30], $0xC00  }
0x14b: {  	[sflag:s30] =	ssyncset.done $0x0  }
0x14c: {  	[sflag:s30] =	ssyncadd.s32 $0xFFFFF400  }
0x14d: {  	_ =	swait.ge [sflag:s30], $0x1800  }
0x14e: {  	[sflag:s30] =	ssyncset.done $0x0  }
0x14f: {  	[sflag:s30] =	ssyncadd.s32 $0xFFFFE800  }
0x150: {  	_ =	swait.ge [sflag:s30], $0xC00  }
0x151: {  	[sflag:s30] =	ssyncset.done $0x0  }
0x152: {  	[sflag:s30] =	ssyncadd.s32 $0xFFFFF400  }
0x153: {  	_ =	swait.ge [sflag:s30], $0x1800  }
0x154: {  	[sflag:s30] =	ssyncset.done $0x0  }
0x155: {  	[sflag:s30] =	ssyncadd.s32 $0xFFFFE800  }
0x156: {  	_ =	swait.ge [sflag:s30], $0xC00  }
0x157: {  	[sflag:s30] =	ssyncset.done $0x0  }
0x158: {  	[sflag:s30] =	ssyncadd.s32 $0xFFFFF400  }
0x159: {  	_ =	swait.ge [sflag:s30], $0x1800  }
0x15a: {  	[sflag:s30] =	ssyncset.done $0x0  }
0x15b: {  	[sflag:s30] =	ssyncadd.s32 $0xFFFFE800  }
0x15c: {  	_ =	swait.ge [sflag:s30], $0xC00  }
0x15d: {  	[sflag:s30] =	ssyncset.done $0x0  }
0x15e: {  	[sflag:s30] =	ssyncadd.s32 $0xFFFFF400  }
0x15f: {  	_ =	swait.ge [sflag:s30], $0x1800  }
0x160: {  	[sflag:s30] =	ssyncset.done $0x0  }
0x161: {  	[sflag:s30] =	ssyncadd.s32 $0xFFFFE800  }
0x162: {  	_ =	swait.ge [sflag:s30], $0xC00  }
0x163: {  	[sflag:s30] =	ssyncset.done $0x0  }
0x164: {  	p0 =	sne.s32 s1, $0x24C00;
	[sflag:s30] =	ssyncadd.s32 $0xFFFFF400  }
.Ltmp0:
0x165: {  	_ =	swait.ge [sflag:s30], $0x1800;
	(pc) =	sbr.rel @p0 .LBB2_2-.Ltmp0, $4  }
0x166: {  	[sflag:s30] =	ssyncset.done $0x0  }
0x167: {  	[sflag:s30] =	ssyncadd.s32 $0xFFFFE800  }
0x168: {  	_ =	swait.ge [sflag:s30], $0xC00  }
0x169: {  	s1 =	sadd.s32 $0xC00, s1;
	s0 =	sadd.s32 $0x80, s0;
	[sflag:s30] =	ssyncset.done $0x0  }
0x16a: {  	s1 =	rddreg [dreg:$0x15]  }
0x16b: {  	s0 =	rddreg [dreg:$0x11];
	s1 =	sadd.s32 $0x1, s1  }
0x16c: {  	p0 =	sne.s32 s1, s0  }
.Ltmp1:
0x16d: {  	_ = 	snop;
	(pc) =	sbr.rel @p0 .LBB2_1-.Ltmp1, $2  }
0x16e: {  	_ =	sdelay $0x2  }
0x16f: {  	[sflag:s30] =	ssyncadd.s32 $0xFFFFF400  }
0x170: {  	_ =	sfence.sel $0x180000  }
0x171: {  	[bflag:$0x0] =	sbarrier.arrive $0xFFFF  }
0x172: {  	_ =	strace $0x90000047  }
0x173: {  	s0 =	stileid.u32;
	[bflag:$0x2] =	sbarrier.arrive $0xFFFF  }
0x174: {  	p0 =	sne.s32 s0, $0x0;
	s0 =	rddreg [dreg:$0x2]  }
0x175: {  	s0 =	sadd.s32 @!p0 $0x100000, s0  }
0x176: {  	[sflag:s0] =	ssyncadd.tile.s32 @!p0 $0x1;
	_ =	shalt  }
.Lfunc_end2:
_tile_overlayer_lowered:
.L_overlay_start_2:
0x177: {  	(tag) =	ssettag $0x2  }
0x178: {  	s0 =	rddreg [dreg:$0x0];
	s2 =	stileid.u32  }
0x179: {  	s1 =	rddreg [dreg:$0x1];
	p0 =	sne.s32 s2, $0x0  }
0x17a: {  	s3 =	rddreg [dreg:$0x2];
	[bflag:$0x3] =	sbarrier.arrive $0xFFFF;
	s2 =	simm.s32 @!p0 $0x1C03  }
0x17b: {  	[timem:s3], [sflag:s2] =	dma.local @!p0 [hbm:s0], s1  }
0x17c: {  	s0 =	simm.s32 @!p0 $0x3  }
0x17d: {  	_ =	swait.ge @!p0 [sflag:s0], s1  }
0x17e: {  	s1 =	ssub.s32 @!p0 $0x0, s1;
	[sflag:s0] =	ssyncset.done @!p0 $0x0  }
0x17f: {  	[sflag:s0] =	ssyncadd.s32 @!p0 s1  }
0x180: {  	[bflag:$0x3] =	sbarrier.arrive $0xFFFF  }
0x181: {  	_ =	shalt  }

// kernel: kernel.8.cloned.1.call-start
scs
__scs_entry_jumppad:
0x0: {  	(pc) =	sbr.rel $0x88, $3  }
0x1: {  	(tag) =	ssettag $0x0;
	lr =	simm.s32 $0x1  }
0x2: {  	[smem:$0x3F8E] =	sst lr;
	_ =	strace $0xD0000000  }
0x3: {  	_ = 	snop  }
0x4: {  	_ = 	snop  }
0x5: {  	_ = 	snop  }
0x6: {  	_ = 	snop  }
0x7: {  	_ = 	snop  }
__scs_overlays_trampoline_lowered:
0x8: {  	[smem:$0x3F9D] =	sst s0  }
0x9: {  	[smem:$0x3F9E] =	sst s1  }
0xa: {  	[smem:$0x3F9F] =	sst s2  }
0xb: {  	[smem:$0x3FA0] =	sst s3  }
0xc: {  	[smem:$0x3FA1] =	sst s4  }
0xd: {  	[smem:$0x3FA2] =	sst s5  }
0xe: {  	[smem:$0x3FA3] =	sst s6  }
0xf: {  	[smem:$0x3FA4] =	sst s7  }
0x10: {  	[smem:$0x3FA5] =	sst s8  }
0x11: {  	[smem:$0x3FA6] =	sst s9;
	s0 =	simm.s32 @!p0 $0x0  }
0x12: {  	s1 =	sld [smem:$0x3F8C];
	s0 =	simm.s32 @p0 $0x1  }
0x13: {  	[smem:$0x3FA7] =	sst s0;
	s0 =	simm.s32 @!p1 $0x0  }
0x14: {  	s2 =	sld [smem:$0x3F8B];
	s0 =	simm.s32 @p1 $0x1  }
0x15: {  	[smem:$0x3FA8] =	sst s0;
	s0 =	simm.s32 @!p2 $0x0  }
0x16: {  	s3 =	sld [smem:$0x3FDB];
	s0 =	simm.s32 @p2 $0x1  }
0x17: {  	s4 =	simm.s32 $0x1BF5;
	[smem:$0x3FAA] =	sst s0  }
0x18: {  	s0 =	sld [smem:$0x3F8D];
	_ =	swait.ge [sflag:s4], $0x0  }
0x19: {  	s7 =	sld [smem:$0x3F8E]  }
0x1a: {  	s8 =	sadd.s32 $0xFFFFE003, lr  }
0x1b: {  	s9 =	sadd.s32 $0xFFFFFEF7, lr;
	s5 =	simm.s32 $0xFFFFFFFF;
	p2 =	slt.u32 s8, $0xFFFFF086  }
0x1c: {  	p1 =	slt.u32 s9, $0xF7A;
	s5 =	simm.s32 @!p2 $0x0  }
0x1d: {  	s5 =	simm.s32 @p1 $0x1;
	p0 =	seq.s32 s7, s2  }
0x1e: {  	s7 =	smul.u32 @!p0 $0xF7A, s2;
	p2 =	seq.s32 @!p0 s5, $0x0  }
0x1f: {  	s9 =	smul.u32 $0xF7A, s1;
	s8 =	simm.s32 @!p0 $0x1BF5;
	p2 =	por !p2, p0  }
0x20: {  	[sflag:s8] =	ssyncset.s32 @!p0 $0xFFFFF086;
	s6 =	sadd.s32 @!p0 s3, s7;
	s7 =	simm.s32 @!p0 $0x108  }
0x21: {  	s3 =	sadd.s32 s3, s9;
	s6 =	sadd.s32 @!p0 $0x88, s6;
	s7 =	simm.s32 @p2 $0x1082  }
0x22: {  	[simem:s7], [sflag:s8] =	dma.local @!p0 [hbm:s6], $0xF7A  }
0x23: {  	s9 =	sor.u32 $0xD0000000, s2;
	s6 =	simm.s32 $0x108;
	_ =	swait.ge @!p0 [sflag:s8], $0x0  }
0x24: {  	s3 =	sadd.s32 $0x88, s3;
	s6 =	simm.s32 @!p1 $0x1082;
	[sflag:s4] =	ssyncset.s32 $0xFFFFF086  }
0x25: {  	[simem:s6], [sflag:s4] =	dma.local [hbm:s3], $0xF7A  }
0x26: {  	[smem:$0x3F8E] =	sst s1;
	(tag) =	ssettag s2;
	_ =	strace s9  }
0x27: {  	s1 =	sld [smem:$0x3F9E]  }
0x28: {  	s2 =	sld [smem:$0x3F9F]  }
0x29: {  	s4 =	sld [smem:$0x3FA1]  }
0x2a: {  	p0 =	seq.s32 s5, $0x0;
	s5 =	sld [smem:$0x3FA2]  }
0x2b: {  	s6 =	sld [smem:$0x3FA3]  }
0x2c: {  	s7 =	sld [smem:$0x3FA4]  }
0x2d: {  	s3 =	simm.s32 $0x108;
	s8 =	sld [smem:$0x3FA5]  }
0x2e: {  	s3 =	simm.s32 @!p0 $0x1082;
	s9 =	sld [smem:$0x3FA6]  }
0x2f: {  	lr =	sadd.s32 s0, s3;
	s0 =	sld [smem:$0x3F9D]  }
0x30: {  	s3 =	sld [smem:$0x3FA0]  }
0x31: {  	[smem:$0x3FA9] =	sst s10  }
0x32: {  	s10 =	sld [smem:$0x3FA7];
	_ =	sdelay $0x3  }
0x33: {  	p0 =	seq.s32 s10, $0x1;
	s10 =	sld [smem:$0x3FA9];
	_ =	sdelay $0x3  }
0x34: {  	[smem:$0x3FA9] =	sst s10  }
0x35: {  	s10 =	sld [smem:$0x3FA8];
	_ =	sdelay $0x3  }
0x36: {  	p1 =	seq.s32 s10, $0x1;
	s10 =	sld [smem:$0x3FA9];
	_ =	sdelay $0x3  }
0x37: {  	[smem:$0x3FA9] =	sst s10  }
0x38: {  	s10 =	sld [smem:$0x3FAA]  }
0x39: {  	_ = 	snop;
	(pc) =	sbr.ind lr, $3  }
0x3a: {  	_ = 	snop  }
0x3b: {  	_ = 	snop  }
0x3c: {  	p2 =	seq.s32 s10, $0x1;
	s10 =	sld [smem:$0x3FA9]  }
0x3d: {  	_ =	shalt  }
0x3e: {  	_ =	shalt  }
0x3f: {  	_ =	shalt  }
0x40: {  	_ =	shalt  }
0x41: {  	_ =	shalt  }
0x42: {  	_ =	shalt  }
0x43: {  	_ =	shalt  }
0x44: {  	_ =	shalt  }
0x45: {  	_ =	shalt  }
0x46: {  	_ =	shalt  }
0x47: {  	_ =	shalt  }
0x48: {  	_ =	shalt  }
0x49: {  	_ =	shalt  }
0x4a: {  	_ =	shalt  }
0x4b: {  	_ =	shalt  }
0x4c: {  	_ =	shalt  }
0x4d: {  	_ =	shalt  }
0x4e: {  	_ =	shalt  }
0x4f: {  	_ =	shalt  }
0x50: {  	_ =	shalt  }
0x51: {  	_ =	shalt  }
0x52: {  	_ =	shalt  }
0x53: {  	_ =	shalt  }
0x54: {  	_ =	shalt  }
0x55: {  	_ =	shalt  }
0x56: {  	_ =	shalt  }
0x57: {  	_ =	shalt  }
0x58: {  	_ =	shalt  }
0x59: {  	_ =	shalt  }
0x5a: {  	_ =	shalt  }
0x5b: {  	_ =	shalt  }
0x5c: {  	_ =	shalt  }
0x5d: {  	_ =	shalt  }
0x5e: {  	_ =	shalt  }
0x5f: {  	_ =	shalt  }
0x60: {  	_ =	shalt  }
0x61: {  	_ =	shalt  }
0x62: {  	_ =	shalt  }
0x63: {  	_ =	shalt  }
0x64: {  	_ =	shalt  }
0x65: {  	_ =	shalt  }
0x66: {  	_ =	shalt  }
0x67: {  	_ =	shalt  }
0x68: {  	_ =	shalt  }
0x69: {  	_ =	shalt  }
0x6a: {  	_ =	shalt  }
0x6b: {  	_ =	shalt  }
0x6c: {  	_ =	shalt  }
0x6d: {  	_ =	shalt  }
0x6e: {  	_ =	shalt  }
0x6f: {  	_ =	shalt  }
0x70: {  	_ =	shalt  }
0x71: {  	_ =	shalt  }
0x72: {  	_ =	shalt  }
0x73: {  	_ =	shalt  }
0x74: {  	_ =	shalt  }
0x75: {  	_ =	shalt  }
0x76: {  	_ =	shalt  }
0x77: {  	_ =	shalt  }
0x78: {  	_ =	shalt  }
0x79: {  	_ =	shalt  }
0x7a: {  	_ =	shalt  }
0x7b: {  	_ =	shalt  }
0x7c: {  	_ =	shalt  }
0x7d: {  	_ =	shalt  }
0x7e: {  	_ =	shalt  }
0x7f: {  	_ =	shalt  }
0x80: {  	_ =	shalt  }
0x81: {  	_ =	shalt  }
0x82: {  	_ =	shalt  }
0x83: {  	_ =	shalt  }
0x84: {  	_ =	shalt  }
0x85: {  	_ =	shalt  }
0x86: {  	_ =	shalt  }
0x87: {  	_ =	shalt  }
.Lfunc_end0:
.L_simem_size_0:
called_computation.1_lowered:
.L_overlay_start_0:
0x88: {  	s2 =	sld [smem:$0x3FD9]  }
0x89: {  	s3 =	sld [smem:$0x3FFE];
	_ =	sdelay $0x1  }
0x8a: {  	s1 =	srdreg.scid  }
0x8b: {  	s0 =	sand.u32 $0x1, s1  }
0x8c: {  	s16 =	sshll.u32 s0, $0xA;
	s2 =	sadd.s32 s3, s2  }
0x8d: {  	s2 =	sadd.s32 s2, s16  }
0x8e: {  	[smem:$0x3FB5] =	sst s2  }
0x8f: {  	_ = 	snop  }
0x90: {  	(tm) =	ssettm $0x1  }
0x91: {  	s17 =	sld [smem:$0x3FFB];
	_ =	sdelay $0x3  }
0x92: {  	_ =	strace s17  }
0x93: {  	s2 =	sld [smem:$0x3FFC];
	_ =	sdelay $0x3  }
0x94: {  	_ =	strace s2  }
0x95: {  	s2 =	sld [smem:$0x3FFD];
	_ =	sdelay $0x3  }
0x96: {  	_ =	strace s2  }
0x97: {  	_ =	strace $0x8FFFFFFF  }
0x98: {  	s18 =	sld [smem:$0x3FDB];
	_ =	sdelay $0x1  }
0x99: {  	s19 =	simm.s32 $_scs_section_size  }
0x9a: {  	s4 =	simm.s32 $_size__tile_overlayer_lowered;
	s5 =	simm.s32 $_tile_overlayer_lowered  }
0x9b: {  	s22 =	simm.s32 $0x1BFF;
	s21 =	sshll.u32 s5, $0x1;
	s2 =	sadd.s32 s19, s18  }
0x9c: {  	s6 =	simm.s32 $0x0;
	s20 =	sshll.u32 s4, $0x1;
	s4 =	sadd.s32 s21, s2  }
0x9d: {  	[timem:s6], [sflag:s22] =	dma.local [hbm:s4], s20  }
0x9e: {  	_ =	swait.ge [sflag:s22], s20  }
0x9f: {  	s3 =	ssub.s32 $0x0, s20;
	[sflag:s22] =	ssyncset.done $0x0  }
0xa0: {  	[sflag:s22] =	ssyncadd.s32 s3;
	_ =	sdelay $0x1  }
0xa1: {  	s23 =	simm.s32 $0x1B8B  }
0xa2: {  	_ =	swait.ge [sflag:s23], $0x1  }
0xa3: {  	[sflag:s23] =	ssyncset.done $0x0  }
0xa4: {  	s25 =	simm.s32 $0x1B8E;
	s24 =	sld [smem:$0x3FFE];
	[sflag:s23] =	ssyncadd.s32 $0xFFFFFFFF  }
0xa5: {  	s26 =	simm.s32 $execute0_lowered;
	[smem:$0x3FD2] =	sst s25  }
0xa6: {  	s4 =	sshll.u32 s26, $0x1;
	_ =	strace $0x80000049;
	[dreg:$0x1] =	wrdreg $0xFFFFFFFF  }
0xa7: {  	s28 =	simm.s32 $_size_execute0_lowered;
	s2 =	sadd.s32 s2, s4;
	[dreg:$0x0] =	wrdreg $0x0  }
0xa8: {  	s4 =	sshll.u32 s28, $0x1;
	[dreg:$0x2] =	wrdreg s2  }
0xa9: {  	[dreg:$0x3] =	wrdreg s4  }
0xaa: {  	[dreg:$0x4] =	wrdreg $0xC0  }
0xab: {  	_ =	task [dreg:s6], $0x5FFFF  }
0xac: {  	[dreg:$0x1] =	wrdreg $0xFFFFFFFF  }
0xad: {  	[dreg:$0x0] =	wrdreg $0x60  }
0xae: {  	[dreg:$0x2] =	wrdreg s24  }
0xaf: {  	[dreg:$0x3] =	wrdreg $0x0  }
0xb0: {  	[dreg:$0x4] =	wrdreg $0x9  }
0xb1: {  	_ =	task.clear_ibuf [dreg:s6], $0x5FFFF;
	_ =	strace $0x90000049  }
0xb2: {  	s29 =	simm.s32 $0x9;
	_ =	strace $0x8000004B  }
0xb3: {  	_ =	swait.ge [sflag:s29], $0x1  }
0xb4: {  	[sflag:s29] =	ssyncadd.s32 $0xFFFFFFFF  }
0xb5: {  	_ =	strace $0x9000004B  }
0xb6: {  	_ =	sfence  }
0xb7: {  	s30 =	sld [smem:$0x0];
	_ =	sdelay $0x2  }
0xb8: {  	s31 =	sshll.u32 s1, $0xD;
	s1 =	sshrl.u32 s1, $0x2  }
0xb9: {  	s3 =	sand.u32 $0x4000, s31;
	s1 =	sadd.s32 s1, s30  }
0xba: {  	s0 =	sor.u32 s3, s0;
	s1 =	sshll.u32 s1, $0x11  }
0xbb: {  	s0 =	sor.u32 s1, s0  }
0xbc: {  	s0 =	sadd.s32 $0x8F2B, s0  }
0xbd: {  	[sflag:s0] =	ssyncadd.remote.s32 $0x1  }
0xbe: {  	_ =	sfence.sel $0xFFFF  }
0xbf: {  	[dreg:$0x0] =	wrdreg $0xFFFFFFFF;
	(pc) =	sbr.abs _section_cstart, $3  }
0xc0: {  	[dreg:$0x1] =	wrdreg $0xFFFFFFFF  }
0xc1: {  	_ =	task.clear_ibuf [dreg:s6], $0x2FFFF;
	_ =	strace $0x9FFFFFFF  }
0xc2: {  	(tm) =	ssettm $0x7FFFFFFF  }
0xc3: {  	_ =	shalt  }
tec
execute0_lowered:
.L_overlay_start_1:
0x0: {  	(tag) =	ssettag $0x1  }
0x1: {  	s10 =	stileid.u32  }
0x2: {  	s0 =	rddreg [dreg:$0x0];
	s1 =	smul.u32 $0x64000, s10  }
0x3: {  	s2 =	rddreg [dreg:$0x1];
	s4 =	smul.u32 $0x3200, s10  }
0x4: {  	s5 =	srdreg.scid;
	s3 =	simm.s32 $0x0;
	s8 =	smul.u32 $0x61C00, s10  }
0x5: {  	s5 =	sand.u32 $0x1, s5;
	s6 =	smul.u32 $0x30E0, s10;
	[smem:$0x7FF] =	sst s3  }
0x6: {  	s7 =	smul.u32 $0x30E00, s5;
	s23 =	ssub.s32 $0x2, s5;
	s25 =	sshrl.u32 s8, $0x2  }
0x7: {  	s9 =	sadd.s32 s4, s0;
	s24 =	sshrl.u32 s23, $0x1;
	s4 =	sadd.s32 s25, s2  }
0x8: {  	s22 =	sadd.s32 s6, s7;
	s26 =	ssub.s32 s23, s24;
	s7 =	sadd.s32 $0x18000, s4  }
0x9: {  	_ =	strace $0x8000004A;
	s8 =	smax.u32 s26, $0x1;
	[dreg:$0x3] =	wrdreg s7  }
0xa: {  	s6 =	smul.u32 $0x320, s10;
	s10 =	sadd.s32 $0x1000, s4;
	[dreg:$0x5] =	wrdreg s8  }
0xb: {  	s11 =	sadd.s32 $0x2000, s4;
	[dreg:$0x6] =	wrdreg s10  }
0xc: {  	s12 =	sadd.s32 $0x3000, s4;
	[dreg:$0x7] =	wrdreg s11  }
0xd: {  	s13 =	sadd.s32 $0x4000, s4;
	[dreg:$0x8] =	wrdreg s12  }
0xe: {  	s15 =	sadd.s32 $0x5000, s4;
	[dreg:$0x9] =	wrdreg s13  }
0xf: {  	s16 =	sadd.s32 $0x6000, s4;
	[dreg:$0xa] =	wrdreg s15  }
0x10: {  	s14 =	smul.u32 $0xC350, s5;
	s17 =	sadd.s32 $0x7000, s4;
	[dreg:$0xb] =	wrdreg s16  }
0x11: {  	s1 =	sadd.s32 s1, s0;
	s18 =	sadd.s32 $0x8000, s4;
	[dreg:$0xc] =	wrdreg s17  }
0x12: {  	v0 =	vmov s14;
	s14 =	simm.s32 $0x19900;
	s19 =	sadd.s32 $0x9000, s4;
	[dreg:$0xd] =	wrdreg s18  }
0x13: {  	s0 =	sadd.s32 s22, s0;
	s20 =	sadd.s32 $0xA000, s4;
	[dreg:$0xe] =	wrdreg s19  }
0x14: {  	s21 =	sadd.s32 $0xB000, s4;
	s22 =	sadd.s32 $0xC000, s4;
	[dreg:$0xf] =	wrdreg s20  }
0x15: {  	s23 =	sadd.s32 $0xD000, s4;
	s24 =	sadd.s32 $0xE000, s4;
	[dreg:$0x10] =	wrdreg s21  }
0x16: {  	s25 =	sadd.s32 $0xF000, s4;
	s26 =	sadd.s32 $0x10000, s4;
	[dreg:$0x11] =	wrdreg s22  }
0x17: {  	s28 =	sadd.s32 $0x11000, s4;
	s29 =	sadd.s32 $0x12000, s4;
	[dreg:$0x12] =	wrdreg s23  }
0x18: {  	s30 =	sadd.s32 $0x13000, s4;
	s31 =	sadd.s32 $0x14000, s4;
	[dreg:$0x13] =	wrdreg s24  }
0x19: {  	s5 =	sadd.s32 $0x17000, s4;
	s0 =	sadd.s32 $0x3C00, s0;
	[dreg:$0x14] =	wrdreg s25  }
0x1a: {  	s22 =	sadd.s32 $0x12A800, s1;
	s21 =	sadd.s32 $0xF8800, s9;
	[dreg:$0x15] =	wrdreg s26  }
0x1b: {  	s1 =	sadd.s32 $0x16000, s4;
	s7 =	simm.s32 $0x1C900;
	s8 =	simm.s32 $0x2  }
0x1c: {  	s9 =	simm.s32 $0x18700;
	s10 =	simm.s32 $0x18900;
	s11 =	simm.s32 $0x1  }
0x1d: {  	s12 =	simm.s32 $0x80;
	s13 =	simm.s32 $0x18780;
	s15 =	simm.s32 $0x18800  }
0x1e: {  	v3 =	vlaneseq.u32;
	s16 =	simm.s32 $0x1A900;
	s17 =	simm.s32 $0x18880;
	s18 =	simm.s32 $0x1B900  }
0x1f: {  	v1 =	vimm.f32 $0.0e+00;
	v2 =	vor.u32 $0xC350, v3;
	v3 =	vor.u32 $0xC360, v3;
	s19 =	simm.s32 $0x0;
	[dreg:$0x4] =	wrdreg s0;
	s0 =	sadd.s32 $0x15000, s4  }
.LBB2_1:
0x20: {  	s20 =	simm.s32 $0x80;
	s23 =	simm.s32 $0x0  }
.LBB2_2:
0x21: {  	p0 =	sne.s32 s20, $0x3F80;
	[tilespmem:s23+$0x1C900] =	vst v1;
	s24 =	smov.u32 s20;
	s20 =	sadd.s32 $0x80, s20  }
.Ltmp0:
0x22: {  	[tilespmem:s23+$0x1C910] =	vst v1;
	(pc) =	sbr.rel @p0 .LBB2_2-.Ltmp0, $2  }
0x23: {  	_ =	sdelay $0x2  }
0x24: {  	s23 =	sshra.s32 s24, $0x2  }
0x25: {  	[tilespmem:s23+$0x1C900] =	vst v1  }
0x26: {  	[tilespmem:s23+$0x1C910] =	vst v1  }
0x27: {  	[spmem:s4] =	stream.linear.scatter [tilespmem:s7], [sflag:$0x2], $0x1000, $0x38;
	[tilespmem:$0x1D900] =	vst v63  }
0x28: {  	_ =	swait.ge [sflag:s8], $0x1000  }
0x29: {  	[sflag:s8] =	ssyncset.done $0x0  }
0x2a: {  	s20 =	rddreg [dreg:$0x6];
	[sflag:s8] =	ssyncadd.s32 $0xFFFFF000  }
0x2b: {  	[spmem:s20] =	stream.linear.scatter [tilespmem:s7], [sflag:$0x2], $0x1000, $0x38;
	[tilespmem:$0x1D900] =	vst v63  }
0x2c: {  	_ =	swait.ge [sflag:s8], $0x1000  }
0x2d: {  	[sflag:s8] =	ssyncset.done $0x0  }
0x2e: {  	s23 =	rddreg [dreg:$0x7];
	[sflag:s8] =	ssyncadd.s32 $0xFFFFF000  }
0x2f: {  	[spmem:s23] =	stream.linear.scatter [tilespmem:s7], [sflag:$0x2], $0x1000, $0x38;
	[tilespmem:$0x1D900] =	vst v63  }
0x30: {  	_ =	swait.ge [sflag:s8], $0x1000  }
0x31: {  	[sflag:s8] =	ssyncset.done $0x0  }
0x32: {  	s24 =	rddreg [dreg:$0x8];
	[sflag:s8] =	ssyncadd.s32 $0xFFFFF000  }
0x33: {  	[spmem:s24] =	stream.linear.scatter [tilespmem:s7], [sflag:$0x2], $0x1000, $0x38;
	[tilespmem:$0x1D900] =	vst v63  }
0x34: {  	_ =	swait.ge [sflag:s8], $0x1000  }
0x35: {  	[sflag:s8] =	ssyncset.done $0x0  }
0x36: {  	s25 =	rddreg [dreg:$0x9];
	[sflag:s8] =	ssyncadd.s32 $0xFFFFF000  }
0x37: {  	[spmem:s25] =	stream.linear.scatter [tilespmem:s7], [sflag:$0x2], $0x1000, $0x38;
	[tilespmem:$0x1D900] =	vst v63  }
0x38: {  	_ =	swait.ge [sflag:s8], $0x1000  }
0x39: {  	[sflag:s8] =	ssyncset.done $0x0  }
0x3a: {  	s26 =	rddreg [dreg:$0xa];
	[sflag:s8] =	ssyncadd.s32 $0xFFFFF000  }
0x3b: {  	[spmem:s26] =	stream.linear.scatter [tilespmem:s7], [sflag:$0x2], $0x1000, $0x38;
	[tilespmem:$0x1D900] =	vst v63  }
0x3c: {  	_ =	swait.ge [sflag:s8], $0x1000  }
0x3d: {  	[sflag:s8] =	ssyncset.done $0x0  }
0x3e: {  	s23 =	rddreg [dreg:$0xb];
	[sflag:s8] =	ssyncadd.s32 $0xFFFFF000  }
0x3f: {  	[spmem:s23] =	stream.linear.scatter [tilespmem:s7], [sflag:$0x2], $0x1000, $0x38;
	[tilespmem:$0x1D900] =	vst v63  }
0x40: {  	_ =	swait.ge [sflag:s8], $0x1000  }
0x41: {  	[sflag:s8] =	ssyncset.done $0x0  }
0x42: {  	s24 =	rddreg [dreg:$0xc];
	[sflag:s8] =	ssyncadd.s32 $0xFFFFF000  }
0x43: {  	[spmem:s24] =	stream.linear.scatter [tilespmem:s7], [sflag:$0x2], $0x1000, $0x38;
	[tilespmem:$0x1D900] =	vst v63  }
0x44: {  	_ =	swait.ge [sflag:s8], $0x1000  }
0x45: {  	[sflag:s8] =	ssyncset.done $0x0  }
0x46: {  	s25 =	rddreg [dreg:$0xd];
	[sflag:s8] =	ssyncadd.s32 $0xFFFFF000  }
0x47: {  	[spmem:s25] =	stream.linear.scatter [tilespmem:s7], [sflag:$0x2], $0x1000, $0x38;
	[tilespmem:$0x1D900] =	vst v63  }
0x48: {  	_ =	swait.ge [sflag:s8], $0x1000  }
0x49: {  	[sflag:s8] =	ssyncset.done $0x0  }
0x4a: {  	s26 =	rddreg [dreg:$0xe];
	[sflag:s8] =	ssyncadd.s32 $0xFFFFF000  }
0x4b: {  	[spmem:s26] =	stream.linear.scatter [tilespmem:s7], [sflag:$0x2], $0x1000, $0x38;
	[tilespmem:$0x1D900] =	vst v63  }
0x4c: {  	_ =	swait.ge [sflag:s8], $0x1000  }
0x4d: {  	[sflag:s8] =	ssyncset.done $0x0  }
0x4e: {  	s23 =	rddreg [dreg:$0xf];
	[sflag:s8] =	ssyncadd.s32 $0xFFFFF000  }
0x4f: {  	[spmem:s23] =	stream.linear.scatter [tilespmem:s7], [sflag:$0x2], $0x1000, $0x38;
	[tilespmem:$0x1D900] =	vst v63  }
0x50: {  	_ =	swait.ge [sflag:s8], $0x1000  }
0x51: {  	[sflag:s8] =	ssyncset.done $0x0  }
0x52: {  	s24 =	rddreg [dreg:$0x10];
	[sflag:s8] =	ssyncadd.s32 $0xFFFFF000  }
0x53: {  	[spmem:s24] =	stream.linear.scatter [tilespmem:s7], [sflag:$0x2], $0x1000, $0x38;
	[tilespmem:$0x1D900] =	vst v63  }
0x54: {  	_ =	swait.ge [sflag:s8], $0x1000  }
0x55: {  	[sflag:s8] =	ssyncset.done $0x0  }
0x56: {  	s25 =	rddreg [dreg:$0x11];
	[sflag:s8] =	ssyncadd.s32 $0xFFFFF000  }
0x57: {  	[spmem:s25] =	stream.linear.scatter [tilespmem:s7], [sflag:$0x2], $0x1000, $0x38;
	[tilespmem:$0x1D900] =	vst v63  }
0x58: {  	_ =	swait.ge [sflag:s8], $0x1000  }
0x59: {  	[sflag:s8] =	ssyncset.done $0x0  }
0x5a: {  	s26 =	rddreg [dreg:$0x12];
	[sflag:s8] =	ssyncadd.s32 $0xFFFFF000  }
0x5b: {  	[spmem:s26] =	stream.linear.scatter [tilespmem:s7], [sflag:$0x2], $0x1000, $0x38;
	[tilespmem:$0x1D900] =	vst v63  }
0x5c: {  	_ =	swait.ge [sflag:s8], $0x1000  }
0x5d: {  	[sflag:s8] =	ssyncset.done $0x0  }
0x5e: {  	s23 =	rddreg [dreg:$0x13];
	[sflag:s8] =	ssyncadd.s32 $0xFFFFF000  }
0x5f: {  	[spmem:s23] =	stream.linear.scatter [tilespmem:s7], [sflag:$0x2], $0x1000, $0x38;
	[tilespmem:$0x1D900] =	vst v63  }
0x60: {  	_ =	swait.ge [sflag:s8], $0x1000  }
0x61: {  	[sflag:s8] =	ssyncset.done $0x0  }
0x62: {  	s24 =	rddreg [dreg:$0x14];
	[sflag:s8] =	ssyncadd.s32 $0xFFFFF000  }
0x63: {  	[spmem:s24] =	stream.linear.scatter [tilespmem:s7], [sflag:$0x2], $0x1000, $0x38;
	[tilespmem:$0x1D900] =	vst v63  }
0x64: {  	_ =	swait.ge [sflag:s8], $0x1000  }
0x65: {  	[sflag:s8] =	ssyncset.done $0x0  }
0x66: {  	s25 =	rddreg [dreg:$0x15];
	[sflag:s8] =	ssyncadd.s32 $0xFFFFF000  }
0x67: {  	[spmem:s25] =	stream.linear.scatter [tilespmem:s7], [sflag:$0x2], $0x1000, $0x38;
	[tilespmem:$0x1D900] =	vst v63  }
0x68: {  	_ =	swait.ge [sflag:s8], $0x1000  }
0x69: {  	[sflag:s8] =	ssyncset.done $0x0  }
0x6a: {  	[sflag:s8] =	ssyncadd.s32 $0xFFFFF000  }
0x6b: {  	[spmem:s28] =	stream.linear.scatter [tilespmem:s7], [sflag:$0x2], $0x1000, $0x38;
	[tilespmem:$0x1D900] =	vst v63  }
0x6c: {  	_ =	swait.ge [sflag:s8], $0x1000  }
0x6d: {  	[sflag:s8] =	ssyncset.done $0x0  }
0x6e: {  	[sflag:s8] =	ssyncadd.s32 $0xFFFFF000  }
0x6f: {  	[spmem:s29] =	stream.linear.scatter [tilespmem:s7], [sflag:$0x2], $0x1000, $0x38;
	[tilespmem:$0x1D900] =	vst v63  }
0x70: {  	_ =	swait.ge [sflag:s8], $0x1000  }
0x71: {  	[sflag:s8] =	ssyncset.done $0x0  }
0x72: {  	[sflag:s8] =	ssyncadd.s32 $0xFFFFF000  }
0x73: {  	[spmem:s30] =	stream.linear.scatter [tilespmem:s7], [sflag:$0x2], $0x1000, $0x38;
	[tilespmem:$0x1D900] =	vst v63  }
0x74: {  	_ =	swait.ge [sflag:s8], $0x1000  }
0x75: {  	[sflag:s8] =	ssyncset.done $0x0  }
0x76: {  	[sflag:s8] =	ssyncadd.s32 $0xFFFFF000  }
0x77: {  	[spmem:s31] =	stream.linear.scatter [tilespmem:s7], [sflag:$0x2], $0x1000, $0x38;
	[tilespmem:$0x1D900] =	vst v63  }
0x78: {  	_ =	swait.ge [sflag:s8], $0x1000  }
0x79: {  	[sflag:s8] =	ssyncset.done $0x0  }
0x7a: {  	[sflag:s8] =	ssyncadd.s32 $0xFFFFF000  }
0x7b: {  	[spmem:s0] =	stream.linear.scatter [tilespmem:s7], [sflag:$0x2], $0x1000, $0x38;
	[tilespmem:$0x1D900] =	vst v63  }
0x7c: {  	_ =	swait.ge [sflag:s8], $0x1000  }
0x7d: {  	[sflag:s8] =	ssyncset.done $0x0  }
0x7e: {  	[sflag:s8] =	ssyncadd.s32 $0xFFFFF000  }
0x7f: {  	[spmem:s1] =	stream.linear.scatter [tilespmem:s7], [sflag:$0x2], $0x1000, $0x38;
	[tilespmem:$0x1D900] =	vst v63  }
0x80: {  	_ =	swait.ge [sflag:s8], $0x1000  }
0x81: {  	[sflag:s8] =	ssyncset.done $0x0  }
0x82: {  	[sflag:s8] =	ssyncadd.s32 $0xFFFFF000  }
0x83: {  	[spmem:s5] =	stream.linear.scatter [tilespmem:s7], [sflag:$0x2], $0x1000, $0x38;
	[tilespmem:$0x1D900] =	vst v63  }
0x84: {  	_ =	swait.ge [sflag:s8], $0x1000  }
0x85: {  	[sflag:s8] =	ssyncset.done $0x0  }
0x86: {  	s26 =	rddreg [dreg:$0x3];
	[sflag:s8] =	ssyncadd.s32 $0xFFFFF000  }
0x87: {  	[spmem:s26] =	stream.linear.scatter [tilespmem:s7], [sflag:$0x2], $0x700, $0x38;
	[tilespmem:$0x1D900] =	vst v63  }
0x88: {  	_ =	swait.ge [sflag:s8], $0x700  }
0x89: {  	[sflag:s8] =	ssyncset.done $0x0  }
0x8a: {  	s20 =	simm.s32 $0x0;
	[sflag:s8] =	ssyncadd.s32 $0xFFFFF900  }
0x8b: {  	s23 =	smov.u32 s22;
	s24 =	smov.u32 s21;
	[bflag:$0x0] =	sbarrier.arrive $0xFFFF  }
.LBB2_4:
0x8c: {  	[tilespmem:s9], [sflag:$0x2] =	stream.linear.gather [hbm4b:s24+s3], $0x200, $0x38;
	[tilespmem:$0x1D900] =	vst v63  }
0x8d: {  	_ =	swait.ge [sflag:s8], $0x200  }
0x8e: {  	[sflag:s8] =	ssyncset.done $0x0  }
0x8f: {  	[sflag:s8] =	ssyncadd.s32 $0xFFFFFE00  }
0x90: {  	[tilespmem:s10], [sflag:$0x1] =	stream.linear.gather [hbm4b:s23+s3], $0x4000, $0x38;
	[tilespmem:$0x1D900] =	vst v63  }
0x91: {  	_ =	swait.ge [sflag:s11], $0x4000  }
0x92: {  	[sflag:s11] =	ssyncset.done $0x0  }
0x93: {  	[sflag:s11] =	ssyncadd.s32 $0xFFFFC000  }
0x94: {  	v4 =	vld [tilespmem:$0x18700]  }
0x95: {  	v5 =	vld [tilespmem:$0x18710]  }
0x96: {  	v7 =	vld [tilespmem:$0x18720]  }
0x97: {  	v8 =	vld [tilespmem:$0x18730]  }
0x98: {  	v10 =	vld [tilespmem:$0x18740]  }
0x99: {  	v12 =	vld [tilespmem:$0x18750]  }
0x9a: {  	v15 =	vld [tilespmem:$0x18780]  }
0x9b: {  	v46 =	vld [tilespmem:$0x18860];
	_ =	sdelay $0x2  }
0x9c: {  	v60 =	vld [tilespmem:$0x18760];
	v4 =	vsub.s32 v4, v0;
	v5 =	vsub.s32 v5, v0;
	v7 =	vsub.s32 v7, v0  }
0x9d: {  	v63 =	vld [tilespmem:$0x18770];
	v8 =	vsub.s32 v8, v0;
	v10 =	vsub.s32 v10, v0;
	v12 =	vsub.s32 v12, v0  }
0x9e: {  	v52 =	vld [tilespmem:$0x18880];
	v15 =	vsub.s32 v15, v0;
	v51 =	vsub.s32 v46, v0;
	v6 =	vsub.s32 $0xC34F, v4  }
0x9f: {  	v9 =	vsub.s32 $0xC34F, v5;
	v57 =	vsub.s32 $0xC34F, v7;
	v11 =	vsub.s32 $0xC34F, v8  }
0xa0: {  	v13 =	vsub.s32 $0xC34F, v10;
	v18 =	vsub.s32 $0xC34F, v12;
	v24 =	vsub.s32 $0xC34F, v15  }
0xa1: {  	v20 =	vld [tilespmem:$0x18790];
	v55 =	vsub.s32 $0xC34F, v51;
	v6 =	vor.u32 v4, v6;
	v9 =	vor.u32 v5, v9  }
0xa2: {  	s26 =	sadd.s32 s20, s6;
	v22 =	vld [tilespmem:$0x187A0];
	v59 =	vor.u32 v8, v11;
	v62 =	vor.u32 v10, v13;
	v11 =	vsub.s32 v60, v0  }
0xa3: {  	s25 =	simm.s32 $0xFFFFFFFF;
	p0 =	sgt.u32 s26, $0x30D3;
	v13 =	vsub.s32 v63, v0;
	v63 =	vsub.s32 v52, v0;
	v6 =	vshra.s32 v6, $0x1F  }
0xa4: {  	s25 =	simm.s32 @!p0 $0x0;
	v9 =	vshra.s32 v9, $0x1F;
	v14 =	vsub.s32 $0xC34F, v11;
	v16 =	vsub.s32 $0xC34F, v13  }
0xa5: {  	v6 =	vor.u32 s25, v6;
	v56 =	vor.u32 s25, v9;
	v9 =	vor.u32 v7, v57  }
0xa6: {  	v26 =	vld [tilespmem:$0x187C0];
	v19 =	vor.u32 v11, v14;
	v21 =	vor.u32 v13, v16;
	v14 =	vsub.s32 v20, v0  }
0xa7: {  	v16 =	vsub.s32 v22, v0;
	v57 =	vor.u32 v51, v55;
	v4 =	vandn.u32 v4, v6  }
0xa8: {  	v6 =	vand.u32 v2, v6;
	v5 =	vandn.u32 v5, v56;
	v9 =	vshra.s32 v9, $0x1F  }
0xa9: {  	v32 =	vld [tilespmem:$0x187F0];
	v17 =	vsub.s32 $0xC34F, v14;
	v4 =	vor.u32 v6, v4;
	v6 =	vand.u32 v3, v56  }
0xaa: {  	v60 =	vld [tilespmem:$0x18890];
	v58 =	vor.u32 s25, v9;
	v9 =	vshra.s32 v59, $0x1F;
	v25 =	vor.u32 v14, v17  }
0xab: {  	v17 =	vsub.s32 v26, v0;
	v5 =	vor.u32 v6, v5;
	v7 =	vandn.u32 v7, v58  }
0xac: {  	v6 =	vand.u32 v2, v58;
	v9 =	vor.u32 s25, v9;
	v20 =	vsub.s32 $0xC34F, v17  }
0xad: {  	v6 =	vor.u32 v6, v7;
	v61 =	vandn.u32 v8, v9;
	v9 =	vand.u32 v3, v9  }
0xae: {  	v8 =	vshra.s32 v62, $0x1F;
	v31 =	vor.u32 v17, v20;
	v20 =	vsub.s32 v32, v0  }
0xaf: {  	v28 =	vld [tilespmem:$0x187D0];
	v32 =	vsub.s32 v60, v0;
	v7 =	vor.u32 v9, v61;
	v8 =	vor.u32 s25, v8  }
0xb0: {  	v9 =	vor.u32 v12, v18;
	v10 =	vandn.u32 v10, v8;
	v8 =	vand.u32 v2, v8  }
0xb1: {  	v9 =	vshra.s32 v9, $0x1F;
	[tilespmem:$0x18730] =	vst v7;
	v7 =	vshra.s32 v57, $0x1F;
	v8 =	vor.u32 v8, v10  }
0xb2: {  	v9 =	vor.u32 s25, v9;
	v10 =	vshra.s32 v19, $0x1F;
	v19 =	vsub.s32 $0xC34F, v16  }
0xb3: {  	v18 =	vld [tilespmem:$0x187B0];
	v7 =	vor.u32 s25, v7;
	v12 =	vandn.u32 v12, v9;
	v9 =	vand.u32 v3, v9  }
0xb4: {  	v34 =	vld [tilespmem:$0x18800];
	v10 =	vor.u32 s25, v10;
	v27 =	vor.u32 v16, v19;
	v19 =	vsub.s32 v28, v0  }
0xb5: {  	v62 =	vandn.u32 v51, v7;
	v7 =	vand.u32 v2, v7;
	v9 =	vor.u32 v9, v12  }
0xb6: {  	v11 =	vandn.u32 v11, v10;
	v10 =	vand.u32 v2, v10;
	v12 =	vshra.s32 v21, $0x1F  }
0xb7: {  	v22 =	vsub.s32 $0xC34F, v19;
	v7 =	vor.u32 v7, v62;
	v10 =	vor.u32 v10, v11  }
0xb8: {  	v38 =	vld [tilespmem:$0x18820];
	v23 =	vor.u32 s25, v12;
	v12 =	vor.u32 v15, v24;
	v18 =	vsub.s32 v18, v0  }
0xb9: {  	v33 =	vor.u32 v19, v22;
	v22 =	vsub.s32 v34, v0;
	v34 =	vsub.s32 $0xC34F, v32  }
0xba: {  	p0 =	sgt.u32 s26, $0x30D2;
	s26 =	simm.s32 $0xFFFFFFFF;
	v40 =	vld [tilespmem:$0x18830];
	v13 =	vandn.u32 v13, v23;
	v11 =	vand.u32 v3, v23;
	v12 =	vshra.s32 v12, $0x1F  }
0xbb: {  	s26 =	simm.s32 @!p0 $0x0;
	v30 =	vsub.s32 $0xC34F, v18;
	v23 =	vsub.s32 $0xC34F, v20;
	v11 =	vor.u32 v11, v13  }
0xbc: {  	v21 =	vld [tilespmem:$0x187E0];
	v12 =	vor.u32 s26, v12;
	v13 =	vshra.s32 v25, $0x1F;
	v37 =	vor.u32 v20, v23  }
0xbd: {  	v44 =	vld [tilespmem:$0x18850];
	v25 =	vsub.s32 $0xC34F, v22;
	v23 =	vsub.s32 v38, v0;
	v15 =	vandn.u32 v15, v12  }
0xbe: {  	v24 =	vld [tilespmem:$0x18810];
	v12 =	vand.u32 v2, v12;
	v13 =	vor.u32 s26, v13;
	v39 =	vor.u32 v22, v25  }
0xbf: {  	v26 =	vsub.s32 $0xC34F, v23;
	v25 =	vsub.s32 v40, v0;
	v12 =	vor.u32 v12, v15  }
0xc0: {  	v14 =	vandn.u32 v14, v13;
	v13 =	vand.u32 v3, v13;
	v15 =	vshra.s32 v27, $0x1F  }
0xc1: {  	v21 =	vsub.s32 v21, v0;
	v43 =	vor.u32 v23, v26;
	v28 =	vsub.s32 $0xC34F, v25  }
0xc2: {  	v26 =	vsub.s32 v44, v0;
	v13 =	vor.u32 v13, v14;
	v29 =	vor.u32 s26, v15  }
0xc3: {  	v15 =	vor.u32 v18, v30;
	v36 =	vsub.s32 $0xC34F, v21;
	v24 =	vsub.s32 v24, v0  }
0xc4: {  	v45 =	vor.u32 v25, v28;
	v28 =	vsub.s32 $0xC34F, v63;
	v16 =	vandn.u32 v16, v29  }
0xc5: {  	v27 =	vld [tilespmem:$0x18840];
	v14 =	vand.u32 v2, v29;
	v15 =	vshra.s32 v15, $0x1F;
	v42 =	vsub.s32 $0xC34F, v24  }
0xc6: {  	v30 =	vld [tilespmem:$0x18870];
	v29 =	vsub.s32 $0xC34F, v26;
	v14 =	vor.u32 v14, v16;
	v15 =	vor.u32 s26, v15  }
0xc7: {  	v16 =	vshra.s32 v31, $0x1F;
	v18 =	vandn.u32 v18, v15;
	v15 =	vand.u32 v3, v15  }
0xc8: {  	v50 =	vor.u32 v26, v29;
	v16 =	vor.u32 s26, v16;
	v15 =	vor.u32 v15, v18  }
0xc9: {  	v17 =	vandn.u32 v17, v16;
	v16 =	vand.u32 v2, v16;
	v18 =	vshra.s32 v33, $0x1F  }
0xca: {  	v27 =	vsub.s32 v27, v0;
	v16 =	vor.u32 v16, v17;
	v35 =	vor.u32 s26, v18  }
0xcb: {  	v29 =	vld [tilespmem:$0x188A0];
	v18 =	vor.u32 v21, v36;
	v48 =	vsub.s32 $0xC34F, v27;
	v59 =	vsub.s32 v30, v0  }
0xcc: {  	v30 =	vor.u32 v63, v28;
	v19 =	vandn.u32 v19, v35;
	v17 =	vand.u32 v3, v35  }
0xcd: {  	[tilespmem:$0x18750] =	vst v9;
	v18 =	vshra.s32 v18, $0x1F;
	v61 =	vsub.s32 $0xC34F, v59;
	v9 =	vshra.s32 v30, $0x1F  }
0xce: {  	v35 =	vor.u32 v32, v34;
	v17 =	vor.u32 v17, v19;
	v18 =	vor.u32 s26, v18  }
0xcf: {  	[tilespmem:$0x18740] =	vst v8;
	v19 =	vshra.s32 v37, $0x1F;
	v8 =	vor.u32 v59, v61;
	v9 =	vor.u32 s25, v9  }
0xd0: {  	[tilespmem:$0x18770] =	vst v11;
	v33 =	vld [tilespmem:$0x188B0];
	v11 =	vshra.s32 v35, $0x1F;
	v36 =	vsub.s32 v29, v0;
	v21 =	vandn.u32 v21, v18  }
0xd1: {  	v18 =	vand.u32 v2, v18;
	v19 =	vor.u32 s26, v19;
	v8 =	vshra.s32 v8, $0x1F  }
0xd2: {  	[tilespmem:$0x18760] =	vst v10;
	v10 =	vandn.u32 v63, v9;
	v9 =	vand.u32 v2, v9;
	v38 =	vor.u32 s25, v11  }
0xd3: {  	v18 =	vor.u32 v18, v21;
	v20 =	vandn.u32 v20, v19;
	v19 =	vand.u32 v3, v19  }
0xd4: {  	[tilespmem:$0x18780] =	vst v12;
	v21 =	vshra.s32 v39, $0x1F;
	v8 =	vor.u32 s25, v8;
	v9 =	vor.u32 v9, v10  }
0xd5: {  	[tilespmem:$0x18790] =	vst v13;
	v39 =	vsub.s32 $0xC34F, v36;
	v12 =	vandn.u32 v32, v38;
	v13 =	vsub.s32 v33, v0  }
0xd6: {  	v10 =	vand.u32 v3, v38;
	v19 =	vor.u32 v19, v20;
	v41 =	vor.u32 s25, v21  }
0xd7: {  	v37 =	vld [tilespmem:$0x188C0];
	v21 =	vor.u32 v24, v42;
	v31 =	vandn.u32 v59, v8;
	v8 =	vand.u32 v3, v8  }
0xd8: {  	v11 =	vor.u32 v36, v39;
	v40 =	vsub.s32 $0xC34F, v13;
	v10 =	vor.u32 v10, v12  }
0xd9: {  	v22 =	vandn.u32 v22, v41;
	v20 =	vand.u32 v2, v41;
	v21 =	vshra.s32 v21, $0x1F  }
0xda: {  	[tilespmem:$0x18700] =	vst v4;
	v8 =	vor.u32 v8, v31;
	v11 =	vshra.s32 v11, $0x1F;
	v42 =	vor.u32 v13, v40  }
0xdb: {  	[tilespmem:$0x18710] =	vst v5;
	v20 =	vor.u32 v20, v22;
	v21 =	vor.u32 s25, v21;
	v22 =	vshra.s32 v43, $0x1F  }
0xdc: {  	[tilespmem:$0x187B0] =	vst v15;
	v11 =	vor.u32 s25, v11;
	v12 =	vshra.s32 v42, $0x1F;
	v15 =	vsub.s32 v37, v0  }
0xdd: {  	[tilespmem:$0x18720] =	vst v6;
	v24 =	vandn.u32 v24, v21;
	v21 =	vand.u32 v3, v21;
	v22 =	vor.u32 s25, v22  }
0xde: {  	[tilespmem:$0x187A0] =	vst v14;
	v14 =	vandn.u32 v36, v11;
	v11 =	vand.u32 v2, v11;
	v12 =	vor.u32 s25, v12  }
0xdf: {  	[tilespmem:$0x18860] =	vst v7;
	v43 =	vsub.s32 $0xC34F, v15;
	v21 =	vor.u32 v21, v24;
	v23 =	vandn.u32 v23, v22  }
0xe0: {  	[tilespmem:$0x187C0] =	vst v16;
	v22 =	vand.u32 v2, v22;
	v24 =	vshra.s32 v45, $0x1F;
	v45 =	vandn.u32 v13, v12  }
0xe1: {  	[tilespmem:$0x187D0] =	vst v17;
	v41 =	vld [tilespmem:$0x188D0];
	v46 =	vor.u32 v15, v43;
	v22 =	vor.u32 v22, v23;
	v47 =	vor.u32 s25, v24  }
0xe2: {  	[tilespmem:$0x187E0] =	vst v18;
	v24 =	vor.u32 v27, v48;
	v25 =	vandn.u32 v25, v47;
	v23 =	vand.u32 v3, v47  }
0xe3: {  	v44 =	vld [tilespmem:$0x188E0];
	[tilespmem:$0x18880] =	vst v9;
	v48 =	vshra.s32 v46, $0x1F;
	v24 =	vshra.s32 v24, $0x1F;
	v4 =	vor.u32 v23, v25  }
0xe4: {  	[tilespmem:$0x187F0] =	vst v19;
	v49 =	vor.u32 s25, v24;
	v24 =	vshra.s32 v50, $0x1F;
	v50 =	vor.u32 s25, v48  }
0xe5: {  	[tilespmem:$0x18890] =	vst v10;
	v5 =	vandn.u32 v27, v49;
	v53 =	vand.u32 v2, v49;
	v54 =	vor.u32 s25, v24  }
0xe6: {  	v47 =	vld [tilespmem:$0x188F0];
	[tilespmem:$0x18830] =	vst v4;
	v4 =	vor.u32 v11, v14;
	v49 =	vsub.s32 v41, v0;
	v52 =	vandn.u32 v15, v50  }
0xe7: {  	[tilespmem:$0x18870] =	vst v8;
	v5 =	vor.u32 v53, v5;
	v56 =	vandn.u32 v26, v54;
	v58 =	vand.u32 v3, v54  }
0xe8: {  	[tilespmem:$0x18800] =	vst v20;
	v51 =	vsub.s32 $0xC34F, v49;
	v54 =	vsub.s32 v44, v0;
	v6 =	vor.u32 v58, v56  }
0xe9: {  	[tilespmem:$0x18840] =	vst v5;
	v5 =	vand.u32 v3, v12;
	v11 =	vor.u32 v49, v51;
	v55 =	vsub.s32 $0xC34F, v54  }
0xea: {  	[tilespmem:$0x18850] =	vst v6;
	v5 =	vor.u32 v5, v45;
	v6 =	vand.u32 v2, v50;
	v53 =	vshra.s32 v11, $0x1F  }
0xeb: {  	[tilespmem:$0x18810] =	vst v21;
	v56 =	vsub.s32 v47, v0;
	v9 =	vor.u32 v54, v55;
	v6 =	vor.u32 v6, v52  }
0xec: {  	[tilespmem:$0x18820] =	vst v22;
	v7 =	vor.u32 s25, v53;
	v58 =	vsub.s32 $0xC34F, v56;
	v59 =	vshra.s32 v9, $0x1F  }
0xed: {  	[tilespmem:$0x188A0] =	vst v4;
	v57 =	vandn.u32 v49, v7;
	v4 =	vand.u32 v3, v7;
	v60 =	vor.u32 v56, v58  }
0xee: {  	[tilespmem:$0x188B0] =	vst v5;
	v5 =	vor.u32 s25, v59;
	v4 =	vor.u32 v4, v57;
	v61 =	vshra.s32 v60, $0x1F  }
0xef: {  	[tilespmem:$0x188C0] =	vst v6;
	v62 =	vandn.u32 v54, v5;
	v5 =	vand.u32 v2, v5;
	v7 =	vor.u32 s25, v61  }
0xf0: {  	[tilespmem:$0x188D0] =	vst v4;
	v4 =	vor.u32 v5, v62;
	v5 =	vandn.u32 v56, v7;
	v63 =	vand.u32 v3, v7  }
0xf1: {  	[tilespmem:$0x188E0] =	vst v4;
	v4 =	vor.u32 v63, v5  }
0xf2: {  	[tilespmem:$0x188F0] =	vst v4  }
0xf3: {  	[spmem:s2] =	stream.indirect.scatter.add.f32 [tilespmem:s10], [sflag:$0x2], $0x20, s9, s12, $0xb8;
	[tilespmem:$0x1D900] =	vst v63  }
0xf4: {  	_ =	swait.ge [sflag:s8], $0x1000  }
0xf5: {  	[sflag:s8] =	ssyncset.done $0x0  }
0xf6: {  	[sflag:s8] =	ssyncadd.s32 $0xFFFFF000  }
0xf7: {  	[spmem:s2] =	stream.indirect.scatter.add.f32 [tilespmem:s14], [sflag:$0x2], $0x20, s13, s12, $0xb8;
	[tilespmem:$0x1D900] =	vst v63  }
0xf8: {  	_ =	swait.ge [sflag:s8], $0x1000  }
0xf9: {  	[sflag:s8] =	ssyncset.done $0x0  }
0xfa: {  	[sflag:s8] =	ssyncadd.s32 $0xFFFFF000  }
0xfb: {  	[spmem:s2] =	stream.indirect.scatter.add.f32 [tilespmem:s16], [sflag:$0x2], $0x20, s15, s12, $0xb8;
	[tilespmem:$0x1D900] =	vst v63  }
0xfc: {  	_ =	swait.ge [sflag:s8], $0x1000  }
0xfd: {  	p0 =	sne.s32 s20, $0x31C;
	[sflag:s8] =	ssyncset.done $0x0  }
.Ltmp1:
0xfe: {  	[sflag:s8] =	ssyncadd.s32 $0xFFFFF000;
	(pc) =	sbr.rel @p0 .LBB2_4-.Ltmp1, $4  }
0xff: {  	[spmem:s2] =	stream.indirect.scatter.add.f32 [tilespmem:s18], [sflag:$0x2], $0x20, s17, s12, $0xb8;
	[tilespmem:$0x1D900] =	vst v63  }
0x100: {  	_ =	swait.ge [sflag:s8], $0x1000  }
0x101: {  	s24 =	sadd.s32 $0x40, s24;
	[sflag:s8] =	ssyncset.done $0x0  }
0x102: {  	s20 =	sadd.s32 $0x4, s20;
	s23 =	sadd.s32 $0x800, s23;
	[sflag:s8] =	ssyncadd.s32 $0xFFFFF000  }
0x103: {  	s20 =	stileid.u32  }
0x104: {  	[bflag:$0x0] =	sbarrier.arrive $0xFFFF;
	s20 =	sshll.u32 s20, $0x6  }
0x105: {  	s23 =	sshrl.u32 s4, $0x3;
	s24 =	rddreg [dreg:$0x4];
	s20 =	sor.u32 $0x1C02, s20  }
0x106: {  	[hbm:s24], [sflag:s20] =	dma.local [spmem:s23], $0x30E0  }
0x107: {  	_ =	swait.ge [sflag:s8], $0x30E0  }
0x108: {  	s19 =	sadd.s32 $0x1, s19;
	s26 =	rddreg [dreg:$0x5]  }
0x109: {  	p0 =	sne.s32 s19, s26  }
.Ltmp2:
0x10a: {  	_ = 	snop;
	(pc) =	sbr.rel @p0 .LBB2_1-.Ltmp2, $3  }
0x10b: {  	_ =	sdelay $0x1  }
0x10c: {  	[sflag:s8] =	ssyncset.done $0x0  }
0x10d: {  	[sflag:s8] =	ssyncadd.s32 $0xFFFFCF20  }
0x10e: {  	_ =	sfence.sel $0x180000  }
0x10f: {  	[bflag:$0x0] =	sbarrier.arrive $0xFFFF  }
0x110: {  	_ =	strace $0x9000004A  }
0x111: {  	s0 =	stileid.u32;
	[bflag:$0x2] =	sbarrier.arrive $0xFFFF  }
0x112: {  	p0 =	sne.s32 s0, $0x0;
	s0 =	rddreg [dreg:$0x2]  }
0x113: {  	s0 =	sadd.s32 @!p0 $0x100000, s0  }
0x114: {  	[sflag:s0] =	ssyncadd.tile.s32 @!p0 $0x1;
	_ =	shalt  }
.Lfunc_end2:
_tile_overlayer_lowered:
.L_overlay_start_2:
0x115: {  	(tag) =	ssettag $0x2  }
0x116: {  	s0 =	rddreg [dreg:$0x0];
	s2 =	stileid.u32  }
0x117: {  	s1 =	rddreg [dreg:$0x1];
	p0 =	sne.s32 s2, $0x0  }
0x118: {  	s3 =	rddreg [dreg:$0x2];
	[bflag:$0x3] =	sbarrier.arrive $0xFFFF;
	s2 =	simm.s32 @!p0 $0x1C02  }
0x119: {  	[timem:s3], [sflag:s2] =	dma.local @!p0 [hbm:s0], s1  }
0x11a: {  	s0 =	simm.s32 @!p0 $0x2  }
0x11b: {  	_ =	swait.ge @!p0 [sflag:s0], s1  }
0x11c: {  	s1 =	ssub.s32 @!p0 $0x0, s1;
	[sflag:s0] =	ssyncset.done @!p0 $0x0  }
0x11d: {  	[sflag:s0] =	ssyncadd.s32 @!p0 s1  }
0x11e: {  	[bflag:$0x3] =	sbarrier.arrive $0xFFFF  }
0x11f: {  	_ =	shalt  }

</sc_bundles>
